<compile_context>
chip_gen: v7x
topology: tpu7x:2x2x1
jax: 0.10.2.dev20260603
libtpu: 0.0.44.dev20260713+nightly
codegen_flags: <defaults>
</compile_context>

<pallas_src>
import functools

import jax
import jax.numpy as jnp
from jax import lax
from jax.experimental import pallas as pl
from jax.experimental.pallas import tpu as pltpu
from jax.experimental.pallas import tpu_sc as plsc

N = 10000
E = 320000
D = 128
L = 3
BN_EPS = 1e-5

NC = 2
NS = 16
NW = NC * NS
CH = 125
EPT = E // NW
NCH = EPT // CH
G = 16
NG = NCH // G
NBUF = 2

ROWS_SMALL = 624
ROWS_LAST = 640


def _sc_agg_body(h_hbm, src_hbm, dst_hbm, out_hbm,
                 src_v, dst_v, rows_v, zbuf, agg_sh, sem0, sem1, isem):
    c = lax.axis_index("c")
    s = lax.axis_index("s")
    w = c * NS + s

    pred_h = jnp.logical_or(jnp.logical_and(c == 0, s < NS // 2),
                            jnp.logical_and(c == 1, s >= NS // 2))

    @pl.when(pred_h)
    def _():
        @pl.when(s < NS - 1)
        def _():
            pltpu.sync_copy(h_hbm.at[pl.ds(s * ROWS_SMALL, ROWS_SMALL)],
                            agg_sh.at[pl.ds(s * ROWS_SMALL, ROWS_SMALL)])

        @pl.when(s == NS - 1)
        def _():
            pltpu.sync_copy(h_hbm.at[pl.ds((NS - 1) * ROWS_SMALL, ROWS_LAST)],
                            agg_sh.at[pl.ds((NS - 1) * ROWS_SMALL, ROWS_LAST)])

    @pl.when(jnp.logical_not(pred_h))
    def _():
        def zrow(t, carry):
            for m in range(D // 16):
                zbuf[t, pl.ds(16 * m, 16)] = jnp.zeros((16,), jnp.float32)
            return carry

        lax.fori_loop(0, 8, zrow, 0)

        def zfill(nblk, base):
            def fire(t, carry):
                pltpu.async_copy(zbuf, agg_sh.at[pl.ds(base + 8 * t, 8)], sem0)
                return carry

            def drain(t, carry):
                pltpu.make_async_copy(zbuf, agg_sh.at[pl.ds(0, 8)],
                                      sem0).wait()
                return carry

            lax.fori_loop(0, nblk, fire, 0)
            lax.fori_loop(0, nblk, drain, 0)

        @pl.when(s < NS - 1)
        def _():
            zfill(ROWS_SMALL // 8, s * ROWS_SMALL)

        @pl.when(s == NS - 1)
        def _():
            zfill(ROWS_LAST // 8, (NS - 1) * ROWS_SMALL)

    pltpu.async_copy(src_hbm.at[pl.ds(w * NCH, G)], src_v.at[0], isem)
    pltpu.async_copy(dst_hbm.at[pl.ds(w * NCH, G)], dst_v.at[0], isem)
    pltpu.async_copy(src_hbm.at[pl.ds(w * NCH + G, G)], src_v.at[1], isem)
    pltpu.async_copy(dst_hbm.at[pl.ds(w * NCH + G, G)], dst_v.at[1], isem)
    plsc.subcore_barrier()
    pltpu.make_async_copy(src_hbm.at[pl.ds(0, G)], src_v.at[0], isem).wait()
    pltpu.make_async_copy(dst_hbm.at[pl.ds(0, G)], dst_v.at[0], isem).wait()
    pltpu.async_copy(h_hbm.at[src_v.at[0, 0]], rows_v.at[0], sem0)
    pltpu.async_copy(h_hbm.at[src_v.at[0, 1]], rows_v.at[1], sem1)

    def pair_body(p, carry):
        for b in range(NBUF):
            k = p * NBUF + b
            gb = lax.rem(k // G, 2)
            j = lax.rem(k, G)
            sem = sem0 if b == 0 else sem1
            buf = rows_v.at[b]
            pltpu.make_async_copy(h_hbm.at[src_v.at[gb, j]], buf, sem).wait()
            pltpu.sync_copy(buf, agg_sh.at[dst_v.at[gb, j]], add=True)
            nxt = k + NBUF

            @pl.when(nxt < NCH)
            def _():
                ng = nxt // G
                ngb = lax.rem(ng, 2)
                nj = lax.rem(nxt, G)

                @pl.when(nj == 0)
                def _():
                    pltpu.make_async_copy(src_hbm.at[pl.ds(0, G)],
                                          src_v.at[ngb], isem).wait()
                    pltpu.make_async_copy(dst_hbm.at[pl.ds(0, G)],
                                          dst_v.at[ngb], isem).wait()

                @pl.when(jnp.logical_and(nj == 1, ng + 1 < NG))
                def _():
                    base = w * NCH + (ng + 1) * G
                    pltpu.async_copy(src_hbm.at[pl.ds(base, G)],
                                     src_v.at[1 - ngb], isem)
                    pltpu.async_copy(dst_hbm.at[pl.ds(base, G)],
                                     dst_v.at[1 - ngb], isem)

                pltpu.async_copy(h_hbm.at[src_v.at[ngb, nj]], buf, sem)
        return carry

    lax.fori_loop(0, NCH // NBUF, pair_body, 0)

    plsc.subcore_barrier()

    @pl.when(s < NS - 1)
    def _():
        pltpu.sync_copy(agg_sh.at[pl.ds(s * ROWS_SMALL, ROWS_SMALL)],
                        out_hbm.at[c, pl.ds(s * ROWS_SMALL, ROWS_SMALL)])

    @pl.when(s == NS - 1)
    def _():
        pltpu.sync_copy(agg_sh.at[pl.ds((NS - 1) * ROWS_SMALL, ROWS_LAST)],
                        out_hbm.at[c, pl.ds((NS - 1) * ROWS_SMALL, ROWS_LAST)])


_sc_agg = functools.partial(
    pl.kernel,
    out_type=jax.ShapeDtypeStruct((NC, N, D), jnp.float32),
    mesh=plsc.VectorSubcoreMesh(core_axis_name="c", subcore_axis_name="s"),
    scratch_types=[
        pltpu.VMEM((2, G, CH), jnp.int32),
        pltpu.VMEM((2, G, CH), jnp.int32),
        pltpu.VMEM((NBUF, CH, D), jnp.float32),
        pltpu.VMEM((8, D), jnp.float32),
        pltpu.VMEM_SHARED((N, D), jnp.float32),
        pltpu.SemaphoreType.DMA,
        pltpu.SemaphoreType.DMA,
        pltpu.SemaphoreType.DMA,
    ],
)(_sc_agg_body)


BLK = 5000
NBLK = N // BLK


def _mlp_body(p0_ref, p1_ref, w1_ref, b1_ref, g_ref, be_ref,
              w2_ref, b2_ref, o_ref, y_sc, stat_sc):
    p = pl.program_id(0)
    i = pl.program_id(1)
    base = pl.multiple_of(i * BLK, 8)

    @pl.when(p == 0)
    def _():
        out = p0_ref[...] + p1_ref[...]
        y = (jnp.dot(out, w1_ref[...], preferred_element_type=jnp.float32)
             + b1_ref[...])
        y_sc[pl.ds(base, BLK), :] = y

        @pl.when(i == 0)
        def _():
            stat_sc[...] = jnp.zeros_like(stat_sc)

        stat_sc[0:1, :] += jnp.sum(y, axis=0, keepdims=True)
        stat_sc[1:2, :] += jnp.sum(y * y, axis=0, keepdims=True)

    @pl.when(p == 1)
    def _():
        mu = stat_sc[0:1, :] / N
        var = stat_sc[1:2, :] / N - mu * mu
        inv = lax.rsqrt(var + BN_EPS) * g_ref[...]
        y = y_sc[pl.ds(base, BLK), :]
        z = jnp.maximum((y - mu) * inv + be_ref[...], 0.0)
        o = (jnp.dot(z, w2_ref[...], preferred_element_type=jnp.float32)
             + b2_ref[...])
        o_ref[...] = jnp.maximum(o, 0.0)


_in_row_spec = pl.BlockSpec((BLK, D), lambda p, i: ((1 - p) * i, 0))
_out_row_spec = pl.BlockSpec((BLK, D), lambda p, i: (p * i, 0))
_full_spec = pl.BlockSpec((D, D), lambda p, i: (0, 0))
_vec_spec = pl.BlockSpec((1, D), lambda p, i: (0, 0))

_mlp = pl.pallas_call(
    _mlp_body,
    grid=(2, NBLK),
    in_specs=[_in_row_spec, _in_row_spec, _full_spec, _vec_spec,
              _vec_spec, _vec_spec, _full_spec, _vec_spec],
    out_specs=_out_row_spec,
    out_shape=jax.ShapeDtypeStruct((N, D), jnp.float32),
    scratch_shapes=[pltpu.VMEM((N, D), jnp.float32),
                    pltpu.VMEM((8, D), jnp.float32)],
)


def kernel(x, edge_index, W1, b1, gamma, beta, W2, b2):
    src2d = edge_index[0].reshape(E // CH, CH)
    dst2d = edge_index[1].reshape(E // CH, CH)
    W1t = jnp.swapaxes(W1, 1, 2)
    W2t = jnp.swapaxes(W2, 1, 2)
    h = x
    for i in range(L):
        partials = _sc_agg(h, src2d, dst2d)
        h = _mlp(partials[0], partials[1], W1t[i], b1[i].reshape(1, D),
                 gamma[i].reshape(1, D), beta[i].reshape(1, D),
                 W2t[i], b2[i].reshape(1, D))
    return h

# --- scband reference (transcript-rebuilt; emitter-appended) ---
"""Pipeline reference for scband-gin-57140244906477 (READ-ONLY COPY).

The authoritative reference and input builder live on the scoring server;
editing this copy changes nothing except your own understanding.
"""

import jax, jax.numpy as jnp
import numpy as np

N = 10000
E = 320000
D = 128
L = 3
BN_EPS = 1e-5


def setup_inputs(seed: int = 0) -> dict:
    key = jax.random.key(seed)
    ks = jax.random.split(key, 6)
    x = jax.random.normal(ks[0], (N, D), dtype=jnp.float32)
    edge_index = jax.random.randint(ks[1], (2, E), 0, N, dtype=jnp.int32)
    # per-layer MLP params: Linear(D,D) -> BatchNorm1d(D) -> ReLU -> Linear(D,D)
    W1 = jax.random.normal(ks[2], (L, D, D), dtype=jnp.float32) * 0.05
    b1 = jnp.zeros((L, D), dtype=jnp.float32)
    gamma = jnp.ones((L, D), dtype=jnp.float32)
    beta = jnp.zeros((L, D), dtype=jnp.float32)
    W2 = jax.random.normal(ks[3], (L, D, D), dtype=jnp.float32) * 0.05
    b2 = jnp.zeros((L, D), dtype=jnp.float32)
    return {"x": x, "edge_index": edge_index, "W1": W1, "b1": b1,
            "gamma": gamma, "beta": beta, "W2": W2, "b2": b2}


def reference(x, edge_index, W1, b1, gamma, beta, W2, b2):
    # GIN with n_layers=3, eps=0 (default, train_eps=False), aggr='add'.
    # Outer relu applied after each conv (per GIN.forward).
    src = edge_index[0]
    dst = edge_index[1]
    h = x
    for i in range(L):
        # message passing: sum of neighbor (source) features at destination nodes
        agg = jnp.zeros_like(h).at[dst].add(h[src])
        out = agg + (1.0 + 0.0) * h
        # MLP: Linear -> BatchNorm1d (training-mode batch stats) -> ReLU -> Linear
        y = out @ W1[i].T + b1[i]
        mu = jnp.mean(y, axis=0)
        var = jnp.var(y, axis=0)  # biased, matches torch BN normalization
        y = (y - mu) / jnp.sqrt(var + BN_EPS) * gamma[i] + beta[i]
        y = jax.nn.relu(y)
        y = y @ W2[i].T + b2[i]
        h = jax.nn.relu(y)
    return h

if __name__ == "__main__":
    import jax
    _d = setup_inputs()
    print(jax.jit(kernel)(*tuple(_d.values())))

</pallas_src>

<mosaic_0001>
#map = affine_map<(d0, d1) -> (0, 0)>
#map1 = affine_map<(d0, d1) -> (0, 0, 0)>
module attributes {stable_mosaic.version = 14 : i64} {
  func.func @_sc_agg_body(%arg0: i32, %arg1: i32, %arg2: memref<10000x128xf32, #tpu.memory_space<hbm>>, %arg3: memref<2560x125xi32, #tpu.memory_space<hbm>>, %arg4: memref<2560x125xi32, #tpu.memory_space<hbm>>, %arg5: memref<2x10000x128xf32, #tpu.memory_space<hbm>>, %arg6: memref<2x16x125xi32, #tpu.memory_space<vmem>>, %arg7: memref<2x16x125xi32, #tpu.memory_space<vmem>>, %arg8: memref<2x125x128xf32, #tpu.memory_space<vmem>>, %arg9: memref<8x128xf32, #tpu.memory_space<vmem>>, %arg10: memref<10000x128xf32, #tpu.memory_space<vmem_shared>>, %arg11: memref<!tpu.dma_semaphore, #tpu.memory_space<semaphore_mem>>, %arg12: memref<!tpu.dma_semaphore, #tpu.memory_space<semaphore_mem>>, %arg13: memref<!tpu.dma_semaphore, #tpu.memory_space<semaphore_mem>>) attributes {dimension_semantics = [#tpu.dimension_semantics<core_parallel>, #tpu.dimension_semantics<subcore_parallel>], iteration_bounds = array<i64: 2, 16>, scalar_prefetch = 0 : i64, scratch_operands = 8 : i64, tpu.core_type = #tpu.core_type<sc_vector_subcore>, window_params = [{transform_indices = #map}, {transform_indices = #map}, {transform_indices = #map}, {transform_indices = #map1}]} {
    %mul3A = arith.constant 16 : i32
    %mul3A_0 = arith.muli %arg0, %mul3A : i32
    %add3A = arith.addi %mul3A_0, %arg1 : i32
    %eq3A = arith.constant 0 : i32
    %eq3A_1 = arith.cmpi eq, %arg0, %eq3A : i32
    %lt3A = arith.constant 8 : i32
    %lt3A_2 = arith.cmpi slt, %arg1, %lt3A : i32
    %and3A = arith.andi %eq3A_1, %lt3A_2 : i1
    %eq3A_3 = arith.constant 1 : i32
    %eq3A_4 = arith.cmpi eq, %arg0, %eq3A_3 : i32
    %ge3A = arith.constant 8 : i32
    %ge3A_5 = arith.cmpi sge, %arg1, %ge3A : i32
    %and3A_6 = arith.andi %eq3A_4, %ge3A_5 : i1
    %or3A = arith.ori %and3A, %and3A_6 : i1
    %convert_element_type3A = arith.extui %or3A : i1 to i32
    %cond3A = arith.constant 0 : i32
    %cond3A_7 = arith.cmpi ne, %convert_element_type3A, %cond3A : i32
    scf.if %cond3A_7 {
      %lt3A_146 = arith.constant 15 : i32
      %lt3A_147 = arith.cmpi slt, %arg1, %lt3A_146 : i32
      %convert_element_type3A_148 = arith.extui %lt3A_147 : i1 to i32
      %cond3A_149 = arith.constant 0 : i32
      %cond3A_150 = arith.cmpi ne, %convert_element_type3A_148, %cond3A_149 : i32
      scf.if %cond3A_150 {
        %mul3A_156 = arith.constant 624 : i32
        %mul3A_157 = arith.muli %arg1, %mul3A_156 : i32
        %mul3A_158 = arith.constant 624 : i32
        %mul3A_159 = arith.muli %arg1, %mul3A_158 : i32
        "tpu.region"() ({
          %run_scoped3A = tpu.sem_alloc : memref<!tpu.dma_semaphore, #tpu.memory_space<semaphore_mem>>
          %dma_start3A_160 = arith.constant 0 : i32
          %dma_start3A_161 = tpu.memref_slice %arg10[%mul3A_159, %dma_start3A_160] : memref<10000x128xf32, #tpu.memory_space<vmem_shared>> -> memref<624x128xf32, #tpu.memory_space<vmem_shared>>
          %dma_start3A_162 = arith.constant 0 : i32
          %dma_start3A_163 = tpu.memref_slice %arg2[%mul3A_157, %dma_start3A_162] : memref<10000x128xf32, #tpu.memory_space<hbm>> -> memref<624x128xf32, #tpu.memory_space<hbm>>
          tpu.enqueue_dma source(%dma_start3A_163 : memref<624x128xf32, #tpu.memory_space<hbm>>) target(%dma_start3A_161 : memref<624x128xf32, #tpu.memory_space<vmem_shared>>) target_semaphore(%run_scoped3A : memref<!tpu.dma_semaphore, #tpu.memory_space<semaphore_mem>>)
          %dma_wait3A_164 = arith.constant 0 : i32
          %dma_wait3A_165 = tpu.memref_slice %arg10[%mul3A_159, %dma_wait3A_164] : memref<10000x128xf32, #tpu.memory_space<vmem_shared>> -> memref<624x128xf32, #tpu.memory_space<vmem_shared>>
          %dma_wait3A_166 = arith.constant 0 : i32
          %dma_wait3A_167 = tpu.memref_slice %arg2[%mul3A_157, %dma_wait3A_166] : memref<10000x128xf32, #tpu.memory_space<hbm>> -> memref<624x128xf32, #tpu.memory_space<hbm>>
          tpu.wait_dma2 semaphore(%run_scoped3A : memref<!tpu.dma_semaphore, #tpu.memory_space<semaphore_mem>>) src(%dma_wait3A_167 : memref<624x128xf32, #tpu.memory_space<hbm>>) dst(%dma_wait3A_165 : memref<624x128xf32, #tpu.memory_space<vmem_shared>>)
          tpu.yield
        }) : () -> ()
      } else {
      }
      %eq3A_151 = arith.constant 15 : i32
      %eq3A_152 = arith.cmpi eq, %arg1, %eq3A_151 : i32
      %convert_element_type3A_153 = arith.extui %eq3A_152 : i1 to i32
      %cond3A_154 = arith.constant 0 : i32
      %cond3A_155 = arith.cmpi ne, %convert_element_type3A_153, %cond3A_154 : i32
      scf.if %cond3A_155 {
        "tpu.region"() ({
          %run_scoped3A = tpu.sem_alloc : memref<!tpu.dma_semaphore, #tpu.memory_space<semaphore_mem>>
          %dma_start3A_156 = arith.constant 9360 : i32
          %dma_start3A_157 = arith.constant 0 : i32
          %dma_start3A_158 = tpu.memref_slice %arg10[%dma_start3A_156, %dma_start3A_157] : memref<10000x128xf32, #tpu.memory_space<vmem_shared>> -> memref<640x128xf32, #tpu.memory_space<vmem_shared>>
          %dma_start3A_159 = arith.constant 9360 : i32
          %dma_start3A_160 = arith.constant 0 : i32
          %dma_start3A_161 = tpu.memref_slice %arg2[%dma_start3A_159, %dma_start3A_160] : memref<10000x128xf32, #tpu.memory_space<hbm>> -> memref<640x128xf32, #tpu.memory_space<hbm>>
          tpu.enqueue_dma source(%dma_start3A_161 : memref<640x128xf32, #tpu.memory_space<hbm>>) target(%dma_start3A_158 : memref<640x128xf32, #tpu.memory_space<vmem_shared>>) target_semaphore(%run_scoped3A : memref<!tpu.dma_semaphore, #tpu.memory_space<semaphore_mem>>)
          %dma_wait3A_162 = arith.constant 9360 : i32
          %dma_wait3A_163 = arith.constant 0 : i32
          %dma_wait3A_164 = tpu.memref_slice %arg10[%dma_wait3A_162, %dma_wait3A_163] : memref<10000x128xf32, #tpu.memory_space<vmem_shared>> -> memref<640x128xf32, #tpu.memory_space<vmem_shared>>
          %dma_wait3A_165 = arith.constant 9360 : i32
          %dma_wait3A_166 = arith.constant 0 : i32
          %dma_wait3A_167 = tpu.memref_slice %arg2[%dma_wait3A_165, %dma_wait3A_166] : memref<10000x128xf32, #tpu.memory_space<hbm>> -> memref<640x128xf32, #tpu.memory_space<hbm>>
          tpu.wait_dma2 semaphore(%run_scoped3A : memref<!tpu.dma_semaphore, #tpu.memory_space<semaphore_mem>>) src(%dma_wait3A_167 : memref<640x128xf32, #tpu.memory_space<hbm>>) dst(%dma_wait3A_164 : memref<640x128xf32, #tpu.memory_space<vmem_shared>>)
          tpu.yield
        }) : () -> ()
      } else {
      }
    } else {
    }
    %not3A = arith.constant true
    %not3A_8 = arith.xori %or3A, %not3A : i1
    %convert_element_type3A_9 = arith.extui %not3A_8 : i1 to i32
    %cond3A_10 = arith.constant 0 : i32
    %cond3A_11 = arith.cmpi ne, %convert_element_type3A_9, %cond3A_10 : i32
    scf.if %cond3A_11 {
      %scan3A_146 = arith.constant 0 : i32
      %scan3A_147 = arith.constant 0 : i32
      %scan3A_148 = arith.constant 8 : i32
      %scan3A_149 = arith.addi %scan3A_147, %scan3A_148 : i32
      %scan3A_150 = arith.constant 1 : i32
      scf.for %scan3A_162 = %scan3A_147 to %scan3A_149 step %scan3A_150  : i32 {
        %broadcast_in_dim3A = arith.constant 0.000000e+00 : f32
        %broadcast_in_dim3A_163 = vector.broadcast %broadcast_in_dim3A : f32 to vector<16xf32>
        %swap3A = arith.index_cast %scan3A_162 : i32 to index
        %swap3A_164 = arith.constant 0 : index
        %swap3A_165 = tpu.vector_load %arg9[%swap3A, %swap3A_164] {strides = array<i32>} : memref<8x128xf32, #tpu.memory_space<vmem>>, vector<1x16xf32>,
        %swap3A_166 = vector.shape_cast %swap3A_165 : vector<1x16xf32> to vector<16xf32>
        %swap3A_167 = vector.shape_cast %broadcast_in_dim3A_163 : vector<16xf32> to vector<1x16xf32>
        tpu.vector_store %arg9[%swap3A, %swap3A_164], %swap3A_167 {strides = array<i32>} : memref<8x128xf32, #tpu.memory_space<vmem>>, vector<1x16xf32>,
        %broadcast_in_dim3A_168 = arith.constant 0.000000e+00 : f32
        %broadcast_in_dim3A_169 = vector.broadcast %broadcast_in_dim3A_168 : f32 to vector<16xf32>
        %swap3A_170 = arith.index_cast %scan3A_162 : i32 to index
        %swap3A_171 = arith.constant 16 : index
        %swap3A_172 = tpu.vector_load %arg9[%swap3A_170, %swap3A_171] {strides = array<i32>} : memref<8x128xf32, #tpu.memory_space<vmem>>, vector<1x16xf32>,
        %swap3A_173 = vector.shape_cast %swap3A_172 : vector<1x16xf32> to vector<16xf32>
        %swap3A_174 = vector.shape_cast %broadcast_in_dim3A_169 : vector<16xf32> to vector<1x16xf32>
        tpu.vector_store %arg9[%swap3A_170, %swap3A_171], %swap3A_174 {strides = array<i32>} : memref<8x128xf32, #tpu.memory_space<vmem>>, vector<1x16xf32>,
        %broadcast_in_dim3A_175 = arith.constant 0.000000e+00 : f32
        %broadcast_in_dim3A_176 = vector.broadcast %broadcast_in_dim3A_175 : f32 to vector<16xf32>
        %swap3A_177 = arith.index_cast %scan3A_162 : i32 to index
        %swap3A_178 = arith.constant 32 : index
        %swap3A_179 = tpu.vector_load %arg9[%swap3A_177, %swap3A_178] {strides = array<i32>} : memref<8x128xf32, #tpu.memory_space<vmem>>, vector<1x16xf32>,
        %swap3A_180 = vector.shape_cast %swap3A_179 : vector<1x16xf32> to vector<16xf32>
        %swap3A_181 = vector.shape_cast %broadcast_in_dim3A_176 : vector<16xf32> to vector<1x16xf32>
        tpu.vector_store %arg9[%swap3A_177, %swap3A_178], %swap3A_181 {strides = array<i32>} : memref<8x128xf32, #tpu.memory_space<vmem>>, vector<1x16xf32>,
        %broadcast_in_dim3A_182 = arith.constant 0.000000e+00 : f32
        %broadcast_in_dim3A_183 = vector.broadcast %broadcast_in_dim3A_182 : f32 to vector<16xf32>
        %swap3A_184 = arith.index_cast %scan3A_162 : i32 to index
        %swap3A_185 = arith.constant 48 : index
        %swap3A_186 = tpu.vector_load %arg9[%swap3A_184, %swap3A_185] {strides = array<i32>} : memref<8x128xf32, #tpu.memory_space<vmem>>, vector<1x16xf32>,
        %swap3A_187 = vector.shape_cast %swap3A_186 : vector<1x16xf32> to vector<16xf32>
        %swap3A_188 = vector.shape_cast %broadcast_in_dim3A_183 : vector<16xf32> to vector<1x16xf32>
        tpu.vector_store %arg9[%swap3A_184, %swap3A_185], %swap3A_188 {strides = array<i32>} : memref<8x128xf32, #tpu.memory_space<vmem>>, vector<1x16xf32>,
        %broadcast_in_dim3A_189 = arith.constant 0.000000e+00 : f32
        %broadcast_in_dim3A_190 = vector.broadcast %broadcast_in_dim3A_189 : f32 to vector<16xf32>
        %swap3A_191 = arith.index_cast %scan3A_162 : i32 to index
        %swap3A_192 = arith.constant 64 : index
        %swap3A_193 = tpu.vector_load %arg9[%swap3A_191, %swap3A_192] {strides = array<i32>} : memref<8x128xf32, #tpu.memory_space<vmem>>, vector<1x16xf32>,
        %swap3A_194 = vector.shape_cast %swap3A_193 : vector<1x16xf32> to vector<16xf32>
        %swap3A_195 = vector.shape_cast %broadcast_in_dim3A_190 : vector<16xf32> to vector<1x16xf32>
        tpu.vector_store %arg9[%swap3A_191, %swap3A_192], %swap3A_195 {strides = array<i32>} : memref<8x128xf32, #tpu.memory_space<vmem>>, vector<1x16xf32>,
        %broadcast_in_dim3A_196 = arith.constant 0.000000e+00 : f32
        %broadcast_in_dim3A_197 = vector.broadcast %broadcast_in_dim3A_196 : f32 to vector<16xf32>
        %swap3A_198 = arith.index_cast %scan3A_162 : i32 to index
        %swap3A_199 = arith.constant 80 : index
        %swap3A_200 = tpu.vector_load %arg9[%swap3A_198, %swap3A_199] {strides = array<i32>} : memref<8x128xf32, #tpu.memory_space<vmem>>, vector<1x16xf32>,
        %swap3A_201 = vector.shape_cast %swap3A_200 : vector<1x16xf32> to vector<16xf32>
        %swap3A_202 = vector.shape_cast %broadcast_in_dim3A_197 : vector<16xf32> to vector<1x16xf32>
        tpu.vector_store %arg9[%swap3A_198, %swap3A_199], %swap3A_202 {strides = array<i32>} : memref<8x128xf32, #tpu.memory_space<vmem>>, vector<1x16xf32>,
        %broadcast_in_dim3A_203 = arith.constant 0.000000e+00 : f32
        %broadcast_in_dim3A_204 = vector.broadcast %broadcast_in_dim3A_203 : f32 to vector<16xf32>
        %swap3A_205 = arith.index_cast %scan3A_162 : i32 to index
        %swap3A_206 = arith.constant 96 : index
        %swap3A_207 = tpu.vector_load %arg9[%swap3A_205, %swap3A_206] {strides = array<i32>} : memref<8x128xf32, #tpu.memory_space<vmem>>, vector<1x16xf32>,
        %swap3A_208 = vector.shape_cast %swap3A_207 : vector<1x16xf32> to vector<16xf32>
        %swap3A_209 = vector.shape_cast %broadcast_in_dim3A_204 : vector<16xf32> to vector<1x16xf32>
        tpu.vector_store %arg9[%swap3A_205, %swap3A_206], %swap3A_209 {strides = array<i32>} : memref<8x128xf32, #tpu.memory_space<vmem>>, vector<1x16xf32>,
        %broadcast_in_dim3A_210 = arith.constant 0.000000e+00 : f32
        %broadcast_in_dim3A_211 = vector.broadcast %broadcast_in_dim3A_210 : f32 to vector<16xf32>
        %swap3A_212 = arith.index_cast %scan3A_162 : i32 to index
        %swap3A_213 = arith.constant 112 : index
        %swap3A_214 = tpu.vector_load %arg9[%swap3A_212, %swap3A_213] {strides = array<i32>} : memref<8x128xf32, #tpu.memory_space<vmem>>, vector<1x16xf32>,
        %swap3A_215 = vector.shape_cast %swap3A_214 : vector<1x16xf32> to vector<16xf32>
        %swap3A_216 = vector.shape_cast %broadcast_in_dim3A_211 : vector<16xf32> to vector<1x16xf32>
        tpu.vector_store %arg9[%swap3A_212, %swap3A_213], %swap3A_216 {strides = array<i32>} : memref<8x128xf32, #tpu.memory_space<vmem>>, vector<1x16xf32>,
      }
      %scan3A_151 = arith.constant 8 : i32
      %lt3A_152 = arith.constant 15 : i32
      %lt3A_153 = arith.cmpi slt, %arg1, %lt3A_152 : i32
      %convert_element_type3A_154 = arith.extui %lt3A_153 : i1 to i32
      %cond3A_155 = arith.constant 0 : i32
      %cond3A_156 = arith.cmpi ne, %convert_element_type3A_154, %cond3A_155 : i32
      scf.if %cond3A_156 {
        %mul3A_162 = arith.constant 624 : i32
        %mul3A_163 = arith.muli %arg1, %mul3A_162 : i32
        %scan3A_164 = arith.constant 0 : i32
        %scan3A_165 = arith.constant 0 : i32
        %scan3A_166 = arith.constant 78 : i32
        %scan3A_167 = arith.addi %scan3A_165, %scan3A_166 : i32
        %scan3A_168 = arith.constant 1 : i32
        scf.for %scan3A_176 = %scan3A_165 to %scan3A_167 step %scan3A_168  : i32 {
          %mul3A_177 = arith.constant 8 : i32
          %mul3A_178 = arith.muli %mul3A_177, %scan3A_176 : i32
          %add3A_179 = arith.addi %mul3A_163, %mul3A_178 : i32
          %dma_start3A_180 = arith.constant 0 : i32
          %dma_start3A_181 = tpu.memref_slice %arg10[%add3A_179, %dma_start3A_180] : memref<10000x128xf32, #tpu.memory_space<vmem_shared>> -> memref<8x128xf32, #tpu.memory_space<vmem_shared>>
          %dma_start3A_182 = arith.constant 0 : i32
          %dma_start3A_183 = tpu.memref_slice %arg10[%add3A_179, %dma_start3A_182] : memref<10000x128xf32, #tpu.memory_space<vmem_shared>> -> memref<8x128xf32, #tpu.memory_space<vmem_shared>>
          tpu.enqueue_dma source(%arg9 : memref<8x128xf32, #tpu.memory_space<vmem>>) target(%dma_start3A_183 : memref<8x128xf32, #tpu.memory_space<vmem_shared>>) target_semaphore(%arg11 : memref<!tpu.dma_semaphore, #tpu.memory_space<semaphore_mem>>)
        }
        %scan3A_169 = arith.constant 78 : i32
        %scan3A_170 = arith.constant 0 : i32
        %scan3A_171 = arith.constant 0 : i32
        %scan3A_172 = arith.constant 78 : i32
        %scan3A_173 = arith.addi %scan3A_171, %scan3A_172 : i32
        %scan3A_174 = arith.constant 1 : i32
        scf.for %scan3A_176 = %scan3A_171 to %scan3A_173 step %scan3A_174  : i32 {
          %dma_wait3A_177 = arith.constant 0 : i32
          %dma_wait3A_178 = arith.constant 0 : i32
          %dma_wait3A_179 = tpu.memref_slice %arg10[%dma_wait3A_177, %dma_wait3A_178] : memref<10000x128xf32, #tpu.memory_space<vmem_shared>> -> memref<8x128xf32, #tpu.memory_space<vmem_shared>>
          %dma_wait3A_180 = arith.constant 0 : i32
          %dma_wait3A_181 = arith.constant 0 : i32
          %dma_wait3A_182 = tpu.memref_slice %arg10[%dma_wait3A_180, %dma_wait3A_181] : memref<10000x128xf32, #tpu.memory_space<vmem_shared>> -> memref<8x128xf32, #tpu.memory_space<vmem_shared>>
          tpu.wait_dma2 semaphore(%arg11 : memref<!tpu.dma_semaphore, #tpu.memory_space<semaphore_mem>>) src(%arg9 : memref<8x128xf32, #tpu.memory_space<vmem>>) dst(%dma_wait3A_182 : memref<8x128xf32, #tpu.memory_space<vmem_shared>>)
        }
        %scan3A_175 = arith.constant 78 : i32
      } else {
      }
      %eq3A_157 = arith.constant 15 : i32
      %eq3A_158 = arith.cmpi eq, %arg1, %eq3A_157 : i32
      %convert_element_type3A_159 = arith.extui %eq3A_158 : i1 to i32
      %cond3A_160 = arith.constant 0 : i32
      %cond3A_161 = arith.cmpi ne, %convert_element_type3A_159, %cond3A_160 : i32
      scf.if %cond3A_161 {
        %scan3A_162 = arith.constant 0 : i32
        %scan3A_163 = arith.constant 0 : i32
        %scan3A_164 = arith.constant 80 : i32
        %scan3A_165 = arith.addi %scan3A_163, %scan3A_164 : i32
        %scan3A_166 = arith.constant 1 : i32
        scf.for %scan3A_174 = %scan3A_163 to %scan3A_165 step %scan3A_166  : i32 {
          %mul3A_175 = arith.constant 8 : i32
          %mul3A_176 = arith.muli %mul3A_175, %scan3A_174 : i32
          %add3A_177 = arith.constant 9360 : i32
          %add3A_178 = arith.addi %add3A_177, %mul3A_176 : i32
          %dma_start3A_179 = arith.constant 0 : i32
          %dma_start3A_180 = tpu.memref_slice %arg10[%add3A_178, %dma_start3A_179] : memref<10000x128xf32, #tpu.memory_space<vmem_shared>> -> memref<8x128xf32, #tpu.memory_space<vmem_shared>>
          %dma_start3A_181 = arith.constant 0 : i32
          %dma_start3A_182 = tpu.memref_slice %arg10[%add3A_178, %dma_start3A_181] : memref<10000x128xf32, #tpu.memory_space<vmem_shared>> -> memref<8x128xf32, #tpu.memory_space<vmem_shared>>
          tpu.enqueue_dma source(%arg9 : memref<8x128xf32, #tpu.memory_space<vmem>>) target(%dma_start3A_182 : memref<8x128xf32, #tpu.memory_space<vmem_shared>>) target_semaphore(%arg11 : memref<!tpu.dma_semaphore, #tpu.memory_space<semaphore_mem>>)
        }
        %scan3A_167 = arith.constant 80 : i32
        %scan3A_168 = arith.constant 0 : i32
        %scan3A_169 = arith.constant 0 : i32
        %scan3A_170 = arith.constant 80 : i32
        %scan3A_171 = arith.addi %scan3A_169, %scan3A_170 : i32
        %scan3A_172 = arith.constant 1 : i32
        scf.for %scan3A_174 = %scan3A_169 to %scan3A_171 step %scan3A_172  : i32 {
          %dma_wait3A_175 = arith.constant 0 : i32
          %dma_wait3A_176 = arith.constant 0 : i32
          %dma_wait3A_177 = tpu.memref_slice %arg10[%dma_wait3A_175, %dma_wait3A_176] : memref<10000x128xf32, #tpu.memory_space<vmem_shared>> -> memref<8x128xf32, #tpu.memory_space<vmem_shared>>
          %dma_wait3A_178 = arith.constant 0 : i32
          %dma_wait3A_179 = arith.constant 0 : i32
          %dma_wait3A_180 = tpu.memref_slice %arg10[%dma_wait3A_178, %dma_wait3A_179] : memref<10000x128xf32, #tpu.memory_space<vmem_shared>> -> memref<8x128xf32, #tpu.memory_space<vmem_shared>>
          tpu.wait_dma2 semaphore(%arg11 : memref<!tpu.dma_semaphore, #tpu.memory_space<semaphore_mem>>) src(%arg9 : memref<8x128xf32, #tpu.memory_space<vmem>>) dst(%dma_wait3A_180 : memref<8x128xf32, #tpu.memory_space<vmem_shared>>)
        }
        %scan3A_173 = arith.constant 80 : i32
      } else {
      }
    } else {
    }
    %mul3A_12 = arith.constant 80 : i32
    %mul3A_13 = arith.muli %add3A, %mul3A_12 : i32
    %dma_start3A = arith.constant 0 : i32
    %dma_start3A_14 = arith.constant 0 : i32
    %dma_start3A_15 = arith.constant 0 : i32
    %dma_start3A_16 = tpu.memref_slice %arg6[%dma_start3A, %dma_start3A_14, %dma_start3A_15] : memref<2x16x125xi32, #tpu.memory_space<vmem>> -> memref<1x16x125xi32, #tpu.memory_space<vmem>>
    %dma_start3A_17 = tpu.memref_squeeze %dma_start3A_16 : memref<1x16x125xi32, #tpu.memory_space<vmem>> -> memref<16x125xi32, #tpu.memory_space<vmem>>
    %dma_start3A_18 = arith.constant 0 : i32
    %dma_start3A_19 = tpu.memref_slice %arg3[%mul3A_13, %dma_start3A_18] : memref<2560x125xi32, #tpu.memory_space<hbm>> -> memref<16x125xi32, #tpu.memory_space<hbm>>
    %dma_start3A_20 = arith.constant 0 : i32
    %dma_start3A_21 = arith.constant 0 : i32
    %dma_start3A_22 = tpu.memref_slice %arg6[%dma_start3A, %dma_start3A_20, %dma_start3A_21] : memref<2x16x125xi32, #tpu.memory_space<vmem>> -> memref<1x16x125xi32, #tpu.memory_space<vmem>>
    %dma_start3A_23 = tpu.memref_squeeze %dma_start3A_22 : memref<1x16x125xi32, #tpu.memory_space<vmem>> -> memref<16x125xi32, #tpu.memory_space<vmem>>
    %dma_start3A_24 = arith.constant 0 : i32
    %dma_start3A_25 = tpu.memref_slice %arg3[%mul3A_13, %dma_start3A_24] : memref<2560x125xi32, #tpu.memory_space<hbm>> -> memref<16x125xi32, #tpu.memory_space<hbm>>
    tpu.enqueue_dma source(%dma_start3A_25 : memref<16x125xi32, #tpu.memory_space<hbm>>) target(%dma_start3A_23 : memref<16x125xi32, #tpu.memory_space<vmem>>) target_semaphore(%arg13 : memref<!tpu.dma_semaphore, #tpu.memory_space<semaphore_mem>>)
    %mul3A_26 = arith.constant 80 : i32
    %mul3A_27 = arith.muli %add3A, %mul3A_26 : i32
    %dma_start3A_28 = arith.constant 0 : i32
    %dma_start3A_29 = arith.constant 0 : i32
    %dma_start3A_30 = arith.constant 0 : i32
    %dma_start3A_31 = tpu.memref_slice %arg7[%dma_start3A_28, %dma_start3A_29, %dma_start3A_30] : memref<2x16x125xi32, #tpu.memory_space<vmem>> -> memref<1x16x125xi32, #tpu.memory_space<vmem>>
    %dma_start3A_32 = tpu.memref_squeeze %dma_start3A_31 : memref<1x16x125xi32, #tpu.memory_space<vmem>> -> memref<16x125xi32, #tpu.memory_space<vmem>>
    %dma_start3A_33 = arith.constant 0 : i32
    %dma_start3A_34 = tpu.memref_slice %arg4[%mul3A_27, %dma_start3A_33] : memref<2560x125xi32, #tpu.memory_space<hbm>> -> memref<16x125xi32, #tpu.memory_space<hbm>>
    %dma_start3A_35 = arith.constant 0 : i32
    %dma_start3A_36 = arith.constant 0 : i32
    %dma_start3A_37 = tpu.memref_slice %arg7[%dma_start3A_28, %dma_start3A_35, %dma_start3A_36] : memref<2x16x125xi32, #tpu.memory_space<vmem>> -> memref<1x16x125xi32, #tpu.memory_space<vmem>>
    %dma_start3A_38 = tpu.memref_squeeze %dma_start3A_37 : memref<1x16x125xi32, #tpu.memory_space<vmem>> -> memref<16x125xi32, #tpu.memory_space<vmem>>
    %dma_start3A_39 = arith.constant 0 : i32
    %dma_start3A_40 = tpu.memref_slice %arg4[%mul3A_27, %dma_start3A_39] : memref<2560x125xi32, #tpu.memory_space<hbm>> -> memref<16x125xi32, #tpu.memory_space<hbm>>
    tpu.enqueue_dma source(%dma_start3A_40 : memref<16x125xi32, #tpu.memory_space<hbm>>) target(%dma_start3A_38 : memref<16x125xi32, #tpu.memory_space<vmem>>) target_semaphore(%arg13 : memref<!tpu.dma_semaphore, #tpu.memory_space<semaphore_mem>>)
    %mul3A_41 = arith.constant 80 : i32
    %mul3A_42 = arith.muli %add3A, %mul3A_41 : i32
    %add3A_43 = arith.constant 16 : i32
    %add3A_44 = arith.addi %mul3A_42, %add3A_43 : i32
    %dma_start3A_45 = arith.constant 1 : i32
    %dma_start3A_46 = arith.constant 0 : i32
    %dma_start3A_47 = arith.constant 0 : i32
    %dma_start3A_48 = tpu.memref_slice %arg6[%dma_start3A_45, %dma_start3A_46, %dma_start3A_47] : memref<2x16x125xi32, #tpu.memory_space<vmem>> -> memref<1x16x125xi32, #tpu.memory_space<vmem>>
    %dma_start3A_49 = tpu.memref_squeeze %dma_start3A_48 : memref<1x16x125xi32, #tpu.memory_space<vmem>> -> memref<16x125xi32, #tpu.memory_space<vmem>>
    %dma_start3A_50 = arith.constant 0 : i32
    %dma_start3A_51 = tpu.memref_slice %arg3[%add3A_44, %dma_start3A_50] : memref<2560x125xi32, #tpu.memory_space<hbm>> -> memref<16x125xi32, #tpu.memory_space<hbm>>
    %dma_start3A_52 = arith.constant 0 : i32
    %dma_start3A_53 = arith.constant 0 : i32
    %dma_start3A_54 = tpu.memref_slice %arg6[%dma_start3A_45, %dma_start3A_52, %dma_start3A_53] : memref<2x16x125xi32, #tpu.memory_space<vmem>> -> memref<1x16x125xi32, #tpu.memory_space<vmem>>
    %dma_start3A_55 = tpu.memref_squeeze %dma_start3A_54 : memref<1x16x125xi32, #tpu.memory_space<vmem>> -> memref<16x125xi32, #tpu.memory_space<vmem>>
    %dma_start3A_56 = arith.constant 0 : i32
    %dma_start3A_57 = tpu.memref_slice %arg3[%add3A_44, %dma_start3A_56] : memref<2560x125xi32, #tpu.memory_space<hbm>> -> memref<16x125xi32, #tpu.memory_space<hbm>>
    tpu.enqueue_dma source(%dma_start3A_57 : memref<16x125xi32, #tpu.memory_space<hbm>>) target(%dma_start3A_55 : memref<16x125xi32, #tpu.memory_space<vmem>>) target_semaphore(%arg13 : memref<!tpu.dma_semaphore, #tpu.memory_space<semaphore_mem>>)
    %mul3A_58 = arith.constant 80 : i32
    %mul3A_59 = arith.muli %add3A, %mul3A_58 : i32
    %add3A_60 = arith.constant 16 : i32
    %add3A_61 = arith.addi %mul3A_59, %add3A_60 : i32
    %dma_start3A_62 = arith.constant 1 : i32
    %dma_start3A_63 = arith.constant 0 : i32
    %dma_start3A_64 = arith.constant 0 : i32
    %dma_start3A_65 = tpu.memref_slice %arg7[%dma_start3A_62, %dma_start3A_63, %dma_start3A_64] : memref<2x16x125xi32, #tpu.memory_space<vmem>> -> memref<1x16x125xi32, #tpu.memory_space<vmem>>
    %dma_start3A_66 = tpu.memref_squeeze %dma_start3A_65 : memref<1x16x125xi32, #tpu.memory_space<vmem>> -> memref<16x125xi32, #tpu.memory_space<vmem>>
    %dma_start3A_67 = arith.constant 0 : i32
    %dma_start3A_68 = tpu.memref_slice %arg4[%add3A_61, %dma_start3A_67] : memref<2560x125xi32, #tpu.memory_space<hbm>> -> memref<16x125xi32, #tpu.memory_space<hbm>>
    %dma_start3A_69 = arith.constant 0 : i32
    %dma_start3A_70 = arith.constant 0 : i32
    %dma_start3A_71 = tpu.memref_slice %arg7[%dma_start3A_62, %dma_start3A_69, %dma_start3A_70] : memref<2x16x125xi32, #tpu.memory_space<vmem>> -> memref<1x16x125xi32, #tpu.memory_space<vmem>>
    %dma_start3A_72 = tpu.memref_squeeze %dma_start3A_71 : memref<1x16x125xi32, #tpu.memory_space<vmem>> -> memref<16x125xi32, #tpu.memory_space<vmem>>
    %dma_start3A_73 = arith.constant 0 : i32
    %dma_start3A_74 = tpu.memref_slice %arg4[%add3A_61, %dma_start3A_73] : memref<2560x125xi32, #tpu.memory_space<hbm>> -> memref<16x125xi32, #tpu.memory_space<hbm>>
    tpu.enqueue_dma source(%dma_start3A_74 : memref<16x125xi32, #tpu.memory_space<hbm>>) target(%dma_start3A_72 : memref<16x125xi32, #tpu.memory_space<vmem>>) target_semaphore(%arg13 : memref<!tpu.dma_semaphore, #tpu.memory_space<semaphore_mem>>)
    %barrier3A = arith.constant 0 : index
    tpu.barrier barrier_id(%barrier3A)
    %dma_wait3A = arith.constant 0 : i32
    %dma_wait3A_75 = arith.constant 0 : i32
    %dma_wait3A_76 = arith.constant 0 : i32
    %dma_wait3A_77 = tpu.memref_slice %arg6[%dma_wait3A, %dma_wait3A_75, %dma_wait3A_76] : memref<2x16x125xi32, #tpu.memory_space<vmem>> -> memref<1x16x125xi32, #tpu.memory_space<vmem>>
    %dma_wait3A_78 = tpu.memref_squeeze %dma_wait3A_77 : memref<1x16x125xi32, #tpu.memory_space<vmem>> -> memref<16x125xi32, #tpu.memory_space<vmem>>
    %dma_wait3A_79 = arith.constant 0 : i32
    %dma_wait3A_80 = arith.constant 0 : i32
    %dma_wait3A_81 = tpu.memref_slice %arg3[%dma_wait3A_79, %dma_wait3A_80] : memref<2560x125xi32, #tpu.memory_space<hbm>> -> memref<16x125xi32, #tpu.memory_space<hbm>>
    %dma_wait3A_82 = arith.constant 0 : i32
    %dma_wait3A_83 = arith.constant 0 : i32
    %dma_wait3A_84 = tpu.memref_slice %arg6[%dma_wait3A, %dma_wait3A_82, %dma_wait3A_83] : memref<2x16x125xi32, #tpu.memory_space<vmem>> -> memref<1x16x125xi32, #tpu.memory_space<vmem>>
    %dma_wait3A_85 = tpu.memref_squeeze %dma_wait3A_84 : memref<1x16x125xi32, #tpu.memory_space<vmem>> -> memref<16x125xi32, #tpu.memory_space<vmem>>
    %dma_wait3A_86 = arith.constant 0 : i32
    %dma_wait3A_87 = arith.constant 0 : i32
    %dma_wait3A_88 = tpu.memref_slice %arg3[%dma_wait3A_86, %dma_wait3A_87] : memref<2560x125xi32, #tpu.memory_space<hbm>> -> memref<16x125xi32, #tpu.memory_space<hbm>>
    tpu.wait_dma2 semaphore(%arg13 : memref<!tpu.dma_semaphore, #tpu.memory_space<semaphore_mem>>) src(%dma_wait3A_88 : memref<16x125xi32, #tpu.memory_space<hbm>>) dst(%dma_wait3A_85 : memref<16x125xi32, #tpu.memory_space<vmem>>)
    %dma_wait3A_89 = arith.constant 0 : i32
    %dma_wait3A_90 = arith.constant 0 : i32
    %dma_wait3A_91 = arith.constant 0 : i32
    %dma_wait3A_92 = tpu.memref_slice %arg7[%dma_wait3A_89, %dma_wait3A_90, %dma_wait3A_91] : memref<2x16x125xi32, #tpu.memory_space<vmem>> -> memref<1x16x125xi32, #tpu.memory_space<vmem>>
    %dma_wait3A_93 = tpu.memref_squeeze %dma_wait3A_92 : memref<1x16x125xi32, #tpu.memory_space<vmem>> -> memref<16x125xi32, #tpu.memory_space<vmem>>
    %dma_wait3A_94 = arith.constant 0 : i32
    %dma_wait3A_95 = arith.constant 0 : i32
    %dma_wait3A_96 = tpu.memref_slice %arg4[%dma_wait3A_94, %dma_wait3A_95] : memref<2560x125xi32, #tpu.memory_space<hbm>> -> memref<16x125xi32, #tpu.memory_space<hbm>>
    %dma_wait3A_97 = arith.constant 0 : i32
    %dma_wait3A_98 = arith.constant 0 : i32
    %dma_wait3A_99 = tpu.memref_slice %arg7[%dma_wait3A_89, %dma_wait3A_97, %dma_wait3A_98] : memref<2x16x125xi32, #tpu.memory_space<vmem>> -> memref<1x16x125xi32, #tpu.memory_space<vmem>>
    %dma_wait3A_100 = tpu.memref_squeeze %dma_wait3A_99 : memref<1x16x125xi32, #tpu.memory_space<vmem>> -> memref<16x125xi32, #tpu.memory_space<vmem>>
    %dma_wait3A_101 = arith.constant 0 : i32
    %dma_wait3A_102 = arith.constant 0 : i32
    %dma_wait3A_103 = tpu.memref_slice %arg4[%dma_wait3A_101, %dma_wait3A_102] : memref<2560x125xi32, #tpu.memory_space<hbm>> -> memref<16x125xi32, #tpu.memory_space<hbm>>
    tpu.wait_dma2 semaphore(%arg13 : memref<!tpu.dma_semaphore, #tpu.memory_space<semaphore_mem>>) src(%dma_wait3A_103 : memref<16x125xi32, #tpu.memory_space<hbm>>) dst(%dma_wait3A_100 : memref<16x125xi32, #tpu.memory_space<vmem>>)
    %dma_start3A_104 = arith.constant 0 : i32
    %dma_start3A_105 = arith.constant 0 : i32
    %dma_start3A_106 = arith.constant 0 : i32
    %dma_start3A_107 = arith.constant 0 : i32
    %dma_start3A_108 = arith.constant 0 : i32
    %dma_start3A_109 = tpu.memref_slice %arg8[%dma_start3A_106, %dma_start3A_107, %dma_start3A_108] : memref<2x125x128xf32, #tpu.memory_space<vmem>> -> memref<1x125x128xf32, #tpu.memory_space<vmem>>
    %dma_start3A_110 = tpu.memref_squeeze %dma_start3A_109 : memref<1x125x128xf32, #tpu.memory_space<vmem>> -> memref<125x128xf32, #tpu.memory_space<vmem>>
    %dma_start3A_111 = arith.constant 0 : i32
    %dma_start3A_112 = tpu.memref_slice %arg6[%dma_start3A_104, %dma_start3A_105, %dma_start3A_111] : memref<2x16x125xi32, #tpu.memory_space<vmem>> -> memref<1x1x125xi32, #tpu.memory_space<vmem>>
    %dma_start3A_113 = tpu.memref_squeeze %dma_start3A_112 : memref<1x1x125xi32, #tpu.memory_space<vmem>> -> memref<125xi32, #tpu.memory_space<vmem>>
    %dma_start3A_114 = arith.constant 0 : i32
    %dma_start3A_115 = arith.constant 0 : i32
    %dma_start3A_116 = tpu.memref_slice %arg2[%dma_start3A_114, %dma_start3A_115] : memref<10000x128xf32, #tpu.memory_space<hbm>> -> memref<10000x128xf32, #tpu.memory_space<hbm>>
    tpu.enqueue_indirect_dma source(%dma_start3A_116 : memref<10000x128xf32, #tpu.memory_space<hbm>>) target(%dma_start3A_110 : memref<125x128xf32, #tpu.memory_space<vmem>>) offsets(%dma_start3A_113 : memref<125xi32, #tpu.memory_space<vmem>>) semaphore(%arg11 : memref<!tpu.dma_semaphore, #tpu.memory_space<semaphore_mem>>)
    %dma_start3A_117 = arith.constant 0 : i32
    %dma_start3A_118 = arith.constant 1 : i32
    %dma_start3A_119 = arith.constant 1 : i32
    %dma_start3A_120 = arith.constant 0 : i32
    %dma_start3A_121 = arith.constant 0 : i32
    %dma_start3A_122 = tpu.memref_slice %arg8[%dma_start3A_119, %dma_start3A_120, %dma_start3A_121] : memref<2x125x128xf32, #tpu.memory_space<vmem>> -> memref<1x125x128xf32, #tpu.memory_space<vmem>>
    %dma_start3A_123 = tpu.memref_squeeze %dma_start3A_122 : memref<1x125x128xf32, #tpu.memory_space<vmem>> -> memref<125x128xf32, #tpu.memory_space<vmem>>
    %dma_start3A_124 = arith.constant 0 : i32
    %dma_start3A_125 = tpu.memref_slice %arg6[%dma_start3A_117, %dma_start3A_118, %dma_start3A_124] : memref<2x16x125xi32, #tpu.memory_space<vmem>> -> memref<1x1x125xi32, #tpu.memory_space<vmem>>
    %dma_start3A_126 = tpu.memref_squeeze %dma_start3A_125 : memref<1x1x125xi32, #tpu.memory_space<vmem>> -> memref<125xi32, #tpu.memory_space<vmem>>
    %dma_start3A_127 = arith.constant 0 : i32
    %dma_start3A_128 = arith.constant 0 : i32
    %dma_start3A_129 = tpu.memref_slice %arg2[%dma_start3A_127, %dma_start3A_128] : memref<10000x128xf32, #tpu.memory_space<hbm>> -> memref<10000x128xf32, #tpu.memory_space<hbm>>
    tpu.enqueue_indirect_dma source(%dma_start3A_129 : memref<10000x128xf32, #tpu.memory_space<hbm>>) target(%dma_start3A_123 : memref<125x128xf32, #tpu.memory_space<vmem>>) offsets(%dma_start3A_126 : memref<125xi32, #tpu.memory_space<vmem>>) semaphore(%arg12 : memref<!tpu.dma_semaphore, #tpu.memory_space<semaphore_mem>>)
    %scan3A = arith.constant 0 : i32
    %scan3A_130 = arith.constant 0 : i32
    %scan3A_131 = arith.constant 40 : i32
    %scan3A_132 = arith.addi %scan3A_130, %scan3A_131 : i32
    %scan3A_133 = arith.constant 1 : i32
    scf.for %scan3A_146 = %scan3A_130 to %scan3A_132 step %scan3A_133  : i32 {
      %mul3A_147 = arith.constant 2 : i32
      %mul3A_148 = arith.muli %scan3A_146, %mul3A_147 : i32
      %add3A_149 = arith.constant 0 : i32
      %add3A_150 = arith.addi %mul3A_148, %add3A_149 : i32
      %jit3A = arith.constant 16 : i32
      %div3A = arith.divsi %add3A_150, %jit3A : i32
      %sign3A = arith.constant 0 : i32
      %sign3A_151 = arith.cmpi sgt, %add3A_150, %sign3A : i32
      %sign3A_152 = arith.extui %sign3A_151 : i1 to i32
      %sign3A_153 = arith.constant 0 : i32
      %sign3A_154 = arith.cmpi slt, %add3A_150, %sign3A_153 : i32
      %sign3A_155 = arith.extui %sign3A_154 : i1 to i32
      %sign3A_156 = arith.subi %sign3A_152, %sign3A_155 : i32
      %sign3A_157 = arith.constant 0 : i32
      %sign3A_158 = arith.cmpi sgt, %jit3A, %sign3A_157 : i32
      %sign3A_159 = arith.extui %sign3A_158 : i1 to i32
      %sign3A_160 = arith.constant 0 : i32
      %sign3A_161 = arith.cmpi slt, %jit3A, %sign3A_160 : i32
      %sign3A_162 = arith.extui %sign3A_161 : i1 to i32
      %sign3A_163 = arith.subi %sign3A_159, %sign3A_162 : i32
      %ne3A = arith.cmpi ne, %sign3A_156, %sign3A_163 : i32
      %rem3A = arith.remsi %add3A_150, %jit3A : i32
      %ne3A_164 = arith.constant 0 : i32
      %ne3A_165 = arith.cmpi ne, %rem3A, %ne3A_164 : i32
      %and3A_166 = arith.andi %ne3A, %ne3A_165 : i1
      %sub3A = arith.constant 1 : i32
      %sub3A_167 = arith.subi %div3A, %sub3A : i32
      %select_n3A = arith.select %and3A_166, %sub3A_167, %div3A : i32
      %rem3A_168 = arith.constant 2 : i32
      %rem3A_169 = arith.remsi %select_n3A, %rem3A_168 : i32
      %rem3A_170 = arith.constant 16 : i32
      %rem3A_171 = arith.remsi %add3A_150, %rem3A_170 : i32
      %dma_wait3A_172 = arith.constant 0 : i32
      %dma_wait3A_173 = arith.constant 0 : i32
      %dma_wait3A_174 = arith.constant 0 : i32
      %dma_wait3A_175 = tpu.memref_slice %arg8[%dma_wait3A_172, %dma_wait3A_173, %dma_wait3A_174] : memref<2x125x128xf32, #tpu.memory_space<vmem>> -> memref<1x125x128xf32, #tpu.memory_space<vmem>>
      %dma_wait3A_176 = tpu.memref_squeeze %dma_wait3A_175 : memref<1x125x128xf32, #tpu.memory_space<vmem>> -> memref<125x128xf32, #tpu.memory_space<vmem>>
      %dma_wait3A_177 = arith.constant 0 : i32
      %dma_wait3A_178 = tpu.memref_slice %arg6[%rem3A_169, %rem3A_171, %dma_wait3A_177] : memref<2x16x125xi32, #tpu.memory_space<vmem>> -> memref<1x1x125xi32, #tpu.memory_space<vmem>>
      %dma_wait3A_179 = tpu.memref_squeeze %dma_wait3A_178 : memref<1x1x125xi32, #tpu.memory_space<vmem>> -> memref<125xi32, #tpu.memory_space<vmem>>
      %dma_wait3A_180 = arith.constant 0 : i32
      %dma_wait3A_181 = arith.constant 0 : i32
      %dma_wait3A_182 = tpu.memref_slice %arg2[%dma_wait3A_180, %dma_wait3A_181] : memref<10000x128xf32, #tpu.memory_space<hbm>> -> memref<10000x128xf32, #tpu.memory_space<hbm>>
      tpu.wait_indirect_dma semaphore(%arg11 : memref<!tpu.dma_semaphore, #tpu.memory_space<semaphore_mem>>) src(%dma_wait3A_182 : memref<10000x128xf32, #tpu.memory_space<hbm>>) dst(%dma_wait3A_176 : memref<125x128xf32, #tpu.memory_space<vmem>>)
      %run_scoped3A = arith.constant 0 : i32
      "tpu.region"() ({
        %run_scoped3A_243 = tpu.sem_alloc : memref<!tpu.dma_semaphore, #tpu.memory_space<semaphore_mem>>
        %dma_start3A_244 = arith.constant 0 : i32
        %dma_start3A_245 = arith.constant 0 : i32
        %dma_start3A_246 = tpu.memref_slice %arg8[%run_scoped3A, %dma_start3A_244, %dma_start3A_245] : memref<2x125x128xf32, #tpu.memory_space<vmem>> -> memref<1x125x128xf32, #tpu.memory_space<vmem>>
        %dma_start3A_247 = tpu.memref_squeeze %dma_start3A_246 : memref<1x125x128xf32, #tpu.memory_space<vmem>> -> memref<125x128xf32, #tpu.memory_space<vmem>>
        %dma_start3A_248 = arith.constant 0 : i32
        %dma_start3A_249 = tpu.memref_slice %arg7[%rem3A_169, %rem3A_171, %dma_start3A_248] : memref<2x16x125xi32, #tpu.memory_space<vmem>> -> memref<1x1x125xi32, #tpu.memory_space<vmem>>
        %dma_start3A_250 = tpu.memref_squeeze %dma_start3A_249 : memref<1x1x125xi32, #tpu.memory_space<vmem>> -> memref<125xi32, #tpu.memory_space<vmem>>
        %dma_start3A_251 = arith.constant 0 : i32
        %dma_start3A_252 = arith.constant 0 : i32
        %dma_start3A_253 = tpu.memref_slice %arg10[%dma_start3A_251, %dma_start3A_252] : memref<10000x128xf32, #tpu.memory_space<vmem_shared>> -> memref<10000x128xf32, #tpu.memory_space<vmem_shared>>
        tpu.enqueue_indirect_dma source(%dma_start3A_247 : memref<125x128xf32, #tpu.memory_space<vmem>>) target(%dma_start3A_253 : memref<10000x128xf32, #tpu.memory_space<vmem_shared>>) offsets(%dma_start3A_250 : memref<125xi32, #tpu.memory_space<vmem>>) semaphore(%run_scoped3A_243 : memref<!tpu.dma_semaphore, #tpu.memory_space<semaphore_mem>>) {add = true}
        %dma_wait3A_254 = arith.constant 0 : i32
        %dma_wait3A_255 = arith.constant 0 : i32
        %dma_wait3A_256 = tpu.memref_slice %arg8[%run_scoped3A, %dma_wait3A_254, %dma_wait3A_255] : memref<2x125x128xf32, #tpu.memory_space<vmem>> -> memref<1x125x128xf32, #tpu.memory_space<vmem>>
        %dma_wait3A_257 = tpu.memref_squeeze %dma_wait3A_256 : memref<1x125x128xf32, #tpu.memory_space<vmem>> -> memref<125x128xf32, #tpu.memory_space<vmem>>
        %dma_wait3A_258 = arith.constant 0 : i32
        %dma_wait3A_259 = tpu.memref_slice %arg7[%rem3A_169, %rem3A_171, %dma_wait3A_258] : memref<2x16x125xi32, #tpu.memory_space<vmem>> -> memref<1x1x125xi32, #tpu.memory_space<vmem>>
        %dma_wait3A_260 = tpu.memref_squeeze %dma_wait3A_259 : memref<1x1x125xi32, #tpu.memory_space<vmem>> -> memref<125xi32, #tpu.memory_space<vmem>>
        %dma_wait3A_261 = arith.constant 0 : i32
        %dma_wait3A_262 = arith.constant 0 : i32
        %dma_wait3A_263 = tpu.memref_slice %arg10[%dma_wait3A_261, %dma_wait3A_262] : memref<10000x128xf32, #tpu.memory_space<vmem_shared>> -> memref<10000x128xf32, #tpu.memory_space<vmem_shared>>
        tpu.wait_indirect_dma semaphore(%run_scoped3A_243 : memref<!tpu.dma_semaphore, #tpu.memory_space<semaphore_mem>>) src(%dma_wait3A_257 : memref<125x128xf32, #tpu.memory_space<vmem>>) dst(%dma_wait3A_263 : memref<10000x128xf32, #tpu.memory_space<vmem_shared>>)
        tpu.yield
      }) : () -> ()
      %add3A_183 = arith.constant 2 : i32
      %add3A_184 = arith.addi %add3A_150, %add3A_183 : i32
      %lt3A_185 = arith.constant 80 : i32
      %lt3A_186 = arith.cmpi slt, %add3A_184, %lt3A_185 : i32
      %convert_element_type3A_187 = arith.extui %lt3A_186 : i1 to i32
      %cond3A_188 = arith.constant 0 : i32
      %cond3A_189 = arith.constant 0 : i32
      %cond3A_190 = arith.cmpi ne, %convert_element_type3A_187, %cond3A_189 : i32
      scf.if %cond3A_190 {
        %jit3A_243 = arith.constant 16 : i32
        %div3A_244 = arith.divsi %add3A_184, %jit3A_243 : i32
        %sign3A_245 = arith.constant 0 : i32
        %sign3A_246 = arith.cmpi sgt, %add3A_184, %sign3A_245 : i32
        %sign3A_247 = arith.extui %sign3A_246 : i1 to i32
        %sign3A_248 = arith.constant 0 : i32
        %sign3A_249 = arith.cmpi slt, %add3A_184, %sign3A_248 : i32
        %sign3A_250 = arith.extui %sign3A_249 : i1 to i32
        %sign3A_251 = arith.subi %sign3A_247, %sign3A_250 : i32
        %sign3A_252 = arith.constant 0 : i32
        %sign3A_253 = arith.cmpi sgt, %jit3A_243, %sign3A_252 : i32
        %sign3A_254 = arith.extui %sign3A_253 : i1 to i32
        %sign3A_255 = arith.constant 0 : i32
        %sign3A_256 = arith.cmpi slt, %jit3A_243, %sign3A_255 : i32
        %sign3A_257 = arith.extui %sign3A_256 : i1 to i32
        %sign3A_258 = arith.subi %sign3A_254, %sign3A_257 : i32
        %ne3A_259 = arith.cmpi ne, %sign3A_251, %sign3A_258 : i32
        %rem3A_260 = arith.remsi %add3A_184, %jit3A_243 : i32
        %ne3A_261 = arith.constant 0 : i32
        %ne3A_262 = arith.cmpi ne, %rem3A_260, %ne3A_261 : i32
        %and3A_263 = arith.andi %ne3A_259, %ne3A_262 : i1
        %sub3A_264 = arith.constant 1 : i32
        %sub3A_265 = arith.subi %div3A_244, %sub3A_264 : i32
        %select_n3A_266 = arith.select %and3A_263, %sub3A_265, %div3A_244 : i32
        %rem3A_267 = arith.constant 2 : i32
        %rem3A_268 = arith.remsi %select_n3A_266, %rem3A_267 : i32
        %rem3A_269 = arith.constant 16 : i32
        %rem3A_270 = arith.remsi %add3A_184, %rem3A_269 : i32
        %eq3A_271 = arith.constant 0 : i32
        %eq3A_272 = arith.cmpi eq, %rem3A_270, %eq3A_271 : i32
        %convert_element_type3A_273 = arith.extui %eq3A_272 : i1 to i32
        %cond3A_274 = arith.constant 0 : i32
        %cond3A_275 = arith.cmpi ne, %convert_element_type3A_273, %cond3A_274 : i32
        scf.if %cond3A_275 {
          %dma_wait3A_296 = arith.constant 0 : i32
          %dma_wait3A_297 = arith.constant 0 : i32
          %dma_wait3A_298 = tpu.memref_slice %arg6[%rem3A_268, %dma_wait3A_296, %dma_wait3A_297] : memref<2x16x125xi32, #tpu.memory_space<vmem>> -> memref<1x16x125xi32, #tpu.memory_space<vmem>>
          %dma_wait3A_299 = tpu.memref_squeeze %dma_wait3A_298 : memref<1x16x125xi32, #tpu.memory_space<vmem>> -> memref<16x125xi32, #tpu.memory_space<vmem>>
          %dma_wait3A_300 = arith.constant 0 : i32
          %dma_wait3A_301 = arith.constant 0 : i32
          %dma_wait3A_302 = tpu.memref_slice %arg3[%dma_wait3A_300, %dma_wait3A_301] : memref<2560x125xi32, #tpu.memory_space<hbm>> -> memref<16x125xi32, #tpu.memory_space<hbm>>
          %dma_wait3A_303 = arith.constant 0 : i32
          %dma_wait3A_304 = arith.constant 0 : i32
          %dma_wait3A_305 = tpu.memref_slice %arg6[%rem3A_268, %dma_wait3A_303, %dma_wait3A_304] : memref<2x16x125xi32, #tpu.memory_space<vmem>> -> memref<1x16x125xi32, #tpu.memory_space<vmem>>
          %dma_wait3A_306 = tpu.memref_squeeze %dma_wait3A_305 : memref<1x16x125xi32, #tpu.memory_space<vmem>> -> memref<16x125xi32, #tpu.memory_space<vmem>>
          %dma_wait3A_307 = arith.constant 0 : i32
          %dma_wait3A_308 = arith.constant 0 : i32
          %dma_wait3A_309 = tpu.memref_slice %arg3[%dma_wait3A_307, %dma_wait3A_308] : memref<2560x125xi32, #tpu.memory_space<hbm>> -> memref<16x125xi32, #tpu.memory_space<hbm>>
          tpu.wait_dma2 semaphore(%arg13 : memref<!tpu.dma_semaphore, #tpu.memory_space<semaphore_mem>>) src(%dma_wait3A_309 : memref<16x125xi32, #tpu.memory_space<hbm>>) dst(%dma_wait3A_306 : memref<16x125xi32, #tpu.memory_space<vmem>>)
          %dma_wait3A_310 = arith.constant 0 : i32
          %dma_wait3A_311 = arith.constant 0 : i32
          %dma_wait3A_312 = tpu.memref_slice %arg7[%rem3A_268, %dma_wait3A_310, %dma_wait3A_311] : memref<2x16x125xi32, #tpu.memory_space<vmem>> -> memref<1x16x125xi32, #tpu.memory_space<vmem>>
          %dma_wait3A_313 = tpu.memref_squeeze %dma_wait3A_312 : memref<1x16x125xi32, #tpu.memory_space<vmem>> -> memref<16x125xi32, #tpu.memory_space<vmem>>
          %dma_wait3A_314 = arith.constant 0 : i32
          %dma_wait3A_315 = arith.constant 0 : i32
          %dma_wait3A_316 = tpu.memref_slice %arg4[%dma_wait3A_314, %dma_wait3A_315] : memref<2560x125xi32, #tpu.memory_space<hbm>> -> memref<16x125xi32, #tpu.memory_space<hbm>>
          %dma_wait3A_317 = arith.constant 0 : i32
          %dma_wait3A_318 = arith.constant 0 : i32
          %dma_wait3A_319 = tpu.memref_slice %arg7[%rem3A_268, %dma_wait3A_317, %dma_wait3A_318] : memref<2x16x125xi32, #tpu.memory_space<vmem>> -> memref<1x16x125xi32, #tpu.memory_space<vmem>>
          %dma_wait3A_320 = tpu.memref_squeeze %dma_wait3A_319 : memref<1x16x125xi32, #tpu.memory_space<vmem>> -> memref<16x125xi32, #tpu.memory_space<vmem>>
          %dma_wait3A_321 = arith.constant 0 : i32
          %dma_wait3A_322 = arith.constant 0 : i32
          %dma_wait3A_323 = tpu.memref_slice %arg4[%dma_wait3A_321, %dma_wait3A_322] : memref<2560x125xi32, #tpu.memory_space<hbm>> -> memref<16x125xi32, #tpu.memory_space<hbm>>
          tpu.wait_dma2 semaphore(%arg13 : memref<!tpu.dma_semaphore, #tpu.memory_space<semaphore_mem>>) src(%dma_wait3A_323 : memref<16x125xi32, #tpu.memory_space<hbm>>) dst(%dma_wait3A_320 : memref<16x125xi32, #tpu.memory_space<vmem>>)
        } else {
        }
        %eq3A_276 = arith.constant 1 : i32
        %eq3A_277 = arith.cmpi eq, %rem3A_270, %eq3A_276 : i32
        %add3A_278 = arith.constant 1 : i32
        %add3A_279 = arith.addi %select_n3A_266, %add3A_278 : i32
        %lt3A_280 = arith.constant 5 : i32
        %lt3A_281 = arith.cmpi slt, %add3A_279, %lt3A_280 : i32
        %and3A_282 = arith.andi %eq3A_277, %lt3A_281 : i1
        %convert_element_type3A_283 = arith.extui %and3A_282 : i1 to i32
        %cond3A_284 = arith.constant 0 : i32
        %cond3A_285 = arith.cmpi ne, %convert_element_type3A_283, %cond3A_284 : i32
        scf.if %cond3A_285 {
          %mul3A_296 = arith.constant 80 : i32
          %mul3A_297 = arith.muli %add3A, %mul3A_296 : i32
          %add3A_298 = arith.constant 1 : i32
          %add3A_299 = arith.addi %select_n3A_266, %add3A_298 : i32
          %mul3A_300 = arith.constant 16 : i32
          %mul3A_301 = arith.muli %add3A_299, %mul3A_300 : i32
          %add3A_302 = arith.addi %mul3A_297, %mul3A_301 : i32
          %sub3A_303 = arith.constant 1 : i32
          %sub3A_304 = arith.subi %sub3A_303, %rem3A_268 : i32
          %dma_start3A_305 = arith.constant 0 : i32
          %dma_start3A_306 = arith.constant 0 : i32
          %dma_start3A_307 = tpu.memref_slice %arg6[%sub3A_304, %dma_start3A_305, %dma_start3A_306] : memref<2x16x125xi32, #tpu.memory_space<vmem>> -> memref<1x16x125xi32, #tpu.memory_space<vmem>>
          %dma_start3A_308 = tpu.memref_squeeze %dma_start3A_307 : memref<1x16x125xi32, #tpu.memory_space<vmem>> -> memref<16x125xi32, #tpu.memory_space<vmem>>
          %dma_start3A_309 = arith.constant 0 : i32
          %dma_start3A_310 = tpu.memref_slice %arg3[%add3A_302, %dma_start3A_309] : memref<2560x125xi32, #tpu.memory_space<hbm>> -> memref<16x125xi32, #tpu.memory_space<hbm>>
          %dma_start3A_311 = arith.constant 0 : i32
          %dma_start3A_312 = arith.constant 0 : i32
          %dma_start3A_313 = tpu.memref_slice %arg6[%sub3A_304, %dma_start3A_311, %dma_start3A_312] : memref<2x16x125xi32, #tpu.memory_space<vmem>> -> memref<1x16x125xi32, #tpu.memory_space<vmem>>
          %dma_start3A_314 = tpu.memref_squeeze %dma_start3A_313 : memref<1x16x125xi32, #tpu.memory_space<vmem>> -> memref<16x125xi32, #tpu.memory_space<vmem>>
          %dma_start3A_315 = arith.constant 0 : i32
          %dma_start3A_316 = tpu.memref_slice %arg3[%add3A_302, %dma_start3A_315] : memref<2560x125xi32, #tpu.memory_space<hbm>> -> memref<16x125xi32, #tpu.memory_space<hbm>>
          tpu.enqueue_dma source(%dma_start3A_316 : memref<16x125xi32, #tpu.memory_space<hbm>>) target(%dma_start3A_314 : memref<16x125xi32, #tpu.memory_space<vmem>>) target_semaphore(%arg13 : memref<!tpu.dma_semaphore, #tpu.memory_space<semaphore_mem>>)
          %sub3A_317 = arith.constant 1 : i32
          %sub3A_318 = arith.subi %sub3A_317, %rem3A_268 : i32
          %dma_start3A_319 = arith.constant 0 : i32
          %dma_start3A_320 = arith.constant 0 : i32
          %dma_start3A_321 = tpu.memref_slice %arg7[%sub3A_318, %dma_start3A_319, %dma_start3A_320] : memref<2x16x125xi32, #tpu.memory_space<vmem>> -> memref<1x16x125xi32, #tpu.memory_space<vmem>>
          %dma_start3A_322 = tpu.memref_squeeze %dma_start3A_321 : memref<1x16x125xi32, #tpu.memory_space<vmem>> -> memref<16x125xi32, #tpu.memory_space<vmem>>
          %dma_start3A_323 = arith.constant 0 : i32
          %dma_start3A_324 = tpu.memref_slice %arg4[%add3A_302, %dma_start3A_323] : memref<2560x125xi32, #tpu.memory_space<hbm>> -> memref<16x125xi32, #tpu.memory_space<hbm>>
          %dma_start3A_325 = arith.constant 0 : i32
          %dma_start3A_326 = arith.constant 0 : i32
          %dma_start3A_327 = tpu.memref_slice %arg7[%sub3A_318, %dma_start3A_325, %dma_start3A_326] : memref<2x16x125xi32, #tpu.memory_space<vmem>> -> memref<1x16x125xi32, #tpu.memory_space<vmem>>
          %dma_start3A_328 = tpu.memref_squeeze %dma_start3A_327 : memref<1x16x125xi32, #tpu.memory_space<vmem>> -> memref<16x125xi32, #tpu.memory_space<vmem>>
          %dma_start3A_329 = arith.constant 0 : i32
          %dma_start3A_330 = tpu.memref_slice %arg4[%add3A_302, %dma_start3A_329] : memref<2560x125xi32, #tpu.memory_space<hbm>> -> memref<16x125xi32, #tpu.memory_space<hbm>>
          tpu.enqueue_dma source(%dma_start3A_330 : memref<16x125xi32, #tpu.memory_space<hbm>>) target(%dma_start3A_328 : memref<16x125xi32, #tpu.memory_space<vmem>>) target_semaphore(%arg13 : memref<!tpu.dma_semaphore, #tpu.memory_space<semaphore_mem>>)
        } else {
        }
        %dma_start3A_286 = arith.constant 0 : i32
        %dma_start3A_287 = arith.constant 0 : i32
        %dma_start3A_288 = tpu.memref_slice %arg8[%cond3A_188, %dma_start3A_286, %dma_start3A_287] : memref<2x125x128xf32, #tpu.memory_space<vmem>> -> memref<1x125x128xf32, #tpu.memory_space<vmem>>
        %dma_start3A_289 = tpu.memref_squeeze %dma_start3A_288 : memref<1x125x128xf32, #tpu.memory_space<vmem>> -> memref<125x128xf32, #tpu.memory_space<vmem>>
        %dma_start3A_290 = arith.constant 0 : i32
        %dma_start3A_291 = tpu.memref_slice %arg6[%rem3A_268, %rem3A_270, %dma_start3A_290] : memref<2x16x125xi32, #tpu.memory_space<vmem>> -> memref<1x1x125xi32, #tpu.memory_space<vmem>>
        %dma_start3A_292 = tpu.memref_squeeze %dma_start3A_291 : memref<1x1x125xi32, #tpu.memory_space<vmem>> -> memref<125xi32, #tpu.memory_space<vmem>>
        %dma_start3A_293 = arith.constant 0 : i32
        %dma_start3A_294 = arith.constant 0 : i32
        %dma_start3A_295 = tpu.memref_slice %arg2[%dma_start3A_293, %dma_start3A_294] : memref<10000x128xf32, #tpu.memory_space<hbm>> -> memref<10000x128xf32, #tpu.memory_space<hbm>>
        tpu.enqueue_indirect_dma source(%dma_start3A_295 : memref<10000x128xf32, #tpu.memory_space<hbm>>) target(%dma_start3A_289 : memref<125x128xf32, #tpu.memory_space<vmem>>) offsets(%dma_start3A_292 : memref<125xi32, #tpu.memory_space<vmem>>) semaphore(%arg11 : memref<!tpu.dma_semaphore, #tpu.memory_space<semaphore_mem>>)
      } else {
      }
      %mul3A_191 = arith.constant 2 : i32
      %mul3A_192 = arith.muli %scan3A_146, %mul3A_191 : i32
      %add3A_193 = arith.constant 1 : i32
      %add3A_194 = arith.addi %mul3A_192, %add3A_193 : i32
      %jit3A_195 = arith.constant 16 : i32
      %div3A_196 = arith.divsi %add3A_194, %jit3A_195 : i32
      %sign3A_197 = arith.constant 0 : i32
      %sign3A_198 = arith.cmpi sgt, %add3A_194, %sign3A_197 : i32
      %sign3A_199 = arith.extui %sign3A_198 : i1 to i32
      %sign3A_200 = arith.constant 0 : i32
      %sign3A_201 = arith.cmpi slt, %add3A_194, %sign3A_200 : i32
      %sign3A_202 = arith.extui %sign3A_201 : i1 to i32
      %sign3A_203 = arith.subi %sign3A_199, %sign3A_202 : i32
      %sign3A_204 = arith.constant 0 : i32
      %sign3A_205 = arith.cmpi sgt, %jit3A_195, %sign3A_204 : i32
      %sign3A_206 = arith.extui %sign3A_205 : i1 to i32
      %sign3A_207 = arith.constant 0 : i32
      %sign3A_208 = arith.cmpi slt, %jit3A_195, %sign3A_207 : i32
      %sign3A_209 = arith.extui %sign3A_208 : i1 to i32
      %sign3A_210 = arith.subi %sign3A_206, %sign3A_209 : i32
      %ne3A_211 = arith.cmpi ne, %sign3A_203, %sign3A_210 : i32
      %rem3A_212 = arith.remsi %add3A_194, %jit3A_195 : i32
      %ne3A_213 = arith.constant 0 : i32
      %ne3A_214 = arith.cmpi ne, %rem3A_212, %ne3A_213 : i32
      %and3A_215 = arith.andi %ne3A_211, %ne3A_214 : i1
      %sub3A_216 = arith.constant 1 : i32
      %sub3A_217 = arith.subi %div3A_196, %sub3A_216 : i32
      %select_n3A_218 = arith.select %and3A_215, %sub3A_217, %div3A_196 : i32
      %rem3A_219 = arith.constant 2 : i32
      %rem3A_220 = arith.remsi %select_n3A_218, %rem3A_219 : i32
      %rem3A_221 = arith.constant 16 : i32
      %rem3A_222 = arith.remsi %add3A_194, %rem3A_221 : i32
      %dma_wait3A_223 = arith.constant 1 : i32
      %dma_wait3A_224 = arith.constant 0 : i32
      %dma_wait3A_225 = arith.constant 0 : i32
      %dma_wait3A_226 = tpu.memref_slice %arg8[%dma_wait3A_223, %dma_wait3A_224, %dma_wait3A_225] : memref<2x125x128xf32, #tpu.memory_space<vmem>> -> memref<1x125x128xf32, #tpu.memory_space<vmem>>
      %dma_wait3A_227 = tpu.memref_squeeze %dma_wait3A_226 : memref<1x125x128xf32, #tpu.memory_space<vmem>> -> memref<125x128xf32, #tpu.memory_space<vmem>>
      %dma_wait3A_228 = arith.constant 0 : i32
      %dma_wait3A_229 = tpu.memref_slice %arg6[%rem3A_220, %rem3A_222, %dma_wait3A_228] : memref<2x16x125xi32, #tpu.memory_space<vmem>> -> memref<1x1x125xi32, #tpu.memory_space<vmem>>
      %dma_wait3A_230 = tpu.memref_squeeze %dma_wait3A_229 : memref<1x1x125xi32, #tpu.memory_space<vmem>> -> memref<125xi32, #tpu.memory_space<vmem>>
      %dma_wait3A_231 = arith.constant 0 : i32
      %dma_wait3A_232 = arith.constant 0 : i32
      %dma_wait3A_233 = tpu.memref_slice %arg2[%dma_wait3A_231, %dma_wait3A_232] : memref<10000x128xf32, #tpu.memory_space<hbm>> -> memref<10000x128xf32, #tpu.memory_space<hbm>>
      tpu.wait_indirect_dma semaphore(%arg12 : memref<!tpu.dma_semaphore, #tpu.memory_space<semaphore_mem>>) src(%dma_wait3A_233 : memref<10000x128xf32, #tpu.memory_space<hbm>>) dst(%dma_wait3A_227 : memref<125x128xf32, #tpu.memory_space<vmem>>)
      %run_scoped3A_234 = arith.constant 1 : i32
      "tpu.region"() ({
        %run_scoped3A_243 = tpu.sem_alloc : memref<!tpu.dma_semaphore, #tpu.memory_space<semaphore_mem>>
        %dma_start3A_244 = arith.constant 0 : i32
        %dma_start3A_245 = arith.constant 0 : i32
        %dma_start3A_246 = tpu.memref_slice %arg8[%run_scoped3A_234, %dma_start3A_244, %dma_start3A_245] : memref<2x125x128xf32, #tpu.memory_space<vmem>> -> memref<1x125x128xf32, #tpu.memory_space<vmem>>
        %dma_start3A_247 = tpu.memref_squeeze %dma_start3A_246 : memref<1x125x128xf32, #tpu.memory_space<vmem>> -> memref<125x128xf32, #tpu.memory_space<vmem>>
        %dma_start3A_248 = arith.constant 0 : i32
        %dma_start3A_249 = tpu.memref_slice %arg7[%rem3A_220, %rem3A_222, %dma_start3A_248] : memref<2x16x125xi32, #tpu.memory_space<vmem>> -> memref<1x1x125xi32, #tpu.memory_space<vmem>>
        %dma_start3A_250 = tpu.memref_squeeze %dma_start3A_249 : memref<1x1x125xi32, #tpu.memory_space<vmem>> -> memref<125xi32, #tpu.memory_space<vmem>>
        %dma_start3A_251 = arith.constant 0 : i32
        %dma_start3A_252 = arith.constant 0 : i32
        %dma_start3A_253 = tpu.memref_slice %arg10[%dma_start3A_251, %dma_start3A_252] : memref<10000x128xf32, #tpu.memory_space<vmem_shared>> -> memref<10000x128xf32, #tpu.memory_space<vmem_shared>>
        tpu.enqueue_indirect_dma source(%dma_start3A_247 : memref<125x128xf32, #tpu.memory_space<vmem>>) target(%dma_start3A_253 : memref<10000x128xf32, #tpu.memory_space<vmem_shared>>) offsets(%dma_start3A_250 : memref<125xi32, #tpu.memory_space<vmem>>) semaphore(%run_scoped3A_243 : memref<!tpu.dma_semaphore, #tpu.memory_space<semaphore_mem>>) {add = true}
        %dma_wait3A_254 = arith.constant 0 : i32
        %dma_wait3A_255 = arith.constant 0 : i32
        %dma_wait3A_256 = tpu.memref_slice %arg8[%run_scoped3A_234, %dma_wait3A_254, %dma_wait3A_255] : memref<2x125x128xf32, #tpu.memory_space<vmem>> -> memref<1x125x128xf32, #tpu.memory_space<vmem>>
        %dma_wait3A_257 = tpu.memref_squeeze %dma_wait3A_256 : memref<1x125x128xf32, #tpu.memory_space<vmem>> -> memref<125x128xf32, #tpu.memory_space<vmem>>
        %dma_wait3A_258 = arith.constant 0 : i32
        %dma_wait3A_259 = tpu.memref_slice %arg7[%rem3A_220, %rem3A_222, %dma_wait3A_258] : memref<2x16x125xi32, #tpu.memory_space<vmem>> -> memref<1x1x125xi32, #tpu.memory_space<vmem>>
        %dma_wait3A_260 = tpu.memref_squeeze %dma_wait3A_259 : memref<1x1x125xi32, #tpu.memory_space<vmem>> -> memref<125xi32, #tpu.memory_space<vmem>>
        %dma_wait3A_261 = arith.constant 0 : i32
        %dma_wait3A_262 = arith.constant 0 : i32
        %dma_wait3A_263 = tpu.memref_slice %arg10[%dma_wait3A_261, %dma_wait3A_262] : memref<10000x128xf32, #tpu.memory_space<vmem_shared>> -> memref<10000x128xf32, #tpu.memory_space<vmem_shared>>
        tpu.wait_indirect_dma semaphore(%run_scoped3A_243 : memref<!tpu.dma_semaphore, #tpu.memory_space<semaphore_mem>>) src(%dma_wait3A_257 : memref<125x128xf32, #tpu.memory_space<vmem>>) dst(%dma_wait3A_263 : memref<10000x128xf32, #tpu.memory_space<vmem_shared>>)
        tpu.yield
      }) : () -> ()
      %add3A_235 = arith.constant 2 : i32
      %add3A_236 = arith.addi %add3A_194, %add3A_235 : i32
      %lt3A_237 = arith.constant 80 : i32
      %lt3A_238 = arith.cmpi slt, %add3A_236, %lt3A_237 : i32
      %convert_element_type3A_239 = arith.extui %lt3A_238 : i1 to i32
      %cond3A_240 = arith.constant 1 : i32
      %cond3A_241 = arith.constant 0 : i32
      %cond3A_242 = arith.cmpi ne, %convert_element_type3A_239, %cond3A_241 : i32
      scf.if %cond3A_242 {
        %jit3A_243 = arith.constant 16 : i32
        %div3A_244 = arith.divsi %add3A_236, %jit3A_243 : i32
        %sign3A_245 = arith.constant 0 : i32
        %sign3A_246 = arith.cmpi sgt, %add3A_236, %sign3A_245 : i32
        %sign3A_247 = arith.extui %sign3A_246 : i1 to i32
        %sign3A_248 = arith.constant 0 : i32
        %sign3A_249 = arith.cmpi slt, %add3A_236, %sign3A_248 : i32
        %sign3A_250 = arith.extui %sign3A_249 : i1 to i32
        %sign3A_251 = arith.subi %sign3A_247, %sign3A_250 : i32
        %sign3A_252 = arith.constant 0 : i32
        %sign3A_253 = arith.cmpi sgt, %jit3A_243, %sign3A_252 : i32
        %sign3A_254 = arith.extui %sign3A_253 : i1 to i32
        %sign3A_255 = arith.constant 0 : i32
        %sign3A_256 = arith.cmpi slt, %jit3A_243, %sign3A_255 : i32
        %sign3A_257 = arith.extui %sign3A_256 : i1 to i32
        %sign3A_258 = arith.subi %sign3A_254, %sign3A_257 : i32
        %ne3A_259 = arith.cmpi ne, %sign3A_251, %sign3A_258 : i32
        %rem3A_260 = arith.remsi %add3A_236, %jit3A_243 : i32
        %ne3A_261 = arith.constant 0 : i32
        %ne3A_262 = arith.cmpi ne, %rem3A_260, %ne3A_261 : i32
        %and3A_263 = arith.andi %ne3A_259, %ne3A_262 : i1
        %sub3A_264 = arith.constant 1 : i32
        %sub3A_265 = arith.subi %div3A_244, %sub3A_264 : i32
        %select_n3A_266 = arith.select %and3A_263, %sub3A_265, %div3A_244 : i32
        %rem3A_267 = arith.constant 2 : i32
        %rem3A_268 = arith.remsi %select_n3A_266, %rem3A_267 : i32
        %rem3A_269 = arith.constant 16 : i32
        %rem3A_270 = arith.remsi %add3A_236, %rem3A_269 : i32
        %eq3A_271 = arith.constant 0 : i32
        %eq3A_272 = arith.cmpi eq, %rem3A_270, %eq3A_271 : i32
        %convert_element_type3A_273 = arith.extui %eq3A_272 : i1 to i32
        %cond3A_274 = arith.constant 0 : i32
        %cond3A_275 = arith.cmpi ne, %convert_element_type3A_273, %cond3A_274 : i32
        scf.if %cond3A_275 {
          %dma_wait3A_296 = arith.constant 0 : i32
          %dma_wait3A_297 = arith.constant 0 : i32
          %dma_wait3A_298 = tpu.memref_slice %arg6[%rem3A_268, %dma_wait3A_296, %dma_wait3A_297] : memref<2x16x125xi32, #tpu.memory_space<vmem>> -> memref<1x16x125xi32, #tpu.memory_space<vmem>>
          %dma_wait3A_299 = tpu.memref_squeeze %dma_wait3A_298 : memref<1x16x125xi32, #tpu.memory_space<vmem>> -> memref<16x125xi32, #tpu.memory_space<vmem>>
          %dma_wait3A_300 = arith.constant 0 : i32
          %dma_wait3A_301 = arith.constant 0 : i32
          %dma_wait3A_302 = tpu.memref_slice %arg3[%dma_wait3A_300, %dma_wait3A_301] : memref<2560x125xi32, #tpu.memory_space<hbm>> -> memref<16x125xi32, #tpu.memory_space<hbm>>
          %dma_wait3A_303 = arith.constant 0 : i32
          %dma_wait3A_304 = arith.constant 0 : i32
          %dma_wait3A_305 = tpu.memref_slice %arg6[%rem3A_268, %dma_wait3A_303, %dma_wait3A_304] : memref<2x16x125xi32, #tpu.memory_space<vmem>> -> memref<1x16x125xi32, #tpu.memory_space<vmem>>
          %dma_wait3A_306 = tpu.memref_squeeze %dma_wait3A_305 : memref<1x16x125xi32, #tpu.memory_space<vmem>> -> memref<16x125xi32, #tpu.memory_space<vmem>>
          %dma_wait3A_307 = arith.constant 0 : i32
          %dma_wait3A_308 = arith.constant 0 : i32
          %dma_wait3A_309 = tpu.memref_slice %arg3[%dma_wait3A_307, %dma_wait3A_308] : memref<2560x125xi32, #tpu.memory_space<hbm>> -> memref<16x125xi32, #tpu.memory_space<hbm>>
          tpu.wait_dma2 semaphore(%arg13 : memref<!tpu.dma_semaphore, #tpu.memory_space<semaphore_mem>>) src(%dma_wait3A_309 : memref<16x125xi32, #tpu.memory_space<hbm>>) dst(%dma_wait3A_306 : memref<16x125xi32, #tpu.memory_space<vmem>>)
          %dma_wait3A_310 = arith.constant 0 : i32
          %dma_wait3A_311 = arith.constant 0 : i32
          %dma_wait3A_312 = tpu.memref_slice %arg7[%rem3A_268, %dma_wait3A_310, %dma_wait3A_311] : memref<2x16x125xi32, #tpu.memory_space<vmem>> -> memref<1x16x125xi32, #tpu.memory_space<vmem>>
          %dma_wait3A_313 = tpu.memref_squeeze %dma_wait3A_312 : memref<1x16x125xi32, #tpu.memory_space<vmem>> -> memref<16x125xi32, #tpu.memory_space<vmem>>
          %dma_wait3A_314 = arith.constant 0 : i32
          %dma_wait3A_315 = arith.constant 0 : i32
          %dma_wait3A_316 = tpu.memref_slice %arg4[%dma_wait3A_314, %dma_wait3A_315] : memref<2560x125xi32, #tpu.memory_space<hbm>> -> memref<16x125xi32, #tpu.memory_space<hbm>>
          %dma_wait3A_317 = arith.constant 0 : i32
          %dma_wait3A_318 = arith.constant 0 : i32
          %dma_wait3A_319 = tpu.memref_slice %arg7[%rem3A_268, %dma_wait3A_317, %dma_wait3A_318] : memref<2x16x125xi32, #tpu.memory_space<vmem>> -> memref<1x16x125xi32, #tpu.memory_space<vmem>>
          %dma_wait3A_320 = tpu.memref_squeeze %dma_wait3A_319 : memref<1x16x125xi32, #tpu.memory_space<vmem>> -> memref<16x125xi32, #tpu.memory_space<vmem>>
          %dma_wait3A_321 = arith.constant 0 : i32
          %dma_wait3A_322 = arith.constant 0 : i32
          %dma_wait3A_323 = tpu.memref_slice %arg4[%dma_wait3A_321, %dma_wait3A_322] : memref<2560x125xi32, #tpu.memory_space<hbm>> -> memref<16x125xi32, #tpu.memory_space<hbm>>
          tpu.wait_dma2 semaphore(%arg13 : memref<!tpu.dma_semaphore, #tpu.memory_space<semaphore_mem>>) src(%dma_wait3A_323 : memref<16x125xi32, #tpu.memory_space<hbm>>) dst(%dma_wait3A_320 : memref<16x125xi32, #tpu.memory_space<vmem>>)
        } else {
        }
        %eq3A_276 = arith.constant 1 : i32
        %eq3A_277 = arith.cmpi eq, %rem3A_270, %eq3A_276 : i32
        %add3A_278 = arith.constant 1 : i32
        %add3A_279 = arith.addi %select_n3A_266, %add3A_278 : i32
        %lt3A_280 = arith.constant 5 : i32
        %lt3A_281 = arith.cmpi slt, %add3A_279, %lt3A_280 : i32
        %and3A_282 = arith.andi %eq3A_277, %lt3A_281 : i1
        %convert_element_type3A_283 = arith.extui %and3A_282 : i1 to i32
        %cond3A_284 = arith.constant 0 : i32
        %cond3A_285 = arith.cmpi ne, %convert_element_type3A_283, %cond3A_284 : i32
        scf.if %cond3A_285 {
          %mul3A_296 = arith.constant 80 : i32
          %mul3A_297 = arith.muli %add3A, %mul3A_296 : i32
          %add3A_298 = arith.constant 1 : i32
          %add3A_299 = arith.addi %select_n3A_266, %add3A_298 : i32
          %mul3A_300 = arith.constant 16 : i32
          %mul3A_301 = arith.muli %add3A_299, %mul3A_300 : i32
          %add3A_302 = arith.addi %mul3A_297, %mul3A_301 : i32
          %sub3A_303 = arith.constant 1 : i32
          %sub3A_304 = arith.subi %sub3A_303, %rem3A_268 : i32
          %dma_start3A_305 = arith.constant 0 : i32
          %dma_start3A_306 = arith.constant 0 : i32
          %dma_start3A_307 = tpu.memref_slice %arg6[%sub3A_304, %dma_start3A_305, %dma_start3A_306] : memref<2x16x125xi32, #tpu.memory_space<vmem>> -> memref<1x16x125xi32, #tpu.memory_space<vmem>>
          %dma_start3A_308 = tpu.memref_squeeze %dma_start3A_307 : memref<1x16x125xi32, #tpu.memory_space<vmem>> -> memref<16x125xi32, #tpu.memory_space<vmem>>
          %dma_start3A_309 = arith.constant 0 : i32
          %dma_start3A_310 = tpu.memref_slice %arg3[%add3A_302, %dma_start3A_309] : memref<2560x125xi32, #tpu.memory_space<hbm>> -> memref<16x125xi32, #tpu.memory_space<hbm>>
          %dma_start3A_311 = arith.constant 0 : i32
          %dma_start3A_312 = arith.constant 0 : i32
          %dma_start3A_313 = tpu.memref_slice %arg6[%sub3A_304, %dma_start3A_311, %dma_start3A_312] : memref<2x16x125xi32, #tpu.memory_space<vmem>> -> memref<1x16x125xi32, #tpu.memory_space<vmem>>
          %dma_start3A_314 = tpu.memref_squeeze %dma_start3A_313 : memref<1x16x125xi32, #tpu.memory_space<vmem>> -> memref<16x125xi32, #tpu.memory_space<vmem>>
          %dma_start3A_315 = arith.constant 0 : i32
          %dma_start3A_316 = tpu.memref_slice %arg3[%add3A_302, %dma_start3A_315] : memref<2560x125xi32, #tpu.memory_space<hbm>> -> memref<16x125xi32, #tpu.memory_space<hbm>>
          tpu.enqueue_dma source(%dma_start3A_316 : memref<16x125xi32, #tpu.memory_space<hbm>>) target(%dma_start3A_314 : memref<16x125xi32, #tpu.memory_space<vmem>>) target_semaphore(%arg13 : memref<!tpu.dma_semaphore, #tpu.memory_space<semaphore_mem>>)
          %sub3A_317 = arith.constant 1 : i32
          %sub3A_318 = arith.subi %sub3A_317, %rem3A_268 : i32
          %dma_start3A_319 = arith.constant 0 : i32
          %dma_start3A_320 = arith.constant 0 : i32
          %dma_start3A_321 = tpu.memref_slice %arg7[%sub3A_318, %dma_start3A_319, %dma_start3A_320] : memref<2x16x125xi32, #tpu.memory_space<vmem>> -> memref<1x16x125xi32, #tpu.memory_space<vmem>>
          %dma_start3A_322 = tpu.memref_squeeze %dma_start3A_321 : memref<1x16x125xi32, #tpu.memory_space<vmem>> -> memref<16x125xi32, #tpu.memory_space<vmem>>
          %dma_start3A_323 = arith.constant 0 : i32
          %dma_start3A_324 = tpu.memref_slice %arg4[%add3A_302, %dma_start3A_323] : memref<2560x125xi32, #tpu.memory_space<hbm>> -> memref<16x125xi32, #tpu.memory_space<hbm>>
          %dma_start3A_325 = arith.constant 0 : i32
          %dma_start3A_326 = arith.constant 0 : i32
          %dma_start3A_327 = tpu.memref_slice %arg7[%sub3A_318, %dma_start3A_325, %dma_start3A_326] : memref<2x16x125xi32, #tpu.memory_space<vmem>> -> memref<1x16x125xi32, #tpu.memory_space<vmem>>
          %dma_start3A_328 = tpu.memref_squeeze %dma_start3A_327 : memref<1x16x125xi32, #tpu.memory_space<vmem>> -> memref<16x125xi32, #tpu.memory_space<vmem>>
          %dma_start3A_329 = arith.constant 0 : i32
          %dma_start3A_330 = tpu.memref_slice %arg4[%add3A_302, %dma_start3A_329] : memref<2560x125xi32, #tpu.memory_space<hbm>> -> memref<16x125xi32, #tpu.memory_space<hbm>>
          tpu.enqueue_dma source(%dma_start3A_330 : memref<16x125xi32, #tpu.memory_space<hbm>>) target(%dma_start3A_328 : memref<16x125xi32, #tpu.memory_space<vmem>>) target_semaphore(%arg13 : memref<!tpu.dma_semaphore, #tpu.memory_space<semaphore_mem>>)
        } else {
        }
        %dma_start3A_286 = arith.constant 0 : i32
        %dma_start3A_287 = arith.constant 0 : i32
        %dma_start3A_288 = tpu.memref_slice %arg8[%cond3A_240, %dma_start3A_286, %dma_start3A_287] : memref<2x125x128xf32, #tpu.memory_space<vmem>> -> memref<1x125x128xf32, #tpu.memory_space<vmem>>
        %dma_start3A_289 = tpu.memref_squeeze %dma_start3A_288 : memref<1x125x128xf32, #tpu.memory_space<vmem>> -> memref<125x128xf32, #tpu.memory_space<vmem>>
        %dma_start3A_290 = arith.constant 0 : i32
        %dma_start3A_291 = tpu.memref_slice %arg6[%rem3A_268, %rem3A_270, %dma_start3A_290] : memref<2x16x125xi32, #tpu.memory_space<vmem>> -> memref<1x1x125xi32, #tpu.memory_space<vmem>>
        %dma_start3A_292 = tpu.memref_squeeze %dma_start3A_291 : memref<1x1x125xi32, #tpu.memory_space<vmem>> -> memref<125xi32, #tpu.memory_space<vmem>>
        %dma_start3A_293 = arith.constant 0 : i32
        %dma_start3A_294 = arith.constant 0 : i32
        %dma_start3A_295 = tpu.memref_slice %arg2[%dma_start3A_293, %dma_start3A_294] : memref<10000x128xf32, #tpu.memory_space<hbm>> -> memref<10000x128xf32, #tpu.memory_space<hbm>>
        tpu.enqueue_indirect_dma source(%dma_start3A_295 : memref<10000x128xf32, #tpu.memory_space<hbm>>) target(%dma_start3A_289 : memref<125x128xf32, #tpu.memory_space<vmem>>) offsets(%dma_start3A_292 : memref<125xi32, #tpu.memory_space<vmem>>) semaphore(%arg12 : memref<!tpu.dma_semaphore, #tpu.memory_space<semaphore_mem>>)
      } else {
      }
    }
    %scan3A_134 = arith.constant 40 : i32
    %barrier3A_135 = arith.constant 0 : index
    tpu.barrier barrier_id(%barrier3A_135)
    %lt3A_136 = arith.constant 15 : i32
    %lt3A_137 = arith.cmpi slt, %arg1, %lt3A_136 : i32
    %convert_element_type3A_138 = arith.extui %lt3A_137 : i1 to i32
    %cond3A_139 = arith.constant 0 : i32
    %cond3A_140 = arith.cmpi ne, %convert_element_type3A_138, %cond3A_139 : i32
    scf.if %cond3A_140 {
      %mul3A_146 = arith.constant 624 : i32
      %mul3A_147 = arith.muli %arg1, %mul3A_146 : i32
      %mul3A_148 = arith.constant 624 : i32
      %mul3A_149 = arith.muli %arg1, %mul3A_148 : i32
      "tpu.region"() ({
        %run_scoped3A = tpu.sem_alloc : memref<!tpu.dma_semaphore, #tpu.memory_space<semaphore_mem>>
        %dma_start3A_150 = arith.constant 0 : i32
        %dma_start3A_151 = tpu.memref_slice %arg5[%arg0, %mul3A_149, %dma_start3A_150] : memref<2x10000x128xf32, #tpu.memory_space<hbm>> -> memref<1x624x128xf32, #tpu.memory_space<hbm>>
        %dma_start3A_152 = tpu.memref_squeeze %dma_start3A_151 : memref<1x624x128xf32, #tpu.memory_space<hbm>> -> memref<624x128xf32, #tpu.memory_space<hbm>>
        %dma_start3A_153 = arith.constant 0 : i32
        %dma_start3A_154 = tpu.memref_slice %arg10[%mul3A_147, %dma_start3A_153] : memref<10000x128xf32, #tpu.memory_space<vmem_shared>> -> memref<624x128xf32, #tpu.memory_space<vmem_shared>>
        tpu.enqueue_dma source(%dma_start3A_154 : memref<624x128xf32, #tpu.memory_space<vmem_shared>>) target(%dma_start3A_152 : memref<624x128xf32, #tpu.memory_space<hbm>>) target_semaphore(%run_scoped3A : memref<!tpu.dma_semaphore, #tpu.memory_space<semaphore_mem>>)
        %dma_wait3A_155 = arith.constant 0 : i32
        %dma_wait3A_156 = tpu.memref_slice %arg5[%arg0, %mul3A_149, %dma_wait3A_155] : memref<2x10000x128xf32, #tpu.memory_space<hbm>> -> memref<1x624x128xf32, #tpu.memory_space<hbm>>
        %dma_wait3A_157 = tpu.memref_squeeze %dma_wait3A_156 : memref<1x624x128xf32, #tpu.memory_space<hbm>> -> memref<624x128xf32, #tpu.memory_space<hbm>>
        %dma_wait3A_158 = arith.constant 0 : i32
        %dma_wait3A_159 = tpu.memref_slice %arg10[%mul3A_147, %dma_wait3A_158] : memref<10000x128xf32, #tpu.memory_space<vmem_shared>> -> memref<624x128xf32, #tpu.memory_space<vmem_shared>>
        tpu.wait_dma2 semaphore(%run_scoped3A : memref<!tpu.dma_semaphore, #tpu.memory_space<semaphore_mem>>) src(%dma_wait3A_159 : memref<624x128xf32, #tpu.memory_space<vmem_shared>>) dst(%dma_wait3A_157 : memref<624x128xf32, #tpu.memory_space<hbm>>)
        tpu.yield
      }) : () -> ()
    } else {
    }
    %eq3A_141 = arith.constant 15 : i32
    %eq3A_142 = arith.cmpi eq, %arg1, %eq3A_141 : i32
    %convert_element_type3A_143 = arith.extui %eq3A_142 : i1 to i32
    %cond3A_144 = arith.constant 0 : i32
    %cond3A_145 = arith.cmpi ne, %convert_element_type3A_143, %cond3A_144 : i32
    scf.if %cond3A_145 {
      "tpu.region"() ({
        %run_scoped3A = tpu.sem_alloc : memref<!tpu.dma_semaphore, #tpu.memory_space<semaphore_mem>>
        %dma_start3A_146 = arith.constant 9360 : i32
        %dma_start3A_147 = arith.constant 0 : i32
        %dma_start3A_148 = tpu.memref_slice %arg5[%arg0, %dma_start3A_146, %dma_start3A_147] : memref<2x10000x128xf32, #tpu.memory_space<hbm>> -> memref<1x640x128xf32, #tpu.memory_space<hbm>>
        %dma_start3A_149 = tpu.memref_squeeze %dma_start3A_148 : memref<1x640x128xf32, #tpu.memory_space<hbm>> -> memref<640x128xf32, #tpu.memory_space<hbm>>
        %dma_start3A_150 = arith.constant 9360 : i32
        %dma_start3A_151 = arith.constant 0 : i32
        %dma_start3A_152 = tpu.memref_slice %arg10[%dma_start3A_150, %dma_start3A_151] : memref<10000x128xf32, #tpu.memory_space<vmem_shared>> -> memref<640x128xf32, #tpu.memory_space<vmem_shared>>
        tpu.enqueue_dma source(%dma_start3A_152 : memref<640x128xf32, #tpu.memory_space<vmem_shared>>) target(%dma_start3A_149 : memref<640x128xf32, #tpu.memory_space<hbm>>) target_semaphore(%run_scoped3A : memref<!tpu.dma_semaphore, #tpu.memory_space<semaphore_mem>>)
        %dma_wait3A_153 = arith.constant 9360 : i32
        %dma_wait3A_154 = arith.constant 0 : i32
        %dma_wait3A_155 = tpu.memref_slice %arg5[%arg0, %dma_wait3A_153, %dma_wait3A_154] : memref<2x10000x128xf32, #tpu.memory_space<hbm>> -> memref<1x640x128xf32, #tpu.memory_space<hbm>>
        %dma_wait3A_156 = tpu.memref_squeeze %dma_wait3A_155 : memref<1x640x128xf32, #tpu.memory_space<hbm>> -> memref<640x128xf32, #tpu.memory_space<hbm>>
        %dma_wait3A_157 = arith.constant 9360 : i32
        %dma_wait3A_158 = arith.constant 0 : i32
        %dma_wait3A_159 = tpu.memref_slice %arg10[%dma_wait3A_157, %dma_wait3A_158] : memref<10000x128xf32, #tpu.memory_space<vmem_shared>> -> memref<640x128xf32, #tpu.memory_space<vmem_shared>>
        tpu.wait_dma2 semaphore(%run_scoped3A : memref<!tpu.dma_semaphore, #tpu.memory_space<semaphore_mem>>) src(%dma_wait3A_159 : memref<640x128xf32, #tpu.memory_space<vmem_shared>>) dst(%dma_wait3A_156 : memref<640x128xf32, #tpu.memory_space<hbm>>)
        tpu.yield
      }) : () -> ()
    } else {
    }
    return
  }
}

#map = affine_map<(d0, d1) -> (0, 0)>
#map1 = affine_map<(d0, d1) -> (0, 0, 0)>
module attributes {stable_mosaic.version = 14 : i64} {
  func.func @_sc_agg_body(%arg0: i32, %arg1: i32, %arg2: memref<10000x128xf32, #tpu.memory_space<hbm>>, %arg3: memref<2560x125xi32, #tpu.memory_space<hbm>>, %arg4: memref<2560x125xi32, #tpu.memory_space<hbm>>, %arg5: memref<2x10000x128xf32, #tpu.memory_space<hbm>>, %arg6: memref<2x16x125xi32, #tpu.memory_space<vmem>>, %arg7: memref<2x16x125xi32, #tpu.memory_space<vmem>>, %arg8: memref<2x125x128xf32, #tpu.memory_space<vmem>>, %arg9: memref<8x128xf32, #tpu.memory_space<vmem>>, %arg10: memref<10000x128xf32, #tpu.memory_space<vmem_shared>>, %arg11: memref<!tpu.dma_semaphore, #tpu.memory_space<semaphore_mem>>, %arg12: memref<!tpu.dma_semaphore, #tpu.memory_space<semaphore_mem>>, %arg13: memref<!tpu.dma_semaphore, #tpu.memory_space<semaphore_mem>>) attributes {dimension_semantics = [#tpu.dimension_semantics<core_parallel>, #tpu.dimension_semantics<subcore_parallel>], iteration_bounds = array<i64: 2, 16>, scalar_prefetch = 0 : i64, scratch_operands = 8 : i64, tpu.core_type = #tpu.core_type<sc_vector_subcore>, window_params = [{transform_indices = #map}, {transform_indices = #map}, {transform_indices = #map}, {transform_indices = #map1}]} {
    %mul3A = arith.constant 16 : i32
    %mul3A_0 = arith.muli %arg0, %mul3A : i32
    %add3A = arith.addi %mul3A_0, %arg1 : i32
    %eq3A = arith.constant 0 : i32
    %eq3A_1 = arith.cmpi eq, %arg0, %eq3A : i32
    %lt3A = arith.constant 8 : i32
    %lt3A_2 = arith.cmpi slt, %arg1, %lt3A : i32
    %and3A = arith.andi %eq3A_1, %lt3A_2 : i1
    %eq3A_3 = arith.constant 1 : i32
    %eq3A_4 = arith.cmpi eq, %arg0, %eq3A_3 : i32
    %ge3A = arith.constant 8 : i32
    %ge3A_5 = arith.cmpi sge, %arg1, %ge3A : i32
    %and3A_6 = arith.andi %eq3A_4, %ge3A_5 : i1
    %or3A = arith.ori %and3A, %and3A_6 : i1
    %convert_element_type3A = arith.extui %or3A : i1 to i32
    %cond3A = arith.constant 0 : i32
    %cond3A_7 = arith.cmpi ne, %convert_element_type3A, %cond3A : i32
    scf.if %cond3A_7 {
      %lt3A_146 = arith.constant 15 : i32
      %lt3A_147 = arith.cmpi slt, %arg1, %lt3A_146 : i32
      %convert_element_type3A_148 = arith.extui %lt3A_147 : i1 to i32
      %cond3A_149 = arith.constant 0 : i32
      %cond3A_150 = arith.cmpi ne, %convert_element_type3A_148, %cond3A_149 : i32
      scf.if %cond3A_150 {
        %mul3A_156 = arith.constant 624 : i32
        %mul3A_157 = arith.muli %arg1, %mul3A_156 : i32
        %mul3A_158 = arith.constant 624 : i32
        %mul3A_159 = arith.muli %arg1, %mul3A_158 : i32
        "tpu.region"() ({
          %run_scoped3A = tpu.sem_alloc : memref<!tpu.dma_semaphore, #tpu.memory_space<semaphore_mem>>
          %dma_start3A_160 = arith.constant 0 : i32
          %dma_start3A_161 = tpu.memref_slice %arg10[%mul3A_159, %dma_start3A_160] : memref<10000x128xf32, #tpu.memory_space<vmem_shared>> -> memref<624x128xf32, #tpu.memory_space<vmem_shared>>
          %dma_start3A_162 = arith.constant 0 : i32
          %dma_start3A_163 = tpu.memref_slice %arg2[%mul3A_157, %dma_start3A_162] : memref<10000x128xf32, #tpu.memory_space<hbm>> -> memref<624x128xf32, #tpu.memory_space<hbm>>
          tpu.enqueue_dma source(%dma_start3A_163 : memref<624x128xf32, #tpu.memory_space<hbm>>) target(%dma_start3A_161 : memref<624x128xf32, #tpu.memory_space<vmem_shared>>) target_semaphore(%run_scoped3A : memref<!tpu.dma_semaphore, #tpu.memory_space<semaphore_mem>>)
          %dma_wait3A_164 = arith.constant 0 : i32
          %dma_wait3A_165 = tpu.memref_slice %arg10[%mul3A_159, %dma_wait3A_164] : memref<10000x128xf32, #tpu.memory_space<vmem_shared>> -> memref<624x128xf32, #tpu.memory_space<vmem_shared>>
          %dma_wait3A_166 = arith.constant 0 : i32
          %dma_wait3A_167 = tpu.memref_slice %arg2[%mul3A_157, %dma_wait3A_166] : memref<10000x128xf32, #tpu.memory_space<hbm>> -> memref<624x128xf32, #tpu.memory_space<hbm>>
          tpu.wait_dma2 semaphore(%run_scoped3A : memref<!tpu.dma_semaphore, #tpu.memory_space<semaphore_mem>>) src(%dma_wait3A_167 : memref<624x128xf32, #tpu.memory_space<hbm>>) dst(%dma_wait3A_165 : memref<624x128xf32, #tpu.memory_space<vmem_shared>>)
          tpu.yield
        }) : () -> ()
      } else {
      }
      %eq3A_151 = arith.constant 15 : i32
      %eq3A_152 = arith.cmpi eq, %arg1, %eq3A_151 : i32
      %convert_element_type3A_153 = arith.extui %eq3A_152 : i1 to i32
      %cond3A_154 = arith.constant 0 : i32
      %cond3A_155 = arith.cmpi ne, %convert_element_type3A_153, %cond3A_154 : i32
      scf.if %cond3A_155 {
        "tpu.region"() ({
          %run_scoped3A = tpu.sem_alloc : memref<!tpu.dma_semaphore, #tpu.memory_space<semaphore_mem>>
          %dma_start3A_156 = arith.constant 9360 : i32
          %dma_start3A_157 = arith.constant 0 : i32
          %dma_start3A_158 = tpu.memref_slice %arg10[%dma_start3A_156, %dma_start3A_157] : memref<10000x128xf32, #tpu.memory_space<vmem_shared>> -> memref<640x128xf32, #tpu.memory_space<vmem_shared>>
          %dma_start3A_159 = arith.constant 9360 : i32
          %dma_start3A_160 = arith.constant 0 : i32
          %dma_start3A_161 = tpu.memref_slice %arg2[%dma_start3A_159, %dma_start3A_160] : memref<10000x128xf32, #tpu.memory_space<hbm>> -> memref<640x128xf32, #tpu.memory_space<hbm>>
          tpu.enqueue_dma source(%dma_start3A_161 : memref<640x128xf32, #tpu.memory_space<hbm>>) target(%dma_start3A_158 : memref<640x128xf32, #tpu.memory_space<vmem_shared>>) target_semaphore(%run_scoped3A : memref<!tpu.dma_semaphore, #tpu.memory_space<semaphore_mem>>)
          %dma_wait3A_162 = arith.constant 9360 : i32
          %dma_wait3A_163 = arith.constant 0 : i32
          %dma_wait3A_164 = tpu.memref_slice %arg10[%dma_wait3A_162, %dma_wait3A_163] : memref<10000x128xf32, #tpu.memory_space<vmem_shared>> -> memref<640x128xf32, #tpu.memory_space<vmem_shared>>
          %dma_wait3A_165 = arith.constant 9360 : i32
          %dma_wait3A_166 = arith.constant 0 : i32
          %dma_wait3A_167 = tpu.memref_slice %arg2[%dma_wait3A_165, %dma_wait3A_166] : memref<10000x128xf32, #tpu.memory_space<hbm>> -> memref<640x128xf32, #tpu.memory_space<hbm>>
          tpu.wait_dma2 semaphore(%run_scoped3A : memref<!tpu.dma_semaphore, #tpu.memory_space<semaphore_mem>>) src(%dma_wait3A_167 : memref<640x128xf32, #tpu.memory_space<hbm>>) dst(%dma_wait3A_164 : memref<640x128xf32, #tpu.memory_space<vmem_shared>>)
          tpu.yield
        }) : () -> ()
      } else {
      }
    } else {
    }
    %not3A = arith.constant true
    %not3A_8 = arith.xori %or3A, %not3A : i1
    %convert_element_type3A_9 = arith.extui %not3A_8 : i1 to i32
    %cond3A_10 = arith.constant 0 : i32
    %cond3A_11 = arith.cmpi ne, %convert_element_type3A_9, %cond3A_10 : i32
    scf.if %cond3A_11 {
      %scan3A_146 = arith.constant 0 : i32
      %scan3A_147 = arith.constant 0 : i32
      %scan3A_148 = arith.constant 8 : i32
      %scan3A_149 = arith.addi %scan3A_147, %scan3A_148 : i32
      %scan3A_150 = arith.constant 1 : i32
      scf.for %scan3A_162 = %scan3A_147 to %scan3A_149 step %scan3A_150  : i32 {
        %broadcast_in_dim3A = arith.constant 0.000000e+00 : f32
        %broadcast_in_dim3A_163 = vector.broadcast %broadcast_in_dim3A : f32 to vector<16xf32>
        %swap3A = arith.index_cast %scan3A_162 : i32 to index
        %swap3A_164 = arith.constant 0 : index
        %swap3A_165 = tpu.vector_load %arg9[%swap3A, %swap3A_164] {strides = array<i32>} : memref<8x128xf32, #tpu.memory_space<vmem>>, vector<1x16xf32>,
        %swap3A_166 = vector.shape_cast %swap3A_165 : vector<1x16xf32> to vector<16xf32>
        %swap3A_167 = vector.shape_cast %broadcast_in_dim3A_163 : vector<16xf32> to vector<1x16xf32>
        tpu.vector_store %arg9[%swap3A, %swap3A_164], %swap3A_167 {strides = array<i32>} : memref<8x128xf32, #tpu.memory_space<vmem>>, vector<1x16xf32>,
        %broadcast_in_dim3A_168 = arith.constant 0.000000e+00 : f32
        %broadcast_in_dim3A_169 = vector.broadcast %broadcast_in_dim3A_168 : f32 to vector<16xf32>
        %swap3A_170 = arith.index_cast %scan3A_162 : i32 to index
        %swap3A_171 = arith.constant 16 : index
        %swap3A_172 = tpu.vector_load %arg9[%swap3A_170, %swap3A_171] {strides = array<i32>} : memref<8x128xf32, #tpu.memory_space<vmem>>, vector<1x16xf32>,
        %swap3A_173 = vector.shape_cast %swap3A_172 : vector<1x16xf32> to vector<16xf32>
        %swap3A_174 = vector.shape_cast %broadcast_in_dim3A_169 : vector<16xf32> to vector<1x16xf32>
        tpu.vector_store %arg9[%swap3A_170, %swap3A_171], %swap3A_174 {strides = array<i32>} : memref<8x128xf32, #tpu.memory_space<vmem>>, vector<1x16xf32>,
        %broadcast_in_dim3A_175 = arith.constant 0.000000e+00 : f32
        %broadcast_in_dim3A_176 = vector.broadcast %broadcast_in_dim3A_175 : f32 to vector<16xf32>
        %swap3A_177 = arith.index_cast %scan3A_162 : i32 to index
        %swap3A_178 = arith.constant 32 : index
        %swap3A_179 = tpu.vector_load %arg9[%swap3A_177, %swap3A_178] {strides = array<i32>} : memref<8x128xf32, #tpu.memory_space<vmem>>, vector<1x16xf32>,
        %swap3A_180 = vector.shape_cast %swap3A_179 : vector<1x16xf32> to vector<16xf32>
        %swap3A_181 = vector.shape_cast %broadcast_in_dim3A_176 : vector<16xf32> to vector<1x16xf32>
        tpu.vector_store %arg9[%swap3A_177, %swap3A_178], %swap3A_181 {strides = array<i32>} : memref<8x128xf32, #tpu.memory_space<vmem>>, vector<1x16xf32>,
        %broadcast_in_dim3A_182 = arith.constant 0.000000e+00 : f32
        %broadcast_in_dim3A_183 = vector.broadcast %broadcast_in_dim3A_182 : f32 to vector<16xf32>
        %swap3A_184 = arith.index_cast %scan3A_162 : i32 to index
        %swap3A_185 = arith.constant 48 : index
        %swap3A_186 = tpu.vector_load %arg9[%swap3A_184, %swap3A_185] {strides = array<i32>} : memref<8x128xf32, #tpu.memory_space<vmem>>, vector<1x16xf32>,
        %swap3A_187 = vector.shape_cast %swap3A_186 : vector<1x16xf32> to vector<16xf32>
        %swap3A_188 = vector.shape_cast %broadcast_in_dim3A_183 : vector<16xf32> to vector<1x16xf32>
        tpu.vector_store %arg9[%swap3A_184, %swap3A_185], %swap3A_188 {strides = array<i32>} : memref<8x128xf32, #tpu.memory_space<vmem>>, vector<1x16xf32>,
        %broadcast_in_dim3A_189 = arith.constant 0.000000e+00 : f32
        %broadcast_in_dim3A_190 = vector.broadcast %broadcast_in_dim3A_189 : f32 to vector<16xf32>
        %swap3A_191 = arith.index_cast %scan3A_162 : i32 to index
        %swap3A_192 = arith.constant 64 : index
        %swap3A_193 = tpu.vector_load %arg9[%swap3A_191, %swap3A_192] {strides = array<i32>} : memref<8x128xf32, #tpu.memory_space<vmem>>, vector<1x16xf32>,
        %swap3A_194 = vector.shape_cast %swap3A_193 : vector<1x16xf32> to vector<16xf32>
        %swap3A_195 = vector.shape_cast %broadcast_in_dim3A_190 : vector<16xf32> to vector<1x16xf32>
        tpu.vector_store %arg9[%swap3A_191, %swap3A_192], %swap3A_195 {strides = array<i32>} : memref<8x128xf32, #tpu.memory_space<vmem>>, vector<1x16xf32>,
        %broadcast_in_dim3A_196 = arith.constant 0.000000e+00 : f32
        %broadcast_in_dim3A_197 = vector.broadcast %broadcast_in_dim3A_196 : f32 to vector<16xf32>
        %swap3A_198 = arith.index_cast %scan3A_162 : i32 to index
        %swap3A_199 = arith.constant 80 : index
        %swap3A_200 = tpu.vector_load %arg9[%swap3A_198, %swap3A_199] {strides = array<i32>} : memref<8x128xf32, #tpu.memory_space<vmem>>, vector<1x16xf32>,
        %swap3A_201 = vector.shape_cast %swap3A_200 : vector<1x16xf32> to vector<16xf32>
        %swap3A_202 = vector.shape_cast %broadcast_in_dim3A_197 : vector<16xf32> to vector<1x16xf32>
        tpu.vector_store %arg9[%swap3A_198, %swap3A_199], %swap3A_202 {strides = array<i32>} : memref<8x128xf32, #tpu.memory_space<vmem>>, vector<1x16xf32>,
        %broadcast_in_dim3A_203 = arith.constant 0.000000e+00 : f32
        %broadcast_in_dim3A_204 = vector.broadcast %broadcast_in_dim3A_203 : f32 to vector<16xf32>
        %swap3A_205 = arith.index_cast %scan3A_162 : i32 to index
        %swap3A_206 = arith.constant 96 : index
        %swap3A_207 = tpu.vector_load %arg9[%swap3A_205, %swap3A_206] {strides = array<i32>} : memref<8x128xf32, #tpu.memory_space<vmem>>, vector<1x16xf32>,
        %swap3A_208 = vector.shape_cast %swap3A_207 : vector<1x16xf32> to vector<16xf32>
        %swap3A_209 = vector.shape_cast %broadcast_in_dim3A_204 : vector<16xf32> to vector<1x16xf32>
        tpu.vector_store %arg9[%swap3A_205, %swap3A_206], %swap3A_209 {strides = array<i32>} : memref<8x128xf32, #tpu.memory_space<vmem>>, vector<1x16xf32>,
        %broadcast_in_dim3A_210 = arith.constant 0.000000e+00 : f32
        %broadcast_in_dim3A_211 = vector.broadcast %broadcast_in_dim3A_210 : f32 to vector<16xf32>
        %swap3A_212 = arith.index_cast %scan3A_162 : i32 to index
        %swap3A_213 = arith.constant 112 : index
        %swap3A_214 = tpu.vector_load %arg9[%swap3A_212, %swap3A_213] {strides = array<i32>} : memref<8x128xf32, #tpu.memory_space<vmem>>, vector<1x16xf32>,
        %swap3A_215 = vector.shape_cast %swap3A_214 : vector<1x16xf32> to vector<16xf32>
        %swap3A_216 = vector.shape_cast %broadcast_in_dim3A_211 : vector<16xf32> to vector<1x16xf32>
        tpu.vector_store %arg9[%swap3A_212, %swap3A_213], %swap3A_216 {strides = array<i32>} : memref<8x128xf32, #tpu.memory_space<vmem>>, vector<1x16xf32>,
      }
      %scan3A_151 = arith.constant 8 : i32
      %lt3A_152 = arith.constant 15 : i32
      %lt3A_153 = arith.cmpi slt, %arg1, %lt3A_152 : i32
      %convert_element_type3A_154 = arith.extui %lt3A_153 : i1 to i32
      %cond3A_155 = arith.constant 0 : i32
      %cond3A_156 = arith.cmpi ne, %convert_element_type3A_154, %cond3A_155 : i32
      scf.if %cond3A_156 {
        %mul3A_162 = arith.constant 624 : i32
        %mul3A_163 = arith.muli %arg1, %mul3A_162 : i32
        %scan3A_164 = arith.constant 0 : i32
        %scan3A_165 = arith.constant 0 : i32
        %scan3A_166 = arith.constant 78 : i32
        %scan3A_167 = arith.addi %scan3A_165, %scan3A_166 : i32
        %scan3A_168 = arith.constant 1 : i32
        scf.for %scan3A_176 = %scan3A_165 to %scan3A_167 step %scan3A_168  : i32 {
          %mul3A_177 = arith.constant 8 : i32
          %mul3A_178 = arith.muli %mul3A_177, %scan3A_176 : i32
          %add3A_179 = arith.addi %mul3A_163, %mul3A_178 : i32
          %dma_start3A_180 = arith.constant 0 : i32
          %dma_start3A_181 = tpu.memref_slice %arg10[%add3A_179, %dma_start3A_180] : memref<10000x128xf32, #tpu.memory_space<vmem_shared>> -> memref<8x128xf32, #tpu.memory_space<vmem_shared>>
          %dma_start3A_182 = arith.constant 0 : i32
          %dma_start3A_183 = tpu.memref_slice %arg10[%add3A_179, %dma_start3A_182] : memref<10000x128xf32, #tpu.memory_space<vmem_shared>> -> memref<8x128xf32, #tpu.memory_space<vmem_shared>>
          tpu.enqueue_dma source(%arg9 : memref<8x128xf32, #tpu.memory_space<vmem>>) target(%dma_start3A_183 : memref<8x128xf32, #tpu.memory_space<vmem_shared>>) target_semaphore(%arg11 : memref<!tpu.dma_semaphore, #tpu.memory_space<semaphore_mem>>)
        }
        %scan3A_169 = arith.constant 78 : i32
        %scan3A_170 = arith.constant 0 : i32
        %scan3A_171 = arith.constant 0 : i32
        %scan3A_172 = arith.constant 78 : i32
        %scan3A_173 = arith.addi %scan3A_171, %scan3A_172 : i32
        %scan3A_174 = arith.constant 1 : i32
        scf.for %scan3A_176 = %scan3A_171 to %scan3A_173 step %scan3A_174  : i32 {
          %dma_wait3A_177 = arith.constant 0 : i32
          %dma_wait3A_178 = arith.constant 0 : i32
          %dma_wait3A_179 = tpu.memref_slice %arg10[%dma_wait3A_177, %dma_wait3A_178] : memref<10000x128xf32, #tpu.memory_space<vmem_shared>> -> memref<8x128xf32, #tpu.memory_space<vmem_shared>>
          %dma_wait3A_180 = arith.constant 0 : i32
          %dma_wait3A_181 = arith.constant 0 : i32
          %dma_wait3A_182 = tpu.memref_slice %arg10[%dma_wait3A_180, %dma_wait3A_181] : memref<10000x128xf32, #tpu.memory_space<vmem_shared>> -> memref<8x128xf32, #tpu.memory_space<vmem_shared>>
          tpu.wait_dma2 semaphore(%arg11 : memref<!tpu.dma_semaphore, #tpu.memory_space<semaphore_mem>>) src(%arg9 : memref<8x128xf32, #tpu.memory_space<vmem>>) dst(%dma_wait3A_182 : memref<8x128xf32, #tpu.memory_space<vmem_shared>>)
        }
        %scan3A_175 = arith.constant 78 : i32
      } else {
      }
      %eq3A_157 = arith.constant 15 : i32
      %eq3A_158 = arith.cmpi eq, %arg1, %eq3A_157 : i32
      %convert_element_type3A_159 = arith.extui %eq3A_158 : i1 to i32
      %cond3A_160 = arith.constant 0 : i32
      %cond3A_161 = arith.cmpi ne, %convert_element_type3A_159, %cond3A_160 : i32
      scf.if %cond3A_161 {
        %scan3A_162 = arith.constant 0 : i32
        %scan3A_163 = arith.constant 0 : i32
        %scan3A_164 = arith.constant 80 : i32
        %scan3A_165 = arith.addi %scan3A_163, %scan3A_164 : i32
        %scan3A_166 = arith.constant 1 : i32
        scf.for %scan3A_174 = %scan3A_163 to %scan3A_165 step %scan3A_166  : i32 {
          %mul3A_175 = arith.constant 8 : i32
          %mul3A_176 = arith.muli %mul3A_175, %scan3A_174 : i32
          %add3A_177 = arith.constant 9360 : i32
          %add3A_178 = arith.addi %add3A_177, %mul3A_176 : i32
          %dma_start3A_179 = arith.constant 0 : i32
          %dma_start3A_180 = tpu.memref_slice %arg10[%add3A_178, %dma_start3A_179] : memref<10000x128xf32, #tpu.memory_space<vmem_shared>> -> memref<8x128xf32, #tpu.memory_space<vmem_shared>>
          %dma_start3A_181 = arith.constant 0 : i32
          %dma_start3A_182 = tpu.memref_slice %arg10[%add3A_178, %dma_start3A_181] : memref<10000x128xf32, #tpu.memory_space<vmem_shared>> -> memref<8x128xf32, #tpu.memory_space<vmem_shared>>
          tpu.enqueue_dma source(%arg9 : memref<8x128xf32, #tpu.memory_space<vmem>>) target(%dma_start3A_182 : memref<8x128xf32, #tpu.memory_space<vmem_shared>>) target_semaphore(%arg11 : memref<!tpu.dma_semaphore, #tpu.memory_space<semaphore_mem>>)
        }
        %scan3A_167 = arith.constant 80 : i32
        %scan3A_168 = arith.constant 0 : i32
        %scan3A_169 = arith.constant 0 : i32
        %scan3A_170 = arith.constant 80 : i32
        %scan3A_171 = arith.addi %scan3A_169, %scan3A_170 : i32
        %scan3A_172 = arith.constant 1 : i32
        scf.for %scan3A_174 = %scan3A_169 to %scan3A_171 step %scan3A_172  : i32 {
          %dma_wait3A_175 = arith.constant 0 : i32
          %dma_wait3A_176 = arith.constant 0 : i32
          %dma_wait3A_177 = tpu.memref_slice %arg10[%dma_wait3A_175, %dma_wait3A_176] : memref<10000x128xf32, #tpu.memory_space<vmem_shared>> -> memref<8x128xf32, #tpu.memory_space<vmem_shared>>
          %dma_wait3A_178 = arith.constant 0 : i32
          %dma_wait3A_179 = arith.constant 0 : i32
          %dma_wait3A_180 = tpu.memref_slice %arg10[%dma_wait3A_178, %dma_wait3A_179] : memref<10000x128xf32, #tpu.memory_space<vmem_shared>> -> memref<8x128xf32, #tpu.memory_space<vmem_shared>>
          tpu.wait_dma2 semaphore(%arg11 : memref<!tpu.dma_semaphore, #tpu.memory_space<semaphore_mem>>) src(%arg9 : memref<8x128xf32, #tpu.memory_space<vmem>>) dst(%dma_wait3A_180 : memref<8x128xf32, #tpu.memory_space<vmem_shared>>)
        }
        %scan3A_173 = arith.constant 80 : i32
      } else {
      }
    } else {
    }
    %mul3A_12 = arith.constant 80 : i32
    %mul3A_13 = arith.muli %add3A, %mul3A_12 : i32
    %dma_start3A = arith.constant 0 : i32
    %dma_start3A_14 = arith.constant 0 : i32
    %dma_start3A_15 = arith.constant 0 : i32
    %dma_start3A_16 = tpu.memref_slice %arg6[%dma_start3A, %dma_start3A_14, %dma_start3A_15] : memref<2x16x125xi32, #tpu.memory_space<vmem>> -> memref<1x16x125xi32, #tpu.memory_space<vmem>>
    %dma_start3A_17 = tpu.memref_squeeze %dma_start3A_16 : memref<1x16x125xi32, #tpu.memory_space<vmem>> -> memref<16x125xi32, #tpu.memory_space<vmem>>
    %dma_start3A_18 = arith.constant 0 : i32
    %dma_start3A_19 = tpu.memref_slice %arg3[%mul3A_13, %dma_start3A_18] : memref<2560x125xi32, #tpu.memory_space<hbm>> -> memref<16x125xi32, #tpu.memory_space<hbm>>
    %dma_start3A_20 = arith.constant 0 : i32
    %dma_start3A_21 = arith.constant 0 : i32
    %dma_start3A_22 = tpu.memref_slice %arg6[%dma_start3A, %dma_start3A_20, %dma_start3A_21] : memref<2x16x125xi32, #tpu.memory_space<vmem>> -> memref<1x16x125xi32, #tpu.memory_space<vmem>>
    %dma_start3A_23 = tpu.memref_squeeze %dma_start3A_22 : memref<1x16x125xi32, #tpu.memory_space<vmem>> -> memref<16x125xi32, #tpu.memory_space<vmem>>
    %dma_start3A_24 = arith.constant 0 : i32
    %dma_start3A_25 = tpu.memref_slice %arg3[%mul3A_13, %dma_start3A_24] : memref<2560x125xi32, #tpu.memory_space<hbm>> -> memref<16x125xi32, #tpu.memory_space<hbm>>
    tpu.enqueue_dma source(%dma_start3A_25 : memref<16x125xi32, #tpu.memory_space<hbm>>) target(%dma_start3A_23 : memref<16x125xi32, #tpu.memory_space<vmem>>) target_semaphore(%arg13 : memref<!tpu.dma_semaphore, #tpu.memory_space<semaphore_mem>>)
    %mul3A_26 = arith.constant 80 : i32
    %mul3A_27 = arith.muli %add3A, %mul3A_26 : i32
    %dma_start3A_28 = arith.constant 0 : i32
    %dma_start3A_29 = arith.constant 0 : i32
    %dma_start3A_30 = arith.constant 0 : i32
    %dma_start3A_31 = tpu.memref_slice %arg7[%dma_start3A_28, %dma_start3A_29, %dma_start3A_30] : memref<2x16x125xi32, #tpu.memory_space<vmem>> -> memref<1x16x125xi32, #tpu.memory_space<vmem>>
    %dma_start3A_32 = tpu.memref_squeeze %dma_start3A_31 : memref<1x16x125xi32, #tpu.memory_space<vmem>> -> memref<16x125xi32, #tpu.memory_space<vmem>>
    %dma_start3A_33 = arith.constant 0 : i32
    %dma_start3A_34 = tpu.memref_slice %arg4[%mul3A_27, %dma_start3A_33] : memref<2560x125xi32, #tpu.memory_space<hbm>> -> memref<16x125xi32, #tpu.memory_space<hbm>>
    %dma_start3A_35 = arith.constant 0 : i32
    %dma_start3A_36 = arith.constant 0 : i32
    %dma_start3A_37 = tpu.memref_slice %arg7[%dma_start3A_28, %dma_start3A_35, %dma_start3A_36] : memref<2x16x125xi32, #tpu.memory_space<vmem>> -> memref<1x16x125xi32, #tpu.memory_space<vmem>>
    %dma_start3A_38 = tpu.memref_squeeze %dma_start3A_37 : memref<1x16x125xi32, #tpu.memory_space<vmem>> -> memref<16x125xi32, #tpu.memory_space<vmem>>
    %dma_start3A_39 = arith.constant 0 : i32
    %dma_start3A_40 = tpu.memref_slice %arg4[%mul3A_27, %dma_start3A_39] : memref<2560x125xi32, #tpu.memory_space<hbm>> -> memref<16x125xi32, #tpu.memory_space<hbm>>
    tpu.enqueue_dma source(%dma_start3A_40 : memref<16x125xi32, #tpu.memory_space<hbm>>) target(%dma_start3A_38 : memref<16x125xi32, #tpu.memory_space<vmem>>) target_semaphore(%arg13 : memref<!tpu.dma_semaphore, #tpu.memory_space<semaphore_mem>>)
    %mul3A_41 = arith.constant 80 : i32
    %mul3A_42 = arith.muli %add3A, %mul3A_41 : i32
    %add3A_43 = arith.constant 16 : i32
    %add3A_44 = arith.addi %mul3A_42, %add3A_43 : i32
    %dma_start3A_45 = arith.constant 1 : i32
    %dma_start3A_46 = arith.constant 0 : i32
    %dma_start3A_47 = arith.constant 0 : i32
    %dma_start3A_48 = tpu.memref_slice %arg6[%dma_start3A_45, %dma_start3A_46, %dma_start3A_47] : memref<2x16x125xi32, #tpu.memory_space<vmem>> -> memref<1x16x125xi32, #tpu.memory_space<vmem>>
    %dma_start3A_49 = tpu.memref_squeeze %dma_start3A_48 : memref<1x16x125xi32, #tpu.memory_space<vmem>> -> memref<16x125xi32, #tpu.memory_space<vmem>>
    %dma_start3A_50 = arith.constant 0 : i32
    %dma_start3A_51 = tpu.memref_slice %arg3[%add3A_44, %dma_start3A_50] : memref<2560x125xi32, #tpu.memory_space<hbm>> -> memref<16x125xi32, #tpu.memory_space<hbm>>
    %dma_start3A_52 = arith.constant 0 : i32
    %dma_start3A_53 = arith.constant 0 : i32
    %dma_start3A_54 = tpu.memref_slice %arg6[%dma_start3A_45, %dma_start3A_52, %dma_start3A_53] : memref<2x16x125xi32, #tpu.memory_space<vmem>> -> memref<1x16x125xi32, #tpu.memory_space<vmem>>
    %dma_start3A_55 = tpu.memref_squeeze %dma_start3A_54 : memref<1x16x125xi32, #tpu.memory_space<vmem>> -> memref<16x125xi32, #tpu.memory_space<vmem>>
    %dma_start3A_56 = arith.constant 0 : i32
    %dma_start3A_57 = tpu.memref_slice %arg3[%add3A_44, %dma_start3A_56] : memref<2560x125xi32, #tpu.memory_space<hbm>> -> memref<16x125xi32, #tpu.memory_space<hbm>>
    tpu.enqueue_dma source(%dma_start3A_57 : memref<16x125xi32, #tpu.memory_space<hbm>>) target(%dma_start3A_55 : memref<16x125xi32, #tpu.memory_space<vmem>>) target_semaphore(%arg13 : memref<!tpu.dma_semaphore, #tpu.memory_space<semaphore_mem>>)
    %mul3A_58 = arith.constant 80 : i32
    %mul3A_59 = arith.muli %add3A, %mul3A_58 : i32
    %add3A_60 = arith.constant 16 : i32
    %add3A_61 = arith.addi %mul3A_59, %add3A_60 : i32
    %dma_start3A_62 = arith.constant 1 : i32
    %dma_start3A_63 = arith.constant 0 : i32
    %dma_start3A_64 = arith.constant 0 : i32
    %dma_start3A_65 = tpu.memref_slice %arg7[%dma_start3A_62, %dma_start3A_63, %dma_start3A_64] : memref<2x16x125xi32, #tpu.memory_space<vmem>> -> memref<1x16x125xi32, #tpu.memory_space<vmem>>
    %dma_start3A_66 = tpu.memref_squeeze %dma_start3A_65 : memref<1x16x125xi32, #tpu.memory_space<vmem>> -> memref<16x125xi32, #tpu.memory_space<vmem>>
    %dma_start3A_67 = arith.constant 0 : i32
    %dma_start3A_68 = tpu.memref_slice %arg4[%add3A_61, %dma_start3A_67] : memref<2560x125xi32, #tpu.memory_space<hbm>> -> memref<16x125xi32, #tpu.memory_space<hbm>>
    %dma_start3A_69 = arith.constant 0 : i32
    %dma_start3A_70 = arith.constant 0 : i32
    %dma_start3A_71 = tpu.memref_slice %arg7[%dma_start3A_62, %dma_start3A_69, %dma_start3A_70] : memref<2x16x125xi32, #tpu.memory_space<vmem>> -> memref<1x16x125xi32, #tpu.memory_space<vmem>>
    %dma_start3A_72 = tpu.memref_squeeze %dma_start3A_71 : memref<1x16x125xi32, #tpu.memory_space<vmem>> -> memref<16x125xi32, #tpu.memory_space<vmem>>
    %dma_start3A_73 = arith.constant 0 : i32
    %dma_start3A_74 = tpu.memref_slice %arg4[%add3A_61, %dma_start3A_73] : memref<2560x125xi32, #tpu.memory_space<hbm>> -> memref<16x125xi32, #tpu.memory_space<hbm>>
    tpu.enqueue_dma source(%dma_start3A_74 : memref<16x125xi32, #tpu.memory_space<hbm>>) target(%dma_start3A_72 : memref<16x125xi32, #tpu.memory_space<vmem>>) target_semaphore(%arg13 : memref<!tpu.dma_semaphore, #tpu.memory_space<semaphore_mem>>)
    %barrier3A = arith.constant 0 : index
    tpu.barrier barrier_id(%barrier3A)
    %dma_wait3A = arith.constant 0 : i32
    %dma_wait3A_75 = arith.constant 0 : i32
    %dma_wait3A_76 = arith.constant 0 : i32
    %dma_wait3A_77 = tpu.memref_slice %arg6[%dma_wait3A, %dma_wait3A_75, %dma_wait3A_76] : memref<2x16x125xi32, #tpu.memory_space<vmem>> -> memref<1x16x125xi32, #tpu.memory_space<vmem>>
    %dma_wait3A_78 = tpu.memref_squeeze %dma_wait3A_77 : memref<1x16x125xi32, #tpu.memory_space<vmem>> -> memref<16x125xi32, #tpu.memory_space<vmem>>
    %dma_wait3A_79 = arith.constant 0 : i32
    %dma_wait3A_80 = arith.constant 0 : i32
    %dma_wait3A_81 = tpu.memref_slice %arg3[%dma_wait3A_79, %dma_wait3A_80] : memref<2560x125xi32, #tpu.memory_space<hbm>> -> memref<16x125xi32, #tpu.memory_space<hbm>>
    %dma_wait3A_82 = arith.constant 0 : i32
    %dma_wait3A_83 = arith.constant 0 : i32
    %dma_wait3A_84 = tpu.memref_slice %arg6[%dma_wait3A, %dma_wait3A_82, %dma_wait3A_83] : memref<2x16x125xi32, #tpu.memory_space<vmem>> -> memref<1x16x125xi32, #tpu.memory_space<vmem>>
    %dma_wait3A_85 = tpu.memref_squeeze %dma_wait3A_84 : memref<1x16x125xi32, #tpu.memory_space<vmem>> -> memref<16x125xi32, #tpu.memory_space<vmem>>
    %dma_wait3A_86 = arith.constant 0 : i32
    %dma_wait3A_87 = arith.constant 0 : i32
    %dma_wait3A_88 = tpu.memref_slice %arg3[%dma_wait3A_86, %dma_wait3A_87] : memref<2560x125xi32, #tpu.memory_space<hbm>> -> memref<16x125xi32, #tpu.memory_space<hbm>>
    tpu.wait_dma2 semaphore(%arg13 : memref<!tpu.dma_semaphore, #tpu.memory_space<semaphore_mem>>) src(%dma_wait3A_88 : memref<16x125xi32, #tpu.memory_space<hbm>>) dst(%dma_wait3A_85 : memref<16x125xi32, #tpu.memory_space<vmem>>)
    %dma_wait3A_89 = arith.constant 0 : i32
    %dma_wait3A_90 = arith.constant 0 : i32
    %dma_wait3A_91 = arith.constant 0 : i32
    %dma_wait3A_92 = tpu.memref_slice %arg7[%dma_wait3A_89, %dma_wait3A_90, %dma_wait3A_91] : memref<2x16x125xi32, #tpu.memory_space<vmem>> -> memref<1x16x125xi32, #tpu.memory_space<vmem>>
    %dma_wait3A_93 = tpu.memref_squeeze %dma_wait3A_92 : memref<1x16x125xi32, #tpu.memory_space<vmem>> -> memref<16x125xi32, #tpu.memory_space<vmem>>
    %dma_wait3A_94 = arith.constant 0 : i32
    %dma_wait3A_95 = arith.constant 0 : i32
    %dma_wait3A_96 = tpu.memref_slice %arg4[%dma_wait3A_94, %dma_wait3A_95] : memref<2560x125xi32, #tpu.memory_space<hbm>> -> memref<16x125xi32, #tpu.memory_space<hbm>>
    %dma_wait3A_97 = arith.constant 0 : i32
    %dma_wait3A_98 = arith.constant 0 : i32
    %dma_wait3A_99 = tpu.memref_slice %arg7[%dma_wait3A_89, %dma_wait3A_97, %dma_wait3A_98] : memref<2x16x125xi32, #tpu.memory_space<vmem>> -> memref<1x16x125xi32, #tpu.memory_space<vmem>>
    %dma_wait3A_100 = tpu.memref_squeeze %dma_wait3A_99 : memref<1x16x125xi32, #tpu.memory_space<vmem>> -> memref<16x125xi32, #tpu.memory_space<vmem>>
    %dma_wait3A_101 = arith.constant 0 : i32
    %dma_wait3A_102 = arith.constant 0 : i32
    %dma_wait3A_103 = tpu.memref_slice %arg4[%dma_wait3A_101, %dma_wait3A_102] : memref<2560x125xi32, #tpu.memory_space<hbm>> -> memref<16x125xi32, #tpu.memory_space<hbm>>
    tpu.wait_dma2 semaphore(%arg13 : memref<!tpu.dma_semaphore, #tpu.memory_space<semaphore_mem>>) src(%dma_wait3A_103 : memref<16x125xi32, #tpu.memory_space<hbm>>) dst(%dma_wait3A_100 : memref<16x125xi32, #tpu.memory_space<vmem>>)
    %dma_start3A_104 = arith.constant 0 : i32
    %dma_start3A_105 = arith.constant 0 : i32
    %dma_start3A_106 = arith.constant 0 : i32
    %dma_start3A_107 = arith.constant 0 : i32
    %dma_start3A_108 = arith.constant 0 : i32
    %dma_start3A_109 = tpu.memref_slice %arg8[%dma_start3A_106, %dma_start3A_107, %dma_start3A_108] : memref<2x125x128xf32, #tpu.memory_space<vmem>> -> memref<1x125x128xf32, #tpu.memory_space<vmem>>
    %dma_start3A_110 = tpu.memref_squeeze %dma_start3A_109 : memref<1x125x128xf32, #tpu.memory_space<vmem>> -> memref<125x128xf32, #tpu.memory_space<vmem>>
    %dma_start3A_111 = arith.constant 0 : i32
    %dma_start3A_112 = tpu.memref_slice %arg6[%dma_start3A_104, %dma_start3A_105, %dma_start3A_111] : memref<2x16x125xi32, #tpu.memory_space<vmem>> -> memref<1x1x125xi32, #tpu.memory_space<vmem>>
    %dma_start3A_113 = tpu.memref_squeeze %dma_start3A_112 : memref<1x1x125xi32, #tpu.memory_space<vmem>> -> memref<125xi32, #tpu.memory_space<vmem>>
    %dma_start3A_114 = arith.constant 0 : i32
    %dma_start3A_115 = arith.constant 0 : i32
    %dma_start3A_116 = tpu.memref_slice %arg2[%dma_start3A_114, %dma_start3A_115] : memref<10000x128xf32, #tpu.memory_space<hbm>> -> memref<10000x128xf32, #tpu.memory_space<hbm>>
    tpu.enqueue_indirect_dma source(%dma_start3A_116 : memref<10000x128xf32, #tpu.memory_space<hbm>>) target(%dma_start3A_110 : memref<125x128xf32, #tpu.memory_space<vmem>>) offsets(%dma_start3A_113 : memref<125xi32, #tpu.memory_space<vmem>>) semaphore(%arg11 : memref<!tpu.dma_semaphore, #tpu.memory_space<semaphore_mem>>)
    %dma_start3A_117 = arith.constant 0 : i32
    %dma_start3A_118 = arith.constant 1 : i32
    %dma_start3A_119 = arith.constant 1 : i32
    %dma_start3A_120 = arith.constant 0 : i32
    %dma_start3A_121 = arith.constant 0 : i32
    %dma_start3A_122 = tpu.memref_slice %arg8[%dma_start3A_119, %dma_start3A_120, %dma_start3A_121] : memref<2x125x128xf32, #tpu.memory_space<vmem>> -> memref<1x125x128xf32, #tpu.memory_space<vmem>>
    %dma_start3A_123 = tpu.memref_squeeze %dma_start3A_122 : memref<1x125x128xf32, #tpu.memory_space<vmem>> -> memref<125x128xf32, #tpu.memory_space<vmem>>
    %dma_start3A_124 = arith.constant 0 : i32
    %dma_start3A_125 = tpu.memref_slice %arg6[%dma_start3A_117, %dma_start3A_118, %dma_start3A_124] : memref<2x16x125xi32, #tpu.memory_space<vmem>> -> memref<1x1x125xi32, #tpu.memory_space<vmem>>
    %dma_start3A_126 = tpu.memref_squeeze %dma_start3A_125 : memref<1x1x125xi32, #tpu.memory_space<vmem>> -> memref<125xi32, #tpu.memory_space<vmem>>
    %dma_start3A_127 = arith.constant 0 : i32
    %dma_start3A_128 = arith.constant 0 : i32
    %dma_start3A_129 = tpu.memref_slice %arg2[%dma_start3A_127, %dma_start3A_128] : memref<10000x128xf32, #tpu.memory_space<hbm>> -> memref<10000x128xf32, #tpu.memory_space<hbm>>
    tpu.enqueue_indirect_dma source(%dma_start3A_129 : memref<10000x128xf32, #tpu.memory_space<hbm>>) target(%dma_start3A_123 : memref<125x128xf32, #tpu.memory_space<vmem>>) offsets(%dma_start3A_126 : memref<125xi32, #tpu.memory_space<vmem>>) semaphore(%arg12 : memref<!tpu.dma_semaphore, #tpu.memory_space<semaphore_mem>>)
    %scan3A = arith.constant 0 : i32
    %scan3A_130 = arith.constant 0 : i32
    %scan3A_131 = arith.constant 40 : i32
    %scan3A_132 = arith.addi %scan3A_130, %scan3A_131 : i32
    %scan3A_133 = arith.constant 1 : i32
    scf.for %scan3A_146 = %scan3A_130 to %scan3A_132 step %scan3A_133  : i32 {
      %mul3A_147 = arith.constant 2 : i32
      %mul3A_148 = arith.muli %scan3A_146, %mul3A_147 : i32
      %add3A_149 = arith.constant 0 : i32
      %add3A_150 = arith.addi %mul3A_148, %add3A_149 : i32
      %jit3A = arith.constant 16 : i32
      %div3A = arith.divsi %add3A_150, %jit3A : i32
      %sign3A = arith.constant 0 : i32
      %sign3A_151 = arith.cmpi sgt, %add3A_150, %sign3A : i32
      %sign3A_152 = arith.extui %sign3A_151 : i1 to i32
      %sign3A_153 = arith.constant 0 : i32
      %sign3A_154 = arith.cmpi slt, %add3A_150, %sign3A_153 : i32
      %sign3A_155 = arith.extui %sign3A_154 : i1 to i32
      %sign3A_156 = arith.subi %sign3A_152, %sign3A_155 : i32
      %sign3A_157 = arith.constant 0 : i32
      %sign3A_158 = arith.cmpi sgt, %jit3A, %sign3A_157 : i32
      %sign3A_159 = arith.extui %sign3A_158 : i1 to i32
      %sign3A_160 = arith.constant 0 : i32
      %sign3A_161 = arith.cmpi slt, %jit3A, %sign3A_160 : i32
      %sign3A_162 = arith.extui %sign3A_161 : i1 to i32
      %sign3A_163 = arith.subi %sign3A_159, %sign3A_162 : i32
      %ne3A = arith.cmpi ne, %sign3A_156, %sign3A_163 : i32
      %rem3A = arith.remsi %add3A_150, %jit3A : i32
      %ne3A_164 = arith.constant 0 : i32
      %ne3A_165 = arith.cmpi ne, %rem3A, %ne3A_164 : i32
      %and3A_166 = arith.andi %ne3A, %ne3A_165 : i1
      %sub3A = arith.constant 1 : i32
      %sub3A_167 = arith.subi %div3A, %sub3A : i32
      %select_n3A = arith.select %and3A_166, %sub3A_167, %div3A : i32
      %rem3A_168 = arith.constant 2 : i32
      %rem3A_169 = arith.remsi %select_n3A, %rem3A_168 : i32
      %rem3A_170 = arith.constant 16 : i32
      %rem3A_171 = arith.remsi %add3A_150, %rem3A_170 : i32
      %dma_wait3A_172 = arith.constant 0 : i32
      %dma_wait3A_173 = arith.constant 0 : i32
      %dma_wait3A_174 = arith.constant 0 : i32
      %dma_wait3A_175 = tpu.memref_slice %arg8[%dma_wait3A_172, %dma_wait3A_173, %dma_wait3A_174] : memref<2x125x128xf32, #tpu.memory_space<vmem>> -> memref<1x125x128xf32, #tpu.memory_space<vmem>>
      %dma_wait3A_176 = tpu.memref_squeeze %dma_wait3A_175 : memref<1x125x128xf32, #tpu.memory_space<vmem>> -> memref<125x128xf32, #tpu.memory_space<vmem>>
      %dma_wait3A_177 = arith.constant 0 : i32
      %dma_wait3A_178 = tpu.memref_slice %arg6[%rem3A_169, %rem3A_171, %dma_wait3A_177] : memref<2x16x125xi32, #tpu.memory_space<vmem>> -> memref<1x1x125xi32, #tpu.memory_space<vmem>>
      %dma_wait3A_179 = tpu.memref_squeeze %dma_wait3A_178 : memref<1x1x125xi32, #tpu.memory_space<vmem>> -> memref<125xi32, #tpu.memory_space<vmem>>
      %dma_wait3A_180 = arith.constant 0 : i32
      %dma_wait3A_181 = arith.constant 0 : i32
      %dma_wait3A_182 = tpu.memref_slice %arg2[%dma_wait3A_180, %dma_wait3A_181] : memref<10000x128xf32, #tpu.memory_space<hbm>> -> memref<10000x128xf32, #tpu.memory_space<hbm>>
      tpu.wait_indirect_dma semaphore(%arg11 : memref<!tpu.dma_semaphore, #tpu.memory_space<semaphore_mem>>) src(%dma_wait3A_182 : memref<10000x128xf32, #tpu.memory_space<hbm>>) dst(%dma_wait3A_176 : memref<125x128xf32, #tpu.memory_space<vmem>>)
      %run_scoped3A = arith.constant 0 : i32
      "tpu.region"() ({
        %run_scoped3A_243 = tpu.sem_alloc : memref<!tpu.dma_semaphore, #tpu.memory_space<semaphore_mem>>
        %dma_start3A_244 = arith.constant 0 : i32
        %dma_start3A_245 = arith.constant 0 : i32
        %dma_start3A_246 = tpu.memref_slice %arg8[%run_scoped3A, %dma_start3A_244, %dma_start3A_245] : memref<2x125x128xf32, #tpu.memory_space<vmem>> -> memref<1x125x128xf32, #tpu.memory_space<vmem>>
        %dma_start3A_247 = tpu.memref_squeeze %dma_start3A_246 : memref<1x125x128xf32, #tpu.memory_space<vmem>> -> memref<125x128xf32, #tpu.memory_space<vmem>>
        %dma_start3A_248 = arith.constant 0 : i32
        %dma_start3A_249 = tpu.memref_slice %arg7[%rem3A_169, %rem3A_171, %dma_start3A_248] : memref<2x16x125xi32, #tpu.memory_space<vmem>> -> memref<1x1x125xi32, #tpu.memory_space<vmem>>
        %dma_start3A_250 = tpu.memref_squeeze %dma_start3A_249 : memref<1x1x125xi32, #tpu.memory_space<vmem>> -> memref<125xi32, #tpu.memory_space<vmem>>
        %dma_start3A_251 = arith.constant 0 : i32
        %dma_start3A_252 = arith.constant 0 : i32
        %dma_start3A_253 = tpu.memref_slice %arg10[%dma_start3A_251, %dma_start3A_252] : memref<10000x128xf32, #tpu.memory_space<vmem_shared>> -> memref<10000x128xf32, #tpu.memory_space<vmem_shared>>
        tpu.enqueue_indirect_dma source(%dma_start3A_247 : memref<125x128xf32, #tpu.memory_space<vmem>>) target(%dma_start3A_253 : memref<10000x128xf32, #tpu.memory_space<vmem_shared>>) offsets(%dma_start3A_250 : memref<125xi32, #tpu.memory_space<vmem>>) semaphore(%run_scoped3A_243 : memref<!tpu.dma_semaphore, #tpu.memory_space<semaphore_mem>>) {add = true}
        %dma_wait3A_254 = arith.constant 0 : i32
        %dma_wait3A_255 = arith.constant 0 : i32
        %dma_wait3A_256 = tpu.memref_slice %arg8[%run_scoped3A, %dma_wait3A_254, %dma_wait3A_255] : memref<2x125x128xf32, #tpu.memory_space<vmem>> -> memref<1x125x128xf32, #tpu.memory_space<vmem>>
        %dma_wait3A_257 = tpu.memref_squeeze %dma_wait3A_256 : memref<1x125x128xf32, #tpu.memory_space<vmem>> -> memref<125x128xf32, #tpu.memory_space<vmem>>
        %dma_wait3A_258 = arith.constant 0 : i32
        %dma_wait3A_259 = tpu.memref_slice %arg7[%rem3A_169, %rem3A_171, %dma_wait3A_258] : memref<2x16x125xi32, #tpu.memory_space<vmem>> -> memref<1x1x125xi32, #tpu.memory_space<vmem>>
        %dma_wait3A_260 = tpu.memref_squeeze %dma_wait3A_259 : memref<1x1x125xi32, #tpu.memory_space<vmem>> -> memref<125xi32, #tpu.memory_space<vmem>>
        %dma_wait3A_261 = arith.constant 0 : i32
        %dma_wait3A_262 = arith.constant 0 : i32
        %dma_wait3A_263 = tpu.memref_slice %arg10[%dma_wait3A_261, %dma_wait3A_262] : memref<10000x128xf32, #tpu.memory_space<vmem_shared>> -> memref<10000x128xf32, #tpu.memory_space<vmem_shared>>
        tpu.wait_indirect_dma semaphore(%run_scoped3A_243 : memref<!tpu.dma_semaphore, #tpu.memory_space<semaphore_mem>>) src(%dma_wait3A_257 : memref<125x128xf32, #tpu.memory_space<vmem>>) dst(%dma_wait3A_263 : memref<10000x128xf32, #tpu.memory_space<vmem_shared>>)
        tpu.yield
      }) : () -> ()
      %add3A_183 = arith.constant 2 : i32
      %add3A_184 = arith.addi %add3A_150, %add3A_183 : i32
      %lt3A_185 = arith.constant 80 : i32
      %lt3A_186 = arith.cmpi slt, %add3A_184, %lt3A_185 : i32
      %convert_element_type3A_187 = arith.extui %lt3A_186 : i1 to i32
      %cond3A_188 = arith.constant 0 : i32
      %cond3A_189 = arith.constant 0 : i32
      %cond3A_190 = arith.cmpi ne, %convert_element_type3A_187, %cond3A_189 : i32
      scf.if %cond3A_190 {
        %jit3A_243 = arith.constant 16 : i32
        %div3A_244 = arith.divsi %add3A_184, %jit3A_243 : i32
        %sign3A_245 = arith.constant 0 : i32
        %sign3A_246 = arith.cmpi sgt, %add3A_184, %sign3A_245 : i32
        %sign3A_247 = arith.extui %sign3A_246 : i1 to i32
        %sign3A_248 = arith.constant 0 : i32
        %sign3A_249 = arith.cmpi slt, %add3A_184, %sign3A_248 : i32
        %sign3A_250 = arith.extui %sign3A_249 : i1 to i32
        %sign3A_251 = arith.subi %sign3A_247, %sign3A_250 : i32
        %sign3A_252 = arith.constant 0 : i32
        %sign3A_253 = arith.cmpi sgt, %jit3A_243, %sign3A_252 : i32
        %sign3A_254 = arith.extui %sign3A_253 : i1 to i32
        %sign3A_255 = arith.constant 0 : i32
        %sign3A_256 = arith.cmpi slt, %jit3A_243, %sign3A_255 : i32
        %sign3A_257 = arith.extui %sign3A_256 : i1 to i32
        %sign3A_258 = arith.subi %sign3A_254, %sign3A_257 : i32
        %ne3A_259 = arith.cmpi ne, %sign3A_251, %sign3A_258 : i32
        %rem3A_260 = arith.remsi %add3A_184, %jit3A_243 : i32
        %ne3A_261 = arith.constant 0 : i32
        %ne3A_262 = arith.cmpi ne, %rem3A_260, %ne3A_261 : i32
        %and3A_263 = arith.andi %ne3A_259, %ne3A_262 : i1
        %sub3A_264 = arith.constant 1 : i32
        %sub3A_265 = arith.subi %div3A_244, %sub3A_264 : i32
        %select_n3A_266 = arith.select %and3A_263, %sub3A_265, %div3A_244 : i32
        %rem3A_267 = arith.constant 2 : i32
        %rem3A_268 = arith.remsi %select_n3A_266, %rem3A_267 : i32
        %rem3A_269 = arith.constant 16 : i32
        %rem3A_270 = arith.remsi %add3A_184, %rem3A_269 : i32
        %eq3A_271 = arith.constant 0 : i32
        %eq3A_272 = arith.cmpi eq, %rem3A_270, %eq3A_271 : i32
        %convert_element_type3A_273 = arith.extui %eq3A_272 : i1 to i32
        %cond3A_274 = arith.constant 0 : i32
        %cond3A_275 = arith.cmpi ne, %convert_element_type3A_273, %cond3A_274 : i32
        scf.if %cond3A_275 {
          %dma_wait3A_296 = arith.constant 0 : i32
          %dma_wait3A_297 = arith.constant 0 : i32
          %dma_wait3A_298 = tpu.memref_slice %arg6[%rem3A_268, %dma_wait3A_296, %dma_wait3A_297] : memref<2x16x125xi32, #tpu.memory_space<vmem>> -> memref<1x16x125xi32, #tpu.memory_space<vmem>>
          %dma_wait3A_299 = tpu.memref_squeeze %dma_wait3A_298 : memref<1x16x125xi32, #tpu.memory_space<vmem>> -> memref<16x125xi32, #tpu.memory_space<vmem>>
          %dma_wait3A_300 = arith.constant 0 : i32
          %dma_wait3A_301 = arith.constant 0 : i32
          %dma_wait3A_302 = tpu.memref_slice %arg3[%dma_wait3A_300, %dma_wait3A_301] : memref<2560x125xi32, #tpu.memory_space<hbm>> -> memref<16x125xi32, #tpu.memory_space<hbm>>
          %dma_wait3A_303 = arith.constant 0 : i32
          %dma_wait3A_304 = arith.constant 0 : i32
          %dma_wait3A_305 = tpu.memref_slice %arg6[%rem3A_268, %dma_wait3A_303, %dma_wait3A_304] : memref<2x16x125xi32, #tpu.memory_space<vmem>> -> memref<1x16x125xi32, #tpu.memory_space<vmem>>
          %dma_wait3A_306 = tpu.memref_squeeze %dma_wait3A_305 : memref<1x16x125xi32, #tpu.memory_space<vmem>> -> memref<16x125xi32, #tpu.memory_space<vmem>>
          %dma_wait3A_307 = arith.constant 0 : i32
          %dma_wait3A_308 = arith.constant 0 : i32
          %dma_wait3A_309 = tpu.memref_slice %arg3[%dma_wait3A_307, %dma_wait3A_308] : memref<2560x125xi32, #tpu.memory_space<hbm>> -> memref<16x125xi32, #tpu.memory_space<hbm>>
          tpu.wait_dma2 semaphore(%arg13 : memref<!tpu.dma_semaphore, #tpu.memory_space<semaphore_mem>>) src(%dma_wait3A_309 : memref<16x125xi32, #tpu.memory_space<hbm>>) dst(%dma_wait3A_306 : memref<16x125xi32, #tpu.memory_space<vmem>>)
          %dma_wait3A_310 = arith.constant 0 : i32
          %dma_wait3A_311 = arith.constant 0 : i32
          %dma_wait3A_312 = tpu.memref_slice %arg7[%rem3A_268, %dma_wait3A_310, %dma_wait3A_311] : memref<2x16x125xi32, #tpu.memory_space<vmem>> -> memref<1x16x125xi32, #tpu.memory_space<vmem>>
          %dma_wait3A_313 = tpu.memref_squeeze %dma_wait3A_312 : memref<1x16x125xi32, #tpu.memory_space<vmem>> -> memref<16x125xi32, #tpu.memory_space<vmem>>
          %dma_wait3A_314 = arith.constant 0 : i32
          %dma_wait3A_315 = arith.constant 0 : i32
          %dma_wait3A_316 = tpu.memref_slice %arg4[%dma_wait3A_314, %dma_wait3A_315] : memref<2560x125xi32, #tpu.memory_space<hbm>> -> memref<16x125xi32, #tpu.memory_space<hbm>>
          %dma_wait3A_317 = arith.constant 0 : i32
          %dma_wait3A_318 = arith.constant 0 : i32
          %dma_wait3A_319 = tpu.memref_slice %arg7[%rem3A_268, %dma_wait3A_317, %dma_wait3A_318] : memref<2x16x125xi32, #tpu.memory_space<vmem>> -> memref<1x16x125xi32, #tpu.memory_space<vmem>>
          %dma_wait3A_320 = tpu.memref_squeeze %dma_wait3A_319 : memref<1x16x125xi32, #tpu.memory_space<vmem>> -> memref<16x125xi32, #tpu.memory_space<vmem>>
          %dma_wait3A_321 = arith.constant 0 : i32
          %dma_wait3A_322 = arith.constant 0 : i32
          %dma_wait3A_323 = tpu.memref_slice %arg4[%dma_wait3A_321, %dma_wait3A_322] : memref<2560x125xi32, #tpu.memory_space<hbm>> -> memref<16x125xi32, #tpu.memory_space<hbm>>
          tpu.wait_dma2 semaphore(%arg13 : memref<!tpu.dma_semaphore, #tpu.memory_space<semaphore_mem>>) src(%dma_wait3A_323 : memref<16x125xi32, #tpu.memory_space<hbm>>) dst(%dma_wait3A_320 : memref<16x125xi32, #tpu.memory_space<vmem>>)
        } else {
        }
        %eq3A_276 = arith.constant 1 : i32
        %eq3A_277 = arith.cmpi eq, %rem3A_270, %eq3A_276 : i32
        %add3A_278 = arith.constant 1 : i32
        %add3A_279 = arith.addi %select_n3A_266, %add3A_278 : i32
        %lt3A_280 = arith.constant 5 : i32
        %lt3A_281 = arith.cmpi slt, %add3A_279, %lt3A_280 : i32
        %and3A_282 = arith.andi %eq3A_277, %lt3A_281 : i1
        %convert_element_type3A_283 = arith.extui %and3A_282 : i1 to i32
        %cond3A_284 = arith.constant 0 : i32
        %cond3A_285 = arith.cmpi ne, %convert_element_type3A_283, %cond3A_284 : i32
        scf.if %cond3A_285 {
          %mul3A_296 = arith.constant 80 : i32
          %mul3A_297 = arith.muli %add3A, %mul3A_296 : i32
          %add3A_298 = arith.constant 1 : i32
          %add3A_299 = arith.addi %select_n3A_266, %add3A_298 : i32
          %mul3A_300 = arith.constant 16 : i32
          %mul3A_301 = arith.muli %add3A_299, %mul3A_300 : i32
          %add3A_302 = arith.addi %mul3A_297, %mul3A_301 : i32
          %sub3A_303 = arith.constant 1 : i32
          %sub3A_304 = arith.subi %sub3A_303, %rem3A_268 : i32
          %dma_start3A_305 = arith.constant 0 : i32
          %dma_start3A_306 = arith.constant 0 : i32
          %dma_start3A_307 = tpu.memref_slice %arg6[%sub3A_304, %dma_start3A_305, %dma_start3A_306] : memref<2x16x125xi32, #tpu.memory_space<vmem>> -> memref<1x16x125xi32, #tpu.memory_space<vmem>>
          %dma_start3A_308 = tpu.memref_squeeze %dma_start3A_307 : memref<1x16x125xi32, #tpu.memory_space<vmem>> -> memref<16x125xi32, #tpu.memory_space<vmem>>
          %dma_start3A_309 = arith.constant 0 : i32
          %dma_start3A_310 = tpu.memref_slice %arg3[%add3A_302, %dma_start3A_309] : memref<2560x125xi32, #tpu.memory_space<hbm>> -> memref<16x125xi32, #tpu.memory_space<hbm>>
          %dma_start3A_311 = arith.constant 0 : i32
          %dma_start3A_312 = arith.constant 0 : i32
          %dma_start3A_313 = tpu.memref_slice %arg6[%sub3A_304, %dma_start3A_311, %dma_start3A_312] : memref<2x16x125xi32, #tpu.memory_space<vmem>> -> memref<1x16x125xi32, #tpu.memory_space<vmem>>
          %dma_start3A_314 = tpu.memref_squeeze %dma_start3A_313 : memref<1x16x125xi32, #tpu.memory_space<vmem>> -> memref<16x125xi32, #tpu.memory_space<vmem>>
          %dma_start3A_315 = arith.constant 0 : i32
          %dma_start3A_316 = tpu.memref_slice %arg3[%add3A_302, %dma_start3A_315] : memref<2560x125xi32, #tpu.memory_space<hbm>> -> memref<16x125xi32, #tpu.memory_space<hbm>>
          tpu.enqueue_dma source(%dma_start3A_316 : memref<16x125xi32, #tpu.memory_space<hbm>>) target(%dma_start3A_314 : memref<16x125xi32, #tpu.memory_space<vmem>>) target_semaphore(%arg13 : memref<!tpu.dma_semaphore, #tpu.memory_space<semaphore_mem>>)
          %sub3A_317 = arith.constant 1 : i32
          %sub3A_318 = arith.subi %sub3A_317, %rem3A_268 : i32
          %dma_start3A_319 = arith.constant 0 : i32
          %dma_start3A_320 = arith.constant 0 : i32
          %dma_start3A_321 = tpu.memref_slice %arg7[%sub3A_318, %dma_start3A_319, %dma_start3A_320] : memref<2x16x125xi32, #tpu.memory_space<vmem>> -> memref<1x16x125xi32, #tpu.memory_space<vmem>>
          %dma_start3A_322 = tpu.memref_squeeze %dma_start3A_321 : memref<1x16x125xi32, #tpu.memory_space<vmem>> -> memref<16x125xi32, #tpu.memory_space<vmem>>
          %dma_start3A_323 = arith.constant 0 : i32
          %dma_start3A_324 = tpu.memref_slice %arg4[%add3A_302, %dma_start3A_323] : memref<2560x125xi32, #tpu.memory_space<hbm>> -> memref<16x125xi32, #tpu.memory_space<hbm>>
          %dma_start3A_325 = arith.constant 0 : i32
          %dma_start3A_326 = arith.constant 0 : i32
          %dma_start3A_327 = tpu.memref_slice %arg7[%sub3A_318, %dma_start3A_325, %dma_start3A_326] : memref<2x16x125xi32, #tpu.memory_space<vmem>> -> memref<1x16x125xi32, #tpu.memory_space<vmem>>
          %dma_start3A_328 = tpu.memref_squeeze %dma_start3A_327 : memref<1x16x125xi32, #tpu.memory_space<vmem>> -> memref<16x125xi32, #tpu.memory_space<vmem>>
          %dma_start3A_329 = arith.constant 0 : i32
          %dma_start3A_330 = tpu.memref_slice %arg4[%add3A_302, %dma_start3A_329] : memref<2560x125xi32, #tpu.memory_space<hbm>> -> memref<16x125xi32, #tpu.memory_space<hbm>>
          tpu.enqueue_dma source(%dma_start3A_330 : memref<16x125xi32, #tpu.memory_space<hbm>>) target(%dma_start3A_328 : memref<16x125xi32, #tpu.memory_space<vmem>>) target_semaphore(%arg13 : memref<!tpu.dma_semaphore, #tpu.memory_space<semaphore_mem>>)
        } else {
        }
        %dma_start3A_286 = arith.constant 0 : i32
        %dma_start3A_287 = arith.constant 0 : i32
        %dma_start3A_288 = tpu.memref_slice %arg8[%cond3A_188, %dma_start3A_286, %dma_start3A_287] : memref<2x125x128xf32, #tpu.memory_space<vmem>> -> memref<1x125x128xf32, #tpu.memory_space<vmem>>
        %dma_start3A_289 = tpu.memref_squeeze %dma_start3A_288 : memref<1x125x128xf32, #tpu.memory_space<vmem>> -> memref<125x128xf32, #tpu.memory_space<vmem>>
        %dma_start3A_290 = arith.constant 0 : i32
        %dma_start3A_291 = tpu.memref_slice %arg6[%rem3A_268, %rem3A_270, %dma_start3A_290] : memref<2x16x125xi32, #tpu.memory_space<vmem>> -> memref<1x1x125xi32, #tpu.memory_space<vmem>>
        %dma_start3A_292 = tpu.memref_squeeze %dma_start3A_291 : memref<1x1x125xi32, #tpu.memory_space<vmem>> -> memref<125xi32, #tpu.memory_space<vmem>>
        %dma_start3A_293 = arith.constant 0 : i32
        %dma_start3A_294 = arith.constant 0 : i32
        %dma_start3A_295 = tpu.memref_slice %arg2[%dma_start3A_293, %dma_start3A_294] : memref<10000x128xf32, #tpu.memory_space<hbm>> -> memref<10000x128xf32, #tpu.memory_space<hbm>>
        tpu.enqueue_indirect_dma source(%dma_start3A_295 : memref<10000x128xf32, #tpu.memory_space<hbm>>) target(%dma_start3A_289 : memref<125x128xf32, #tpu.memory_space<vmem>>) offsets(%dma_start3A_292 : memref<125xi32, #tpu.memory_space<vmem>>) semaphore(%arg11 : memref<!tpu.dma_semaphore, #tpu.memory_space<semaphore_mem>>)
      } else {
      }
      %mul3A_191 = arith.constant 2 : i32
      %mul3A_192 = arith.muli %scan3A_146, %mul3A_191 : i32
      %add3A_193 = arith.constant 1 : i32
      %add3A_194 = arith.addi %mul3A_192, %add3A_193 : i32
      %jit3A_195 = arith.constant 16 : i32
      %div3A_196 = arith.divsi %add3A_194, %jit3A_195 : i32
      %sign3A_197 = arith.constant 0 : i32
      %sign3A_198 = arith.cmpi sgt, %add3A_194, %sign3A_197 : i32
      %sign3A_199 = arith.extui %sign3A_198 : i1 to i32
      %sign3A_200 = arith.constant 0 : i32
      %sign3A_201 = arith.cmpi slt, %add3A_194, %sign3A_200 : i32
      %sign3A_202 = arith.extui %sign3A_201 : i1 to i32
      %sign3A_203 = arith.subi %sign3A_199, %sign3A_202 : i32
      %sign3A_204 = arith.constant 0 : i32
      %sign3A_205 = arith.cmpi sgt, %jit3A_195, %sign3A_204 : i32
      %sign3A_206 = arith.extui %sign3A_205 : i1 to i32
      %sign3A_207 = arith.constant 0 : i32
      %sign3A_208 = arith.cmpi slt, %jit3A_195, %sign3A_207 : i32
      %sign3A_209 = arith.extui %sign3A_208 : i1 to i32
      %sign3A_210 = arith.subi %sign3A_206, %sign3A_209 : i32
      %ne3A_211 = arith.cmpi ne, %sign3A_203, %sign3A_210 : i32
      %rem3A_212 = arith.remsi %add3A_194, %jit3A_195 : i32
      %ne3A_213 = arith.constant 0 : i32
      %ne3A_214 = arith.cmpi ne, %rem3A_212, %ne3A_213 : i32
      %and3A_215 = arith.andi %ne3A_211, %ne3A_214 : i1
      %sub3A_216 = arith.constant 1 : i32
      %sub3A_217 = arith.subi %div3A_196, %sub3A_216 : i32
      %select_n3A_218 = arith.select %and3A_215, %sub3A_217, %div3A_196 : i32
      %rem3A_219 = arith.constant 2 : i32
      %rem3A_220 = arith.remsi %select_n3A_218, %rem3A_219 : i32
      %rem3A_221 = arith.constant 16 : i32
      %rem3A_222 = arith.remsi %add3A_194, %rem3A_221 : i32
      %dma_wait3A_223 = arith.constant 1 : i32
      %dma_wait3A_224 = arith.constant 0 : i32
      %dma_wait3A_225 = arith.constant 0 : i32
      %dma_wait3A_226 = tpu.memref_slice %arg8[%dma_wait3A_223, %dma_wait3A_224, %dma_wait3A_225] : memref<2x125x128xf32, #tpu.memory_space<vmem>> -> memref<1x125x128xf32, #tpu.memory_space<vmem>>
      %dma_wait3A_227 = tpu.memref_squeeze %dma_wait3A_226 : memref<1x125x128xf32, #tpu.memory_space<vmem>> -> memref<125x128xf32, #tpu.memory_space<vmem>>
      %dma_wait3A_228 = arith.constant 0 : i32
      %dma_wait3A_229 = tpu.memref_slice %arg6[%rem3A_220, %rem3A_222, %dma_wait3A_228] : memref<2x16x125xi32, #tpu.memory_space<vmem>> -> memref<1x1x125xi32, #tpu.memory_space<vmem>>
      %dma_wait3A_230 = tpu.memref_squeeze %dma_wait3A_229 : memref<1x1x125xi32, #tpu.memory_space<vmem>> -> memref<125xi32, #tpu.memory_space<vmem>>
      %dma_wait3A_231 = arith.constant 0 : i32
      %dma_wait3A_232 = arith.constant 0 : i32
      %dma_wait3A_233 = tpu.memref_slice %arg2[%dma_wait3A_231, %dma_wait3A_232] : memref<10000x128xf32, #tpu.memory_space<hbm>> -> memref<10000x128xf32, #tpu.memory_space<hbm>>
      tpu.wait_indirect_dma semaphore(%arg12 : memref<!tpu.dma_semaphore, #tpu.memory_space<semaphore_mem>>) src(%dma_wait3A_233 : memref<10000x128xf32, #tpu.memory_space<hbm>>) dst(%dma_wait3A_227 : memref<125x128xf32, #tpu.memory_space<vmem>>)
      %run_scoped3A_234 = arith.constant 1 : i32
      "tpu.region"() ({
        %run_scoped3A_243 = tpu.sem_alloc : memref<!tpu.dma_semaphore, #tpu.memory_space<semaphore_mem>>
        %dma_start3A_244 = arith.constant 0 : i32
        %dma_start3A_245 = arith.constant 0 : i32
        %dma_start3A_246 = tpu.memref_slice %arg8[%run_scoped3A_234, %dma_start3A_244, %dma_start3A_245] : memref<2x125x128xf32, #tpu.memory_space<vmem>> -> memref<1x125x128xf32, #tpu.memory_space<vmem>>
        %dma_start3A_247 = tpu.memref_squeeze %dma_start3A_246 : memref<1x125x128xf32, #tpu.memory_space<vmem>> -> memref<125x128xf32, #tpu.memory_space<vmem>>
        %dma_start3A_248 = arith.constant 0 : i32
        %dma_start3A_249 = tpu.memref_slice %arg7[%rem3A_220, %rem3A_222, %dma_start3A_248] : memref<2x16x125xi32, #tpu.memory_space<vmem>> -> memref<1x1x125xi32, #tpu.memory_space<vmem>>
        %dma_start3A_250 = tpu.memref_squeeze %dma_start3A_249 : memref<1x1x125xi32, #tpu.memory_space<vmem>> -> memref<125xi32, #tpu.memory_space<vmem>>
        %dma_start3A_251 = arith.constant 0 : i32
        %dma_start3A_252 = arith.constant 0 : i32
        %dma_start3A_253 = tpu.memref_slice %arg10[%dma_start3A_251, %dma_start3A_252] : memref<10000x128xf32, #tpu.memory_space<vmem_shared>> -> memref<10000x128xf32, #tpu.memory_space<vmem_shared>>
        tpu.enqueue_indirect_dma source(%dma_start3A_247 : memref<125x128xf32, #tpu.memory_space<vmem>>) target(%dma_start3A_253 : memref<10000x128xf32, #tpu.memory_space<vmem_shared>>) offsets(%dma_start3A_250 : memref<125xi32, #tpu.memory_space<vmem>>) semaphore(%run_scoped3A_243 : memref<!tpu.dma_semaphore, #tpu.memory_space<semaphore_mem>>) {add = true}
        %dma_wait3A_254 = arith.constant 0 : i32
        %dma_wait3A_255 = arith.constant 0 : i32
        %dma_wait3A_256 = tpu.memref_slice %arg8[%run_scoped3A_234, %dma_wait3A_254, %dma_wait3A_255] : memref<2x125x128xf32, #tpu.memory_space<vmem>> -> memref<1x125x128xf32, #tpu.memory_space<vmem>>
        %dma_wait3A_257 = tpu.memref_squeeze %dma_wait3A_256 : memref<1x125x128xf32, #tpu.memory_space<vmem>> -> memref<125x128xf32, #tpu.memory_space<vmem>>
        %dma_wait3A_258 = arith.constant 0 : i32
        %dma_wait3A_259 = tpu.memref_slice %arg7[%rem3A_220, %rem3A_222, %dma_wait3A_258] : memref<2x16x125xi32, #tpu.memory_space<vmem>> -> memref<1x1x125xi32, #tpu.memory_space<vmem>>
        %dma_wait3A_260 = tpu.memref_squeeze %dma_wait3A_259 : memref<1x1x125xi32, #tpu.memory_space<vmem>> -> memref<125xi32, #tpu.memory_space<vmem>>
        %dma_wait3A_261 = arith.constant 0 : i32
        %dma_wait3A_262 = arith.constant 0 : i32
        %dma_wait3A_263 = tpu.memref_slice %arg10[%dma_wait3A_261, %dma_wait3A_262] : memref<10000x128xf32, #tpu.memory_space<vmem_shared>> -> memref<10000x128xf32, #tpu.memory_space<vmem_shared>>
        tpu.wait_indirect_dma semaphore(%run_scoped3A_243 : memref<!tpu.dma_semaphore, #tpu.memory_space<semaphore_mem>>) src(%dma_wait3A_257 : memref<125x128xf32, #tpu.memory_space<vmem>>) dst(%dma_wait3A_263 : memref<10000x128xf32, #tpu.memory_space<vmem_shared>>)
        tpu.yield
      }) : () -> ()
      %add3A_235 = arith.constant 2 : i32
      %add3A_236 = arith.addi %add3A_194, %add3A_235 : i32
      %lt3A_237 = arith.constant 80 : i32
      %lt3A_238 = arith.cmpi slt, %add3A_236, %lt3A_237 : i32
      %convert_element_type3A_239 = arith.extui %lt3A_238 : i1 to i32
      %cond3A_240 = arith.constant 1 : i32
      %cond3A_241 = arith.constant 0 : i32
      %cond3A_242 = arith.cmpi ne, %convert_element_type3A_239, %cond3A_241 : i32
      scf.if %cond3A_242 {
        %jit3A_243 = arith.constant 16 : i32
        %div3A_244 = arith.divsi %add3A_236, %jit3A_243 : i32
        %sign3A_245 = arith.constant 0 : i32
        %sign3A_246 = arith.cmpi sgt, %add3A_236, %sign3A_245 : i32
        %sign3A_247 = arith.extui %sign3A_246 : i1 to i32
        %sign3A_248 = arith.constant 0 : i32
        %sign3A_249 = arith.cmpi slt, %add3A_236, %sign3A_248 : i32
        %sign3A_250 = arith.extui %sign3A_249 : i1 to i32
        %sign3A_251 = arith.subi %sign3A_247, %sign3A_250 : i32
        %sign3A_252 = arith.constant 0 : i32
        %sign3A_253 = arith.cmpi sgt, %jit3A_243, %sign3A_252 : i32
        %sign3A_254 = arith.extui %sign3A_253 : i1 to i32
        %sign3A_255 = arith.constant 0 : i32
        %sign3A_256 = arith.cmpi slt, %jit3A_243, %sign3A_255 : i32
        %sign3A_257 = arith.extui %sign3A_256 : i1 to i32
        %sign3A_258 = arith.subi %sign3A_254, %sign3A_257 : i32
        %ne3A_259 = arith.cmpi ne, %sign3A_251, %sign3A_258 : i32
        %rem3A_260 = arith.remsi %add3A_236, %jit3A_243 : i32
        %ne3A_261 = arith.constant 0 : i32
        %ne3A_262 = arith.cmpi ne, %rem3A_260, %ne3A_261 : i32
        %and3A_263 = arith.andi %ne3A_259, %ne3A_262 : i1
        %sub3A_264 = arith.constant 1 : i32
        %sub3A_265 = arith.subi %div3A_244, %sub3A_264 : i32
        %select_n3A_266 = arith.select %and3A_263, %sub3A_265, %div3A_244 : i32
        %rem3A_267 = arith.constant 2 : i32
        %rem3A_268 = arith.remsi %select_n3A_266, %rem3A_267 : i32
        %rem3A_269 = arith.constant 16 : i32
        %rem3A_270 = arith.remsi %add3A_236, %rem3A_269 : i32
        %eq3A_271 = arith.constant 0 : i32
        %eq3A_272 = arith.cmpi eq, %rem3A_270, %eq3A_271 : i32
        %convert_element_type3A_273 = arith.extui %eq3A_272 : i1 to i32
        %cond3A_274 = arith.constant 0 : i32
        %cond3A_275 = arith.cmpi ne, %convert_element_type3A_273, %cond3A_274 : i32
        scf.if %cond3A_275 {
          %dma_wait3A_296 = arith.constant 0 : i32
          %dma_wait3A_297 = arith.constant 0 : i32
          %dma_wait3A_298 = tpu.memref_slice %arg6[%rem3A_268, %dma_wait3A_296, %dma_wait3A_297] : memref<2x16x125xi32, #tpu.memory_space<vmem>> -> memref<1x16x125xi32, #tpu.memory_space<vmem>>
          %dma_wait3A_299 = tpu.memref_squeeze %dma_wait3A_298 : memref<1x16x125xi32, #tpu.memory_space<vmem>> -> memref<16x125xi32, #tpu.memory_space<vmem>>
          %dma_wait3A_300 = arith.constant 0 : i32
          %dma_wait3A_301 = arith.constant 0 : i32
          %dma_wait3A_302 = tpu.memref_slice %arg3[%dma_wait3A_300, %dma_wait3A_301] : memref<2560x125xi32, #tpu.memory_space<hbm>> -> memref<16x125xi32, #tpu.memory_space<hbm>>
          %dma_wait3A_303 = arith.constant 0 : i32
          %dma_wait3A_304 = arith.constant 0 : i32
          %dma_wait3A_305 = tpu.memref_slice %arg6[%rem3A_268, %dma_wait3A_303, %dma_wait3A_304] : memref<2x16x125xi32, #tpu.memory_space<vmem>> -> memref<1x16x125xi32, #tpu.memory_space<vmem>>
          %dma_wait3A_306 = tpu.memref_squeeze %dma_wait3A_305 : memref<1x16x125xi32, #tpu.memory_space<vmem>> -> memref<16x125xi32, #tpu.memory_space<vmem>>
          %dma_wait3A_307 = arith.constant 0 : i32
          %dma_wait3A_308 = arith.constant 0 : i32
          %dma_wait3A_309 = tpu.memref_slice %arg3[%dma_wait3A_307, %dma_wait3A_308] : memref<2560x125xi32, #tpu.memory_space<hbm>> -> memref<16x125xi32, #tpu.memory_space<hbm>>
          tpu.wait_dma2 semaphore(%arg13 : memref<!tpu.dma_semaphore, #tpu.memory_space<semaphore_mem>>) src(%dma_wait3A_309 : memref<16x125xi32, #tpu.memory_space<hbm>>) dst(%dma_wait3A_306 : memref<16x125xi32, #tpu.memory_space<vmem>>)
          %dma_wait3A_310 = arith.constant 0 : i32
          %dma_wait3A_311 = arith.constant 0 : i32
          %dma_wait3A_312 = tpu.memref_slice %arg7[%rem3A_268, %dma_wait3A_310, %dma_wait3A_311] : memref<2x16x125xi32, #tpu.memory_space<vmem>> -> memref<1x16x125xi32, #tpu.memory_space<vmem>>
          %dma_wait3A_313 = tpu.memref_squeeze %dma_wait3A_312 : memref<1x16x125xi32, #tpu.memory_space<vmem>> -> memref<16x125xi32, #tpu.memory_space<vmem>>
          %dma_wait3A_314 = arith.constant 0 : i32
          %dma_wait3A_315 = arith.constant 0 : i32
          %dma_wait3A_316 = tpu.memref_slice %arg4[%dma_wait3A_314, %dma_wait3A_315] : memref<2560x125xi32, #tpu.memory_space<hbm>> -> memref<16x125xi32, #tpu.memory_space<hbm>>
          %dma_wait3A_317 = arith.constant 0 : i32
          %dma_wait3A_318 = arith.constant 0 : i32
          %dma_wait3A_319 = tpu.memref_slice %arg7[%rem3A_268, %dma_wait3A_317, %dma_wait3A_318] : memref<2x16x125xi32, #tpu.memory_space<vmem>> -> memref<1x16x125xi32, #tpu.memory_space<vmem>>
          %dma_wait3A_320 = tpu.memref_squeeze %dma_wait3A_319 : memref<1x16x125xi32, #tpu.memory_space<vmem>> -> memref<16x125xi32, #tpu.memory_space<vmem>>
          %dma_wait3A_321 = arith.constant 0 : i32
          %dma_wait3A_322 = arith.constant 0 : i32
          %dma_wait3A_323 = tpu.memref_slice %arg4[%dma_wait3A_321, %dma_wait3A_322] : memref<2560x125xi32, #tpu.memory_space<hbm>> -> memref<16x125xi32, #tpu.memory_space<hbm>>
          tpu.wait_dma2 semaphore(%arg13 : memref<!tpu.dma_semaphore, #tpu.memory_space<semaphore_mem>>) src(%dma_wait3A_323 : memref<16x125xi32, #tpu.memory_space<hbm>>) dst(%dma_wait3A_320 : memref<16x125xi32, #tpu.memory_space<vmem>>)
        } else {
        }
        %eq3A_276 = arith.constant 1 : i32
        %eq3A_277 = arith.cmpi eq, %rem3A_270, %eq3A_276 : i32
        %add3A_278 = arith.constant 1 : i32
        %add3A_279 = arith.addi %select_n3A_266, %add3A_278 : i32
        %lt3A_280 = arith.constant 5 : i32
        %lt3A_281 = arith.cmpi slt, %add3A_279, %lt3A_280 : i32
        %and3A_282 = arith.andi %eq3A_277, %lt3A_281 : i1
        %convert_element_type3A_283 = arith.extui %and3A_282 : i1 to i32
        %cond3A_284 = arith.constant 0 : i32
        %cond3A_285 = arith.cmpi ne, %convert_element_type3A_283, %cond3A_284 : i32
        scf.if %cond3A_285 {
          %mul3A_296 = arith.constant 80 : i32
          %mul3A_297 = arith.muli %add3A, %mul3A_296 : i32
          %add3A_298 = arith.constant 1 : i32
          %add3A_299 = arith.addi %select_n3A_266, %add3A_298 : i32
          %mul3A_300 = arith.constant 16 : i32
          %mul3A_301 = arith.muli %add3A_299, %mul3A_300 : i32
          %add3A_302 = arith.addi %mul3A_297, %mul3A_301 : i32
          %sub3A_303 = arith.constant 1 : i32
          %sub3A_304 = arith.subi %sub3A_303, %rem3A_268 : i32
          %dma_start3A_305 = arith.constant 0 : i32
          %dma_start3A_306 = arith.constant 0 : i32
          %dma_start3A_307 = tpu.memref_slice %arg6[%sub3A_304, %dma_start3A_305, %dma_start3A_306] : memref<2x16x125xi32, #tpu.memory_space<vmem>> -> memref<1x16x125xi32, #tpu.memory_space<vmem>>
          %dma_start3A_308 = tpu.memref_squeeze %dma_start3A_307 : memref<1x16x125xi32, #tpu.memory_space<vmem>> -> memref<16x125xi32, #tpu.memory_space<vmem>>
          %dma_start3A_309 = arith.constant 0 : i32
          %dma_start3A_310 = tpu.memref_slice %arg3[%add3A_302, %dma_start3A_309] : memref<2560x125xi32, #tpu.memory_space<hbm>> -> memref<16x125xi32, #tpu.memory_space<hbm>>
          %dma_start3A_311 = arith.constant 0 : i32
          %dma_start3A_312 = arith.constant 0 : i32
          %dma_start3A_313 = tpu.memref_slice %arg6[%sub3A_304, %dma_start3A_311, %dma_start3A_312] : memref<2x16x125xi32, #tpu.memory_space<vmem>> -> memref<1x16x125xi32, #tpu.memory_space<vmem>>
          %dma_start3A_314 = tpu.memref_squeeze %dma_start3A_313 : memref<1x16x125xi32, #tpu.memory_space<vmem>> -> memref<16x125xi32, #tpu.memory_space<vmem>>
          %dma_start3A_315 = arith.constant 0 : i32
          %dma_start3A_316 = tpu.memref_slice %arg3[%add3A_302, %dma_start3A_315] : memref<2560x125xi32, #tpu.memory_space<hbm>> -> memref<16x125xi32, #tpu.memory_space<hbm>>
          tpu.enqueue_dma source(%dma_start3A_316 : memref<16x125xi32, #tpu.memory_space<hbm>>) target(%dma_start3A_314 : memref<16x125xi32, #tpu.memory_space<vmem>>) target_semaphore(%arg13 : memref<!tpu.dma_semaphore, #tpu.memory_space<semaphore_mem>>)
          %sub3A_317 = arith.constant 1 : i32
          %sub3A_318 = arith.subi %sub3A_317, %rem3A_268 : i32
          %dma_start3A_319 = arith.constant 0 : i32
          %dma_start3A_320 = arith.constant 0 : i32
          %dma_start3A_321 = tpu.memref_slice %arg7[%sub3A_318, %dma_start3A_319, %dma_start3A_320] : memref<2x16x125xi32, #tpu.memory_space<vmem>> -> memref<1x16x125xi32, #tpu.memory_space<vmem>>
          %dma_start3A_322 = tpu.memref_squeeze %dma_start3A_321 : memref<1x16x125xi32, #tpu.memory_space<vmem>> -> memref<16x125xi32, #tpu.memory_space<vmem>>
          %dma_start3A_323 = arith.constant 0 : i32
          %dma_start3A_324 = tpu.memref_slice %arg4[%add3A_302, %dma_start3A_323] : memref<2560x125xi32, #tpu.memory_space<hbm>> -> memref<16x125xi32, #tpu.memory_space<hbm>>
          %dma_start3A_325 = arith.constant 0 : i32
          %dma_start3A_326 = arith.constant 0 : i32
          %dma_start3A_327 = tpu.memref_slice %arg7[%sub3A_318, %dma_start3A_325, %dma_start3A_326] : memref<2x16x125xi32, #tpu.memory_space<vmem>> -> memref<1x16x125xi32, #tpu.memory_space<vmem>>
          %dma_start3A_328 = tpu.memref_squeeze %dma_start3A_327 : memref<1x16x125xi32, #tpu.memory_space<vmem>> -> memref<16x125xi32, #tpu.memory_space<vmem>>
          %dma_start3A_329 = arith.constant 0 : i32
          %dma_start3A_330 = tpu.memref_slice %arg4[%add3A_302, %dma_start3A_329] : memref<2560x125xi32, #tpu.memory_space<hbm>> -> memref<16x125xi32, #tpu.memory_space<hbm>>
          tpu.enqueue_dma source(%dma_start3A_330 : memref<16x125xi32, #tpu.memory_space<hbm>>) target(%dma_start3A_328 : memref<16x125xi32, #tpu.memory_space<vmem>>) target_semaphore(%arg13 : memref<!tpu.dma_semaphore, #tpu.memory_space<semaphore_mem>>)
        } else {
        }
        %dma_start3A_286 = arith.constant 0 : i32
        %dma_start3A_287 = arith.constant 0 : i32
        %dma_start3A_288 = tpu.memref_slice %arg8[%cond3A_240, %dma_start3A_286, %dma_start3A_287] : memref<2x125x128xf32, #tpu.memory_space<vmem>> -> memref<1x125x128xf32, #tpu.memory_space<vmem>>
        %dma_start3A_289 = tpu.memref_squeeze %dma_start3A_288 : memref<1x125x128xf32, #tpu.memory_space<vmem>> -> memref<125x128xf32, #tpu.memory_space<vmem>>
        %dma_start3A_290 = arith.constant 0 : i32
        %dma_start3A_291 = tpu.memref_slice %arg6[%rem3A_268, %rem3A_270, %dma_start3A_290] : memref<2x16x125xi32, #tpu.memory_space<vmem>> -> memref<1x1x125xi32, #tpu.memory_space<vmem>>
        %dma_start3A_292 = tpu.memref_squeeze %dma_start3A_291 : memref<1x1x125xi32, #tpu.memory_space<vmem>> -> memref<125xi32, #tpu.memory_space<vmem>>
        %dma_start3A_293 = arith.constant 0 : i32
        %dma_start3A_294 = arith.constant 0 : i32
        %dma_start3A_295 = tpu.memref_slice %arg2[%dma_start3A_293, %dma_start3A_294] : memref<10000x128xf32, #tpu.memory_space<hbm>> -> memref<10000x128xf32, #tpu.memory_space<hbm>>
        tpu.enqueue_indirect_dma source(%dma_start3A_295 : memref<10000x128xf32, #tpu.memory_space<hbm>>) target(%dma_start3A_289 : memref<125x128xf32, #tpu.memory_space<vmem>>) offsets(%dma_start3A_292 : memref<125xi32, #tpu.memory_space<vmem>>) semaphore(%arg12 : memref<!tpu.dma_semaphore, #tpu.memory_space<semaphore_mem>>)
      } else {
      }
    }
    %scan3A_134 = arith.constant 40 : i32
    %barrier3A_135 = arith.constant 0 : index
    tpu.barrier barrier_id(%barrier3A_135)
    %lt3A_136 = arith.constant 15 : i32
    %lt3A_137 = arith.cmpi slt, %arg1, %lt3A_136 : i32
    %convert_element_type3A_138 = arith.extui %lt3A_137 : i1 to i32
    %cond3A_139 = arith.constant 0 : i32
    %cond3A_140 = arith.cmpi ne, %convert_element_type3A_138, %cond3A_139 : i32
    scf.if %cond3A_140 {
      %mul3A_146 = arith.constant 624 : i32
      %mul3A_147 = arith.muli %arg1, %mul3A_146 : i32
      %mul3A_148 = arith.constant 624 : i32
      %mul3A_149 = arith.muli %arg1, %mul3A_148 : i32
      "tpu.region"() ({
        %run_scoped3A = tpu.sem_alloc : memref<!tpu.dma_semaphore, #tpu.memory_space<semaphore_mem>>
        %dma_start3A_150 = arith.constant 0 : i32
        %dma_start3A_151 = tpu.memref_slice %arg5[%arg0, %mul3A_149, %dma_start3A_150] : memref<2x10000x128xf32, #tpu.memory_space<hbm>> -> memref<1x624x128xf32, #tpu.memory_space<hbm>>
        %dma_start3A_152 = tpu.memref_squeeze %dma_start3A_151 : memref<1x624x128xf32, #tpu.memory_space<hbm>> -> memref<624x128xf32, #tpu.memory_space<hbm>>
        %dma_start3A_153 = arith.constant 0 : i32
        %dma_start3A_154 = tpu.memref_slice %arg10[%mul3A_147, %dma_start3A_153] : memref<10000x128xf32, #tpu.memory_space<vmem_shared>> -> memref<624x128xf32, #tpu.memory_space<vmem_shared>>
        tpu.enqueue_dma source(%dma_start3A_154 : memref<624x128xf32, #tpu.memory_space<vmem_shared>>) target(%dma_start3A_152 : memref<624x128xf32, #tpu.memory_space<hbm>>) target_semaphore(%run_scoped3A : memref<!tpu.dma_semaphore, #tpu.memory_space<semaphore_mem>>)
        %dma_wait3A_155 = arith.constant 0 : i32
        %dma_wait3A_156 = tpu.memref_slice %arg5[%arg0, %mul3A_149, %dma_wait3A_155] : memref<2x10000x128xf32, #tpu.memory_space<hbm>> -> memref<1x624x128xf32, #tpu.memory_space<hbm>>
        %dma_wait3A_157 = tpu.memref_squeeze %dma_wait3A_156 : memref<1x624x128xf32, #tpu.memory_space<hbm>> -> memref<624x128xf32, #tpu.memory_space<hbm>>
        %dma_wait3A_158 = arith.constant 0 : i32
        %dma_wait3A_159 = tpu.memref_slice %arg10[%mul3A_147, %dma_wait3A_158] : memref<10000x128xf32, #tpu.memory_space<vmem_shared>> -> memref<624x128xf32, #tpu.memory_space<vmem_shared>>
        tpu.wait_dma2 semaphore(%run_scoped3A : memref<!tpu.dma_semaphore, #tpu.memory_space<semaphore_mem>>) src(%dma_wait3A_159 : memref<624x128xf32, #tpu.memory_space<vmem_shared>>) dst(%dma_wait3A_157 : memref<624x128xf32, #tpu.memory_space<hbm>>)
        tpu.yield
      }) : () -> ()
    } else {
    }
    %eq3A_141 = arith.constant 15 : i32
    %eq3A_142 = arith.cmpi eq, %arg1, %eq3A_141 : i32
    %convert_element_type3A_143 = arith.extui %eq3A_142 : i1 to i32
    %cond3A_144 = arith.constant 0 : i32
    %cond3A_145 = arith.cmpi ne, %convert_element_type3A_143, %cond3A_144 : i32
    scf.if %cond3A_145 {
      "tpu.region"() ({
        %run_scoped3A = tpu.sem_alloc : memref<!tpu.dma_semaphore, #tpu.memory_space<semaphore_mem>>
        %dma_start3A_146 = arith.constant 9360 : i32
        %dma_start3A_147 = arith.constant 0 : i32
        %dma_start3A_148 = tpu.memref_slice %arg5[%arg0, %dma_start3A_146, %dma_start3A_147] : memref<2x10000x128xf32, #tpu.memory_space<hbm>> -> memref<1x640x128xf32, #tpu.memory_space<hbm>>
        %dma_start3A_149 = tpu.memref_squeeze %dma_start3A_148 : memref<1x640x128xf32, #tpu.memory_space<hbm>> -> memref<640x128xf32, #tpu.memory_space<hbm>>
        %dma_start3A_150 = arith.constant 9360 : i32
        %dma_start3A_151 = arith.constant 0 : i32
        %dma_start3A_152 = tpu.memref_slice %arg10[%dma_start3A_150, %dma_start3A_151] : memref<10000x128xf32, #tpu.memory_space<vmem_shared>> -> memref<640x128xf32, #tpu.memory_space<vmem_shared>>
        tpu.enqueue_dma source(%dma_start3A_152 : memref<640x128xf32, #tpu.memory_space<vmem_shared>>) target(%dma_start3A_149 : memref<640x128xf32, #tpu.memory_space<hbm>>) target_semaphore(%run_scoped3A : memref<!tpu.dma_semaphore, #tpu.memory_space<semaphore_mem>>)
        %dma_wait3A_153 = arith.constant 9360 : i32
        %dma_wait3A_154 = arith.constant 0 : i32
        %dma_wait3A_155 = tpu.memref_slice %arg5[%arg0, %dma_wait3A_153, %dma_wait3A_154] : memref<2x10000x128xf32, #tpu.memory_space<hbm>> -> memref<1x640x128xf32, #tpu.memory_space<hbm>>
        %dma_wait3A_156 = tpu.memref_squeeze %dma_wait3A_155 : memref<1x640x128xf32, #tpu.memory_space<hbm>> -> memref<640x128xf32, #tpu.memory_space<hbm>>
        %dma_wait3A_157 = arith.constant 9360 : i32
        %dma_wait3A_158 = arith.constant 0 : i32
        %dma_wait3A_159 = tpu.memref_slice %arg10[%dma_wait3A_157, %dma_wait3A_158] : memref<10000x128xf32, #tpu.memory_space<vmem_shared>> -> memref<640x128xf32, #tpu.memory_space<vmem_shared>>
        tpu.wait_dma2 semaphore(%run_scoped3A : memref<!tpu.dma_semaphore, #tpu.memory_space<semaphore_mem>>) src(%dma_wait3A_159 : memref<640x128xf32, #tpu.memory_space<vmem_shared>>) dst(%dma_wait3A_156 : memref<640x128xf32, #tpu.memory_space<hbm>>)
        tpu.yield
      }) : () -> ()
    } else {
    }
    return
  }
}

#map = affine_map<(d0, d1) -> (0, 0)>
#map1 = affine_map<(d0, d1) -> (0, 0, 0)>
module attributes {stable_mosaic.version = 14 : i64} {
  func.func @_sc_agg_body(%arg0: i32, %arg1: i32, %arg2: memref<10000x128xf32, #tpu.memory_space<hbm>>, %arg3: memref<2560x125xi32, #tpu.memory_space<hbm>>, %arg4: memref<2560x125xi32, #tpu.memory_space<hbm>>, %arg5: memref<2x10000x128xf32, #tpu.memory_space<hbm>>, %arg6: memref<2x16x125xi32, #tpu.memory_space<vmem>>, %arg7: memref<2x16x125xi32, #tpu.memory_space<vmem>>, %arg8: memref<2x125x128xf32, #tpu.memory_space<vmem>>, %arg9: memref<8x128xf32, #tpu.memory_space<vmem>>, %arg10: memref<10000x128xf32, #tpu.memory_space<vmem_shared>>, %arg11: memref<!tpu.dma_semaphore, #tpu.memory_space<semaphore_mem>>, %arg12: memref<!tpu.dma_semaphore, #tpu.memory_space<semaphore_mem>>, %arg13: memref<!tpu.dma_semaphore, #tpu.memory_space<semaphore_mem>>) attributes {dimension_semantics = [#tpu.dimension_semantics<core_parallel>, #tpu.dimension_semantics<subcore_parallel>], iteration_bounds = array<i64: 2, 16>, scalar_prefetch = 0 : i64, scratch_operands = 8 : i64, tpu.core_type = #tpu.core_type<sc_vector_subcore>, window_params = [{transform_indices = #map}, {transform_indices = #map}, {transform_indices = #map}, {transform_indices = #map1}]} {
    %mul3A = arith.constant 16 : i32
    %mul3A_0 = arith.muli %arg0, %mul3A : i32
    %add3A = arith.addi %mul3A_0, %arg1 : i32
    %eq3A = arith.constant 0 : i32
    %eq3A_1 = arith.cmpi eq, %arg0, %eq3A : i32
    %lt3A = arith.constant 8 : i32
    %lt3A_2 = arith.cmpi slt, %arg1, %lt3A : i32
    %and3A = arith.andi %eq3A_1, %lt3A_2 : i1
    %eq3A_3 = arith.constant 1 : i32
    %eq3A_4 = arith.cmpi eq, %arg0, %eq3A_3 : i32
    %ge3A = arith.constant 8 : i32
    %ge3A_5 = arith.cmpi sge, %arg1, %ge3A : i32
    %and3A_6 = arith.andi %eq3A_4, %ge3A_5 : i1
    %or3A = arith.ori %and3A, %and3A_6 : i1
    %convert_element_type3A = arith.extui %or3A : i1 to i32
    %cond3A = arith.constant 0 : i32
    %cond3A_7 = arith.cmpi ne, %convert_element_type3A, %cond3A : i32
    scf.if %cond3A_7 {
      %lt3A_146 = arith.constant 15 : i32
      %lt3A_147 = arith.cmpi slt, %arg1, %lt3A_146 : i32
      %convert_element_type3A_148 = arith.extui %lt3A_147 : i1 to i32
      %cond3A_149 = arith.constant 0 : i32
      %cond3A_150 = arith.cmpi ne, %convert_element_type3A_148, %cond3A_149 : i32
      scf.if %cond3A_150 {
        %mul3A_156 = arith.constant 624 : i32
        %mul3A_157 = arith.muli %arg1, %mul3A_156 : i32
        %mul3A_158 = arith.constant 624 : i32
        %mul3A_159 = arith.muli %arg1, %mul3A_158 : i32
        "tpu.region"() ({
          %run_scoped3A = tpu.sem_alloc : memref<!tpu.dma_semaphore, #tpu.memory_space<semaphore_mem>>
          %dma_start3A_160 = arith.constant 0 : i32
          %dma_start3A_161 = tpu.memref_slice %arg10[%mul3A_159, %dma_start3A_160] : memref<10000x128xf32, #tpu.memory_space<vmem_shared>> -> memref<624x128xf32, #tpu.memory_space<vmem_shared>>
          %dma_start3A_162 = arith.constant 0 : i32
          %dma_start3A_163 = tpu.memref_slice %arg2[%mul3A_157, %dma_start3A_162] : memref<10000x128xf32, #tpu.memory_space<hbm>> -> memref<624x128xf32, #tpu.memory_space<hbm>>
          tpu.enqueue_dma source(%dma_start3A_163 : memref<624x128xf32, #tpu.memory_space<hbm>>) target(%dma_start3A_161 : memref<624x128xf32, #tpu.memory_space<vmem_shared>>) target_semaphore(%run_scoped3A : memref<!tpu.dma_semaphore, #tpu.memory_space<semaphore_mem>>)
          %dma_wait3A_164 = arith.constant 0 : i32
          %dma_wait3A_165 = tpu.memref_slice %arg10[%mul3A_159, %dma_wait3A_164] : memref<10000x128xf32, #tpu.memory_space<vmem_shared>> -> memref<624x128xf32, #tpu.memory_space<vmem_shared>>
          %dma_wait3A_166 = arith.constant 0 : i32
          %dma_wait3A_167 = tpu.memref_slice %arg2[%mul3A_157, %dma_wait3A_166] : memref<10000x128xf32, #tpu.memory_space<hbm>> -> memref<624x128xf32, #tpu.memory_space<hbm>>
          tpu.wait_dma2 semaphore(%run_scoped3A : memref<!tpu.dma_semaphore, #tpu.memory_space<semaphore_mem>>) src(%dma_wait3A_167 : memref<624x128xf32, #tpu.memory_space<hbm>>) dst(%dma_wait3A_165 : memref<624x128xf32, #tpu.memory_space<vmem_shared>>)
          tpu.yield
        }) : () -> ()
      } else {
      }
      %eq3A_151 = arith.constant 15 : i32
      %eq3A_152 = arith.cmpi eq, %arg1, %eq3A_151 : i32
      %convert_element_type3A_153 = arith.extui %eq3A_152 : i1 to i32
      %cond3A_154 = arith.constant 0 : i32
      %cond3A_155 = arith.cmpi ne, %convert_element_type3A_153, %cond3A_154 : i32
      scf.if %cond3A_155 {
        "tpu.region"() ({
          %run_scoped3A = tpu.sem_alloc : memref<!tpu.dma_semaphore, #tpu.memory_space<semaphore_mem>>
          %dma_start3A_156 = arith.constant 9360 : i32
          %dma_start3A_157 = arith.constant 0 : i32
          %dma_start3A_158 = tpu.memref_slice %arg10[%dma_start3A_156, %dma_start3A_157] : memref<10000x128xf32, #tpu.memory_space<vmem_shared>> -> memref<640x128xf32, #tpu.memory_space<vmem_shared>>
          %dma_start3A_159 = arith.constant 9360 : i32
          %dma_start3A_160 = arith.constant 0 : i32
          %dma_start3A_161 = tpu.memref_slice %arg2[%dma_start3A_159, %dma_start3A_160] : memref<10000x128xf32, #tpu.memory_space<hbm>> -> memref<640x128xf32, #tpu.memory_space<hbm>>
          tpu.enqueue_dma source(%dma_start3A_161 : memref<640x128xf32, #tpu.memory_space<hbm>>) target(%dma_start3A_158 : memref<640x128xf32, #tpu.memory_space<vmem_shared>>) target_semaphore(%run_scoped3A : memref<!tpu.dma_semaphore, #tpu.memory_space<semaphore_mem>>)
          %dma_wait3A_162 = arith.constant 9360 : i32
          %dma_wait3A_163 = arith.constant 0 : i32
          %dma_wait3A_164 = tpu.memref_slice %arg10[%dma_wait3A_162, %dma_wait3A_163] : memref<10000x128xf32, #tpu.memory_space<vmem_shared>> -> memref<640x128xf32, #tpu.memory_space<vmem_shared>>
          %dma_wait3A_165 = arith.constant 9360 : i32
          %dma_wait3A_166 = arith.constant 0 : i32
          %dma_wait3A_167 = tpu.memref_slice %arg2[%dma_wait3A_165, %dma_wait3A_166] : memref<10000x128xf32, #tpu.memory_space<hbm>> -> memref<640x128xf32, #tpu.memory_space<hbm>>
          tpu.wait_dma2 semaphore(%run_scoped3A : memref<!tpu.dma_semaphore, #tpu.memory_space<semaphore_mem>>) src(%dma_wait3A_167 : memref<640x128xf32, #tpu.memory_space<hbm>>) dst(%dma_wait3A_164 : memref<640x128xf32, #tpu.memory_space<vmem_shared>>)
          tpu.yield
        }) : () -> ()
      } else {
      }
    } else {
    }
    %not3A = arith.constant true
    %not3A_8 = arith.xori %or3A, %not3A : i1
    %convert_element_type3A_9 = arith.extui %not3A_8 : i1 to i32
    %cond3A_10 = arith.constant 0 : i32
    %cond3A_11 = arith.cmpi ne, %convert_element_type3A_9, %cond3A_10 : i32
    scf.if %cond3A_11 {
      %scan3A_146 = arith.constant 0 : i32
      %scan3A_147 = arith.constant 0 : i32
      %scan3A_148 = arith.constant 8 : i32
      %scan3A_149 = arith.addi %scan3A_147, %scan3A_148 : i32
      %scan3A_150 = arith.constant 1 : i32
      scf.for %scan3A_162 = %scan3A_147 to %scan3A_149 step %scan3A_150  : i32 {
        %broadcast_in_dim3A = arith.constant 0.000000e+00 : f32
        %broadcast_in_dim3A_163 = vector.broadcast %broadcast_in_dim3A : f32 to vector<16xf32>
        %swap3A = arith.index_cast %scan3A_162 : i32 to index
        %swap3A_164 = arith.constant 0 : index
        %swap3A_165 = tpu.vector_load %arg9[%swap3A, %swap3A_164] {strides = array<i32>} : memref<8x128xf32, #tpu.memory_space<vmem>>, vector<1x16xf32>,
        %swap3A_166 = vector.shape_cast %swap3A_165 : vector<1x16xf32> to vector<16xf32>
        %swap3A_167 = vector.shape_cast %broadcast_in_dim3A_163 : vector<16xf32> to vector<1x16xf32>
        tpu.vector_store %arg9[%swap3A, %swap3A_164], %swap3A_167 {strides = array<i32>} : memref<8x128xf32, #tpu.memory_space<vmem>>, vector<1x16xf32>,
        %broadcast_in_dim3A_168 = arith.constant 0.000000e+00 : f32
        %broadcast_in_dim3A_169 = vector.broadcast %broadcast_in_dim3A_168 : f32 to vector<16xf32>
        %swap3A_170 = arith.index_cast %scan3A_162 : i32 to index
        %swap3A_171 = arith.constant 16 : index
        %swap3A_172 = tpu.vector_load %arg9[%swap3A_170, %swap3A_171] {strides = array<i32>} : memref<8x128xf32, #tpu.memory_space<vmem>>, vector<1x16xf32>,
        %swap3A_173 = vector.shape_cast %swap3A_172 : vector<1x16xf32> to vector<16xf32>
        %swap3A_174 = vector.shape_cast %broadcast_in_dim3A_169 : vector<16xf32> to vector<1x16xf32>
        tpu.vector_store %arg9[%swap3A_170, %swap3A_171], %swap3A_174 {strides = array<i32>} : memref<8x128xf32, #tpu.memory_space<vmem>>, vector<1x16xf32>,
        %broadcast_in_dim3A_175 = arith.constant 0.000000e+00 : f32
        %broadcast_in_dim3A_176 = vector.broadcast %broadcast_in_dim3A_175 : f32 to vector<16xf32>
        %swap3A_177 = arith.index_cast %scan3A_162 : i32 to index
        %swap3A_178 = arith.constant 32 : index
        %swap3A_179 = tpu.vector_load %arg9[%swap3A_177, %swap3A_178] {strides = array<i32>} : memref<8x128xf32, #tpu.memory_space<vmem>>, vector<1x16xf32>,
        %swap3A_180 = vector.shape_cast %swap3A_179 : vector<1x16xf32> to vector<16xf32>
        %swap3A_181 = vector.shape_cast %broadcast_in_dim3A_176 : vector<16xf32> to vector<1x16xf32>
        tpu.vector_store %arg9[%swap3A_177, %swap3A_178], %swap3A_181 {strides = array<i32>} : memref<8x128xf32, #tpu.memory_space<vmem>>, vector<1x16xf32>,
        %broadcast_in_dim3A_182 = arith.constant 0.000000e+00 : f32
        %broadcast_in_dim3A_183 = vector.broadcast %broadcast_in_dim3A_182 : f32 to vector<16xf32>
        %swap3A_184 = arith.index_cast %scan3A_162 : i32 to index
        %swap3A_185 = arith.constant 48 : index
        %swap3A_186 = tpu.vector_load %arg9[%swap3A_184, %swap3A_185] {strides = array<i32>} : memref<8x128xf32, #tpu.memory_space<vmem>>, vector<1x16xf32>,
        %swap3A_187 = vector.shape_cast %swap3A_186 : vector<1x16xf32> to vector<16xf32>
        %swap3A_188 = vector.shape_cast %broadcast_in_dim3A_183 : vector<16xf32> to vector<1x16xf32>
        tpu.vector_store %arg9[%swap3A_184, %swap3A_185], %swap3A_188 {strides = array<i32>} : memref<8x128xf32, #tpu.memory_space<vmem>>, vector<1x16xf32>,
        %broadcast_in_dim3A_189 = arith.constant 0.000000e+00 : f32
        %broadcast_in_dim3A_190 = vector.broadcast %broadcast_in_dim3A_189 : f32 to vector<16xf32>
        %swap3A_191 = arith.index_cast %scan3A_162 : i32 to index
        %swap3A_192 = arith.constant 64 : index
        %swap3A_193 = tpu.vector_load %arg9[%swap3A_191, %swap3A_192] {strides = array<i32>} : memref<8x128xf32, #tpu.memory_space<vmem>>, vector<1x16xf32>,
        %swap3A_194 = vector.shape_cast %swap3A_193 : vector<1x16xf32> to vector<16xf32>
        %swap3A_195 = vector.shape_cast %broadcast_in_dim3A_190 : vector<16xf32> to vector<1x16xf32>
        tpu.vector_store %arg9[%swap3A_191, %swap3A_192], %swap3A_195 {strides = array<i32>} : memref<8x128xf32, #tpu.memory_space<vmem>>, vector<1x16xf32>,
        %broadcast_in_dim3A_196 = arith.constant 0.000000e+00 : f32
        %broadcast_in_dim3A_197 = vector.broadcast %broadcast_in_dim3A_196 : f32 to vector<16xf32>
        %swap3A_198 = arith.index_cast %scan3A_162 : i32 to index
        %swap3A_199 = arith.constant 80 : index
        %swap3A_200 = tpu.vector_load %arg9[%swap3A_198, %swap3A_199] {strides = array<i32>} : memref<8x128xf32, #tpu.memory_space<vmem>>, vector<1x16xf32>,
        %swap3A_201 = vector.shape_cast %swap3A_200 : vector<1x16xf32> to vector<16xf32>
        %swap3A_202 = vector.shape_cast %broadcast_in_dim3A_197 : vector<16xf32> to vector<1x16xf32>
        tpu.vector_store %arg9[%swap3A_198, %swap3A_199], %swap3A_202 {strides = array<i32>} : memref<8x128xf32, #tpu.memory_space<vmem>>, vector<1x16xf32>,
        %broadcast_in_dim3A_203 = arith.constant 0.000000e+00 : f32
        %broadcast_in_dim3A_204 = vector.broadcast %broadcast_in_dim3A_203 : f32 to vector<16xf32>
        %swap3A_205 = arith.index_cast %scan3A_162 : i32 to index
        %swap3A_206 = arith.constant 96 : index
        %swap3A_207 = tpu.vector_load %arg9[%swap3A_205, %swap3A_206] {strides = array<i32>} : memref<8x128xf32, #tpu.memory_space<vmem>>, vector<1x16xf32>,
        %swap3A_208 = vector.shape_cast %swap3A_207 : vector<1x16xf32> to vector<16xf32>
        %swap3A_209 = vector.shape_cast %broadcast_in_dim3A_204 : vector<16xf32> to vector<1x16xf32>
        tpu.vector_store %arg9[%swap3A_205, %swap3A_206], %swap3A_209 {strides = array<i32>} : memref<8x128xf32, #tpu.memory_space<vmem>>, vector<1x16xf32>,
        %broadcast_in_dim3A_210 = arith.constant 0.000000e+00 : f32
        %broadcast_in_dim3A_211 = vector.broadcast %broadcast_in_dim3A_210 : f32 to vector<16xf32>
        %swap3A_212 = arith.index_cast %scan3A_162 : i32 to index
        %swap3A_213 = arith.constant 112 : index
        %swap3A_214 = tpu.vector_load %arg9[%swap3A_212, %swap3A_213] {strides = array<i32>} : memref<8x128xf32, #tpu.memory_space<vmem>>, vector<1x16xf32>,
        %swap3A_215 = vector.shape_cast %swap3A_214 : vector<1x16xf32> to vector<16xf32>
        %swap3A_216 = vector.shape_cast %broadcast_in_dim3A_211 : vector<16xf32> to vector<1x16xf32>
        tpu.vector_store %arg9[%swap3A_212, %swap3A_213], %swap3A_216 {strides = array<i32>} : memref<8x128xf32, #tpu.memory_space<vmem>>, vector<1x16xf32>,
      }
      %scan3A_151 = arith.constant 8 : i32
      %lt3A_152 = arith.constant 15 : i32
      %lt3A_153 = arith.cmpi slt, %arg1, %lt3A_152 : i32
      %convert_element_type3A_154 = arith.extui %lt3A_153 : i1 to i32
      %cond3A_155 = arith.constant 0 : i32
      %cond3A_156 = arith.cmpi ne, %convert_element_type3A_154, %cond3A_155 : i32
      scf.if %cond3A_156 {
        %mul3A_162 = arith.constant 624 : i32
        %mul3A_163 = arith.muli %arg1, %mul3A_162 : i32
        %scan3A_164 = arith.constant 0 : i32
        %scan3A_165 = arith.constant 0 : i32
        %scan3A_166 = arith.constant 78 : i32
        %scan3A_167 = arith.addi %scan3A_165, %scan3A_166 : i32
        %scan3A_168 = arith.constant 1 : i32
        scf.for %scan3A_176 = %scan3A_165 to %scan3A_167 step %scan3A_168  : i32 {
          %mul3A_177 = arith.constant 8 : i32
          %mul3A_178 = arith.muli %mul3A_177, %scan3A_176 : i32
          %add3A_179 = arith.addi %mul3A_163, %mul3A_178 : i32
          %dma_start3A_180 = arith.constant 0 : i32
          %dma_start3A_181 = tpu.memref_slice %arg10[%add3A_179, %dma_start3A_180] : memref<10000x128xf32, #tpu.memory_space<vmem_shared>> -> memref<8x128xf32, #tpu.memory_space<vmem_shared>>
          %dma_start3A_182 = arith.constant 0 : i32
          %dma_start3A_183 = tpu.memref_slice %arg10[%add3A_179, %dma_start3A_182] : memref<10000x128xf32, #tpu.memory_space<vmem_shared>> -> memref<8x128xf32, #tpu.memory_space<vmem_shared>>
          tpu.enqueue_dma source(%arg9 : memref<8x128xf32, #tpu.memory_space<vmem>>) target(%dma_start3A_183 : memref<8x128xf32, #tpu.memory_space<vmem_shared>>) target_semaphore(%arg11 : memref<!tpu.dma_semaphore, #tpu.memory_space<semaphore_mem>>)
        }
        %scan3A_169 = arith.constant 78 : i32
        %scan3A_170 = arith.constant 0 : i32
        %scan3A_171 = arith.constant 0 : i32
        %scan3A_172 = arith.constant 78 : i32
        %scan3A_173 = arith.addi %scan3A_171, %scan3A_172 : i32
        %scan3A_174 = arith.constant 1 : i32
        scf.for %scan3A_176 = %scan3A_171 to %scan3A_173 step %scan3A_174  : i32 {
          %dma_wait3A_177 = arith.constant 0 : i32
          %dma_wait3A_178 = arith.constant 0 : i32
          %dma_wait3A_179 = tpu.memref_slice %arg10[%dma_wait3A_177, %dma_wait3A_178] : memref<10000x128xf32, #tpu.memory_space<vmem_shared>> -> memref<8x128xf32, #tpu.memory_space<vmem_shared>>
          %dma_wait3A_180 = arith.constant 0 : i32
          %dma_wait3A_181 = arith.constant 0 : i32
          %dma_wait3A_182 = tpu.memref_slice %arg10[%dma_wait3A_180, %dma_wait3A_181] : memref<10000x128xf32, #tpu.memory_space<vmem_shared>> -> memref<8x128xf32, #tpu.memory_space<vmem_shared>>
          tpu.wait_dma2 semaphore(%arg11 : memref<!tpu.dma_semaphore, #tpu.memory_space<semaphore_mem>>) src(%arg9 : memref<8x128xf32, #tpu.memory_space<vmem>>) dst(%dma_wait3A_182 : memref<8x128xf32, #tpu.memory_space<vmem_shared>>)
        }
        %scan3A_175 = arith.constant 78 : i32
      } else {
      }
      %eq3A_157 = arith.constant 15 : i32
      %eq3A_158 = arith.cmpi eq, %arg1, %eq3A_157 : i32
      %convert_element_type3A_159 = arith.extui %eq3A_158 : i1 to i32
      %cond3A_160 = arith.constant 0 : i32
      %cond3A_161 = arith.cmpi ne, %convert_element_type3A_159, %cond3A_160 : i32
      scf.if %cond3A_161 {
        %scan3A_162 = arith.constant 0 : i32
        %scan3A_163 = arith.constant 0 : i32
        %scan3A_164 = arith.constant 80 : i32
        %scan3A_165 = arith.addi %scan3A_163, %scan3A_164 : i32
        %scan3A_166 = arith.constant 1 : i32
        scf.for %scan3A_174 = %scan3A_163 to %scan3A_165 step %scan3A_166  : i32 {
          %mul3A_175 = arith.constant 8 : i32
          %mul3A_176 = arith.muli %mul3A_175, %scan3A_174 : i32
          %add3A_177 = arith.constant 9360 : i32
          %add3A_178 = arith.addi %add3A_177, %mul3A_176 : i32
          %dma_start3A_179 = arith.constant 0 : i32
          %dma_start3A_180 = tpu.memref_slice %arg10[%add3A_178, %dma_start3A_179] : memref<10000x128xf32, #tpu.memory_space<vmem_shared>> -> memref<8x128xf32, #tpu.memory_space<vmem_shared>>
          %dma_start3A_181 = arith.constant 0 : i32
          %dma_start3A_182 = tpu.memref_slice %arg10[%add3A_178, %dma_start3A_181] : memref<10000x128xf32, #tpu.memory_space<vmem_shared>> -> memref<8x128xf32, #tpu.memory_space<vmem_shared>>
          tpu.enqueue_dma source(%arg9 : memref<8x128xf32, #tpu.memory_space<vmem>>) target(%dma_start3A_182 : memref<8x128xf32, #tpu.memory_space<vmem_shared>>) target_semaphore(%arg11 : memref<!tpu.dma_semaphore, #tpu.memory_space<semaphore_mem>>)
        }
        %scan3A_167 = arith.constant 80 : i32
        %scan3A_168 = arith.constant 0 : i32
        %scan3A_169 = arith.constant 0 : i32
        %scan3A_170 = arith.constant 80 : i32
        %scan3A_171 = arith.addi %scan3A_169, %scan3A_170 : i32
        %scan3A_172 = arith.constant 1 : i32
        scf.for %scan3A_174 = %scan3A_169 to %scan3A_171 step %scan3A_172  : i32 {
          %dma_wait3A_175 = arith.constant 0 : i32
          %dma_wait3A_176 = arith.constant 0 : i32
          %dma_wait3A_177 = tpu.memref_slice %arg10[%dma_wait3A_175, %dma_wait3A_176] : memref<10000x128xf32, #tpu.memory_space<vmem_shared>> -> memref<8x128xf32, #tpu.memory_space<vmem_shared>>
          %dma_wait3A_178 = arith.constant 0 : i32
          %dma_wait3A_179 = arith.constant 0 : i32
          %dma_wait3A_180 = tpu.memref_slice %arg10[%dma_wait3A_178, %dma_wait3A_179] : memref<10000x128xf32, #tpu.memory_space<vmem_shared>> -> memref<8x128xf32, #tpu.memory_space<vmem_shared>>
          tpu.wait_dma2 semaphore(%arg11 : memref<!tpu.dma_semaphore, #tpu.memory_space<semaphore_mem>>) src(%arg9 : memref<8x128xf32, #tpu.memory_space<vmem>>) dst(%dma_wait3A_180 : memref<8x128xf32, #tpu.memory_space<vmem_shared>>)
        }
        %scan3A_173 = arith.constant 80 : i32
      } else {
      }
    } else {
    }
    %mul3A_12 = arith.constant 80 : i32
    %mul3A_13 = arith.muli %add3A, %mul3A_12 : i32
    %dma_start3A = arith.constant 0 : i32
    %dma_start3A_14 = arith.constant 0 : i32
    %dma_start3A_15 = arith.constant 0 : i32
    %dma_start3A_16 = tpu.memref_slice %arg6[%dma_start3A, %dma_start3A_14, %dma_start3A_15] : memref<2x16x125xi32, #tpu.memory_space<vmem>> -> memref<1x16x125xi32, #tpu.memory_space<vmem>>
    %dma_start3A_17 = tpu.memref_squeeze %dma_start3A_16 : memref<1x16x125xi32, #tpu.memory_space<vmem>> -> memref<16x125xi32, #tpu.memory_space<vmem>>
    %dma_start3A_18 = arith.constant 0 : i32
    %dma_start3A_19 = tpu.memref_slice %arg3[%mul3A_13, %dma_start3A_18] : memref<2560x125xi32, #tpu.memory_space<hbm>> -> memref<16x125xi32, #tpu.memory_space<hbm>>
    %dma_start3A_20 = arith.constant 0 : i32
    %dma_start3A_21 = arith.constant 0 : i32
    %dma_start3A_22 = tpu.memref_slice %arg6[%dma_start3A, %dma_start3A_20, %dma_start3A_21] : memref<2x16x125xi32, #tpu.memory_space<vmem>> -> memref<1x16x125xi32, #tpu.memory_space<vmem>>
    %dma_start3A_23 = tpu.memref_squeeze %dma_start3A_22 : memref<1x16x125xi32, #tpu.memory_space<vmem>> -> memref<16x125xi32, #tpu.memory_space<vmem>>
    %dma_start3A_24 = arith.constant 0 : i32
    %dma_start3A_25 = tpu.memref_slice %arg3[%mul3A_13, %dma_start3A_24] : memref<2560x125xi32, #tpu.memory_space<hbm>> -> memref<16x125xi32, #tpu.memory_space<hbm>>
    tpu.enqueue_dma source(%dma_start3A_25 : memref<16x125xi32, #tpu.memory_space<hbm>>) target(%dma_start3A_23 : memref<16x125xi32, #tpu.memory_space<vmem>>) target_semaphore(%arg13 : memref<!tpu.dma_semaphore, #tpu.memory_space<semaphore_mem>>)
    %mul3A_26 = arith.constant 80 : i32
    %mul3A_27 = arith.muli %add3A, %mul3A_26 : i32
    %dma_start3A_28 = arith.constant 0 : i32
    %dma_start3A_29 = arith.constant 0 : i32
    %dma_start3A_30 = arith.constant 0 : i32
    %dma_start3A_31 = tpu.memref_slice %arg7[%dma_start3A_28, %dma_start3A_29, %dma_start3A_30] : memref<2x16x125xi32, #tpu.memory_space<vmem>> -> memref<1x16x125xi32, #tpu.memory_space<vmem>>
    %dma_start3A_32 = tpu.memref_squeeze %dma_start3A_31 : memref<1x16x125xi32, #tpu.memory_space<vmem>> -> memref<16x125xi32, #tpu.memory_space<vmem>>
    %dma_start3A_33 = arith.constant 0 : i32
    %dma_start3A_34 = tpu.memref_slice %arg4[%mul3A_27, %dma_start3A_33] : memref<2560x125xi32, #tpu.memory_space<hbm>> -> memref<16x125xi32, #tpu.memory_space<hbm>>
    %dma_start3A_35 = arith.constant 0 : i32
    %dma_start3A_36 = arith.constant 0 : i32
    %dma_start3A_37 = tpu.memref_slice %arg7[%dma_start3A_28, %dma_start3A_35, %dma_start3A_36] : memref<2x16x125xi32, #tpu.memory_space<vmem>> -> memref<1x16x125xi32, #tpu.memory_space<vmem>>
    %dma_start3A_38 = tpu.memref_squeeze %dma_start3A_37 : memref<1x16x125xi32, #tpu.memory_space<vmem>> -> memref<16x125xi32, #tpu.memory_space<vmem>>
    %dma_start3A_39 = arith.constant 0 : i32
    %dma_start3A_40 = tpu.memref_slice %arg4[%mul3A_27, %dma_start3A_39] : memref<2560x125xi32, #tpu.memory_space<hbm>> -> memref<16x125xi32, #tpu.memory_space<hbm>>
    tpu.enqueue_dma source(%dma_start3A_40 : memref<16x125xi32, #tpu.memory_space<hbm>>) target(%dma_start3A_38 : memref<16x125xi32, #tpu.memory_space<vmem>>) target_semaphore(%arg13 : memref<!tpu.dma_semaphore, #tpu.memory_space<semaphore_mem>>)
    %mul3A_41 = arith.constant 80 : i32
    %mul3A_42 = arith.muli %add3A, %mul3A_41 : i32
    %add3A_43 = arith.constant 16 : i32
    %add3A_44 = arith.addi %mul3A_42, %add3A_43 : i32
    %dma_start3A_45 = arith.constant 1 : i32
    %dma_start3A_46 = arith.constant 0 : i32
    %dma_start3A_47 = arith.constant 0 : i32
    %dma_start3A_48 = tpu.memref_slice %arg6[%dma_start3A_45, %dma_start3A_46, %dma_start3A_47] : memref<2x16x125xi32, #tpu.memory_space<vmem>> -> memref<1x16x125xi32, #tpu.memory_space<vmem>>
    %dma_start3A_49 = tpu.memref_squeeze %dma_start3A_48 : memref<1x16x125xi32, #tpu.memory_space<vmem>> -> memref<16x125xi32, #tpu.memory_space<vmem>>
    %dma_start3A_50 = arith.constant 0 : i32
    %dma_start3A_51 = tpu.memref_slice %arg3[%add3A_44, %dma_start3A_50] : memref<2560x125xi32, #tpu.memory_space<hbm>> -> memref<16x125xi32, #tpu.memory_space<hbm>>
    %dma_start3A_52 = arith.constant 0 : i32
    %dma_start3A_53 = arith.constant 0 : i32
    %dma_start3A_54 = tpu.memref_slice %arg6[%dma_start3A_45, %dma_start3A_52, %dma_start3A_53] : memref<2x16x125xi32, #tpu.memory_space<vmem>> -> memref<1x16x125xi32, #tpu.memory_space<vmem>>
    %dma_start3A_55 = tpu.memref_squeeze %dma_start3A_54 : memref<1x16x125xi32, #tpu.memory_space<vmem>> -> memref<16x125xi32, #tpu.memory_space<vmem>>
    %dma_start3A_56 = arith.constant 0 : i32
    %dma_start3A_57 = tpu.memref_slice %arg3[%add3A_44, %dma_start3A_56] : memref<2560x125xi32, #tpu.memory_space<hbm>> -> memref<16x125xi32, #tpu.memory_space<hbm>>
    tpu.enqueue_dma source(%dma_start3A_57 : memref<16x125xi32, #tpu.memory_space<hbm>>) target(%dma_start3A_55 : memref<16x125xi32, #tpu.memory_space<vmem>>) target_semaphore(%arg13 : memref<!tpu.dma_semaphore, #tpu.memory_space<semaphore_mem>>)
    %mul3A_58 = arith.constant 80 : i32
    %mul3A_59 = arith.muli %add3A, %mul3A_58 : i32
    %add3A_60 = arith.constant 16 : i32
    %add3A_61 = arith.addi %mul3A_59, %add3A_60 : i32
    %dma_start3A_62 = arith.constant 1 : i32
    %dma_start3A_63 = arith.constant 0 : i32
    %dma_start3A_64 = arith.constant 0 : i32
    %dma_start3A_65 = tpu.memref_slice %arg7[%dma_start3A_62, %dma_start3A_63, %dma_start3A_64] : memref<2x16x125xi32, #tpu.memory_space<vmem>> -> memref<1x16x125xi32, #tpu.memory_space<vmem>>
    %dma_start3A_66 = tpu.memref_squeeze %dma_start3A_65 : memref<1x16x125xi32, #tpu.memory_space<vmem>> -> memref<16x125xi32, #tpu.memory_space<vmem>>
    %dma_start3A_67 = arith.constant 0 : i32
    %dma_start3A_68 = tpu.memref_slice %arg4[%add3A_61, %dma_start3A_67] : memref<2560x125xi32, #tpu.memory_space<hbm>> -> memref<16x125xi32, #tpu.memory_space<hbm>>
    %dma_start3A_69 = arith.constant 0 : i32
    %dma_start3A_70 = arith.constant 0 : i32
    %dma_start3A_71 = tpu.memref_slice %arg7[%dma_start3A_62, %dma_start3A_69, %dma_start3A_70] : memref<2x16x125xi32, #tpu.memory_space<vmem>> -> memref<1x16x125xi32, #tpu.memory_space<vmem>>
    %dma_start3A_72 = tpu.memref_squeeze %dma_start3A_71 : memref<1x16x125xi32, #tpu.memory_space<vmem>> -> memref<16x125xi32, #tpu.memory_space<vmem>>
    %dma_start3A_73 = arith.constant 0 : i32
    %dma_start3A_74 = tpu.memref_slice %arg4[%add3A_61, %dma_start3A_73] : memref<2560x125xi32, #tpu.memory_space<hbm>> -> memref<16x125xi32, #tpu.memory_space<hbm>>
    tpu.enqueue_dma source(%dma_start3A_74 : memref<16x125xi32, #tpu.memory_space<hbm>>) target(%dma_start3A_72 : memref<16x125xi32, #tpu.memory_space<vmem>>) target_semaphore(%arg13 : memref<!tpu.dma_semaphore, #tpu.memory_space<semaphore_mem>>)
    %barrier3A = arith.constant 0 : index
    tpu.barrier barrier_id(%barrier3A)
    %dma_wait3A = arith.constant 0 : i32
    %dma_wait3A_75 = arith.constant 0 : i32
    %dma_wait3A_76 = arith.constant 0 : i32
    %dma_wait3A_77 = tpu.memref_slice %arg6[%dma_wait3A, %dma_wait3A_75, %dma_wait3A_76] : memref<2x16x125xi32, #tpu.memory_space<vmem>> -> memref<1x16x125xi32, #tpu.memory_space<vmem>>
    %dma_wait3A_78 = tpu.memref_squeeze %dma_wait3A_77 : memref<1x16x125xi32, #tpu.memory_space<vmem>> -> memref<16x125xi32, #tpu.memory_space<vmem>>
    %dma_wait3A_79 = arith.constant 0 : i32
    %dma_wait3A_80 = arith.constant 0 : i32
    %dma_wait3A_81 = tpu.memref_slice %arg3[%dma_wait3A_79, %dma_wait3A_80] : memref<2560x125xi32, #tpu.memory_space<hbm>> -> memref<16x125xi32, #tpu.memory_space<hbm>>
    %dma_wait3A_82 = arith.constant 0 : i32
    %dma_wait3A_83 = arith.constant 0 : i32
    %dma_wait3A_84 = tpu.memref_slice %arg6[%dma_wait3A, %dma_wait3A_82, %dma_wait3A_83] : memref<2x16x125xi32, #tpu.memory_space<vmem>> -> memref<1x16x125xi32, #tpu.memory_space<vmem>>
    %dma_wait3A_85 = tpu.memref_squeeze %dma_wait3A_84 : memref<1x16x125xi32, #tpu.memory_space<vmem>> -> memref<16x125xi32, #tpu.memory_space<vmem>>
    %dma_wait3A_86 = arith.constant 0 : i32
    %dma_wait3A_87 = arith.constant 0 : i32
    %dma_wait3A_88 = tpu.memref_slice %arg3[%dma_wait3A_86, %dma_wait3A_87] : memref<2560x125xi32, #tpu.memory_space<hbm>> -> memref<16x125xi32, #tpu.memory_space<hbm>>
    tpu.wait_dma2 semaphore(%arg13 : memref<!tpu.dma_semaphore, #tpu.memory_space<semaphore_mem>>) src(%dma_wait3A_88 : memref<16x125xi32, #tpu.memory_space<hbm>>) dst(%dma_wait3A_85 : memref<16x125xi32, #tpu.memory_space<vmem>>)
    %dma_wait3A_89 = arith.constant 0 : i32
    %dma_wait3A_90 = arith.constant 0 : i32
    %dma_wait3A_91 = arith.constant 0 : i32
    %dma_wait3A_92 = tpu.memref_slice %arg7[%dma_wait3A_89, %dma_wait3A_90, %dma_wait3A_91] : memref<2x16x125xi32, #tpu.memory_space<vmem>> -> memref<1x16x125xi32, #tpu.memory_space<vmem>>
    %dma_wait3A_93 = tpu.memref_squeeze %dma_wait3A_92 : memref<1x16x125xi32, #tpu.memory_space<vmem>> -> memref<16x125xi32, #tpu.memory_space<vmem>>
    %dma_wait3A_94 = arith.constant 0 : i32
    %dma_wait3A_95 = arith.constant 0 : i32
    %dma_wait3A_96 = tpu.memref_slice %arg4[%dma_wait3A_94, %dma_wait3A_95] : memref<2560x125xi32, #tpu.memory_space<hbm>> -> memref<16x125xi32, #tpu.memory_space<hbm>>
    %dma_wait3A_97 = arith.constant 0 : i32
    %dma_wait3A_98 = arith.constant 0 : i32
    %dma_wait3A_99 = tpu.memref_slice %arg7[%dma_wait3A_89, %dma_wait3A_97, %dma_wait3A_98] : memref<2x16x125xi32, #tpu.memory_space<vmem>> -> memref<1x16x125xi32, #tpu.memory_space<vmem>>
    %dma_wait3A_100 = tpu.memref_squeeze %dma_wait3A_99 : memref<1x16x125xi32, #tpu.memory_space<vmem>> -> memref<16x125xi32, #tpu.memory_space<vmem>>
    %dma_wait3A_101 = arith.constant 0 : i32
    %dma_wait3A_102 = arith.constant 0 : i32
    %dma_wait3A_103 = tpu.memref_slice %arg4[%dma_wait3A_101, %dma_wait3A_102] : memref<2560x125xi32, #tpu.memory_space<hbm>> -> memref<16x125xi32, #tpu.memory_space<hbm>>
    tpu.wait_dma2 semaphore(%arg13 : memref<!tpu.dma_semaphore, #tpu.memory_space<semaphore_mem>>) src(%dma_wait3A_103 : memref<16x125xi32, #tpu.memory_space<hbm>>) dst(%dma_wait3A_100 : memref<16x125xi32, #tpu.memory_space<vmem>>)
    %dma_start3A_104 = arith.constant 0 : i32
    %dma_start3A_105 = arith.constant 0 : i32
    %dma_start3A_106 = arith.constant 0 : i32
    %dma_start3A_107 = arith.constant 0 : i32
    %dma_start3A_108 = arith.constant 0 : i32
    %dma_start3A_109 = tpu.memref_slice %arg8[%dma_start3A_106, %dma_start3A_107, %dma_start3A_108] : memref<2x125x128xf32, #tpu.memory_space<vmem>> -> memref<1x125x128xf32, #tpu.memory_space<vmem>>
    %dma_start3A_110 = tpu.memref_squeeze %dma_start3A_109 : memref<1x125x128xf32, #tpu.memory_space<vmem>> -> memref<125x128xf32, #tpu.memory_space<vmem>>
    %dma_start3A_111 = arith.constant 0 : i32
    %dma_start3A_112 = tpu.memref_slice %arg6[%dma_start3A_104, %dma_start3A_105, %dma_start3A_111] : memref<2x16x125xi32, #tpu.memory_space<vmem>> -> memref<1x1x125xi32, #tpu.memory_space<vmem>>
    %dma_start3A_113 = tpu.memref_squeeze %dma_start3A_112 : memref<1x1x125xi32, #tpu.memory_space<vmem>> -> memref<125xi32, #tpu.memory_space<vmem>>
    %dma_start3A_114 = arith.constant 0 : i32
    %dma_start3A_115 = arith.constant 0 : i32
    %dma_start3A_116 = tpu.memref_slice %arg2[%dma_start3A_114, %dma_start3A_115] : memref<10000x128xf32, #tpu.memory_space<hbm>> -> memref<10000x128xf32, #tpu.memory_space<hbm>>
    tpu.enqueue_indirect_dma source(%dma_start3A_116 : memref<10000x128xf32, #tpu.memory_space<hbm>>) target(%dma_start3A_110 : memref<125x128xf32, #tpu.memory_space<vmem>>) offsets(%dma_start3A_113 : memref<125xi32, #tpu.memory_space<vmem>>) semaphore(%arg11 : memref<!tpu.dma_semaphore, #tpu.memory_space<semaphore_mem>>)
    %dma_start3A_117 = arith.constant 0 : i32
    %dma_start3A_118 = arith.constant 1 : i32
    %dma_start3A_119 = arith.constant 1 : i32
    %dma_start3A_120 = arith.constant 0 : i32
    %dma_start3A_121 = arith.constant 0 : i32
    %dma_start3A_122 = tpu.memref_slice %arg8[%dma_start3A_119, %dma_start3A_120, %dma_start3A_121] : memref<2x125x128xf32, #tpu.memory_space<vmem>> -> memref<1x125x128xf32, #tpu.memory_space<vmem>>
    %dma_start3A_123 = tpu.memref_squeeze %dma_start3A_122 : memref<1x125x128xf32, #tpu.memory_space<vmem>> -> memref<125x128xf32, #tpu.memory_space<vmem>>
    %dma_start3A_124 = arith.constant 0 : i32
    %dma_start3A_125 = tpu.memref_slice %arg6[%dma_start3A_117, %dma_start3A_118, %dma_start3A_124] : memref<2x16x125xi32, #tpu.memory_space<vmem>> -> memref<1x1x125xi32, #tpu.memory_space<vmem>>
    %dma_start3A_126 = tpu.memref_squeeze %dma_start3A_125 : memref<1x1x125xi32, #tpu.memory_space<vmem>> -> memref<125xi32, #tpu.memory_space<vmem>>
    %dma_start3A_127 = arith.constant 0 : i32
    %dma_start3A_128 = arith.constant 0 : i32
    %dma_start3A_129 = tpu.memref_slice %arg2[%dma_start3A_127, %dma_start3A_128] : memref<10000x128xf32, #tpu.memory_space<hbm>> -> memref<10000x128xf32, #tpu.memory_space<hbm>>
    tpu.enqueue_indirect_dma source(%dma_start3A_129 : memref<10000x128xf32, #tpu.memory_space<hbm>>) target(%dma_start3A_123 : memref<125x128xf32, #tpu.memory_space<vmem>>) offsets(%dma_start3A_126 : memref<125xi32, #tpu.memory_space<vmem>>) semaphore(%arg12 : memref<!tpu.dma_semaphore, #tpu.memory_space<semaphore_mem>>)
    %scan3A = arith.constant 0 : i32
    %scan3A_130 = arith.constant 0 : i32
    %scan3A_131 = arith.constant 40 : i32
    %scan3A_132 = arith.addi %scan3A_130, %scan3A_131 : i32
    %scan3A_133 = arith.constant 1 : i32
    scf.for %scan3A_146 = %scan3A_130 to %scan3A_132 step %scan3A_133  : i32 {
      %mul3A_147 = arith.constant 2 : i32
      %mul3A_148 = arith.muli %scan3A_146, %mul3A_147 : i32
      %add3A_149 = arith.constant 0 : i32
      %add3A_150 = arith.addi %mul3A_148, %add3A_149 : i32
      %jit3A = arith.constant 16 : i32
      %div3A = arith.divsi %add3A_150, %jit3A : i32
      %sign3A = arith.constant 0 : i32
      %sign3A_151 = arith.cmpi sgt, %add3A_150, %sign3A : i32
      %sign3A_152 = arith.extui %sign3A_151 : i1 to i32
      %sign3A_153 = arith.constant 0 : i32
      %sign3A_154 = arith.cmpi slt, %add3A_150, %sign3A_153 : i32
      %sign3A_155 = arith.extui %sign3A_154 : i1 to i32
      %sign3A_156 = arith.subi %sign3A_152, %sign3A_155 : i32
      %sign3A_157 = arith.constant 0 : i32
      %sign3A_158 = arith.cmpi sgt, %jit3A, %sign3A_157 : i32
      %sign3A_159 = arith.extui %sign3A_158 : i1 to i32
      %sign3A_160 = arith.constant 0 : i32
      %sign3A_161 = arith.cmpi slt, %jit3A, %sign3A_160 : i32
      %sign3A_162 = arith.extui %sign3A_161 : i1 to i32
      %sign3A_163 = arith.subi %sign3A_159, %sign3A_162 : i32
      %ne3A = arith.cmpi ne, %sign3A_156, %sign3A_163 : i32
      %rem3A = arith.remsi %add3A_150, %jit3A : i32
      %ne3A_164 = arith.constant 0 : i32
      %ne3A_165 = arith.cmpi ne, %rem3A, %ne3A_164 : i32
      %and3A_166 = arith.andi %ne3A, %ne3A_165 : i1
      %sub3A = arith.constant 1 : i32
      %sub3A_167 = arith.subi %div3A, %sub3A : i32
      %select_n3A = arith.select %and3A_166, %sub3A_167, %div3A : i32
      %rem3A_168 = arith.constant 2 : i32
      %rem3A_169 = arith.remsi %select_n3A, %rem3A_168 : i32
      %rem3A_170 = arith.constant 16 : i32
      %rem3A_171 = arith.remsi %add3A_150, %rem3A_170 : i32
      %dma_wait3A_172 = arith.constant 0 : i32
      %dma_wait3A_173 = arith.constant 0 : i32
      %dma_wait3A_174 = arith.constant 0 : i32
      %dma_wait3A_175 = tpu.memref_slice %arg8[%dma_wait3A_172, %dma_wait3A_173, %dma_wait3A_174] : memref<2x125x128xf32, #tpu.memory_space<vmem>> -> memref<1x125x128xf32, #tpu.memory_space<vmem>>
      %dma_wait3A_176 = tpu.memref_squeeze %dma_wait3A_175 : memref<1x125x128xf32, #tpu.memory_space<vmem>> -> memref<125x128xf32, #tpu.memory_space<vmem>>
      %dma_wait3A_177 = arith.constant 0 : i32
      %dma_wait3A_178 = tpu.memref_slice %arg6[%rem3A_169, %rem3A_171, %dma_wait3A_177] : memref<2x16x125xi32, #tpu.memory_space<vmem>> -> memref<1x1x125xi32, #tpu.memory_space<vmem>>
      %dma_wait3A_179 = tpu.memref_squeeze %dma_wait3A_178 : memref<1x1x125xi32, #tpu.memory_space<vmem>> -> memref<125xi32, #tpu.memory_space<vmem>>
      %dma_wait3A_180 = arith.constant 0 : i32
      %dma_wait3A_181 = arith.constant 0 : i32
      %dma_wait3A_182 = tpu.memref_slice %arg2[%dma_wait3A_180, %dma_wait3A_181] : memref<10000x128xf32, #tpu.memory_space<hbm>> -> memref<10000x128xf32, #tpu.memory_space<hbm>>
      tpu.wait_indirect_dma semaphore(%arg11 : memref<!tpu.dma_semaphore, #tpu.memory_space<semaphore_mem>>) src(%dma_wait3A_182 : memref<10000x128xf32, #tpu.memory_space<hbm>>) dst(%dma_wait3A_176 : memref<125x128xf32, #tpu.memory_space<vmem>>)
      %run_scoped3A = arith.constant 0 : i32
      "tpu.region"() ({
        %run_scoped3A_243 = tpu.sem_alloc : memref<!tpu.dma_semaphore, #tpu.memory_space<semaphore_mem>>
        %dma_start3A_244 = arith.constant 0 : i32
        %dma_start3A_245 = arith.constant 0 : i32
        %dma_start3A_246 = tpu.memref_slice %arg8[%run_scoped3A, %dma_start3A_244, %dma_start3A_245] : memref<2x125x128xf32, #tpu.memory_space<vmem>> -> memref<1x125x128xf32, #tpu.memory_space<vmem>>
        %dma_start3A_247 = tpu.memref_squeeze %dma_start3A_246 : memref<1x125x128xf32, #tpu.memory_space<vmem>> -> memref<125x128xf32, #tpu.memory_space<vmem>>
        %dma_start3A_248 = arith.constant 0 : i32
        %dma_start3A_249 = tpu.memref_slice %arg7[%rem3A_169, %rem3A_171, %dma_start3A_248] : memref<2x16x125xi32, #tpu.memory_space<vmem>> -> memref<1x1x125xi32, #tpu.memory_space<vmem>>
        %dma_start3A_250 = tpu.memref_squeeze %dma_start3A_249 : memref<1x1x125xi32, #tpu.memory_space<vmem>> -> memref<125xi32, #tpu.memory_space<vmem>>
        %dma_start3A_251 = arith.constant 0 : i32
        %dma_start3A_252 = arith.constant 0 : i32
        %dma_start3A_253 = tpu.memref_slice %arg10[%dma_start3A_251, %dma_start3A_252] : memref<10000x128xf32, #tpu.memory_space<vmem_shared>> -> memref<10000x128xf32, #tpu.memory_space<vmem_shared>>
        tpu.enqueue_indirect_dma source(%dma_start3A_247 : memref<125x128xf32, #tpu.memory_space<vmem>>) target(%dma_start3A_253 : memref<10000x128xf32, #tpu.memory_space<vmem_shared>>) offsets(%dma_start3A_250 : memref<125xi32, #tpu.memory_space<vmem>>) semaphore(%run_scoped3A_243 : memref<!tpu.dma_semaphore, #tpu.memory_space<semaphore_mem>>) {add = true}
        %dma_wait3A_254 = arith.constant 0 : i32
        %dma_wait3A_255 = arith.constant 0 : i32
        %dma_wait3A_256 = tpu.memref_slice %arg8[%run_scoped3A, %dma_wait3A_254, %dma_wait3A_255] : memref<2x125x128xf32, #tpu.memory_space<vmem>> -> memref<1x125x128xf32, #tpu.memory_space<vmem>>
        %dma_wait3A_257 = tpu.memref_squeeze %dma_wait3A_256 : memref<1x125x128xf32, #tpu.memory_space<vmem>> -> memref<125x128xf32, #tpu.memory_space<vmem>>
        %dma_wait3A_258 = arith.constant 0 : i32
        %dma_wait3A_259 = tpu.memref_slice %arg7[%rem3A_169, %rem3A_171, %dma_wait3A_258] : memref<2x16x125xi32, #tpu.memory_space<vmem>> -> memref<1x1x125xi32, #tpu.memory_space<vmem>>
        %dma_wait3A_260 = tpu.memref_squeeze %dma_wait3A_259 : memref<1x1x125xi32, #tpu.memory_space<vmem>> -> memref<125xi32, #tpu.memory_space<vmem>>
        %dma_wait3A_261 = arith.constant 0 : i32
        %dma_wait3A_262 = arith.constant 0 : i32
        %dma_wait3A_263 = tpu.memref_slice %arg10[%dma_wait3A_261, %dma_wait3A_262] : memref<10000x128xf32, #tpu.memory_space<vmem_shared>> -> memref<10000x128xf32, #tpu.memory_space<vmem_shared>>
        tpu.wait_indirect_dma semaphore(%run_scoped3A_243 : memref<!tpu.dma_semaphore, #tpu.memory_space<semaphore_mem>>) src(%dma_wait3A_257 : memref<125x128xf32, #tpu.memory_space<vmem>>) dst(%dma_wait3A_263 : memref<10000x128xf32, #tpu.memory_space<vmem_shared>>)
        tpu.yield
      }) : () -> ()
      %add3A_183 = arith.constant 2 : i32
      %add3A_184 = arith.addi %add3A_150, %add3A_183 : i32
      %lt3A_185 = arith.constant 80 : i32
      %lt3A_186 = arith.cmpi slt, %add3A_184, %lt3A_185 : i32
      %convert_element_type3A_187 = arith.extui %lt3A_186 : i1 to i32
      %cond3A_188 = arith.constant 0 : i32
      %cond3A_189 = arith.constant 0 : i32
      %cond3A_190 = arith.cmpi ne, %convert_element_type3A_187, %cond3A_189 : i32
      scf.if %cond3A_190 {
        %jit3A_243 = arith.constant 16 : i32
        %div3A_244 = arith.divsi %add3A_184, %jit3A_243 : i32
        %sign3A_245 = arith.constant 0 : i32
        %sign3A_246 = arith.cmpi sgt, %add3A_184, %sign3A_245 : i32
        %sign3A_247 = arith.extui %sign3A_246 : i1 to i32
        %sign3A_248 = arith.constant 0 : i32
        %sign3A_249 = arith.cmpi slt, %add3A_184, %sign3A_248 : i32
        %sign3A_250 = arith.extui %sign3A_249 : i1 to i32
        %sign3A_251 = arith.subi %sign3A_247, %sign3A_250 : i32
        %sign3A_252 = arith.constant 0 : i32
        %sign3A_253 = arith.cmpi sgt, %jit3A_243, %sign3A_252 : i32
        %sign3A_254 = arith.extui %sign3A_253 : i1 to i32
        %sign3A_255 = arith.constant 0 : i32
        %sign3A_256 = arith.cmpi slt, %jit3A_243, %sign3A_255 : i32
        %sign3A_257 = arith.extui %sign3A_256 : i1 to i32
        %sign3A_258 = arith.subi %sign3A_254, %sign3A_257 : i32
        %ne3A_259 = arith.cmpi ne, %sign3A_251, %sign3A_258 : i32
        %rem3A_260 = arith.remsi %add3A_184, %jit3A_243 : i32
        %ne3A_261 = arith.constant 0 : i32
        %ne3A_262 = arith.cmpi ne, %rem3A_260, %ne3A_261 : i32
        %and3A_263 = arith.andi %ne3A_259, %ne3A_262 : i1
        %sub3A_264 = arith.constant 1 : i32
        %sub3A_265 = arith.subi %div3A_244, %sub3A_264 : i32
        %select_n3A_266 = arith.select %and3A_263, %sub3A_265, %div3A_244 : i32
        %rem3A_267 = arith.constant 2 : i32
        %rem3A_268 = arith.remsi %select_n3A_266, %rem3A_267 : i32
        %rem3A_269 = arith.constant 16 : i32
        %rem3A_270 = arith.remsi %add3A_184, %rem3A_269 : i32
        %eq3A_271 = arith.constant 0 : i32
        %eq3A_272 = arith.cmpi eq, %rem3A_270, %eq3A_271 : i32
        %convert_element_type3A_273 = arith.extui %eq3A_272 : i1 to i32
        %cond3A_274 = arith.constant 0 : i32
        %cond3A_275 = arith.cmpi ne, %convert_element_type3A_273, %cond3A_274 : i32
        scf.if %cond3A_275 {
          %dma_wait3A_296 = arith.constant 0 : i32
          %dma_wait3A_297 = arith.constant 0 : i32
          %dma_wait3A_298 = tpu.memref_slice %arg6[%rem3A_268, %dma_wait3A_296, %dma_wait3A_297] : memref<2x16x125xi32, #tpu.memory_space<vmem>> -> memref<1x16x125xi32, #tpu.memory_space<vmem>>
          %dma_wait3A_299 = tpu.memref_squeeze %dma_wait3A_298 : memref<1x16x125xi32, #tpu.memory_space<vmem>> -> memref<16x125xi32, #tpu.memory_space<vmem>>
          %dma_wait3A_300 = arith.constant 0 : i32
          %dma_wait3A_301 = arith.constant 0 : i32
          %dma_wait3A_302 = tpu.memref_slice %arg3[%dma_wait3A_300, %dma_wait3A_301] : memref<2560x125xi32, #tpu.memory_space<hbm>> -> memref<16x125xi32, #tpu.memory_space<hbm>>
          %dma_wait3A_303 = arith.constant 0 : i32
          %dma_wait3A_304 = arith.constant 0 : i32
          %dma_wait3A_305 = tpu.memref_slice %arg6[%rem3A_268, %dma_wait3A_303, %dma_wait3A_304] : memref<2x16x125xi32, #tpu.memory_space<vmem>> -> memref<1x16x125xi32, #tpu.memory_space<vmem>>
          %dma_wait3A_306 = tpu.memref_squeeze %dma_wait3A_305 : memref<1x16x125xi32, #tpu.memory_space<vmem>> -> memref<16x125xi32, #tpu.memory_space<vmem>>
          %dma_wait3A_307 = arith.constant 0 : i32
          %dma_wait3A_308 = arith.constant 0 : i32
          %dma_wait3A_309 = tpu.memref_slice %arg3[%dma_wait3A_307, %dma_wait3A_308] : memref<2560x125xi32, #tpu.memory_space<hbm>> -> memref<16x125xi32, #tpu.memory_space<hbm>>
          tpu.wait_dma2 semaphore(%arg13 : memref<!tpu.dma_semaphore, #tpu.memory_space<semaphore_mem>>) src(%dma_wait3A_309 : memref<16x125xi32, #tpu.memory_space<hbm>>) dst(%dma_wait3A_306 : memref<16x125xi32, #tpu.memory_space<vmem>>)
          %dma_wait3A_310 = arith.constant 0 : i32
          %dma_wait3A_311 = arith.constant 0 : i32
          %dma_wait3A_312 = tpu.memref_slice %arg7[%rem3A_268, %dma_wait3A_310, %dma_wait3A_311] : memref<2x16x125xi32, #tpu.memory_space<vmem>> -> memref<1x16x125xi32, #tpu.memory_space<vmem>>
          %dma_wait3A_313 = tpu.memref_squeeze %dma_wait3A_312 : memref<1x16x125xi32, #tpu.memory_space<vmem>> -> memref<16x125xi32, #tpu.memory_space<vmem>>
          %dma_wait3A_314 = arith.constant 0 : i32
          %dma_wait3A_315 = arith.constant 0 : i32
          %dma_wait3A_316 = tpu.memref_slice %arg4[%dma_wait3A_314, %dma_wait3A_315] : memref<2560x125xi32, #tpu.memory_space<hbm>> -> memref<16x125xi32, #tpu.memory_space<hbm>>
          %dma_wait3A_317 = arith.constant 0 : i32
          %dma_wait3A_318 = arith.constant 0 : i32
          %dma_wait3A_319 = tpu.memref_slice %arg7[%rem3A_268, %dma_wait3A_317, %dma_wait3A_318] : memref<2x16x125xi32, #tpu.memory_space<vmem>> -> memref<1x16x125xi32, #tpu.memory_space<vmem>>
          %dma_wait3A_320 = tpu.memref_squeeze %dma_wait3A_319 : memref<1x16x125xi32, #tpu.memory_space<vmem>> -> memref<16x125xi32, #tpu.memory_space<vmem>>
          %dma_wait3A_321 = arith.constant 0 : i32
          %dma_wait3A_322 = arith.constant 0 : i32
          %dma_wait3A_323 = tpu.memref_slice %arg4[%dma_wait3A_321, %dma_wait3A_322] : memref<2560x125xi32, #tpu.memory_space<hbm>> -> memref<16x125xi32, #tpu.memory_space<hbm>>
          tpu.wait_dma2 semaphore(%arg13 : memref<!tpu.dma_semaphore, #tpu.memory_space<semaphore_mem>>) src(%dma_wait3A_323 : memref<16x125xi32, #tpu.memory_space<hbm>>) dst(%dma_wait3A_320 : memref<16x125xi32, #tpu.memory_space<vmem>>)
        } else {
        }
        %eq3A_276 = arith.constant 1 : i32
        %eq3A_277 = arith.cmpi eq, %rem3A_270, %eq3A_276 : i32
        %add3A_278 = arith.constant 1 : i32
        %add3A_279 = arith.addi %select_n3A_266, %add3A_278 : i32
        %lt3A_280 = arith.constant 5 : i32
        %lt3A_281 = arith.cmpi slt, %add3A_279, %lt3A_280 : i32
        %and3A_282 = arith.andi %eq3A_277, %lt3A_281 : i1
        %convert_element_type3A_283 = arith.extui %and3A_282 : i1 to i32
        %cond3A_284 = arith.constant 0 : i32
        %cond3A_285 = arith.cmpi ne, %convert_element_type3A_283, %cond3A_284 : i32
        scf.if %cond3A_285 {
          %mul3A_296 = arith.constant 80 : i32
          %mul3A_297 = arith.muli %add3A, %mul3A_296 : i32
          %add3A_298 = arith.constant 1 : i32
          %add3A_299 = arith.addi %select_n3A_266, %add3A_298 : i32
          %mul3A_300 = arith.constant 16 : i32
          %mul3A_301 = arith.muli %add3A_299, %mul3A_300 : i32
          %add3A_302 = arith.addi %mul3A_297, %mul3A_301 : i32
          %sub3A_303 = arith.constant 1 : i32
          %sub3A_304 = arith.subi %sub3A_303, %rem3A_268 : i32
          %dma_start3A_305 = arith.constant 0 : i32
          %dma_start3A_306 = arith.constant 0 : i32
          %dma_start3A_307 = tpu.memref_slice %arg6[%sub3A_304, %dma_start3A_305, %dma_start3A_306] : memref<2x16x125xi32, #tpu.memory_space<vmem>> -> memref<1x16x125xi32, #tpu.memory_space<vmem>>
          %dma_start3A_308 = tpu.memref_squeeze %dma_start3A_307 : memref<1x16x125xi32, #tpu.memory_space<vmem>> -> memref<16x125xi32, #tpu.memory_space<vmem>>
          %dma_start3A_309 = arith.constant 0 : i32
          %dma_start3A_310 = tpu.memref_slice %arg3[%add3A_302, %dma_start3A_309] : memref<2560x125xi32, #tpu.memory_space<hbm>> -> memref<16x125xi32, #tpu.memory_space<hbm>>
          %dma_start3A_311 = arith.constant 0 : i32
          %dma_start3A_312 = arith.constant 0 : i32
          %dma_start3A_313 = tpu.memref_slice %arg6[%sub3A_304, %dma_start3A_311, %dma_start3A_312] : memref<2x16x125xi32, #tpu.memory_space<vmem>> -> memref<1x16x125xi32, #tpu.memory_space<vmem>>
          %dma_start3A_314 = tpu.memref_squeeze %dma_start3A_313 : memref<1x16x125xi32, #tpu.memory_space<vmem>> -> memref<16x125xi32, #tpu.memory_space<vmem>>
          %dma_start3A_315 = arith.constant 0 : i32
          %dma_start3A_316 = tpu.memref_slice %arg3[%add3A_302, %dma_start3A_315] : memref<2560x125xi32, #tpu.memory_space<hbm>> -> memref<16x125xi32, #tpu.memory_space<hbm>>
          tpu.enqueue_dma source(%dma_start3A_316 : memref<16x125xi32, #tpu.memory_space<hbm>>) target(%dma_start3A_314 : memref<16x125xi32, #tpu.memory_space<vmem>>) target_semaphore(%arg13 : memref<!tpu.dma_semaphore, #tpu.memory_space<semaphore_mem>>)
          %sub3A_317 = arith.constant 1 : i32
          %sub3A_318 = arith.subi %sub3A_317, %rem3A_268 : i32
          %dma_start3A_319 = arith.constant 0 : i32
          %dma_start3A_320 = arith.constant 0 : i32
          %dma_start3A_321 = tpu.memref_slice %arg7[%sub3A_318, %dma_start3A_319, %dma_start3A_320] : memref<2x16x125xi32, #tpu.memory_space<vmem>> -> memref<1x16x125xi32, #tpu.memory_space<vmem>>
          %dma_start3A_322 = tpu.memref_squeeze %dma_start3A_321 : memref<1x16x125xi32, #tpu.memory_space<vmem>> -> memref<16x125xi32, #tpu.memory_space<vmem>>
          %dma_start3A_323 = arith.constant 0 : i32
          %dma_start3A_324 = tpu.memref_slice %arg4[%add3A_302, %dma_start3A_323] : memref<2560x125xi32, #tpu.memory_space<hbm>> -> memref<16x125xi32, #tpu.memory_space<hbm>>
          %dma_start3A_325 = arith.constant 0 : i32
          %dma_start3A_326 = arith.constant 0 : i32
          %dma_start3A_327 = tpu.memref_slice %arg7[%sub3A_318, %dma_start3A_325, %dma_start3A_326] : memref<2x16x125xi32, #tpu.memory_space<vmem>> -> memref<1x16x125xi32, #tpu.memory_space<vmem>>
          %dma_start3A_328 = tpu.memref_squeeze %dma_start3A_327 : memref<1x16x125xi32, #tpu.memory_space<vmem>> -> memref<16x125xi32, #tpu.memory_space<vmem>>
          %dma_start3A_329 = arith.constant 0 : i32
          %dma_start3A_330 = tpu.memref_slice %arg4[%add3A_302, %dma_start3A_329] : memref<2560x125xi32, #tpu.memory_space<hbm>> -> memref<16x125xi32, #tpu.memory_space<hbm>>
          tpu.enqueue_dma source(%dma_start3A_330 : memref<16x125xi32, #tpu.memory_space<hbm>>) target(%dma_start3A_328 : memref<16x125xi32, #tpu.memory_space<vmem>>) target_semaphore(%arg13 : memref<!tpu.dma_semaphore, #tpu.memory_space<semaphore_mem>>)
        } else {
        }
        %dma_start3A_286 = arith.constant 0 : i32
        %dma_start3A_287 = arith.constant 0 : i32
        %dma_start3A_288 = tpu.memref_slice %arg8[%cond3A_188, %dma_start3A_286, %dma_start3A_287] : memref<2x125x128xf32, #tpu.memory_space<vmem>> -> memref<1x125x128xf32, #tpu.memory_space<vmem>>
        %dma_start3A_289 = tpu.memref_squeeze %dma_start3A_288 : memref<1x125x128xf32, #tpu.memory_space<vmem>> -> memref<125x128xf32, #tpu.memory_space<vmem>>
        %dma_start3A_290 = arith.constant 0 : i32
        %dma_start3A_291 = tpu.memref_slice %arg6[%rem3A_268, %rem3A_270, %dma_start3A_290] : memref<2x16x125xi32, #tpu.memory_space<vmem>> -> memref<1x1x125xi32, #tpu.memory_space<vmem>>
        %dma_start3A_292 = tpu.memref_squeeze %dma_start3A_291 : memref<1x1x125xi32, #tpu.memory_space<vmem>> -> memref<125xi32, #tpu.memory_space<vmem>>
        %dma_start3A_293 = arith.constant 0 : i32
        %dma_start3A_294 = arith.constant 0 : i32
        %dma_start3A_295 = tpu.memref_slice %arg2[%dma_start3A_293, %dma_start3A_294] : memref<10000x128xf32, #tpu.memory_space<hbm>> -> memref<10000x128xf32, #tpu.memory_space<hbm>>
        tpu.enqueue_indirect_dma source(%dma_start3A_295 : memref<10000x128xf32, #tpu.memory_space<hbm>>) target(%dma_start3A_289 : memref<125x128xf32, #tpu.memory_space<vmem>>) offsets(%dma_start3A_292 : memref<125xi32, #tpu.memory_space<vmem>>) semaphore(%arg11 : memref<!tpu.dma_semaphore, #tpu.memory_space<semaphore_mem>>)
      } else {
      }
      %mul3A_191 = arith.constant 2 : i32
      %mul3A_192 = arith.muli %scan3A_146, %mul3A_191 : i32
      %add3A_193 = arith.constant 1 : i32
      %add3A_194 = arith.addi %mul3A_192, %add3A_193 : i32
      %jit3A_195 = arith.constant 16 : i32
      %div3A_196 = arith.divsi %add3A_194, %jit3A_195 : i32
      %sign3A_197 = arith.constant 0 : i32
      %sign3A_198 = arith.cmpi sgt, %add3A_194, %sign3A_197 : i32
      %sign3A_199 = arith.extui %sign3A_198 : i1 to i32
      %sign3A_200 = arith.constant 0 : i32
      %sign3A_201 = arith.cmpi slt, %add3A_194, %sign3A_200 : i32
      %sign3A_202 = arith.extui %sign3A_201 : i1 to i32
      %sign3A_203 = arith.subi %sign3A_199, %sign3A_202 : i32
      %sign3A_204 = arith.constant 0 : i32
      %sign3A_205 = arith.cmpi sgt, %jit3A_195, %sign3A_204 : i32
      %sign3A_206 = arith.extui %sign3A_205 : i1 to i32
      %sign3A_207 = arith.constant 0 : i32
      %sign3A_208 = arith.cmpi slt, %jit3A_195, %sign3A_207 : i32
      %sign3A_209 = arith.extui %sign3A_208 : i1 to i32
      %sign3A_210 = arith.subi %sign3A_206, %sign3A_209 : i32
      %ne3A_211 = arith.cmpi ne, %sign3A_203, %sign3A_210 : i32
      %rem3A_212 = arith.remsi %add3A_194, %jit3A_195 : i32
      %ne3A_213 = arith.constant 0 : i32
      %ne3A_214 = arith.cmpi ne, %rem3A_212, %ne3A_213 : i32
      %and3A_215 = arith.andi %ne3A_211, %ne3A_214 : i1
      %sub3A_216 = arith.constant 1 : i32
      %sub3A_217 = arith.subi %div3A_196, %sub3A_216 : i32
      %select_n3A_218 = arith.select %and3A_215, %sub3A_217, %div3A_196 : i32
      %rem3A_219 = arith.constant 2 : i32
      %rem3A_220 = arith.remsi %select_n3A_218, %rem3A_219 : i32
      %rem3A_221 = arith.constant 16 : i32
      %rem3A_222 = arith.remsi %add3A_194, %rem3A_221 : i32
      %dma_wait3A_223 = arith.constant 1 : i32
      %dma_wait3A_224 = arith.constant 0 : i32
      %dma_wait3A_225 = arith.constant 0 : i32
      %dma_wait3A_226 = tpu.memref_slice %arg8[%dma_wait3A_223, %dma_wait3A_224, %dma_wait3A_225] : memref<2x125x128xf32, #tpu.memory_space<vmem>> -> memref<1x125x128xf32, #tpu.memory_space<vmem>>
      %dma_wait3A_227 = tpu.memref_squeeze %dma_wait3A_226 : memref<1x125x128xf32, #tpu.memory_space<vmem>> -> memref<125x128xf32, #tpu.memory_space<vmem>>
      %dma_wait3A_228 = arith.constant 0 : i32
      %dma_wait3A_229 = tpu.memref_slice %arg6[%rem3A_220, %rem3A_222, %dma_wait3A_228] : memref<2x16x125xi32, #tpu.memory_space<vmem>> -> memref<1x1x125xi32, #tpu.memory_space<vmem>>
      %dma_wait3A_230 = tpu.memref_squeeze %dma_wait3A_229 : memref<1x1x125xi32, #tpu.memory_space<vmem>> -> memref<125xi32, #tpu.memory_space<vmem>>
      %dma_wait3A_231 = arith.constant 0 : i32
      %dma_wait3A_232 = arith.constant 0 : i32
      %dma_wait3A_233 = tpu.memref_slice %arg2[%dma_wait3A_231, %dma_wait3A_232] : memref<10000x128xf32, #tpu.memory_space<hbm>> -> memref<10000x128xf32, #tpu.memory_space<hbm>>
      tpu.wait_indirect_dma semaphore(%arg12 : memref<!tpu.dma_semaphore, #tpu.memory_space<semaphore_mem>>) src(%dma_wait3A_233 : memref<10000x128xf32, #tpu.memory_space<hbm>>) dst(%dma_wait3A_227 : memref<125x128xf32, #tpu.memory_space<vmem>>)
      %run_scoped3A_234 = arith.constant 1 : i32
      "tpu.region"() ({
        %run_scoped3A_243 = tpu.sem_alloc : memref<!tpu.dma_semaphore, #tpu.memory_space<semaphore_mem>>
        %dma_start3A_244 = arith.constant 0 : i32
        %dma_start3A_245 = arith.constant 0 : i32
        %dma_start3A_246 = tpu.memref_slice %arg8[%run_scoped3A_234, %dma_start3A_244, %dma_start3A_245] : memref<2x125x128xf32, #tpu.memory_space<vmem>> -> memref<1x125x128xf32, #tpu.memory_space<vmem>>
        %dma_start3A_247 = tpu.memref_squeeze %dma_start3A_246 : memref<1x125x128xf32, #tpu.memory_space<vmem>> -> memref<125x128xf32, #tpu.memory_space<vmem>>
        %dma_start3A_248 = arith.constant 0 : i32
        %dma_start3A_249 = tpu.memref_slice %arg7[%rem3A_220, %rem3A_222, %dma_start3A_248] : memref<2x16x125xi32, #tpu.memory_space<vmem>> -> memref<1x1x125xi32, #tpu.memory_space<vmem>>
        %dma_start3A_250 = tpu.memref_squeeze %dma_start3A_249 : memref<1x1x125xi32, #tpu.memory_space<vmem>> -> memref<125xi32, #tpu.memory_space<vmem>>
        %dma_start3A_251 = arith.constant 0 : i32
        %dma_start3A_252 = arith.constant 0 : i32
        %dma_start3A_253 = tpu.memref_slice %arg10[%dma_start3A_251, %dma_start3A_252] : memref<10000x128xf32, #tpu.memory_space<vmem_shared>> -> memref<10000x128xf32, #tpu.memory_space<vmem_shared>>
        tpu.enqueue_indirect_dma source(%dma_start3A_247 : memref<125x128xf32, #tpu.memory_space<vmem>>) target(%dma_start3A_253 : memref<10000x128xf32, #tpu.memory_space<vmem_shared>>) offsets(%dma_start3A_250 : memref<125xi32, #tpu.memory_space<vmem>>) semaphore(%run_scoped3A_243 : memref<!tpu.dma_semaphore, #tpu.memory_space<semaphore_mem>>) {add = true}
        %dma_wait3A_254 = arith.constant 0 : i32
        %dma_wait3A_255 = arith.constant 0 : i32
        %dma_wait3A_256 = tpu.memref_slice %arg8[%run_scoped3A_234, %dma_wait3A_254, %dma_wait3A_255] : memref<2x125x128xf32, #tpu.memory_space<vmem>> -> memref<1x125x128xf32, #tpu.memory_space<vmem>>
        %dma_wait3A_257 = tpu.memref_squeeze %dma_wait3A_256 : memref<1x125x128xf32, #tpu.memory_space<vmem>> -> memref<125x128xf32, #tpu.memory_space<vmem>>
        %dma_wait3A_258 = arith.constant 0 : i32
        %dma_wait3A_259 = tpu.memref_slice %arg7[%rem3A_220, %rem3A_222, %dma_wait3A_258] : memref<2x16x125xi32, #tpu.memory_space<vmem>> -> memref<1x1x125xi32, #tpu.memory_space<vmem>>
        %dma_wait3A_260 = tpu.memref_squeeze %dma_wait3A_259 : memref<1x1x125xi32, #tpu.memory_space<vmem>> -> memref<125xi32, #tpu.memory_space<vmem>>
        %dma_wait3A_261 = arith.constant 0 : i32
        %dma_wait3A_262 = arith.constant 0 : i32
        %dma_wait3A_263 = tpu.memref_slice %arg10[%dma_wait3A_261, %dma_wait3A_262] : memref<10000x128xf32, #tpu.memory_space<vmem_shared>> -> memref<10000x128xf32, #tpu.memory_space<vmem_shared>>
        tpu.wait_indirect_dma semaphore(%run_scoped3A_243 : memref<!tpu.dma_semaphore, #tpu.memory_space<semaphore_mem>>) src(%dma_wait3A_257 : memref<125x128xf32, #tpu.memory_space<vmem>>) dst(%dma_wait3A_263 : memref<10000x128xf32, #tpu.memory_space<vmem_shared>>)
        tpu.yield
      }) : () -> ()
      %add3A_235 = arith.constant 2 : i32
      %add3A_236 = arith.addi %add3A_194, %add3A_235 : i32
      %lt3A_237 = arith.constant 80 : i32
      %lt3A_238 = arith.cmpi slt, %add3A_236, %lt3A_237 : i32
      %convert_element_type3A_239 = arith.extui %lt3A_238 : i1 to i32
      %cond3A_240 = arith.constant 1 : i32
      %cond3A_241 = arith.constant 0 : i32
      %cond3A_242 = arith.cmpi ne, %convert_element_type3A_239, %cond3A_241 : i32
      scf.if %cond3A_242 {
        %jit3A_243 = arith.constant 16 : i32
        %div3A_244 = arith.divsi %add3A_236, %jit3A_243 : i32
        %sign3A_245 = arith.constant 0 : i32
        %sign3A_246 = arith.cmpi sgt, %add3A_236, %sign3A_245 : i32
        %sign3A_247 = arith.extui %sign3A_246 : i1 to i32
        %sign3A_248 = arith.constant 0 : i32
        %sign3A_249 = arith.cmpi slt, %add3A_236, %sign3A_248 : i32
        %sign3A_250 = arith.extui %sign3A_249 : i1 to i32
        %sign3A_251 = arith.subi %sign3A_247, %sign3A_250 : i32
        %sign3A_252 = arith.constant 0 : i32
        %sign3A_253 = arith.cmpi sgt, %jit3A_243, %sign3A_252 : i32
        %sign3A_254 = arith.extui %sign3A_253 : i1 to i32
        %sign3A_255 = arith.constant 0 : i32
        %sign3A_256 = arith.cmpi slt, %jit3A_243, %sign3A_255 : i32
        %sign3A_257 = arith.extui %sign3A_256 : i1 to i32
        %sign3A_258 = arith.subi %sign3A_254, %sign3A_257 : i32
        %ne3A_259 = arith.cmpi ne, %sign3A_251, %sign3A_258 : i32
        %rem3A_260 = arith.remsi %add3A_236, %jit3A_243 : i32
        %ne3A_261 = arith.constant 0 : i32
        %ne3A_262 = arith.cmpi ne, %rem3A_260, %ne3A_261 : i32
        %and3A_263 = arith.andi %ne3A_259, %ne3A_262 : i1
        %sub3A_264 = arith.constant 1 : i32
        %sub3A_265 = arith.subi %div3A_244, %sub3A_264 : i32
        %select_n3A_266 = arith.select %and3A_263, %sub3A_265, %div3A_244 : i32
        %rem3A_267 = arith.constant 2 : i32
        %rem3A_268 = arith.remsi %select_n3A_266, %rem3A_267 : i32
        %rem3A_269 = arith.constant 16 : i32
        %rem3A_270 = arith.remsi %add3A_236, %rem3A_269 : i32
        %eq3A_271 = arith.constant 0 : i32
        %eq3A_272 = arith.cmpi eq, %rem3A_270, %eq3A_271 : i32
        %convert_element_type3A_273 = arith.extui %eq3A_272 : i1 to i32
        %cond3A_274 = arith.constant 0 : i32
        %cond3A_275 = arith.cmpi ne, %convert_element_type3A_273, %cond3A_274 : i32
        scf.if %cond3A_275 {
          %dma_wait3A_296 = arith.constant 0 : i32
          %dma_wait3A_297 = arith.constant 0 : i32
          %dma_wait3A_298 = tpu.memref_slice %arg6[%rem3A_268, %dma_wait3A_296, %dma_wait3A_297] : memref<2x16x125xi32, #tpu.memory_space<vmem>> -> memref<1x16x125xi32, #tpu.memory_space<vmem>>
          %dma_wait3A_299 = tpu.memref_squeeze %dma_wait3A_298 : memref<1x16x125xi32, #tpu.memory_space<vmem>> -> memref<16x125xi32, #tpu.memory_space<vmem>>
          %dma_wait3A_300 = arith.constant 0 : i32
          %dma_wait3A_301 = arith.constant 0 : i32
          %dma_wait3A_302 = tpu.memref_slice %arg3[%dma_wait3A_300, %dma_wait3A_301] : memref<2560x125xi32, #tpu.memory_space<hbm>> -> memref<16x125xi32, #tpu.memory_space<hbm>>
          %dma_wait3A_303 = arith.constant 0 : i32
          %dma_wait3A_304 = arith.constant 0 : i32
          %dma_wait3A_305 = tpu.memref_slice %arg6[%rem3A_268, %dma_wait3A_303, %dma_wait3A_304] : memref<2x16x125xi32, #tpu.memory_space<vmem>> -> memref<1x16x125xi32, #tpu.memory_space<vmem>>
          %dma_wait3A_306 = tpu.memref_squeeze %dma_wait3A_305 : memref<1x16x125xi32, #tpu.memory_space<vmem>> -> memref<16x125xi32, #tpu.memory_space<vmem>>
          %dma_wait3A_307 = arith.constant 0 : i32
          %dma_wait3A_308 = arith.constant 0 : i32
          %dma_wait3A_309 = tpu.memref_slice %arg3[%dma_wait3A_307, %dma_wait3A_308] : memref<2560x125xi32, #tpu.memory_space<hbm>> -> memref<16x125xi32, #tpu.memory_space<hbm>>
          tpu.wait_dma2 semaphore(%arg13 : memref<!tpu.dma_semaphore, #tpu.memory_space<semaphore_mem>>) src(%dma_wait3A_309 : memref<16x125xi32, #tpu.memory_space<hbm>>) dst(%dma_wait3A_306 : memref<16x125xi32, #tpu.memory_space<vmem>>)
          %dma_wait3A_310 = arith.constant 0 : i32
          %dma_wait3A_311 = arith.constant 0 : i32
          %dma_wait3A_312 = tpu.memref_slice %arg7[%rem3A_268, %dma_wait3A_310, %dma_wait3A_311] : memref<2x16x125xi32, #tpu.memory_space<vmem>> -> memref<1x16x125xi32, #tpu.memory_space<vmem>>
          %dma_wait3A_313 = tpu.memref_squeeze %dma_wait3A_312 : memref<1x16x125xi32, #tpu.memory_space<vmem>> -> memref<16x125xi32, #tpu.memory_space<vmem>>
          %dma_wait3A_314 = arith.constant 0 : i32
          %dma_wait3A_315 = arith.constant 0 : i32
          %dma_wait3A_316 = tpu.memref_slice %arg4[%dma_wait3A_314, %dma_wait3A_315] : memref<2560x125xi32, #tpu.memory_space<hbm>> -> memref<16x125xi32, #tpu.memory_space<hbm>>
          %dma_wait3A_317 = arith.constant 0 : i32
          %dma_wait3A_318 = arith.constant 0 : i32
          %dma_wait3A_319 = tpu.memref_slice %arg7[%rem3A_268, %dma_wait3A_317, %dma_wait3A_318] : memref<2x16x125xi32, #tpu.memory_space<vmem>> -> memref<1x16x125xi32, #tpu.memory_space<vmem>>
          %dma_wait3A_320 = tpu.memref_squeeze %dma_wait3A_319 : memref<1x16x125xi32, #tpu.memory_space<vmem>> -> memref<16x125xi32, #tpu.memory_space<vmem>>
          %dma_wait3A_321 = arith.constant 0 : i32
          %dma_wait3A_322 = arith.constant 0 : i32
          %dma_wait3A_323 = tpu.memref_slice %arg4[%dma_wait3A_321, %dma_wait3A_322] : memref<2560x125xi32, #tpu.memory_space<hbm>> -> memref<16x125xi32, #tpu.memory_space<hbm>>
          tpu.wait_dma2 semaphore(%arg13 : memref<!tpu.dma_semaphore, #tpu.memory_space<semaphore_mem>>) src(%dma_wait3A_323 : memref<16x125xi32, #tpu.memory_space<hbm>>) dst(%dma_wait3A_320 : memref<16x125xi32, #tpu.memory_space<vmem>>)
        } else {
        }
        %eq3A_276 = arith.constant 1 : i32
        %eq3A_277 = arith.cmpi eq, %rem3A_270, %eq3A_276 : i32
        %add3A_278 = arith.constant 1 : i32
        %add3A_279 = arith.addi %select_n3A_266, %add3A_278 : i32
        %lt3A_280 = arith.constant 5 : i32
        %lt3A_281 = arith.cmpi slt, %add3A_279, %lt3A_280 : i32
        %and3A_282 = arith.andi %eq3A_277, %lt3A_281 : i1
        %convert_element_type3A_283 = arith.extui %and3A_282 : i1 to i32
        %cond3A_284 = arith.constant 0 : i32
        %cond3A_285 = arith.cmpi ne, %convert_element_type3A_283, %cond3A_284 : i32
        scf.if %cond3A_285 {
          %mul3A_296 = arith.constant 80 : i32
          %mul3A_297 = arith.muli %add3A, %mul3A_296 : i32
          %add3A_298 = arith.constant 1 : i32
          %add3A_299 = arith.addi %select_n3A_266, %add3A_298 : i32
          %mul3A_300 = arith.constant 16 : i32
          %mul3A_301 = arith.muli %add3A_299, %mul3A_300 : i32
          %add3A_302 = arith.addi %mul3A_297, %mul3A_301 : i32
          %sub3A_303 = arith.constant 1 : i32
          %sub3A_304 = arith.subi %sub3A_303, %rem3A_268 : i32
          %dma_start3A_305 = arith.constant 0 : i32
          %dma_start3A_306 = arith.constant 0 : i32
          %dma_start3A_307 = tpu.memref_slice %arg6[%sub3A_304, %dma_start3A_305, %dma_start3A_306] : memref<2x16x125xi32, #tpu.memory_space<vmem>> -> memref<1x16x125xi32, #tpu.memory_space<vmem>>
          %dma_start3A_308 = tpu.memref_squeeze %dma_start3A_307 : memref<1x16x125xi32, #tpu.memory_space<vmem>> -> memref<16x125xi32, #tpu.memory_space<vmem>>
          %dma_start3A_309 = arith.constant 0 : i32
          %dma_start3A_310 = tpu.memref_slice %arg3[%add3A_302, %dma_start3A_309] : memref<2560x125xi32, #tpu.memory_space<hbm>> -> memref<16x125xi32, #tpu.memory_space<hbm>>
          %dma_start3A_311 = arith.constant 0 : i32
          %dma_start3A_312 = arith.constant 0 : i32
          %dma_start3A_313 = tpu.memref_slice %arg6[%sub3A_304, %dma_start3A_311, %dma_start3A_312] : memref<2x16x125xi32, #tpu.memory_space<vmem>> -> memref<1x16x125xi32, #tpu.memory_space<vmem>>
          %dma_start3A_314 = tpu.memref_squeeze %dma_start3A_313 : memref<1x16x125xi32, #tpu.memory_space<vmem>> -> memref<16x125xi32, #tpu.memory_space<vmem>>
          %dma_start3A_315 = arith.constant 0 : i32
          %dma_start3A_316 = tpu.memref_slice %arg3[%add3A_302, %dma_start3A_315] : memref<2560x125xi32, #tpu.memory_space<hbm>> -> memref<16x125xi32, #tpu.memory_space<hbm>>
          tpu.enqueue_dma source(%dma_start3A_316 : memref<16x125xi32, #tpu.memory_space<hbm>>) target(%dma_start3A_314 : memref<16x125xi32, #tpu.memory_space<vmem>>) target_semaphore(%arg13 : memref<!tpu.dma_semaphore, #tpu.memory_space<semaphore_mem>>)
          %sub3A_317 = arith.constant 1 : i32
          %sub3A_318 = arith.subi %sub3A_317, %rem3A_268 : i32
          %dma_start3A_319 = arith.constant 0 : i32
          %dma_start3A_320 = arith.constant 0 : i32
          %dma_start3A_321 = tpu.memref_slice %arg7[%sub3A_318, %dma_start3A_319, %dma_start3A_320] : memref<2x16x125xi32, #tpu.memory_space<vmem>> -> memref<1x16x125xi32, #tpu.memory_space<vmem>>
          %dma_start3A_322 = tpu.memref_squeeze %dma_start3A_321 : memref<1x16x125xi32, #tpu.memory_space<vmem>> -> memref<16x125xi32, #tpu.memory_space<vmem>>
          %dma_start3A_323 = arith.constant 0 : i32
          %dma_start3A_324 = tpu.memref_slice %arg4[%add3A_302, %dma_start3A_323] : memref<2560x125xi32, #tpu.memory_space<hbm>> -> memref<16x125xi32, #tpu.memory_space<hbm>>
          %dma_start3A_325 = arith.constant 0 : i32
          %dma_start3A_326 = arith.constant 0 : i32
          %dma_start3A_327 = tpu.memref_slice %arg7[%sub3A_318, %dma_start3A_325, %dma_start3A_326] : memref<2x16x125xi32, #tpu.memory_space<vmem>> -> memref<1x16x125xi32, #tpu.memory_space<vmem>>
          %dma_start3A_328 = tpu.memref_squeeze %dma_start3A_327 : memref<1x16x125xi32, #tpu.memory_space<vmem>> -> memref<16x125xi32, #tpu.memory_space<vmem>>
          %dma_start3A_329 = arith.constant 0 : i32
          %dma_start3A_330 = tpu.memref_slice %arg4[%add3A_302, %dma_start3A_329] : memref<2560x125xi32, #tpu.memory_space<hbm>> -> memref<16x125xi32, #tpu.memory_space<hbm>>
          tpu.enqueue_dma source(%dma_start3A_330 : memref<16x125xi32, #tpu.memory_space<hbm>>) target(%dma_start3A_328 : memref<16x125xi32, #tpu.memory_space<vmem>>) target_semaphore(%arg13 : memref<!tpu.dma_semaphore, #tpu.memory_space<semaphore_mem>>)
        } else {
        }
        %dma_start3A_286 = arith.constant 0 : i32
        %dma_start3A_287 = arith.constant 0 : i32
        %dma_start3A_288 = tpu.memref_slice %arg8[%cond3A_240, %dma_start3A_286, %dma_start3A_287] : memref<2x125x128xf32, #tpu.memory_space<vmem>> -> memref<1x125x128xf32, #tpu.memory_space<vmem>>
        %dma_start3A_289 = tpu.memref_squeeze %dma_start3A_288 : memref<1x125x128xf32, #tpu.memory_space<vmem>> -> memref<125x128xf32, #tpu.memory_space<vmem>>
        %dma_start3A_290 = arith.constant 0 : i32
        %dma_start3A_291 = tpu.memref_slice %arg6[%rem3A_268, %rem3A_270, %dma_start3A_290] : memref<2x16x125xi32, #tpu.memory_space<vmem>> -> memref<1x1x125xi32, #tpu.memory_space<vmem>>
        %dma_start3A_292 = tpu.memref_squeeze %dma_start3A_291 : memref<1x1x125xi32, #tpu.memory_space<vmem>> -> memref<125xi32, #tpu.memory_space<vmem>>
        %dma_start3A_293 = arith.constant 0 : i32
        %dma_start3A_294 = arith.constant 0 : i32
        %dma_start3A_295 = tpu.memref_slice %arg2[%dma_start3A_293, %dma_start3A_294] : memref<10000x128xf32, #tpu.memory_space<hbm>> -> memref<10000x128xf32, #tpu.memory_space<hbm>>
        tpu.enqueue_indirect_dma source(%dma_start3A_295 : memref<10000x128xf32, #tpu.memory_space<hbm>>) target(%dma_start3A_289 : memref<125x128xf32, #tpu.memory_space<vmem>>) offsets(%dma_start3A_292 : memref<125xi32, #tpu.memory_space<vmem>>) semaphore(%arg12 : memref<!tpu.dma_semaphore, #tpu.memory_space<semaphore_mem>>)
      } else {
      }
    }
    %scan3A_134 = arith.constant 40 : i32
    %barrier3A_135 = arith.constant 0 : index
    tpu.barrier barrier_id(%barrier3A_135)
    %lt3A_136 = arith.constant 15 : i32
    %lt3A_137 = arith.cmpi slt, %arg1, %lt3A_136 : i32
    %convert_element_type3A_138 = arith.extui %lt3A_137 : i1 to i32
    %cond3A_139 = arith.constant 0 : i32
    %cond3A_140 = arith.cmpi ne, %convert_element_type3A_138, %cond3A_139 : i32
    scf.if %cond3A_140 {
      %mul3A_146 = arith.constant 624 : i32
      %mul3A_147 = arith.muli %arg1, %mul3A_146 : i32
      %mul3A_148 = arith.constant 624 : i32
      %mul3A_149 = arith.muli %arg1, %mul3A_148 : i32
      "tpu.region"() ({
        %run_scoped3A = tpu.sem_alloc : memref<!tpu.dma_semaphore, #tpu.memory_space<semaphore_mem>>
        %dma_start3A_150 = arith.constant 0 : i32
        %dma_start3A_151 = tpu.memref_slice %arg5[%arg0, %mul3A_149, %dma_start3A_150] : memref<2x10000x128xf32, #tpu.memory_space<hbm>> -> memref<1x624x128xf32, #tpu.memory_space<hbm>>
        %dma_start3A_152 = tpu.memref_squeeze %dma_start3A_151 : memref<1x624x128xf32, #tpu.memory_space<hbm>> -> memref<624x128xf32, #tpu.memory_space<hbm>>
        %dma_start3A_153 = arith.constant 0 : i32
        %dma_start3A_154 = tpu.memref_slice %arg10[%mul3A_147, %dma_start3A_153] : memref<10000x128xf32, #tpu.memory_space<vmem_shared>> -> memref<624x128xf32, #tpu.memory_space<vmem_shared>>
        tpu.enqueue_dma source(%dma_start3A_154 : memref<624x128xf32, #tpu.memory_space<vmem_shared>>) target(%dma_start3A_152 : memref<624x128xf32, #tpu.memory_space<hbm>>) target_semaphore(%run_scoped3A : memref<!tpu.dma_semaphore, #tpu.memory_space<semaphore_mem>>)
        %dma_wait3A_155 = arith.constant 0 : i32
        %dma_wait3A_156 = tpu.memref_slice %arg5[%arg0, %mul3A_149, %dma_wait3A_155] : memref<2x10000x128xf32, #tpu.memory_space<hbm>> -> memref<1x624x128xf32, #tpu.memory_space<hbm>>
        %dma_wait3A_157 = tpu.memref_squeeze %dma_wait3A_156 : memref<1x624x128xf32, #tpu.memory_space<hbm>> -> memref<624x128xf32, #tpu.memory_space<hbm>>
        %dma_wait3A_158 = arith.constant 0 : i32
        %dma_wait3A_159 = tpu.memref_slice %arg10[%mul3A_147, %dma_wait3A_158] : memref<10000x128xf32, #tpu.memory_space<vmem_shared>> -> memref<624x128xf32, #tpu.memory_space<vmem_shared>>
        tpu.wait_dma2 semaphore(%run_scoped3A : memref<!tpu.dma_semaphore, #tpu.memory_space<semaphore_mem>>) src(%dma_wait3A_159 : memref<624x128xf32, #tpu.memory_space<vmem_shared>>) dst(%dma_wait3A_157 : memref<624x128xf32, #tpu.memory_space<hbm>>)
        tpu.yield
      }) : () -> ()
    } else {
    }
    %eq3A_141 = arith.constant 15 : i32
    %eq3A_142 = arith.cmpi eq, %arg1, %eq3A_141 : i32
    %convert_element_type3A_143 = arith.extui %eq3A_142 : i1 to i32
    %cond3A_144 = arith.constant 0 : i32
    %cond3A_145 = arith.cmpi ne, %convert_element_type3A_143, %cond3A_144 : i32
    scf.if %cond3A_145 {
      "tpu.region"() ({
        %run_scoped3A = tpu.sem_alloc : memref<!tpu.dma_semaphore, #tpu.memory_space<semaphore_mem>>
        %dma_start3A_146 = arith.constant 9360 : i32
        %dma_start3A_147 = arith.constant 0 : i32
        %dma_start3A_148 = tpu.memref_slice %arg5[%arg0, %dma_start3A_146, %dma_start3A_147] : memref<2x10000x128xf32, #tpu.memory_space<hbm>> -> memref<1x640x128xf32, #tpu.memory_space<hbm>>
        %dma_start3A_149 = tpu.memref_squeeze %dma_start3A_148 : memref<1x640x128xf32, #tpu.memory_space<hbm>> -> memref<640x128xf32, #tpu.memory_space<hbm>>
        %dma_start3A_150 = arith.constant 9360 : i32
        %dma_start3A_151 = arith.constant 0 : i32
        %dma_start3A_152 = tpu.memref_slice %arg10[%dma_start3A_150, %dma_start3A_151] : memref<10000x128xf32, #tpu.memory_space<vmem_shared>> -> memref<640x128xf32, #tpu.memory_space<vmem_shared>>
        tpu.enqueue_dma source(%dma_start3A_152 : memref<640x128xf32, #tpu.memory_space<vmem_shared>>) target(%dma_start3A_149 : memref<640x128xf32, #tpu.memory_space<hbm>>) target_semaphore(%run_scoped3A : memref<!tpu.dma_semaphore, #tpu.memory_space<semaphore_mem>>)
        %dma_wait3A_153 = arith.constant 9360 : i32
        %dma_wait3A_154 = arith.constant 0 : i32
        %dma_wait3A_155 = tpu.memref_slice %arg5[%arg0, %dma_wait3A_153, %dma_wait3A_154] : memref<2x10000x128xf32, #tpu.memory_space<hbm>> -> memref<1x640x128xf32, #tpu.memory_space<hbm>>
        %dma_wait3A_156 = tpu.memref_squeeze %dma_wait3A_155 : memref<1x640x128xf32, #tpu.memory_space<hbm>> -> memref<640x128xf32, #tpu.memory_space<hbm>>
        %dma_wait3A_157 = arith.constant 9360 : i32
        %dma_wait3A_158 = arith.constant 0 : i32
        %dma_wait3A_159 = tpu.memref_slice %arg10[%dma_wait3A_157, %dma_wait3A_158] : memref<10000x128xf32, #tpu.memory_space<vmem_shared>> -> memref<640x128xf32, #tpu.memory_space<vmem_shared>>
        tpu.wait_dma2 semaphore(%run_scoped3A : memref<!tpu.dma_semaphore, #tpu.memory_space<semaphore_mem>>) src(%dma_wait3A_159 : memref<640x128xf32, #tpu.memory_space<vmem_shared>>) dst(%dma_wait3A_156 : memref<640x128xf32, #tpu.memory_space<hbm>>)
        tpu.yield
      }) : () -> ()
    } else {
    }
    return
  }
}

module attributes {stable_mosaic.version = 14 : i64} {
  func.func @_mlp_body(%arg0: i32, %arg1: i32, %arg2: memref<5000x128xf32, #tpu.memory_space<vmem>>, %arg3: memref<5000x128xf32, #tpu.memory_space<vmem>>, %arg4: memref<128x128xf32, #tpu.memory_space<vmem>>, %arg5: memref<1x128xf32, #tpu.memory_space<vmem>>, %arg6: memref<1x128xf32, #tpu.memory_space<vmem>>, %arg7: memref<1x128xf32, #tpu.memory_space<vmem>>, %arg8: memref<128x128xf32, #tpu.memory_space<vmem>>, %arg9: memref<1x128xf32, #tpu.memory_space<vmem>>, %arg10: memref<5000x128xf32, #tpu.memory_space<vmem>>, %arg11: memref<10000x128xf32, #tpu.memory_space<vmem>>, %arg12: memref<8x128xf32, #tpu.memory_space<vmem>>) attributes {dimension_semantics = [#tpu.dimension_semantics<arbitrary>, #tpu.dimension_semantics<arbitrary>], iteration_bounds = array<i64: 2, 2>, scalar_prefetch = 0 : i64, scratch_operands = 2 : i64, tpu.core_type = #tpu.core_type<tc>, window_params = [{transform_indices = @transform_0, window_bounds = array<i64: 5000, 128>}, {transform_indices = @transform_1, window_bounds = array<i64: 5000, 128>}, {pipeline_mode = #tpu.pipeline_mode<synchronous>, transform_indices = @transform_2, window_bounds = array<i64: 128, 128>}, {pipeline_mode = #tpu.pipeline_mode<synchronous>, transform_indices = @transform_3, window_bounds = array<i64: 1, 128>}, {pipeline_mode = #tpu.pipeline_mode<synchronous>, transform_indices = @transform_4, window_bounds = array<i64: 1, 128>}, {pipeline_mode = #tpu.pipeline_mode<synchronous>, transform_indices = @transform_5, window_bounds = array<i64: 1, 128>}, {pipeline_mode = #tpu.pipeline_mode<synchronous>, transform_indices = @transform_6, window_bounds = array<i64: 128, 128>}, {pipeline_mode = #tpu.pipeline_mode<synchronous>, transform_indices = @transform_7, window_bounds = array<i64: 1, 128>}, {transform_indices = @transform_8, window_bounds = array<i64: 5000, 128>}]} {
    %mul3A = arith.constant 5000 : i32
    %mul3A_0 = arith.muli %arg1, %mul3A : i32
    %multiple_of3A = tpu.assume_multiple %mul3A_0, 8 : i32
    %eq3A = arith.constant 0 : i32
    %eq3A_1 = arith.cmpi eq, %arg0, %eq3A : i32
    %convert_element_type3A = arith.extui %eq3A_1 : i1 to i32
    %cond3A = arith.constant 0 : i32
    %cond3A_2 = arith.cmpi ne, %convert_element_type3A, %cond3A : i32
    scf.if %cond3A_2 {
      %get3A = arith.constant 0 : index
      %get3A_8 = arith.constant 0 : index
      %get3A_9 = vector.load %arg2[%get3A, %get3A_8] : memref<5000x128xf32, #tpu.memory_space<vmem>>, vector<5000x128xf32>
      %get3A_10 = arith.constant 0 : index
      %get3A_11 = arith.constant 0 : index
      %get3A_12 = vector.load %arg3[%get3A_10, %get3A_11] : memref<5000x128xf32, #tpu.memory_space<vmem>>, vector<5000x128xf32>
      %add3A = arith.addf %get3A_9, %get3A_12 : vector<5000x128xf32>
      %get3A_13 = arith.constant 0 : index
      %get3A_14 = arith.constant 0 : index
      %get3A_15 = vector.load %arg4[%get3A_13, %get3A_14] : memref<128x128xf32, #tpu.memory_space<vmem>>, vector<128x128xf32>
      %dot_general3A = arith.constant dense<0.000000e+00> : vector<5000x128xf32>
      %dot_general3A_16 = tpu.matmul %add3A, %get3A_15, %dot_general3A {dimension_numbers = #tpu.dot_dimension_numbers<[1], [0], [0], [1], [0, 0, 1, 1], [], []>, transpose_lhs_hint = false} : vector<5000x128xf32>, vector<128x128xf32>, vector<5000x128xf32> -> vector<5000x128xf32>
      %get3A_17 = arith.constant 0 : index
      %get3A_18 = arith.constant 0 : index
      %get3A_19 = vector.load %arg5[%get3A_17, %get3A_18] : memref<1x128xf32, #tpu.memory_space<vmem>>, vector<1x128xf32>
      %add3A_20 = vector.broadcast %get3A_19 : vector<1x128xf32> to vector<5000x128xf32>
      %add3A_21 = arith.addf %dot_general3A_16, %add3A_20 : vector<5000x128xf32>
      %swap3A = arith.index_cast %multiple_of3A : i32 to index
      %swap3A_22 = arith.constant 0 : index
      %swap3A_23 = vector.load %arg11[%swap3A, %swap3A_22] : memref<10000x128xf32, #tpu.memory_space<vmem>>, vector<5000x128xf32>
      tpu.vector_store %arg11[%swap3A, %swap3A_22], %add3A_21 {strides = array<i32>} : memref<10000x128xf32, #tpu.memory_space<vmem>>, vector<5000x128xf32>,
      %eq3A_24 = arith.constant 0 : i32
      %eq3A_25 = arith.cmpi eq, %arg1, %eq3A_24 : i32
      %convert_element_type3A_26 = arith.extui %eq3A_25 : i1 to i32
      %cond3A_27 = arith.constant 0 : i32
      %cond3A_28 = arith.cmpi ne, %convert_element_type3A_26, %cond3A_27 : i32
      scf.if %cond3A_28 {
        %broadcast_in_dim3A_48 = arith.constant 0.000000e+00 : f32
        %broadcast_in_dim3A_49 = vector.broadcast %broadcast_in_dim3A_48 : f32 to vector<8x128xf32>
        %swap3A_50 = arith.constant 0 : index
        %swap3A_51 = arith.constant 0 : index
        %swap3A_52 = vector.load %arg12[%swap3A_50, %swap3A_51] : memref<8x128xf32, #tpu.memory_space<vmem>>, vector<8x128xf32>
        tpu.vector_store %arg12[%swap3A_50, %swap3A_51], %broadcast_in_dim3A_49 {strides = array<i32>} : memref<8x128xf32, #tpu.memory_space<vmem>>, vector<8x128xf32>,
      } else {
      }
      %get3A_29 = arith.constant 0 : index
      %get3A_30 = arith.constant 0 : index
      %get3A_31 = vector.load %arg12[%get3A_29, %get3A_30] : memref<8x128xf32, #tpu.memory_space<vmem>>, vector<1x128xf32>
      %reduce_sum3A = arith.constant dense<0.000000e+00> : vector<128xf32>
      %reduce_sum3A_32 = vector.multi_reduction <add>, %add3A_21, %reduce_sum3A [0] : vector<5000x128xf32> to vector<128xf32>
      %broadcast_in_dim3A = vector.shape_cast %reduce_sum3A_32 : vector<128xf32> to vector<1x128xf32>
      %add3A_33 = arith.addf %get3A_31, %broadcast_in_dim3A : vector<1x128xf32>
      %swap3A_34 = arith.constant 0 : index
      %swap3A_35 = arith.constant 0 : index
      %swap3A_36 = vector.load %arg12[%swap3A_34, %swap3A_35] : memref<8x128xf32, #tpu.memory_space<vmem>>, vector<1x128xf32>
      tpu.vector_store %arg12[%swap3A_34, %swap3A_35], %add3A_33 {strides = array<i32>} : memref<8x128xf32, #tpu.memory_space<vmem>>, vector<1x128xf32>,
      %get3A_37 = arith.constant 1 : index
      %get3A_38 = arith.constant 0 : index
      %get3A_39 = vector.load %arg12[%get3A_37, %get3A_38] : memref<8x128xf32, #tpu.memory_space<vmem>>, vector<1x128xf32>
      %mul3A_40 = arith.mulf %add3A_21, %add3A_21 : vector<5000x128xf32>
      %reduce_sum3A_41 = arith.constant dense<0.000000e+00> : vector<128xf32>
      %reduce_sum3A_42 = vector.multi_reduction <add>, %mul3A_40, %reduce_sum3A_41 [0] : vector<5000x128xf32> to vector<128xf32>
      %broadcast_in_dim3A_43 = vector.shape_cast %reduce_sum3A_42 : vector<128xf32> to vector<1x128xf32>
      %add3A_44 = arith.addf %get3A_39, %broadcast_in_dim3A_43 : vector<1x128xf32>
      %swap3A_45 = arith.constant 1 : index
      %swap3A_46 = arith.constant 0 : index
      %swap3A_47 = vector.load %arg12[%swap3A_45, %swap3A_46] : memref<8x128xf32, #tpu.memory_space<vmem>>, vector<1x128xf32>
      tpu.vector_store %arg12[%swap3A_45, %swap3A_46], %add3A_44 {strides = array<i32>} : memref<8x128xf32, #tpu.memory_space<vmem>>, vector<1x128xf32>,
    } else {
    }
    %eq3A_3 = arith.constant 1 : i32
    %eq3A_4 = arith.cmpi eq, %arg0, %eq3A_3 : i32
    %convert_element_type3A_5 = arith.extui %eq3A_4 : i1 to i32
    %cond3A_6 = arith.constant 0 : i32
    %cond3A_7 = arith.cmpi ne, %convert_element_type3A_5, %cond3A_6 : i32
    scf.if %cond3A_7 {
      %get3A = arith.constant 0 : index
      %get3A_8 = arith.constant 0 : index
      %get3A_9 = vector.load %arg12[%get3A, %get3A_8] : memref<8x128xf32, #tpu.memory_space<vmem>>, vector<1x128xf32>
      %div3A = arith.constant 1.000000e+04 : f32
      %div3A_10 = vector.broadcast %div3A : f32 to vector<1x128xf32>
      %div3A_11 = arith.divf %get3A_9, %div3A_10 : vector<1x128xf32>
      %get3A_12 = arith.constant 1 : index
      %get3A_13 = arith.constant 0 : index
      %get3A_14 = vector.load %arg12[%get3A_12, %get3A_13] : memref<8x128xf32, #tpu.memory_space<vmem>>, vector<1x128xf32>
      %div3A_15 = arith.constant 1.000000e+04 : f32
      %div3A_16 = vector.broadcast %div3A_15 : f32 to vector<1x128xf32>
      %div3A_17 = arith.divf %get3A_14, %div3A_16 : vector<1x128xf32>
      %mul3A_18 = arith.mulf %div3A_11, %div3A_11 : vector<1x128xf32>
      %sub3A = arith.subf %div3A_17, %mul3A_18 : vector<1x128xf32>
      %add3A = arith.constant 9.99999974E-6 : f32
      %add3A_19 = vector.broadcast %add3A : f32 to vector<1x128xf32>
      %add3A_20 = arith.addf %sub3A, %add3A_19 : vector<1x128xf32>
      %rsqrt3A = math.rsqrt %add3A_20 : vector<1x128xf32>
      %get3A_21 = arith.constant 0 : index
      %get3A_22 = arith.constant 0 : index
      %get3A_23 = vector.load %arg6[%get3A_21, %get3A_22] : memref<1x128xf32, #tpu.memory_space<vmem>>, vector<1x128xf32>
      %mul3A_24 = arith.mulf %rsqrt3A, %get3A_23 : vector<1x128xf32>
      %get3A_25 = arith.index_cast %multiple_of3A : i32 to index
      %get3A_26 = arith.constant 0 : index
      %get3A_27 = vector.load %arg11[%get3A_25, %get3A_26] : memref<10000x128xf32, #tpu.memory_space<vmem>>, vector<5000x128xf32>
      %sub3A_28 = vector.broadcast %div3A_11 : vector<1x128xf32> to vector<5000x128xf32>
      %sub3A_29 = arith.subf %get3A_27, %sub3A_28 : vector<5000x128xf32>
      %mul3A_30 = vector.broadcast %mul3A_24 : vector<1x128xf32> to vector<5000x128xf32>
      %mul3A_31 = arith.mulf %sub3A_29, %mul3A_30 : vector<5000x128xf32>
      %get3A_32 = arith.constant 0 : index
      %get3A_33 = arith.constant 0 : index
      %get3A_34 = vector.load %arg7[%get3A_32, %get3A_33] : memref<1x128xf32, #tpu.memory_space<vmem>>, vector<1x128xf32>
      %add3A_35 = vector.broadcast %get3A_34 : vector<1x128xf32> to vector<5000x128xf32>
      %add3A_36 = arith.addf %mul3A_31, %add3A_35 : vector<5000x128xf32>
      %max3A = arith.constant 0.000000e+00 : f32
      %max3A_37 = vector.broadcast %max3A : f32 to vector<5000x128xf32>
      %max3A_38 = arith.maximumf %add3A_36, %max3A_37 : vector<5000x128xf32>
      %get3A_39 = arith.constant 0 : index
      %get3A_40 = arith.constant 0 : index
      %get3A_41 = vector.load %arg8[%get3A_39, %get3A_40] : memref<128x128xf32, #tpu.memory_space<vmem>>, vector<128x128xf32>
      %dot_general3A = arith.constant dense<0.000000e+00> : vector<5000x128xf32>
      %dot_general3A_42 = tpu.matmul %max3A_38, %get3A_41, %dot_general3A {dimension_numbers = #tpu.dot_dimension_numbers<[1], [0], [0], [1], [0, 0, 1, 1], [], []>, transpose_lhs_hint = false} : vector<5000x128xf32>, vector<128x128xf32>, vector<5000x128xf32> -> vector<5000x128xf32>
      %get3A_43 = arith.constant 0 : index
      %get3A_44 = arith.constant 0 : index
      %get3A_45 = vector.load %arg9[%get3A_43, %get3A_44] : memref<1x128xf32, #tpu.memory_space<vmem>>, vector<1x128xf32>
      %add3A_46 = vector.broadcast %get3A_45 : vector<1x128xf32> to vector<5000x128xf32>
      %add3A_47 = arith.addf %dot_general3A_42, %add3A_46 : vector<5000x128xf32>
      %max3A_48 = arith.constant 0.000000e+00 : f32
      %max3A_49 = vector.broadcast %max3A_48 : f32 to vector<5000x128xf32>
      %max3A_50 = arith.maximumf %add3A_47, %max3A_49 : vector<5000x128xf32>
      %swap3A = arith.constant 0 : index
      %swap3A_51 = arith.constant 0 : index
      %swap3A_52 = vector.load %arg10[%swap3A, %swap3A_51] : memref<5000x128xf32, #tpu.memory_space<vmem>>, vector<5000x128xf32>
      tpu.vector_store %arg10[%swap3A, %swap3A_51], %max3A_50 {strides = array<i32>} : memref<5000x128xf32, #tpu.memory_space<vmem>>, vector<5000x128xf32>,
    } else {
    }
    return
  }
  func.func @transform_0(%arg0: i32, %arg1: i32) -> (i32, i32) {
    %sub3A = arith.constant 1 : i32
    %sub3A_0 = arith.subi %sub3A, %arg0 : i32
    %mul3A = arith.muli %sub3A_0, %arg1 : i32
    %c0_i32 = arith.constant 0 : i32
    %c0_i32_1 = arith.constant 0 : i32
    return %mul3A, %c0_i32 : i32, i32
  }
  func.func @transform_1(%arg0: i32, %arg1: i32) -> (i32, i32) {
    %sub3A = arith.constant 1 : i32
    %sub3A_0 = arith.subi %sub3A, %arg0 : i32
    %mul3A = arith.muli %sub3A_0, %arg1 : i32
    %c0_i32 = arith.constant 0 : i32
    %c0_i32_1 = arith.constant 0 : i32
    return %mul3A, %c0_i32 : i32, i32
  }
  func.func @transform_2(%arg0: i32, %arg1: i32) -> (i32, i32) {
    %c0_i32 = arith.constant 0 : i32
    %c0_i32_0 = arith.constant 0 : i32
    %c0_i32_1 = arith.constant 0 : i32
    return %c0_i32, %c0_i32_0 : i32, i32
  }
  func.func @transform_3(%arg0: i32, %arg1: i32) -> (i32, i32) {
    %c0_i32 = arith.constant 0 : i32
    %c0_i32_0 = arith.constant 0 : i32
    %c0_i32_1 = arith.constant 0 : i32
    return %c0_i32, %c0_i32_0 : i32, i32
  }
  func.func @transform_4(%arg0: i32, %arg1: i32) -> (i32, i32) {
    %c0_i32 = arith.constant 0 : i32
    %c0_i32_0 = arith.constant 0 : i32
    %c0_i32_1 = arith.constant 0 : i32
    return %c0_i32, %c0_i32_0 : i32, i32
  }
  func.func @transform_5(%arg0: i32, %arg1: i32) -> (i32, i32) {
    %c0_i32 = arith.constant 0 : i32
    %c0_i32_0 = arith.constant 0 : i32
    %c0_i32_1 = arith.constant 0 : i32
    return %c0_i32, %c0_i32_0 : i32, i32
  }
  func.func @transform_6(%arg0: i32, %arg1: i32) -> (i32, i32) {
    %c0_i32 = arith.constant 0 : i32
    %c0_i32_0 = arith.constant 0 : i32
    %c0_i32_1 = arith.constant 0 : i32
    return %c0_i32, %c0_i32_0 : i32, i32
  }
  func.func @transform_7(%arg0: i32, %arg1: i32) -> (i32, i32) {
    %c0_i32 = arith.constant 0 : i32
    %c0_i32_0 = arith.constant 0 : i32
    %c0_i32_1 = arith.constant 0 : i32
    return %c0_i32, %c0_i32_0 : i32, i32
  }
  func.func @transform_8(%arg0: i32, %arg1: i32) -> (i32, i32) {
    %mul3A = arith.muli %arg0, %arg1 : i32
    %c0_i32 = arith.constant 0 : i32
    %c0_i32_0 = arith.constant 0 : i32
    return %mul3A, %c0_i32 : i32, i32
  }
}

module attributes {stable_mosaic.version = 14 : i64} {
  func.func @_mlp_body(%arg0: i32, %arg1: i32, %arg2: memref<5000x128xf32, #tpu.memory_space<vmem>>, %arg3: memref<5000x128xf32, #tpu.memory_space<vmem>>, %arg4: memref<128x128xf32, #tpu.memory_space<vmem>>, %arg5: memref<1x128xf32, #tpu.memory_space<vmem>>, %arg6: memref<1x128xf32, #tpu.memory_space<vmem>>, %arg7: memref<1x128xf32, #tpu.memory_space<vmem>>, %arg8: memref<128x128xf32, #tpu.memory_space<vmem>>, %arg9: memref<1x128xf32, #tpu.memory_space<vmem>>, %arg10: memref<5000x128xf32, #tpu.memory_space<vmem>>, %arg11: memref<10000x128xf32, #tpu.memory_space<vmem>>, %arg12: memref<8x128xf32, #tpu.memory_space<vmem>>) attributes {dimension_semantics = [#tpu.dimension_semantics<arbitrary>, #tpu.dimension_semantics<arbitrary>], iteration_bounds = array<i64: 2, 2>, scalar_prefetch = 0 : i64, scratch_operands = 2 : i64, tpu.core_type = #tpu.core_type<tc>, window_params = [{transform_indices = @transform_0, window_bounds = array<i64: 5000, 128>}, {transform_indices = @transform_1, window_bounds = array<i64: 5000, 128>}, {pipeline_mode = #tpu.pipeline_mode<synchronous>, transform_indices = @transform_2, window_bounds = array<i64: 128, 128>}, {pipeline_mode = #tpu.pipeline_mode<synchronous>, transform_indices = @transform_3, window_bounds = array<i64: 1, 128>}, {pipeline_mode = #tpu.pipeline_mode<synchronous>, transform_indices = @transform_4, window_bounds = array<i64: 1, 128>}, {pipeline_mode = #tpu.pipeline_mode<synchronous>, transform_indices = @transform_5, window_bounds = array<i64: 1, 128>}, {pipeline_mode = #tpu.pipeline_mode<synchronous>, transform_indices = @transform_6, window_bounds = array<i64: 128, 128>}, {pipeline_mode = #tpu.pipeline_mode<synchronous>, transform_indices = @transform_7, window_bounds = array<i64: 1, 128>}, {transform_indices = @transform_8, window_bounds = array<i64: 5000, 128>}]} {
    %mul3A = arith.constant 5000 : i32
    %mul3A_0 = arith.muli %arg1, %mul3A : i32
    %multiple_of3A = tpu.assume_multiple %mul3A_0, 8 : i32
    %eq3A = arith.constant 0 : i32
    %eq3A_1 = arith.cmpi eq, %arg0, %eq3A : i32
    %convert_element_type3A = arith.extui %eq3A_1 : i1 to i32
    %cond3A = arith.constant 0 : i32
    %cond3A_2 = arith.cmpi ne, %convert_element_type3A, %cond3A : i32
    scf.if %cond3A_2 {
      %get3A = arith.constant 0 : index
      %get3A_8 = arith.constant 0 : index
      %get3A_9 = vector.load %arg2[%get3A, %get3A_8] : memref<5000x128xf32, #tpu.memory_space<vmem>>, vector<5000x128xf32>
      %get3A_10 = arith.constant 0 : index
      %get3A_11 = arith.constant 0 : index
      %get3A_12 = vector.load %arg3[%get3A_10, %get3A_11] : memref<5000x128xf32, #tpu.memory_space<vmem>>, vector<5000x128xf32>
      %add3A = arith.addf %get3A_9, %get3A_12 : vector<5000x128xf32>
      %get3A_13 = arith.constant 0 : index
      %get3A_14 = arith.constant 0 : index
      %get3A_15 = vector.load %arg4[%get3A_13, %get3A_14] : memref<128x128xf32, #tpu.memory_space<vmem>>, vector<128x128xf32>
      %dot_general3A = arith.constant dense<0.000000e+00> : vector<5000x128xf32>
      %dot_general3A_16 = tpu.matmul %add3A, %get3A_15, %dot_general3A {dimension_numbers = #tpu.dot_dimension_numbers<[1], [0], [0], [1], [0, 0, 1, 1], [], []>, transpose_lhs_hint = false} : vector<5000x128xf32>, vector<128x128xf32>, vector<5000x128xf32> -> vector<5000x128xf32>
      %get3A_17 = arith.constant 0 : index
      %get3A_18 = arith.constant 0 : index
      %get3A_19 = vector.load %arg5[%get3A_17, %get3A_18] : memref<1x128xf32, #tpu.memory_space<vmem>>, vector<1x128xf32>
      %add3A_20 = vector.broadcast %get3A_19 : vector<1x128xf32> to vector<5000x128xf32>
      %add3A_21 = arith.addf %dot_general3A_16, %add3A_20 : vector<5000x128xf32>
      %swap3A = arith.index_cast %multiple_of3A : i32 to index
      %swap3A_22 = arith.constant 0 : index
      %swap3A_23 = vector.load %arg11[%swap3A, %swap3A_22] : memref<10000x128xf32, #tpu.memory_space<vmem>>, vector<5000x128xf32>
      tpu.vector_store %arg11[%swap3A, %swap3A_22], %add3A_21 {strides = array<i32>} : memref<10000x128xf32, #tpu.memory_space<vmem>>, vector<5000x128xf32>,
      %eq3A_24 = arith.constant 0 : i32
      %eq3A_25 = arith.cmpi eq, %arg1, %eq3A_24 : i32
      %convert_element_type3A_26 = arith.extui %eq3A_25 : i1 to i32
      %cond3A_27 = arith.constant 0 : i32
      %cond3A_28 = arith.cmpi ne, %convert_element_type3A_26, %cond3A_27 : i32
      scf.if %cond3A_28 {
        %broadcast_in_dim3A_48 = arith.constant 0.000000e+00 : f32
        %broadcast_in_dim3A_49 = vector.broadcast %broadcast_in_dim3A_48 : f32 to vector<8x128xf32>
        %swap3A_50 = arith.constant 0 : index
        %swap3A_51 = arith.constant 0 : index
        %swap3A_52 = vector.load %arg12[%swap3A_50, %swap3A_51] : memref<8x128xf32, #tpu.memory_space<vmem>>, vector<8x128xf32>
        tpu.vector_store %arg12[%swap3A_50, %swap3A_51], %broadcast_in_dim3A_49 {strides = array<i32>} : memref<8x128xf32, #tpu.memory_space<vmem>>, vector<8x128xf32>,
      } else {
      }
      %get3A_29 = arith.constant 0 : index
      %get3A_30 = arith.constant 0 : index
      %get3A_31 = vector.load %arg12[%get3A_29, %get3A_30] : memref<8x128xf32, #tpu.memory_space<vmem>>, vector<1x128xf32>
      %reduce_sum3A = arith.constant dense<0.000000e+00> : vector<128xf32>
      %reduce_sum3A_32 = vector.multi_reduction <add>, %add3A_21, %reduce_sum3A [0] : vector<5000x128xf32> to vector<128xf32>
      %broadcast_in_dim3A = vector.shape_cast %reduce_sum3A_32 : vector<128xf32> to vector<1x128xf32>
      %add3A_33 = arith.addf %get3A_31, %broadcast_in_dim3A : vector<1x128xf32>
      %swap3A_34 = arith.constant 0 : index
      %swap3A_35 = arith.constant 0 : index
      %swap3A_36 = vector.load %arg12[%swap3A_34, %swap3A_35] : memref<8x128xf32, #tpu.memory_space<vmem>>, vector<1x128xf32>
      tpu.vector_store %arg12[%swap3A_34, %swap3A_35], %add3A_33 {strides = array<i32>} : memref<8x128xf32, #tpu.memory_space<vmem>>, vector<1x128xf32>,
      %get3A_37 = arith.constant 1 : index
      %get3A_38 = arith.constant 0 : index
      %get3A_39 = vector.load %arg12[%get3A_37, %get3A_38] : memref<8x128xf32, #tpu.memory_space<vmem>>, vector<1x128xf32>
      %mul3A_40 = arith.mulf %add3A_21, %add3A_21 : vector<5000x128xf32>
      %reduce_sum3A_41 = arith.constant dense<0.000000e+00> : vector<128xf32>
      %reduce_sum3A_42 = vector.multi_reduction <add>, %mul3A_40, %reduce_sum3A_41 [0] : vector<5000x128xf32> to vector<128xf32>
      %broadcast_in_dim3A_43 = vector.shape_cast %reduce_sum3A_42 : vector<128xf32> to vector<1x128xf32>
      %add3A_44 = arith.addf %get3A_39, %broadcast_in_dim3A_43 : vector<1x128xf32>
      %swap3A_45 = arith.constant 1 : index
      %swap3A_46 = arith.constant 0 : index
      %swap3A_47 = vector.load %arg12[%swap3A_45, %swap3A_46] : memref<8x128xf32, #tpu.memory_space<vmem>>, vector<1x128xf32>
      tpu.vector_store %arg12[%swap3A_45, %swap3A_46], %add3A_44 {strides = array<i32>} : memref<8x128xf32, #tpu.memory_space<vmem>>, vector<1x128xf32>,
    } else {
    }
    %eq3A_3 = arith.constant 1 : i32
    %eq3A_4 = arith.cmpi eq, %arg0, %eq3A_3 : i32
    %convert_element_type3A_5 = arith.extui %eq3A_4 : i1 to i32
    %cond3A_6 = arith.constant 0 : i32
    %cond3A_7 = arith.cmpi ne, %convert_element_type3A_5, %cond3A_6 : i32
    scf.if %cond3A_7 {
      %get3A = arith.constant 0 : index
      %get3A_8 = arith.constant 0 : index
      %get3A_9 = vector.load %arg12[%get3A, %get3A_8] : memref<8x128xf32, #tpu.memory_space<vmem>>, vector<1x128xf32>
      %div3A = arith.constant 1.000000e+04 : f32
      %div3A_10 = vector.broadcast %div3A : f32 to vector<1x128xf32>
      %div3A_11 = arith.divf %get3A_9, %div3A_10 : vector<1x128xf32>
      %get3A_12 = arith.constant 1 : index
      %get3A_13 = arith.constant 0 : index
      %get3A_14 = vector.load %arg12[%get3A_12, %get3A_13] : memref<8x128xf32, #tpu.memory_space<vmem>>, vector<1x128xf32>
      %div3A_15 = arith.constant 1.000000e+04 : f32
      %div3A_16 = vector.broadcast %div3A_15 : f32 to vector<1x128xf32>
      %div3A_17 = arith.divf %get3A_14, %div3A_16 : vector<1x128xf32>
      %mul3A_18 = arith.mulf %div3A_11, %div3A_11 : vector<1x128xf32>
      %sub3A = arith.subf %div3A_17, %mul3A_18 : vector<1x128xf32>
      %add3A = arith.constant 9.99999974E-6 : f32
      %add3A_19 = vector.broadcast %add3A : f32 to vector<1x128xf32>
      %add3A_20 = arith.addf %sub3A, %add3A_19 : vector<1x128xf32>
      %rsqrt3A = math.rsqrt %add3A_20 : vector<1x128xf32>
      %get3A_21 = arith.constant 0 : index
      %get3A_22 = arith.constant 0 : index
      %get3A_23 = vector.load %arg6[%get3A_21, %get3A_22] : memref<1x128xf32, #tpu.memory_space<vmem>>, vector<1x128xf32>
      %mul3A_24 = arith.mulf %rsqrt3A, %get3A_23 : vector<1x128xf32>
      %get3A_25 = arith.index_cast %multiple_of3A : i32 to index
      %get3A_26 = arith.constant 0 : index
      %get3A_27 = vector.load %arg11[%get3A_25, %get3A_26] : memref<10000x128xf32, #tpu.memory_space<vmem>>, vector<5000x128xf32>
      %sub3A_28 = vector.broadcast %div3A_11 : vector<1x128xf32> to vector<5000x128xf32>
      %sub3A_29 = arith.subf %get3A_27, %sub3A_28 : vector<5000x128xf32>
      %mul3A_30 = vector.broadcast %mul3A_24 : vector<1x128xf32> to vector<5000x128xf32>
      %mul3A_31 = arith.mulf %sub3A_29, %mul3A_30 : vector<5000x128xf32>
      %get3A_32 = arith.constant 0 : index
      %get3A_33 = arith.constant 0 : index
      %get3A_34 = vector.load %arg7[%get3A_32, %get3A_33] : memref<1x128xf32, #tpu.memory_space<vmem>>, vector<1x128xf32>
      %add3A_35 = vector.broadcast %get3A_34 : vector<1x128xf32> to vector<5000x128xf32>
      %add3A_36 = arith.addf %mul3A_31, %add3A_35 : vector<5000x128xf32>
      %max3A = arith.constant 0.000000e+00 : f32
      %max3A_37 = vector.broadcast %max3A : f32 to vector<5000x128xf32>
      %max3A_38 = arith.maximumf %add3A_36, %max3A_37 : vector<5000x128xf32>
      %get3A_39 = arith.constant 0 : index
      %get3A_40 = arith.constant 0 : index
      %get3A_41 = vector.load %arg8[%get3A_39, %get3A_40] : memref<128x128xf32, #tpu.memory_space<vmem>>, vector<128x128xf32>
      %dot_general3A = arith.constant dense<0.000000e+00> : vector<5000x128xf32>
      %dot_general3A_42 = tpu.matmul %max3A_38, %get3A_41, %dot_general3A {dimension_numbers = #tpu.dot_dimension_numbers<[1], [0], [0], [1], [0, 0, 1, 1], [], []>, transpose_lhs_hint = false} : vector<5000x128xf32>, vector<128x128xf32>, vector<5000x128xf32> -> vector<5000x128xf32>
      %get3A_43 = arith.constant 0 : index
      %get3A_44 = arith.constant 0 : index
      %get3A_45 = vector.load %arg9[%get3A_43, %get3A_44] : memref<1x128xf32, #tpu.memory_space<vmem>>, vector<1x128xf32>
      %add3A_46 = vector.broadcast %get3A_45 : vector<1x128xf32> to vector<5000x128xf32>
      %add3A_47 = arith.addf %dot_general3A_42, %add3A_46 : vector<5000x128xf32>
      %max3A_48 = arith.constant 0.000000e+00 : f32
      %max3A_49 = vector.broadcast %max3A_48 : f32 to vector<5000x128xf32>
      %max3A_50 = arith.maximumf %add3A_47, %max3A_49 : vector<5000x128xf32>
      %swap3A = arith.constant 0 : index
      %swap3A_51 = arith.constant 0 : index
      %swap3A_52 = vector.load %arg10[%swap3A, %swap3A_51] : memref<5000x128xf32, #tpu.memory_space<vmem>>, vector<5000x128xf32>
      tpu.vector_store %arg10[%swap3A, %swap3A_51], %max3A_50 {strides = array<i32>} : memref<5000x128xf32, #tpu.memory_space<vmem>>, vector<5000x128xf32>,
    } else {
    }
    return
  }
  func.func @transform_0(%arg0: i32, %arg1: i32) -> (i32, i32) {
    %sub3A = arith.constant 1 : i32
    %sub3A_0 = arith.subi %sub3A, %arg0 : i32
    %mul3A = arith.muli %sub3A_0, %arg1 : i32
    %c0_i32 = arith.constant 0 : i32
    %c0_i32_1 = arith.constant 0 : i32
    return %mul3A, %c0_i32 : i32, i32
  }
  func.func @transform_1(%arg0: i32, %arg1: i32) -> (i32, i32) {
    %sub3A = arith.constant 1 : i32
    %sub3A_0 = arith.subi %sub3A, %arg0 : i32
    %mul3A = arith.muli %sub3A_0, %arg1 : i32
    %c0_i32 = arith.constant 0 : i32
    %c0_i32_1 = arith.constant 0 : i32
    return %mul3A, %c0_i32 : i32, i32
  }
  func.func @transform_2(%arg0: i32, %arg1: i32) -> (i32, i32) {
    %c0_i32 = arith.constant 0 : i32
    %c0_i32_0 = arith.constant 0 : i32
    %c0_i32_1 = arith.constant 0 : i32
    return %c0_i32, %c0_i32_0 : i32, i32
  }
  func.func @transform_3(%arg0: i32, %arg1: i32) -> (i32, i32) {
    %c0_i32 = arith.constant 0 : i32
    %c0_i32_0 = arith.constant 0 : i32
    %c0_i32_1 = arith.constant 0 : i32
    return %c0_i32, %c0_i32_0 : i32, i32
  }
  func.func @transform_4(%arg0: i32, %arg1: i32) -> (i32, i32) {
    %c0_i32 = arith.constant 0 : i32
    %c0_i32_0 = arith.constant 0 : i32
    %c0_i32_1 = arith.constant 0 : i32
    return %c0_i32, %c0_i32_0 : i32, i32
  }
  func.func @transform_5(%arg0: i32, %arg1: i32) -> (i32, i32) {
    %c0_i32 = arith.constant 0 : i32
    %c0_i32_0 = arith.constant 0 : i32
    %c0_i32_1 = arith.constant 0 : i32
    return %c0_i32, %c0_i32_0 : i32, i32
  }
  func.func @transform_6(%arg0: i32, %arg1: i32) -> (i32, i32) {
    %c0_i32 = arith.constant 0 : i32
    %c0_i32_0 = arith.constant 0 : i32
    %c0_i32_1 = arith.constant 0 : i32
    return %c0_i32, %c0_i32_0 : i32, i32
  }
  func.func @transform_7(%arg0: i32, %arg1: i32) -> (i32, i32) {
    %c0_i32 = arith.constant 0 : i32
    %c0_i32_0 = arith.constant 0 : i32
    %c0_i32_1 = arith.constant 0 : i32
    return %c0_i32, %c0_i32_0 : i32, i32
  }
  func.func @transform_8(%arg0: i32, %arg1: i32) -> (i32, i32) {
    %mul3A = arith.muli %arg0, %arg1 : i32
    %c0_i32 = arith.constant 0 : i32
    %c0_i32_0 = arith.constant 0 : i32
    return %mul3A, %c0_i32 : i32, i32
  }
}

</mosaic_0001>

<sc_bundles>
// kernel: kernel.11.cloned.1.call-start
scs
__scs_entry_jumppad:
0x0: {  	(pc) =	sbr.rel $0x88, $3  }
0x1: {  	(tag) =	ssettag $0x0;
	lr =	simm.s32 $0x1  }
0x2: {  	[smem:$0x3F99] =	sst lr;
	_ =	strace $0xD0000000  }
0x3: {  	_ = 	snop  }
0x4: {  	_ = 	snop  }
0x5: {  	_ = 	snop  }
0x6: {  	_ = 	snop  }
0x7: {  	_ = 	snop  }
__scs_overlays_trampoline_lowered:
0x8: {  	[smem:$0x3FA8] =	sst s0  }
0x9: {  	[smem:$0x3FA9] =	sst s1  }
0xa: {  	[smem:$0x3FAA] =	sst s2  }
0xb: {  	[smem:$0x3FAB] =	sst s3  }
0xc: {  	[smem:$0x3FAC] =	sst s4  }
0xd: {  	[smem:$0x3FAD] =	sst s5  }
0xe: {  	[smem:$0x3FAE] =	sst s6  }
0xf: {  	[smem:$0x3FAF] =	sst s7  }
0x10: {  	[smem:$0x3FB0] =	sst s8  }
0x11: {  	[smem:$0x3FB1] =	sst s9;
	s0 =	simm.s32 @!p0 $0x0  }
0x12: {  	s1 =	sld [smem:$0x3F97];
	s0 =	simm.s32 @p0 $0x1  }
0x13: {  	[smem:$0x3FB2] =	sst s0;
	s0 =	simm.s32 @!p1 $0x0  }
0x14: {  	s2 =	sld [smem:$0x3F96];
	s0 =	simm.s32 @p1 $0x1  }
0x15: {  	[smem:$0x3FB3] =	sst s0;
	s0 =	simm.s32 @!p2 $0x0  }
0x16: {  	s3 =	sld [smem:$0x3FDB];
	s0 =	simm.s32 @p2 $0x1  }
0x17: {  	s4 =	simm.s32 $0x1BF5;
	[smem:$0x3FB5] =	sst s0  }
0x18: {  	s0 =	sld [smem:$0x3F98];
	_ =	swait.ge [sflag:s4], $0x0  }
0x19: {  	s7 =	sld [smem:$0x3F99]  }
0x1a: {  	s8 =	sadd.s32 $0xFFFFE003, lr  }
0x1b: {  	s9 =	sadd.s32 $0xFFFFFEF7, lr;
	s5 =	simm.s32 $0xFFFFFFFF;
	p2 =	slt.u32 s8, $0xFFFFF086  }
0x1c: {  	p1 =	slt.u32 s9, $0xF7A;
	s5 =	simm.s32 @!p2 $0x0  }
0x1d: {  	s5 =	simm.s32 @p1 $0x1;
	p0 =	seq.s32 s7, s2  }
0x1e: {  	s7 =	smul.u32 @!p0 $0xF7A, s2;
	p2 =	seq.s32 @!p0 s5, $0x0  }
0x1f: {  	s9 =	smul.u32 $0xF7A, s1;
	s8 =	simm.s32 @!p0 $0x1BF5;
	p2 =	por !p2, p0  }
0x20: {  	[sflag:s8] =	ssyncset.s32 @!p0 $0xFFFFF086;
	s6 =	sadd.s32 @!p0 s3, s7;
	s7 =	simm.s32 @!p0 $0x108  }
0x21: {  	s3 =	sadd.s32 s3, s9;
	s6 =	sadd.s32 @!p0 $0x88, s6;
	s7 =	simm.s32 @p2 $0x1082  }
0x22: {  	[simem:s7], [sflag:s8] =	dma.local @!p0 [hbm:s6], $0xF7A  }
0x23: {  	s9 =	sor.u32 $0xD0000000, s2;
	s6 =	simm.s32 $0x108;
	_ =	swait.ge @!p0 [sflag:s8], $0x0  }
0x24: {  	s3 =	sadd.s32 $0x88, s3;
	s6 =	simm.s32 @!p1 $0x1082;
	[sflag:s4] =	ssyncset.s32 $0xFFFFF086  }
0x25: {  	[simem:s6], [sflag:s4] =	dma.local [hbm:s3], $0xF7A  }
0x26: {  	[smem:$0x3F99] =	sst s1;
	(tag) =	ssettag s2;
	_ =	strace s9  }
0x27: {  	s1 =	sld [smem:$0x3FA9]  }
0x28: {  	s2 =	sld [smem:$0x3FAA]  }
0x29: {  	s4 =	sld [smem:$0x3FAC]  }
0x2a: {  	p0 =	seq.s32 s5, $0x0;
	s5 =	sld [smem:$0x3FAD]  }
0x2b: {  	s6 =	sld [smem:$0x3FAE]  }
0x2c: {  	s7 =	sld [smem:$0x3FAF]  }
0x2d: {  	s3 =	simm.s32 $0x108;
	s8 =	sld [smem:$0x3FB0]  }
0x2e: {  	s3 =	simm.s32 @!p0 $0x1082;
	s9 =	sld [smem:$0x3FB1]  }
0x2f: {  	lr =	sadd.s32 s0, s3;
	s0 =	sld [smem:$0x3FA8]  }
0x30: {  	s3 =	sld [smem:$0x3FAB]  }
0x31: {  	[smem:$0x3FB4] =	sst s10  }
0x32: {  	s10 =	sld [smem:$0x3FB2];
	_ =	sdelay $0x3  }
0x33: {  	p0 =	seq.s32 s10, $0x1;
	s10 =	sld [smem:$0x3FB4];
	_ =	sdelay $0x3  }
0x34: {  	[smem:$0x3FB4] =	sst s10  }
0x35: {  	s10 =	sld [smem:$0x3FB3];
	_ =	sdelay $0x3  }
0x36: {  	p1 =	seq.s32 s10, $0x1;
	s10 =	sld [smem:$0x3FB4];
	_ =	sdelay $0x3  }
0x37: {  	[smem:$0x3FB4] =	sst s10  }
0x38: {  	s10 =	sld [smem:$0x3FB5]  }
0x39: {  	_ = 	snop;
	(pc) =	sbr.ind lr, $3  }
0x3a: {  	_ = 	snop  }
0x3b: {  	_ = 	snop  }
0x3c: {  	p2 =	seq.s32 s10, $0x1;
	s10 =	sld [smem:$0x3FB4]  }
0x3d: {  	_ =	shalt  }
0x3e: {  	_ =	shalt  }
0x3f: {  	_ =	shalt  }
0x40: {  	_ =	shalt  }
0x41: {  	_ =	shalt  }
0x42: {  	_ =	shalt  }
0x43: {  	_ =	shalt  }
0x44: {  	_ =	shalt  }
0x45: {  	_ =	shalt  }
0x46: {  	_ =	shalt  }
0x47: {  	_ =	shalt  }
0x48: {  	_ =	shalt  }
0x49: {  	_ =	shalt  }
0x4a: {  	_ =	shalt  }
0x4b: {  	_ =	shalt  }
0x4c: {  	_ =	shalt  }
0x4d: {  	_ =	shalt  }
0x4e: {  	_ =	shalt  }
0x4f: {  	_ =	shalt  }
0x50: {  	_ =	shalt  }
0x51: {  	_ =	shalt  }
0x52: {  	_ =	shalt  }
0x53: {  	_ =	shalt  }
0x54: {  	_ =	shalt  }
0x55: {  	_ =	shalt  }
0x56: {  	_ =	shalt  }
0x57: {  	_ =	shalt  }
0x58: {  	_ =	shalt  }
0x59: {  	_ =	shalt  }
0x5a: {  	_ =	shalt  }
0x5b: {  	_ =	shalt  }
0x5c: {  	_ =	shalt  }
0x5d: {  	_ =	shalt  }
0x5e: {  	_ =	shalt  }
0x5f: {  	_ =	shalt  }
0x60: {  	_ =	shalt  }
0x61: {  	_ =	shalt  }
0x62: {  	_ =	shalt  }
0x63: {  	_ =	shalt  }
0x64: {  	_ =	shalt  }
0x65: {  	_ =	shalt  }
0x66: {  	_ =	shalt  }
0x67: {  	_ =	shalt  }
0x68: {  	_ =	shalt  }
0x69: {  	_ =	shalt  }
0x6a: {  	_ =	shalt  }
0x6b: {  	_ =	shalt  }
0x6c: {  	_ =	shalt  }
0x6d: {  	_ =	shalt  }
0x6e: {  	_ =	shalt  }
0x6f: {  	_ =	shalt  }
0x70: {  	_ =	shalt  }
0x71: {  	_ =	shalt  }
0x72: {  	_ =	shalt  }
0x73: {  	_ =	shalt  }
0x74: {  	_ =	shalt  }
0x75: {  	_ =	shalt  }
0x76: {  	_ =	shalt  }
0x77: {  	_ =	shalt  }
0x78: {  	_ =	shalt  }
0x79: {  	_ =	shalt  }
0x7a: {  	_ =	shalt  }
0x7b: {  	_ =	shalt  }
0x7c: {  	_ =	shalt  }
0x7d: {  	_ =	shalt  }
0x7e: {  	_ =	shalt  }
0x7f: {  	_ =	shalt  }
0x80: {  	_ =	shalt  }
0x81: {  	_ =	shalt  }
0x82: {  	_ =	shalt  }
0x83: {  	_ =	shalt  }
0x84: {  	_ =	shalt  }
0x85: {  	_ =	shalt  }
0x86: {  	_ =	shalt  }
0x87: {  	_ =	shalt  }
.Lfunc_end0:
.L_simem_size_0:
called_computation.1_lowered:
.L_overlay_start_0:
0x88: {  	s2 =	sld [smem:$0x3FD9]  }
0x89: {  	s3 =	sld [smem:$0x3FFE];
	_ =	sdelay $0x1  }
0x8a: {  	s1 =	srdreg.scid  }
0x8b: {  	s0 =	sand.u32 $0x1, s1  }
0x8c: {  	s17 =	sshll.u32 s0, $0xA;
	s2 =	sadd.s32 s3, s2  }
0x8d: {  	s2 =	sadd.s32 s2, s17  }
0x8e: {  	[smem:$0x3FC0] =	sst s2  }
0x8f: {  	_ = 	snop  }
0x90: {  	s2 =	sld [smem:$0x3FD0];
	(tm) =	ssettm $0x1  }
0x91: {  	s18 =	sld [smem:$0x3FFB];
	_ =	sdelay $0x3  }
0x92: {  	_ =	strace s18  }
0x93: {  	s3 =	sld [smem:$0x3FFC];
	_ =	sdelay $0x3  }
0x94: {  	_ =	strace s3  }
0x95: {  	s3 =	sld [smem:$0x3FFD];
	_ =	sdelay $0x3  }
0x96: {  	_ =	strace s3  }
0x97: {  	_ =	strace $0x8FFFFFFF  }
0x98: {  	s19 =	sld [smem:$0x3FDB];
	_ =	sdelay $0x1  }
0x99: {  	s4 =	simm.s32 $_scs_section_size  }
0x9a: {  	s5 =	simm.s32 $_size__tile_overlayer_lowered;
	s6 =	simm.s32 $_tile_overlayer_lowered  }
0x9b: {  	s22 =	simm.s32 $0x1BFF;
	s21 =	sshll.u32 s6, $0x1;
	s3 =	sadd.s32 s4, s19  }
0x9c: {  	s7 =	simm.s32 $0x0;
	s20 =	sshll.u32 s5, $0x1;
	s5 =	sadd.s32 s21, s3  }
0x9d: {  	[timem:s7], [sflag:s22] =	dma.local [hbm:s5], s20  }
0x9e: {  	_ =	swait.ge [sflag:s22], s20  }
0x9f: {  	s4 =	ssub.s32 $0x0, s20;
	[sflag:s22] =	ssyncset.done $0x0  }
0xa0: {  	[sflag:s22] =	ssyncadd.s32 s4;
	_ =	sdelay $0x1  }
0xa1: {  	s23 =	simm.s32 $0x1B8B  }
0xa2: {  	_ =	swait.ge [sflag:s23], $0x1  }
0xa3: {  	[sflag:s23] =	ssyncset.done $0x0  }
0xa4: {  	s25 =	simm.s32 $0x1B8E;
	s24 =	sld [smem:$0x3FFE];
	[sflag:s23] =	ssyncadd.s32 $0xFFFFFFFF  }
0xa5: {  	s26 =	simm.s32 $execute0_lowered;
	[smem:$0x3FD2] =	sst s25  }
0xa6: {  	s5 =	sshll.u32 s26, $0x1;
	_ =	strace $0x80000049;
	[dreg:$0x1] =	wrdreg $0xFFFFFFFF  }
0xa7: {  	s28 =	simm.s32 $_size_execute0_lowered;
	s3 =	sadd.s32 s3, s5;
	[dreg:$0x0] =	wrdreg $0x0  }
0xa8: {  	s5 =	sshll.u32 s28, $0x1;
	[dreg:$0x2] =	wrdreg s3  }
0xa9: {  	[dreg:$0x3] =	wrdreg s5  }
0xaa: {  	[dreg:$0x4] =	wrdreg $0xC0  }
0xab: {  	_ =	task [dreg:s7], $0x5FFFF  }
0xac: {  	[dreg:$0x1] =	wrdreg $0xFFFFFFFF  }
0xad: {  	[dreg:$0x0] =	wrdreg $0x60  }
0xae: {  	[dreg:$0x2] =	wrdreg s2  }
0xaf: {  	[dreg:$0x3] =	wrdreg s24  }
0xb0: {  	[dreg:$0x4] =	wrdreg $0xA4000  }
0xb1: {  	[dreg:$0x5] =	wrdreg $0x9  }
0xb2: {  	_ =	task.clear_ibuf [dreg:s7], $0x6FFFF;
	_ =	strace $0x90000049  }
0xb3: {  	s29 =	simm.s32 $0x9;
	_ =	strace $0x8000004B  }
0xb4: {  	_ =	swait.ge [sflag:s29], $0x1  }
0xb5: {  	[sflag:s29] =	ssyncadd.s32 $0xFFFFFFFF  }
0xb6: {  	_ =	strace $0x9000004B  }
0xb7: {  	_ =	sfence  }
0xb8: {  	s30 =	sld [smem:$0x0];
	_ =	sdelay $0x2  }
0xb9: {  	s31 =	sshll.u32 s1, $0xD;
	s1 =	sshrl.u32 s1, $0x2  }
0xba: {  	s3 =	sand.u32 $0x4000, s31;
	s1 =	sadd.s32 s1, s30  }
0xbb: {  	s0 =	sor.u32 s3, s0;
	s1 =	sshll.u32 s1, $0x11  }
0xbc: {  	s0 =	sor.u32 s1, s0  }
0xbd: {  	s0 =	sadd.s32 $0x8F2B, s0  }
0xbe: {  	[sflag:s0] =	ssyncadd.remote.s32 $0x1  }
0xbf: {  	_ =	sfence.sel $0xFFFF  }
0xc0: {  	[dreg:$0x0] =	wrdreg $0xFFFFFFFF;
	(pc) =	sbr.abs _section_cstart, $3  }
0xc1: {  	[dreg:$0x1] =	wrdreg $0xFFFFFFFF  }
0xc2: {  	_ =	task.clear_ibuf [dreg:s7], $0x2FFFF;
	_ =	strace $0x9FFFFFFF  }
0xc3: {  	(tm) =	ssettm $0x7FFFFFFF  }
tec
execute0_lowered:
.L_overlay_start_1:
0x0: {  	(tag) =	ssettag $0x1  }
0x1: {  	s1 =	rddreg [dreg:$0x0]  }
0x2: {  	s0 =	rddreg [dreg:$0x1]  }
0x3: {  	s2 =	rddreg [dreg:$0x2]  }
0x4: {  	s3 =	simm.s32 $0x0;
	s7 =	srdreg.scid;
	s4 =	stileid.u32  }
0x5: {  	s18 =	simm.s32 $0xA000;
	s19 =	simm.s32 $0x1;
	s28 =	simm.s32 $0x2  }
0x6: {  	[smem:$0x7FF] =	sst s3;
	s5 =	sadd.s32 $0x2000, s0;
	s6 =	sadd.s32 $0xC000, s0  }
0x7: {  	s0 =	sadd.s32 $0x16000, s0;
	s8 =	sand.u32 $0x1, s7;
	s11 =	smul.u32 $0x4E000, s4  }
0x8: {  	p1 =	sgt.u32 s4, $0x7;
	p2 =	slt.u32 s4, $0x8;
	s12 =	smul.u32 $0x2700, s4  }
0x9: {  	s25 =	sadd.s32 $0x24900, s1;
	s16 =	smul.u32 $0x13800, s4;
	_ =	strace $0x8000004A  }
0xa: {  	s7 =	ssub.s32 $0x2, s8;
	p0 =	seq.s32 s8, $0x1;
	s10 =	sshll.u32 s8, $0x4  }
0xb: {  	p6 =	seq.s32 s8, $0x0;
	s8 =	smul.u32 $0x138800, s8;
	[dreg:$0x6] =	wrdreg s25  }
0xc: {  	s25 =	simm.s32 $0x6000;
	s9 =	sshrl.u32 s7, $0x1;
	p0 =	por p1, p0  }
0xd: {  	s10 =	sor.u32 s4, s10;
	p1 =	por p6, p2;
	s22 =	sshrl.u32 s11, $0x2  }
0xe: {  	s24 =	sadd.s32 s1, s12;
	s17 =	ssub.s32 s7, s9;
	s15 =	smul.u32 $0x50, s10  }
0xf: {  	p0 =	por !p0, !p1;
	s23 =	smul.u32 $0x2800, s10;
	s7 =	sadd.s32 s22, s2  }
0x10: {  	[dreg:$0x5] =	wrdreg s24;
	s10 =	smul.u32 $0x500, s10;
	s9 =	sadd.s32 $0x124800, s2  }
0x11: {  	s31 =	sadd.s32 s16, s8;
	s8 =	sshrl.u32 s8, $0x3;
	p1 =	seq.s32 s4, $0xF  }
0x12: {  	s22 =	simm.s32 $0x7D;
	p0 =	por !p0, !p0;
	s8 =	sadd.s32 s0, s8  }
0x13: {  	s17 =	smax.u32 s17, $0x1;
	s11 =	sshrl.u32 s23, $0x3;
	s26 =	sadd.s32 s5, s10  }
0x14: {  	s10 =	sadd.s32 s6, s10;
	s15 =	sadd.s32 $0x10, s15;
	[dreg:$0x7] =	wrdreg s26  }
0x15: {  	s16 =	sadd.s32 $0x24900, s8;
	s14 =	sadd.s32 $0x100, s11;
	[dreg:$0x8] =	wrdreg s10  }
0x16: {  	s23 =	simm.s32 $0x2000;
	[dreg:$0x4] =	wrdreg s15;
	s29 =	sadd.s32 s5, s14  }
0x17: {  	s10 =	sshrl.u32 s31, $0x3;
	s30 =	sadd.s32 s6, s14;
	[dreg:$0x9] =	wrdreg s29  }
0x18: {  	v0 =	vimm.f32 $0.0e+00;
	s26 =	simm.s32 $0x4;
	s15 =	sadd.s32 s0, s10;
	[dreg:$0xa] =	wrdreg s30  }
.LBB2_1:
.Ltmp0:
0x19: {  	(pc) =	sbr.rel @!p0 .LBB2_15-.Ltmp0, $4  }
0x1a: {  	_ = 	snop  }
0x1b: {  	s0 =	stileid.u32  }
0x1c: {  	s0 =	sshll.u32 @!p1 s0, $0x6  }
0x1d: {  	s31 =	sshrl.u32 @p1 s9, $0x3;
	s29 =	sshrl.u32 @!p1 s7, $0x3;
	s30 =	sor.u32 @!p1 $0x1C04, s0  }
0x1e: {  	[tilespmem:$0xA000] =	vst v0  }
0x1f: {  	[tilespmem:$0xA010] =	vst v0  }
0x20: {  	[tilespmem:$0xA020] =	vst v0  }
0x21: {  	[tilespmem:$0xA030] =	vst v0  }
0x22: {  	[tilespmem:$0xA040] =	vst v0  }
0x23: {  	[tilespmem:$0xA050] =	vst v0  }
0x24: {  	[tilespmem:$0xA060] =	vst v0  }
0x25: {  	[tilespmem:$0xA070] =	vst v0  }
0x26: {  	[tilespmem:$0xA080] =	vst v0  }
0x27: {  	[tilespmem:$0xA090] =	vst v0  }
0x28: {  	[tilespmem:$0xA0A0] =	vst v0  }
0x29: {  	[tilespmem:$0xA0B0] =	vst v0  }
0x2a: {  	[tilespmem:$0xA0C0] =	vst v0  }
0x2b: {  	[tilespmem:$0xA0D0] =	vst v0  }
0x2c: {  	[tilespmem:$0xA0E0] =	vst v0  }
0x2d: {  	[tilespmem:$0xA0F0] =	vst v0  }
0x2e: {  	[tilespmem:$0xA100] =	vst v0  }
0x2f: {  	[tilespmem:$0xA110] =	vst v0  }
0x30: {  	[tilespmem:$0xA120] =	vst v0  }
0x31: {  	[tilespmem:$0xA130] =	vst v0  }
0x32: {  	[tilespmem:$0xA140] =	vst v0  }
0x33: {  	[tilespmem:$0xA150] =	vst v0  }
0x34: {  	[tilespmem:$0xA160] =	vst v0  }
0x35: {  	[tilespmem:$0xA170] =	vst v0  }
0x36: {  	[tilespmem:$0xA180] =	vst v0  }
0x37: {  	[tilespmem:$0xA190] =	vst v0  }
0x38: {  	[tilespmem:$0xA1A0] =	vst v0  }
0x39: {  	[tilespmem:$0xA1B0] =	vst v0  }
0x3a: {  	[tilespmem:$0xA1C0] =	vst v0  }
0x3b: {  	[tilespmem:$0xA1D0] =	vst v0  }
0x3c: {  	[tilespmem:$0xA1E0] =	vst v0  }
0x3d: {  	[tilespmem:$0xA1F0] =	vst v0  }
0x3e: {  	[tilespmem:$0xA200] =	vst v0  }
0x3f: {  	[tilespmem:$0xA210] =	vst v0  }
0x40: {  	[tilespmem:$0xA220] =	vst v0  }
0x41: {  	[tilespmem:$0xA230] =	vst v0  }
0x42: {  	[tilespmem:$0xA240] =	vst v0  }
0x43: {  	[tilespmem:$0xA250] =	vst v0  }
0x44: {  	[tilespmem:$0xA260] =	vst v0  }
0x45: {  	[tilespmem:$0xA270] =	vst v0  }
0x46: {  	[tilespmem:$0xA280] =	vst v0  }
0x47: {  	[tilespmem:$0xA290] =	vst v0  }
0x48: {  	[tilespmem:$0xA2A0] =	vst v0  }
0x49: {  	[tilespmem:$0xA2B0] =	vst v0  }
0x4a: {  	[tilespmem:$0xA2C0] =	vst v0  }
0x4b: {  	[tilespmem:$0xA2D0] =	vst v0  }
0x4c: {  	[tilespmem:$0xA2E0] =	vst v0  }
0x4d: {  	[tilespmem:$0xA2F0] =	vst v0  }
0x4e: {  	[tilespmem:$0xA300] =	vst v0  }
0x4f: {  	[tilespmem:$0xA310] =	vst v0  }
0x50: {  	[tilespmem:$0xA320] =	vst v0  }
0x51: {  	[tilespmem:$0xA330] =	vst v0  }
0x52: {  	[tilespmem:$0xA340] =	vst v0  }
0x53: {  	[tilespmem:$0xA350] =	vst v0  }
0x54: {  	[tilespmem:$0xA360] =	vst v0  }
0x55: {  	[tilespmem:$0xA370] =	vst v0  }
0x56: {  	[tilespmem:$0xA380] =	vst v0  }
0x57: {  	[tilespmem:$0xA390] =	vst v0  }
0x58: {  	[tilespmem:$0xA3A0] =	vst v0  }
.Ltmp1:
0x59: {  	[tilespmem:$0xA3B0] =	vst v0;
	(pc) =	sbr.rel @!p1 .LBB2_3-.Ltmp1, $4  }
0x5a: {  	[tilespmem:$0xA3C0] =	vst v0  }
0x5b: {  	[tilespmem:$0xA3D0] =	vst v0  }
0x5c: {  	[tilespmem:$0xA3E0] =	vst v0  }
0x5d: {  	[tilespmem:$0xA3F0] =	vst v0;
	s0 =	simm.s32 $0x0  }
.LBB2_7:
0x5e: {  	p2 =	sne.s32 s0, $0x4F000  }
.Ltmp2:
0x5f: {  	_ = 	snop;
	(pc) =	sbr.rel @p2 .LBB2_7-.Ltmp2, $4  }
0x60: {  	_ = 	snop  }
0x61: {  	s8 =	sshra.s32 s0, $0x2  }
0x62: {  	s0 =	sadd.s32 $0x1000, s0;
	s8 =	sadd.s32 s8, s9  }
0x63: {  	[spmem:s8] =	stream.linear.scatter [tilespmem:s18], [sflag:$0x1], $0x400, $0x38;
	[tilespmem:$0x1DC80] =	vst v63  }
0x64: {  	_ =	swait.ge [sflag:s19], $0x400  }
0x65: {  	s0 =	simm.s32 $0x4F;
	[sflag:s19] =	ssyncset.done $0x0  }
.LBB2_9:
0x66: {  	p2 =	sne.s32 s0, $0x1;
	s0 =	sadd.s32 $0xFFFFFFFF, s0;
	[sflag:s19] =	ssyncadd.s32 $0xFFFFFC00  }
.Ltmp3:
0x67: {  	(pc) =	sbr.rel @p2 .LBB2_9-.Ltmp3, $3  }
0x68: {  	_ =	sdelay $0x1  }
0x69: {  	_ =	swait.ge [sflag:s19], $0x400  }
0x6a: {  	[sflag:s19] =	ssyncset.done $0x0  }
.Ltmp4:
0x6b: {  	(pc) =	sbr.rel .LBB2_11-.Ltmp4, $2  }
0x6c: {  	_ =	sdelay $0x2  }
0x6d: {  	[sflag:s19] =	ssyncadd.s32 $0xFFFFFC00  }
.LBB2_3:
0x6e: {  	p2 =	sne.s32 s0, $0x4D000  }
.Ltmp5:
0x6f: {  	_ = 	snop;
	(pc) =	sbr.rel @p2 .LBB2_3-.Ltmp5, $4  }
0x70: {  	_ = 	snop  }
0x71: {  	s8 =	sshra.s32 s0, $0x2  }
0x72: {  	s0 =	sadd.s32 $0x1000, s0;
	s8 =	sadd.s32 s8, s7  }
0x73: {  	[spmem:s8] =	stream.linear.scatter [tilespmem:s18], [sflag:$0x1], $0x400, $0x38;
	[tilespmem:$0x1DC80] =	vst v63  }
0x74: {  	_ =	swait.ge [sflag:s19], $0x400  }
0x75: {  	s0 =	simm.s32 $0x4D;
	[sflag:s19] =	ssyncset.done $0x0  }
.LBB2_5:
0x76: {  	p2 =	seq.s32 s0, $0x1;
	s0 =	sadd.s32 $0xFFFFFFFF, s0;
	[sflag:s19] =	ssyncadd.s32 $0xFFFFFC00  }
.Ltmp6:
0x77: {  	(pc) =	sbr.rel @!p2 .LBB2_5-.Ltmp6, $3  }
0x78: {  	_ =	sdelay $0x1  }
0x79: {  	_ =	swait.ge [sflag:s19], $0x400  }
0x7a: {  	[sflag:s19] =	ssyncset.done $0x0  }
.Ltmp7:
0x7b: {  	(pc) =	sbr.rel .LBB2_11-.Ltmp7, $2  }
0x7c: {  	_ =	sdelay $0x2  }
0x7d: {  	[sflag:s19] =	ssyncadd.s32 $0xFFFFFC00  }
.LBB2_15:
0x7e: {  	s0 =	simm.s32 @p1 $0x1FC4;
	s4 =	rddreg [dreg:$0x6]  }
0x7f: {  	[spmem:s31], [sflag:s0] =	dma.local @p1 [hbm:s4], $0x2800  }
0x80: {  	s0 =	simm.s32 @p1 $0x4  }
0x81: {  	_ =	swait.ge @p1 [sflag:s0], $0x2800  }
0x82: {  	[sflag:s0] =	ssyncset.done @p1 $0x0  }
0x83: {  	[sflag:s0] =	ssyncadd.s32 @p1 $0xFFFFD800;
	s0 =	rddreg [dreg:$0x5]  }
0x84: {  	[spmem:s29], [sflag:s30] =	dma.local @!p1 [hbm:s0], $0x2700  }
0x85: {  	s0 =	simm.s32 @!p1 $0x4  }
0x86: {  	_ =	swait.ge @!p1 [sflag:s0], $0x2700  }
0x87: {  	[sflag:s0] =	ssyncset.done @!p1 $0x0  }
0x88: {  	[sflag:s0] =	ssyncadd.s32 @!p1 $0xFFFFD900  }
.LBB2_11:
0x89: {  	s0 =	simm.s32 $0x0;
	s4 =	rddreg [dreg:$0x7]  }
0x8a: {  	[tilespmem:s0], [sflag:$0x3] =	stream.linear.gather [hbm4b:s4+s0], $0x800, $0x38;
	[tilespmem:$0x1DC80] =	vst v63  }
0x8b: {  	s8 =	simm.s32 $0x1000;
	s13 =	rddreg [dreg:$0x8]  }
0x8c: {  	[tilespmem:s8], [sflag:$0x3] =	stream.linear.gather [hbm4b:s13+s0], $0x800, $0x38;
	[tilespmem:$0x1DC80] =	vst v63  }
0x8d: {  	s14 =	rddreg [dreg:$0x9];
	s10 =	simm.s32 $0x800  }
0x8e: {  	[tilespmem:s10], [sflag:$0x3] =	stream.linear.gather [hbm4b:s14+s0], $0x800, $0x38;
	[tilespmem:$0x1DC80] =	vst v63  }
0x8f: {  	s20 =	rddreg [dreg:$0xa];
	s21 =	simm.s32 $0x1800  }
0x90: {  	[tilespmem:s21], [sflag:$0x3] =	stream.linear.gather [hbm4b:s20+s0], $0x800, $0x38;
	[tilespmem:$0x1DC80] =	vst v63  }
0x91: {  	s10 =	simm.s32 $0x3;
	[bflag:$0x0] =	sbarrier.arrive $0xFFFF  }
0x92: {  	_ =	swait.ge [sflag:s10], $0x800  }
0x93: {  	[sflag:s10] =	ssyncset.done $0x0  }
0x94: {  	[sflag:s10] =	ssyncadd.s32 $0xFFFFF800  }
0x95: {  	_ =	swait.ge [sflag:s10], $0x800  }
0x96: {  	[sflag:s10] =	ssyncset.done $0x0  }
0x97: {  	[sflag:s10] =	ssyncadd.s32 $0xFFFFF800  }
0x98: {  	[tilespmem:s23], [sflag:$0x1] =	stream.indirect.gather [hbm4b:s1+s22], $0x80, s0, s22, $0xb8;
	[tilespmem:$0x1DC80] =	vst v63  }
0x99: {  	s24 =	simm.s32 $0x80  }
0x9a: {  	[tilespmem:s25], [sflag:$0x2] =	stream.indirect.gather [hbm4b:s1+s22], $0x80, s24, s22, $0xb8;
	[tilespmem:$0x1DC80] =	vst v63  }
0x9b: {  	_ =	swait.ge [sflag:s19], $0x3E80  }
0x9c: {  	[sflag:s19] =	ssyncset.done $0x0  }
0x9d: {  	s4 =	simm.s32 $0x2;
	[sflag:s19] =	ssyncadd.s32 $0xFFFFC180  }
0x9e: {  	[spmem:s2] =	stream.indirect.scatter.add.f32 [tilespmem:s23], [sflag:$0x4], $0x80, s8, s22, $0xb8;
	[tilespmem:$0x1DC80] =	vst v63  }
0x9f: {  	s0 =	sand.u32 $0xE, s4;
	_ =	swait.ge [sflag:s26], $0x3E80  }
0xa0: {  	p2 =	sne.s32 s0, $0x0;
	[sflag:s26] =	ssyncset.done $0x0  }
0xa1: {  	s8 =	simm.s32 @!p2 $0x3;
	[sflag:s26] =	ssyncadd.s32 $0xFFFFC180  }
0xa2: {  	_ =	swait.ge @!p2 [sflag:s8], $0x800  }
0xa3: {  	[sflag:s8] =	ssyncset.done @!p2 $0x0  }
0xa4: {  	s21 =	simm.s32 $0x400;
	[sflag:s8] =	ssyncadd.s32 @!p2 $0xFFFFF800  }
0xa5: {  	s20 =	sand.u32 $0x2000, s21;
	_ =	swait.ge @!p2 [sflag:s8], $0x800  }
0xa6: {  	s20 =	sshrl.u32 s20, $0x2;
	s0 =	sshll.u32 s0, $0x7;
	[sflag:s8] =	ssyncset.done @!p2 $0x0  }
0xa7: {  	s0 =	sor.u32 s0, s20;
	[sflag:s8] =	ssyncadd.s32 @!p2 $0xFFFFF800  }
0xa8: {  	[tilespmem:s23], [sflag:$0x1] =	stream.indirect.gather [hbm4b:s1+s22], $0x80, s0, s22, $0xb8;
	[tilespmem:$0x1DC80] =	vst v63  }
0xa9: {  	_ =	swait.ge [sflag:s28], $0x3E80  }
0xaa: {  	p2 =	por $0x0, $0x0;
	s0 =	sand.u32 $0xF, s10;
	[sflag:s28] =	ssyncset.done $0x0  }
0xab: {  	s8 =	simm.s32 $0x1080;
	p3 =	sne.s32 @!p2 s0, $0x1;
	[sflag:s28] =	ssyncadd.s32 $0xFFFFC180  }
0xac: {  	[spmem:s2] =	stream.indirect.scatter.add.f32 [tilespmem:s25], [sflag:$0x4], $0x80, s8, s22, $0xb8;
	[tilespmem:$0x1DC80] =	vst v63  }
0xad: {  	s11 =	simm.s32 $0x0;
	p2 =	por p3, p2;
	_ =	swait.ge [sflag:s26], $0x3E80  }
0xae: {  	s20 =	sand.u32 $0x1, s11;
	s10 =	sand.u32 @!p2 $0x70, s10;
	s8 =	rddreg [dreg:$0x4]  }
0xaf: {  	s12 =	sshll.u32 s20, $0xB;
	s24 =	sshll.u32 @!p2 s20, $0xB;
	s8 =	sadd.s32 @!p2 s10, s8  }
0xb0: {  	s4 =	sxor.u32 @!p2 $0x800, s24;
	[sflag:s26] =	ssyncset.done $0x0;
	s8 =	sshll.u32 @!p2 s8, $0x4  }
0xb1: {  	s10 =	simm.s32 @!p2 $0x0;
	[sflag:s26] =	ssyncadd.s32 $0xFFFFC180;
	s11 =	sadd.s32 @!p2 s5, s8  }
0xb2: {  	[tilespmem:s4], [sflag:$0x3] =	stream.linear.gather @!p2 [hbm4b:s11+s10], $0x800, $0x38;
	[tilespmem:$0x1DC80] =	vst v63  }
0xb3: {  	s0 =	sshll.u32 s0, $0x7;
	s8 =	sadd.s32 @!p2 s6, s8;
	s4 =	sxor.u32 @!p2 $0x1800, s24  }
0xb4: {  	[tilespmem:s4], [sflag:$0x3] =	stream.linear.gather @!p2 [hbm4b:s8+s10], $0x800, $0x38;
	[tilespmem:$0x1DC80] =	vst v63  }
0xb5: {  	s14 =	simm.s32 $0x4;
	s0 =	sor.u32 s0, s12  }
0xb6: {  	[tilespmem:s25], [sflag:$0x2] =	stream.indirect.gather [hbm4b:s1+s22], $0x80, s0, s22, $0xb8;
	[tilespmem:$0x1DC80] =	vst v63  }
0xb7: {  	s13 =	sand.u32 $0x3C00, s21;
	s20 =	simm.s32 $0x7;
	_ =	swait.ge [sflag:s19], $0x3E80  }
0xb8: {  	s24 =	sand.u32 $0xE, s14;
	s4 =	sshrl.u32 s13, $0x2;
	[sflag:s19] =	ssyncset.done $0x0  }
0xb9: {  	p3 =	sne.s32 s24, $0x0;
	s21 =	sor.u32 $0x1000, s4;
	[sflag:s19] =	ssyncadd.s32 $0xFFFFC180  }
0xba: {  	[spmem:s2] =	stream.indirect.scatter.add.f32 [tilespmem:s23], [sflag:$0x4], $0x80, s21, s22, $0xb8;
	[tilespmem:$0x1DC80] =	vst v63  }
0xbb: {  	s24 =	sshll.u32 s24, $0x7;
	s8 =	simm.s32 $0x5;
	_ =	swait.ge [sflag:s26], $0x3E80  }
0xbc: {  	s10 =	simm.s32 $0x1;
	s0 =	simm.s32 $0x800;
	[sflag:s26] =	ssyncset.done $0x0  }
.LBB2_12:
0xbd: {  	s4 =	simm.s32 @!p3 $0x3;
	[sflag:s26] =	ssyncadd.s32 $0xFFFFC180  }
0xbe: {  	_ =	swait.ge @!p3 [sflag:s4], $0x800  }
0xbf: {  	[sflag:s4] =	ssyncset.done @!p3 $0x0  }
0xc0: {  	[sflag:s4] =	ssyncadd.s32 @!p3 $0xFFFFF800  }
0xc1: {  	s12 =	sand.u32 $0x2000, s0;
	_ =	swait.ge @!p3 [sflag:s4], $0x800  }
0xc2: {  	s12 =	sshrl.u32 s12, $0x2;
	[sflag:s4] =	ssyncset.done @!p3 $0x0  }
0xc3: {  	s11 =	smov.u32 s20;
	s12 =	sor.u32 s24, s12;
	[sflag:s4] =	ssyncadd.s32 @!p3 $0xFFFFF800  }
0xc4: {  	[tilespmem:s23], [sflag:$0x1] =	stream.indirect.gather [hbm4b:s1+s22], $0x80, s12, s22, $0xb8;
	[tilespmem:$0x1DC80] =	vst v63  }
0xc5: {  	s20 =	sadd.s32 $0x2, s20;
	s13 =	sadd.s32 $0x80, s21;
	_ =	swait.ge [sflag:s28], $0x3E80  }
0xc6: {  	s4 =	sand.u32 $0xF, s8;
	p3 =	sgt.u32 s10, $0x1E;
	[sflag:s28] =	ssyncset.done $0x0  }
0xc7: {  	s14 =	sshrl.u32 s8, $0x4;
	p4 =	sne.s32 @!p3 s4, $0x1;
	[sflag:s28] =	ssyncadd.s32 $0xFFFFC180  }
0xc8: {  	[spmem:s2] =	stream.indirect.scatter.add.f32 [tilespmem:s25], [sflag:$0x4], $0x80, s13, s22, $0xb8;
	[tilespmem:$0x1DC80] =	vst v63  }
0xc9: {  	s4 =	sshll.u32 s4, $0x7;
	p3 =	por p4, p3;
	_ =	swait.ge [sflag:s26], $0x3E80  }
0xca: {  	s24 =	sand.u32 @!p3 $0x70, s8;
	s8 =	smov.u32 s11;
	s12 =	rddreg [dreg:$0x4]  }
0xcb: {  	s11 =	sand.u32 $0x1, s14;
	s21 =	simm.s32 @!p3 $0x0;
	s12 =	sadd.s32 @!p3 s24, s12  }
0xcc: {  	[sflag:s26] =	ssyncset.done $0x0;
	s24 =	sshll.u32 @!p3 s11, $0xB;
	s12 =	sshll.u32 @!p3 s12, $0x4  }
0xcd: {  	[sflag:s26] =	ssyncadd.s32 $0xFFFFC180;
	s13 =	sxor.u32 @!p3 $0x800, s24;
	s14 =	sadd.s32 @!p3 s5, s12  }
0xce: {  	[tilespmem:s13], [sflag:$0x3] =	stream.linear.gather @!p3 [hbm4b:s14+s21], $0x800, $0x38;
	[tilespmem:$0x1DC80] =	vst v63  }
0xcf: {  	s11 =	sshll.u32 s11, $0xB;
	s12 =	sadd.s32 @!p3 s6, s12;
	s13 =	sxor.u32 @!p3 $0x1800, s24  }
0xd0: {  	[tilespmem:s13], [sflag:$0x3] =	stream.linear.gather @!p3 [hbm4b:s12+s21], $0x800, $0x38;
	[tilespmem:$0x1DC80] =	vst v63  }
0xd1: {  	p2 =	sne.s32 s20, $0x51;
	s4 =	sor.u32 s4, s11  }
0xd2: {  	[tilespmem:s25], [sflag:$0x2] =	stream.indirect.gather [hbm4b:s1+s22], $0x80, s4, s22, $0xb8;
	[tilespmem:$0x1DC80] =	vst v63  }
0xd3: {  	s10 =	sadd.s32 $0x1, s10;
	s13 =	sand.u32 $0x3C00, s0;
	_ =	swait.ge [sflag:s19], $0x3E80  }
.Ltmp8:
0xd4: {  	s4 =	sshrl.u32 s13, $0x2;
	[sflag:s19] =	ssyncset.done $0x0;
	(pc) =	sbr.rel @p2 .LBB2_12-.Ltmp8, $4  }
0xd5: {  	s14 =	sadd.s32 $0xFFFFFFFF, s8;
	s21 =	sor.u32 $0x1000, s4;
	[sflag:s19] =	ssyncadd.s32 $0xFFFFC180  }
0xd6: {  	[spmem:s2] =	stream.indirect.scatter.add.f32 [tilespmem:s23], [sflag:$0x4], $0x80, s21, s22, $0xb8;
	[tilespmem:$0x1DC80] =	vst v63  }
0xd7: {  	s24 =	sand.u32 $0xE, s14;
	s0 =	sadd.s32 $0x400, s0;
	_ =	swait.ge [sflag:s26], $0x3E80  }
0xd8: {  	p3 =	sne.s32 s24, $0x0;
	s24 =	sshll.u32 s24, $0x7;
	[sflag:s26] =	ssyncset.done $0x0  }
0xd9: {  	s4 =	simm.s32 @!p3 $0x3;
	[sflag:s26] =	ssyncadd.s32 $0xFFFFC180  }
0xda: {  	_ =	swait.ge @!p3 [sflag:s4], $0x800  }
0xdb: {  	[sflag:s4] =	ssyncset.done @!p3 $0x0  }
0xdc: {  	[sflag:s4] =	ssyncadd.s32 @!p3 $0xFFFFF800  }
0xdd: {  	s11 =	sand.u32 $0x2000, s0;
	_ =	swait.ge @!p3 [sflag:s4], $0x800  }
0xde: {  	s11 =	sshrl.u32 s11, $0x2;
	[sflag:s4] =	ssyncset.done @!p3 $0x0  }
0xdf: {  	s14 =	sor.u32 s24, s11;
	[sflag:s4] =	ssyncadd.s32 @!p3 $0xFFFFF800  }
0xe0: {  	[tilespmem:s23], [sflag:$0x1] =	stream.indirect.gather [hbm4b:s1+s22], $0x80, s14, s22, $0xb8;
	[tilespmem:$0x1DC80] =	vst v63  }
0xe1: {  	_ =	swait.ge [sflag:s28], $0x3E80  }
0xe2: {  	p2 =	sgt.u32 s10, $0x1E;
	s4 =	sand.u32 $0xF, s8;
	[sflag:s28] =	ssyncset.done $0x0  }
0xe3: {  	s20 =	sadd.s32 $0x80, s21;
	p3 =	sne.s32 @!p2 s4, $0x1;
	[sflag:s28] =	ssyncadd.s32 $0xFFFFC180  }
0xe4: {  	[spmem:s2] =	stream.indirect.scatter.add.f32 [tilespmem:s25], [sflag:$0x4], $0x80, s20, s22, $0xb8;
	[tilespmem:$0x1DC80] =	vst v63  }
0xe5: {  	s21 =	sshrl.u32 s8, $0x4;
	p2 =	por p3, p2;
	_ =	swait.ge [sflag:s26], $0x3E80  }
0xe6: {  	s11 =	sand.u32 $0x1, s21;
	s8 =	sand.u32 @!p2 $0x70, s8;
	s10 =	rddreg [dreg:$0x4]  }
0xe7: {  	s4 =	sshll.u32 s4, $0x7;
	s12 =	sshll.u32 @!p2 s11, $0xB;
	s8 =	sadd.s32 @!p2 s8, s10  }
0xe8: {  	s13 =	sxor.u32 @!p2 $0x800, s12;
	[sflag:s26] =	ssyncset.done $0x0;
	s8 =	sshll.u32 @!p2 s8, $0x4  }
0xe9: {  	s10 =	simm.s32 @!p2 $0x0;
	[sflag:s26] =	ssyncadd.s32 $0xFFFFC180;
	s14 =	sadd.s32 @!p2 s5, s8  }
0xea: {  	[tilespmem:s13], [sflag:$0x3] =	stream.linear.gather @!p2 [hbm4b:s14+s10], $0x800, $0x38;
	[tilespmem:$0x1DC80] =	vst v63  }
0xeb: {  	s11 =	sshll.u32 s11, $0xB;
	s12 =	sxor.u32 @!p2 $0x1800, s12;
	s8 =	sadd.s32 @!p2 s6, s8  }
0xec: {  	[tilespmem:s12], [sflag:$0x3] =	stream.linear.gather @!p2 [hbm4b:s8+s10], $0x800, $0x38;
	[tilespmem:$0x1DC80] =	vst v63  }
0xed: {  	s4 =	sor.u32 s4, s11  }
0xee: {  	[tilespmem:s25], [sflag:$0x2] =	stream.indirect.gather [hbm4b:s1+s22], $0x80, s4, s22, $0xb8;
	[tilespmem:$0x1DC80] =	vst v63  }
0xef: {  	s24 =	sand.u32 $0x3C00, s0;
	_ =	swait.ge [sflag:s19], $0x3E80  }
0xf0: {  	s0 =	sshrl.u32 s24, $0x2;
	[sflag:s19] =	ssyncset.done $0x0  }
0xf1: {  	s0 =	sor.u32 $0x1000, s0;
	[sflag:s19] =	ssyncadd.s32 $0xFFFFC180  }
0xf2: {  	[spmem:s2] =	stream.indirect.scatter.add.f32 [tilespmem:s23], [sflag:$0x4], $0x80, s0, s22, $0xb8;
	[tilespmem:$0x1DC80] =	vst v63  }
0xf3: {  	_ =	swait.ge [sflag:s26], $0x3E80  }
0xf4: {  	[sflag:s26] =	ssyncset.done $0x0  }
0xf5: {  	[sflag:s26] =	ssyncadd.s32 $0xFFFFC180  }
0xf6: {  	_ =	swait.ge [sflag:s28], $0x3E80  }
0xf7: {  	[sflag:s28] =	ssyncset.done $0x0  }
0xf8: {  	s0 =	sadd.s32 $0x80, s0;
	[sflag:s28] =	ssyncadd.s32 $0xFFFFC180  }
0xf9: {  	[spmem:s2] =	stream.indirect.scatter.add.f32 [tilespmem:s25], [sflag:$0x4], $0x80, s0, s22, $0xb8;
	[tilespmem:$0x1DC80] =	vst v63  }
0xfa: {  	_ =	swait.ge [sflag:s26], $0x3E80  }
0xfb: {  	[sflag:s26] =	ssyncset.done $0x0  }
0xfc: {  	[sflag:s26] =	ssyncadd.s32 $0xFFFFC180  }
0xfd: {  	s0 =	simm.s32 @p1 $0x1FC4;
	[bflag:$0x0] =	sbarrier.arrive $0xFFFF  }
0xfe: {  	[hbm:s16], [sflag:s0] =	dma.local @p1 [spmem:s31], $0x2800  }
0xff: {  	s0 =	simm.s32 @p1 $0x4  }
0x100: {  	s3 =	sadd.s32 $0x1, s3;
	_ =	swait.ge @p1 [sflag:s0], $0x2800  }
0x101: {  	p2 =	sne.s32 s3, s17;
	[sflag:s0] =	ssyncset.done @p1 $0x0  }
.Ltmp9:
0x102: {  	[sflag:s0] =	ssyncadd.s32 @p1 $0xFFFFD800;
	s0 =	simm.s32 @!p1 $0x4;
	(pc) =	sbr.rel @p2 .LBB2_1-.Ltmp9, $4  }
0x103: {  	[hbm:s15], [sflag:s30] =	dma.local @!p1 [spmem:s29], $0x2700  }
0x104: {  	_ =	swait.ge @!p1 [sflag:s0], $0x2700  }
0x105: {  	[sflag:s0] =	ssyncset.done @!p1 $0x0  }
0x106: {  	[sflag:s0] =	ssyncadd.s32 @!p1 $0xFFFFD900  }
0x107: {  	_ =	sfence.sel $0x180000  }
0x108: {  	[bflag:$0x0] =	sbarrier.arrive $0xFFFF  }
0x109: {  	_ =	strace $0x9000004A  }
0x10a: {  	s0 =	stileid.u32;
	[bflag:$0x2] =	sbarrier.arrive $0xFFFF  }
0x10b: {  	p0 =	sne.s32 s0, $0x0;
	s0 =	rddreg [dreg:$0x3]  }
0x10c: {  	s0 =	sadd.s32 @!p0 $0x100000, s0  }
0x10d: {  	[sflag:s0] =	ssyncadd.tile.s32 @!p0 $0x1;
	_ =	shalt  }
.Lfunc_end2:
_tile_overlayer_lowered:
.L_overlay_start_2:
0x10e: {  	(tag) =	ssettag $0x2  }
0x10f: {  	s0 =	rddreg [dreg:$0x0];
	s2 =	stileid.u32  }
0x110: {  	s1 =	rddreg [dreg:$0x1];
	p0 =	sne.s32 s2, $0x0  }
0x111: {  	s3 =	rddreg [dreg:$0x2];
	[bflag:$0x3] =	sbarrier.arrive $0xFFFF;
	s2 =	simm.s32 @!p0 $0x1C04  }
0x112: {  	[timem:s3], [sflag:s2] =	dma.local @!p0 [hbm:s0], s1  }
0x113: {  	s0 =	simm.s32 @!p0 $0x4  }
0x114: {  	_ =	swait.ge @!p0 [sflag:s0], s1  }
0x115: {  	s1 =	ssub.s32 @!p0 $0x0, s1;
	[sflag:s0] =	ssyncset.done @!p0 $0x0  }
0x116: {  	[sflag:s0] =	ssyncadd.s32 @!p0 s1  }
0x117: {  	[bflag:$0x3] =	sbarrier.arrive $0xFFFF  }
0x118: {  	_ =	shalt  }

// kernel: kernel.14.cloned.1.call-start
scs
__scs_entry_jumppad:
0x0: {  	(pc) =	sbr.rel $0x88, $3  }
0x1: {  	(tag) =	ssettag $0x0;
	lr =	simm.s32 $0x1  }
0x2: {  	[smem:$0x3F99] =	sst lr;
	_ =	strace $0xD0000000  }
0x3: {  	_ = 	snop  }
0x4: {  	_ = 	snop  }
0x5: {  	_ = 	snop  }
0x6: {  	_ = 	snop  }
0x7: {  	_ = 	snop  }
__scs_overlays_trampoline_lowered:
0x8: {  	[smem:$0x3FA8] =	sst s0  }
0x9: {  	[smem:$0x3FA9] =	sst s1  }
0xa: {  	[smem:$0x3FAA] =	sst s2  }
0xb: {  	[smem:$0x3FAB] =	sst s3  }
0xc: {  	[smem:$0x3FAC] =	sst s4  }
0xd: {  	[smem:$0x3FAD] =	sst s5  }
0xe: {  	[smem:$0x3FAE] =	sst s6  }
0xf: {  	[smem:$0x3FAF] =	sst s7  }
0x10: {  	[smem:$0x3FB0] =	sst s8  }
0x11: {  	[smem:$0x3FB1] =	sst s9;
	s0 =	simm.s32 @!p0 $0x0  }
0x12: {  	s1 =	sld [smem:$0x3F97];
	s0 =	simm.s32 @p0 $0x1  }
0x13: {  	[smem:$0x3FB2] =	sst s0;
	s0 =	simm.s32 @!p1 $0x0  }
0x14: {  	s2 =	sld [smem:$0x3F96];
	s0 =	simm.s32 @p1 $0x1  }
0x15: {  	[smem:$0x3FB3] =	sst s0;
	s0 =	simm.s32 @!p2 $0x0  }
0x16: {  	s3 =	sld [smem:$0x3FDB];
	s0 =	simm.s32 @p2 $0x1  }
0x17: {  	s4 =	simm.s32 $0x1BF5;
	[smem:$0x3FB5] =	sst s0  }
0x18: {  	s0 =	sld [smem:$0x3F98];
	_ =	swait.ge [sflag:s4], $0x0  }
0x19: {  	s7 =	sld [smem:$0x3F99]  }
0x1a: {  	s8 =	sadd.s32 $0xFFFFE003, lr  }
0x1b: {  	s9 =	sadd.s32 $0xFFFFFEF7, lr;
	s5 =	simm.s32 $0xFFFFFFFF;
	p2 =	slt.u32 s8, $0xFFFFF086  }
0x1c: {  	p1 =	slt.u32 s9, $0xF7A;
	s5 =	simm.s32 @!p2 $0x0  }
0x1d: {  	s5 =	simm.s32 @p1 $0x1;
	p0 =	seq.s32 s7, s2  }
0x1e: {  	s7 =	smul.u32 @!p0 $0xF7A, s2;
	p2 =	seq.s32 @!p0 s5, $0x0  }
0x1f: {  	s9 =	smul.u32 $0xF7A, s1;
	s8 =	simm.s32 @!p0 $0x1BF5;
	p2 =	por !p2, p0  }
0x20: {  	[sflag:s8] =	ssyncset.s32 @!p0 $0xFFFFF086;
	s6 =	sadd.s32 @!p0 s3, s7;
	s7 =	simm.s32 @!p0 $0x108  }
0x21: {  	s3 =	sadd.s32 s3, s9;
	s6 =	sadd.s32 @!p0 $0x88, s6;
	s7 =	simm.s32 @p2 $0x1082  }
0x22: {  	[simem:s7], [sflag:s8] =	dma.local @!p0 [hbm:s6], $0xF7A  }
0x23: {  	s9 =	sor.u32 $0xD0000000, s2;
	s6 =	simm.s32 $0x108;
	_ =	swait.ge @!p0 [sflag:s8], $0x0  }
0x24: {  	s3 =	sadd.s32 $0x88, s3;
	s6 =	simm.s32 @!p1 $0x1082;
	[sflag:s4] =	ssyncset.s32 $0xFFFFF086  }
0x25: {  	[simem:s6], [sflag:s4] =	dma.local [hbm:s3], $0xF7A  }
0x26: {  	[smem:$0x3F99] =	sst s1;
	(tag) =	ssettag s2;
	_ =	strace s9  }
0x27: {  	s1 =	sld [smem:$0x3FA9]  }
0x28: {  	s2 =	sld [smem:$0x3FAA]  }
0x29: {  	s4 =	sld [smem:$0x3FAC]  }
0x2a: {  	p0 =	seq.s32 s5, $0x0;
	s5 =	sld [smem:$0x3FAD]  }
0x2b: {  	s6 =	sld [smem:$0x3FAE]  }
0x2c: {  	s7 =	sld [smem:$0x3FAF]  }
0x2d: {  	s3 =	simm.s32 $0x108;
	s8 =	sld [smem:$0x3FB0]  }
0x2e: {  	s3 =	simm.s32 @!p0 $0x1082;
	s9 =	sld [smem:$0x3FB1]  }
0x2f: {  	lr =	sadd.s32 s0, s3;
	s0 =	sld [smem:$0x3FA8]  }
0x30: {  	s3 =	sld [smem:$0x3FAB]  }
0x31: {  	[smem:$0x3FB4] =	sst s10  }
0x32: {  	s10 =	sld [smem:$0x3FB2];
	_ =	sdelay $0x3  }
0x33: {  	p0 =	seq.s32 s10, $0x1;
	s10 =	sld [smem:$0x3FB4];
	_ =	sdelay $0x3  }
0x34: {  	[smem:$0x3FB4] =	sst s10  }
0x35: {  	s10 =	sld [smem:$0x3FB3];
	_ =	sdelay $0x3  }
0x36: {  	p1 =	seq.s32 s10, $0x1;
	s10 =	sld [smem:$0x3FB4];
	_ =	sdelay $0x3  }
0x37: {  	[smem:$0x3FB4] =	sst s10  }
0x38: {  	s10 =	sld [smem:$0x3FB5]  }
0x39: {  	_ = 	snop;
	(pc) =	sbr.ind lr, $3  }
0x3a: {  	_ = 	snop  }
0x3b: {  	_ = 	snop  }
0x3c: {  	p2 =	seq.s32 s10, $0x1;
	s10 =	sld [smem:$0x3FB4]  }
0x3d: {  	_ =	shalt  }
0x3e: {  	_ =	shalt  }
0x3f: {  	_ =	shalt  }
0x40: {  	_ =	shalt  }
0x41: {  	_ =	shalt  }
0x42: {  	_ =	shalt  }
0x43: {  	_ =	shalt  }
0x44: {  	_ =	shalt  }
0x45: {  	_ =	shalt  }
0x46: {  	_ =	shalt  }
0x47: {  	_ =	shalt  }
0x48: {  	_ =	shalt  }
0x49: {  	_ =	shalt  }
0x4a: {  	_ =	shalt  }
0x4b: {  	_ =	shalt  }
0x4c: {  	_ =	shalt  }
0x4d: {  	_ =	shalt  }
0x4e: {  	_ =	shalt  }
0x4f: {  	_ =	shalt  }
0x50: {  	_ =	shalt  }
0x51: {  	_ =	shalt  }
0x52: {  	_ =	shalt  }
0x53: {  	_ =	shalt  }
0x54: {  	_ =	shalt  }
0x55: {  	_ =	shalt  }
0x56: {  	_ =	shalt  }
0x57: {  	_ =	shalt  }
0x58: {  	_ =	shalt  }
0x59: {  	_ =	shalt  }
0x5a: {  	_ =	shalt  }
0x5b: {  	_ =	shalt  }
0x5c: {  	_ =	shalt  }
0x5d: {  	_ =	shalt  }
0x5e: {  	_ =	shalt  }
0x5f: {  	_ =	shalt  }
0x60: {  	_ =	shalt  }
0x61: {  	_ =	shalt  }
0x62: {  	_ =	shalt  }
0x63: {  	_ =	shalt  }
0x64: {  	_ =	shalt  }
0x65: {  	_ =	shalt  }
0x66: {  	_ =	shalt  }
0x67: {  	_ =	shalt  }
0x68: {  	_ =	shalt  }
0x69: {  	_ =	shalt  }
0x6a: {  	_ =	shalt  }
0x6b: {  	_ =	shalt  }
0x6c: {  	_ =	shalt  }
0x6d: {  	_ =	shalt  }
0x6e: {  	_ =	shalt  }
0x6f: {  	_ =	shalt  }
0x70: {  	_ =	shalt  }
0x71: {  	_ =	shalt  }
0x72: {  	_ =	shalt  }
0x73: {  	_ =	shalt  }
0x74: {  	_ =	shalt  }
0x75: {  	_ =	shalt  }
0x76: {  	_ =	shalt  }
0x77: {  	_ =	shalt  }
0x78: {  	_ =	shalt  }
0x79: {  	_ =	shalt  }
0x7a: {  	_ =	shalt  }
0x7b: {  	_ =	shalt  }
0x7c: {  	_ =	shalt  }
0x7d: {  	_ =	shalt  }
0x7e: {  	_ =	shalt  }
0x7f: {  	_ =	shalt  }
0x80: {  	_ =	shalt  }
0x81: {  	_ =	shalt  }
0x82: {  	_ =	shalt  }
0x83: {  	_ =	shalt  }
0x84: {  	_ =	shalt  }
0x85: {  	_ =	shalt  }
0x86: {  	_ =	shalt  }
0x87: {  	_ =	shalt  }
.Lfunc_end0:
.L_simem_size_0:
called_computation.2_lowered:
.L_overlay_start_0:
0x88: {  	s2 =	sld [smem:$0x3FD9]  }
0x89: {  	s3 =	sld [smem:$0x3FFE];
	_ =	sdelay $0x1  }
0x8a: {  	s1 =	srdreg.scid  }
0x8b: {  	s0 =	sand.u32 $0x1, s1  }
0x8c: {  	s17 =	sshll.u32 s0, $0xA;
	s2 =	sadd.s32 s3, s2  }
0x8d: {  	s2 =	sadd.s32 s2, s17  }
0x8e: {  	[smem:$0x3FC0] =	sst s2  }
0x8f: {  	_ = 	snop  }
0x90: {  	s2 =	sld [smem:$0x3FD0];
	(tm) =	ssettm $0x1  }
0x91: {  	s18 =	sld [smem:$0x3FFB];
	_ =	sdelay $0x3  }
0x92: {  	_ =	strace s18  }
0x93: {  	s3 =	sld [smem:$0x3FFC];
	_ =	sdelay $0x3  }
0x94: {  	_ =	strace s3  }
0x95: {  	s3 =	sld [smem:$0x3FFD];
	_ =	sdelay $0x3  }
0x96: {  	_ =	strace s3  }
0x97: {  	_ =	strace $0x8FFFFFFF  }
0x98: {  	s19 =	sld [smem:$0x3FDB];
	_ =	sdelay $0x1  }
0x99: {  	s4 =	simm.s32 $_scs_section_size  }
0x9a: {  	s5 =	simm.s32 $_size__tile_overlayer_lowered;
	s6 =	simm.s32 $_tile_overlayer_lowered  }
0x9b: {  	s22 =	simm.s32 $0x1BFF;
	s21 =	sshll.u32 s6, $0x1;
	s3 =	sadd.s32 s4, s19  }
0x9c: {  	s7 =	simm.s32 $0x0;
	s20 =	sshll.u32 s5, $0x1;
	s5 =	sadd.s32 s21, s3  }
0x9d: {  	[timem:s7], [sflag:s22] =	dma.local [hbm:s5], s20  }
0x9e: {  	_ =	swait.ge [sflag:s22], s20  }
0x9f: {  	s4 =	ssub.s32 $0x0, s20;
	[sflag:s22] =	ssyncset.done $0x0  }
0xa0: {  	[sflag:s22] =	ssyncadd.s32 s4;
	_ =	sdelay $0x1  }
0xa1: {  	s23 =	simm.s32 $0x1B8B  }
0xa2: {  	_ =	swait.ge [sflag:s23], $0x1  }
0xa3: {  	[sflag:s23] =	ssyncset.done $0x0  }
0xa4: {  	s25 =	simm.s32 $0x1B8E;
	s24 =	sld [smem:$0x3FFE];
	[sflag:s23] =	ssyncadd.s32 $0xFFFFFFFF  }
0xa5: {  	s26 =	simm.s32 $execute0_lowered;
	[smem:$0x3FD2] =	sst s25  }
0xa6: {  	s5 =	sshll.u32 s26, $0x1;
	_ =	strace $0x8000004C;
	[dreg:$0x1] =	wrdreg $0xFFFFFFFF  }
0xa7: {  	s28 =	simm.s32 $_size_execute0_lowered;
	s3 =	sadd.s32 s3, s5;
	[dreg:$0x0] =	wrdreg $0x0  }
0xa8: {  	s5 =	sshll.u32 s28, $0x1;
	[dreg:$0x2] =	wrdreg s3  }
0xa9: {  	[dreg:$0x3] =	wrdreg s5  }
0xaa: {  	[dreg:$0x4] =	wrdreg $0xC0  }
0xab: {  	_ =	task [dreg:s7], $0x5FFFF  }
0xac: {  	[dreg:$0x1] =	wrdreg $0xFFFFFFFF  }
0xad: {  	[dreg:$0x0] =	wrdreg $0x60  }
0xae: {  	[dreg:$0x2] =	wrdreg s2  }
0xaf: {  	[dreg:$0x3] =	wrdreg s24  }
0xb0: {  	[dreg:$0x4] =	wrdreg $0xA4000  }
0xb1: {  	[dreg:$0x5] =	wrdreg $0x9  }
0xb2: {  	_ =	task.clear_ibuf [dreg:s7], $0x6FFFF;
	_ =	strace $0x9000004C  }
0xb3: {  	s29 =	simm.s32 $0x9;
	_ =	strace $0x8000004E  }
0xb4: {  	_ =	swait.ge [sflag:s29], $0x1  }
0xb5: {  	[sflag:s29] =	ssyncadd.s32 $0xFFFFFFFF  }
0xb6: {  	_ =	strace $0x9000004E  }
0xb7: {  	_ =	sfence  }
0xb8: {  	s30 =	sld [smem:$0x0];
	_ =	sdelay $0x2  }
0xb9: {  	s31 =	sshll.u32 s1, $0xD;
	s1 =	sshrl.u32 s1, $0x2  }
0xba: {  	s3 =	sand.u32 $0x4000, s31;
	s1 =	sadd.s32 s1, s30  }
0xbb: {  	s0 =	sor.u32 s3, s0;
	s1 =	sshll.u32 s1, $0x11  }
0xbc: {  	s0 =	sor.u32 s1, s0  }
0xbd: {  	s0 =	sadd.s32 $0x8F2B, s0  }
0xbe: {  	[sflag:s0] =	ssyncadd.remote.s32 $0x1  }
0xbf: {  	_ =	sfence.sel $0xFFFF  }
0xc0: {  	[dreg:$0x0] =	wrdreg $0xFFFFFFFF;
	(pc) =	sbr.abs _section_cstart, $3  }
0xc1: {  	[dreg:$0x1] =	wrdreg $0xFFFFFFFF  }
0xc2: {  	_ =	task.clear_ibuf [dreg:s7], $0x2FFFF;
	_ =	strace $0x9FFFFFFF  }
0xc3: {  	(tm) =	ssettm $0x7FFFFFFF  }
tec
execute0_lowered:
.L_overlay_start_1:
0x0: {  	(tag) =	ssettag $0x1  }
0x1: {  	s1 =	rddreg [dreg:$0x0]  }
0x2: {  	s0 =	rddreg [dreg:$0x1]  }
0x3: {  	s2 =	rddreg [dreg:$0x2]  }
0x4: {  	s3 =	simm.s32 $0x0;
	s7 =	srdreg.scid;
	s4 =	stileid.u32  }
0x5: {  	s18 =	simm.s32 $0xA000;
	s19 =	simm.s32 $0x1;
	s28 =	simm.s32 $0x2  }
0x6: {  	[smem:$0x7FF] =	sst s3;
	s5 =	sadd.s32 $0x2000, s0;
	s6 =	sadd.s32 $0xC000, s0  }
0x7: {  	s0 =	sadd.s32 $0x16000, s0;
	s8 =	sand.u32 $0x1, s7;
	s11 =	smul.u32 $0x4E000, s4  }
0x8: {  	p1 =	sgt.u32 s4, $0x7;
	p2 =	slt.u32 s4, $0x8;
	s12 =	smul.u32 $0x2700, s4  }
0x9: {  	s25 =	sadd.s32 $0x24900, s1;
	s16 =	smul.u32 $0x13800, s4;
	_ =	strace $0x8000004D  }
0xa: {  	s7 =	ssub.s32 $0x2, s8;
	p0 =	seq.s32 s8, $0x1;
	s10 =	sshll.u32 s8, $0x4  }
0xb: {  	p6 =	seq.s32 s8, $0x0;
	s8 =	smul.u32 $0x138800, s8;
	[dreg:$0x6] =	wrdreg s25  }
0xc: {  	s25 =	simm.s32 $0x6000;
	s9 =	sshrl.u32 s7, $0x1;
	p0 =	por p1, p0  }
0xd: {  	s10 =	sor.u32 s4, s10;
	p1 =	por p6, p2;
	s22 =	sshrl.u32 s11, $0x2  }
0xe: {  	s24 =	sadd.s32 s1, s12;
	s17 =	ssub.s32 s7, s9;
	s15 =	smul.u32 $0x50, s10  }
0xf: {  	p0 =	por !p0, !p1;
	s23 =	smul.u32 $0x2800, s10;
	s7 =	sadd.s32 s22, s2  }
0x10: {  	[dreg:$0x5] =	wrdreg s24;
	s10 =	smul.u32 $0x500, s10;
	s9 =	sadd.s32 $0x124800, s2  }
0x11: {  	s31 =	sadd.s32 s16, s8;
	s8 =	sshrl.u32 s8, $0x3;
	p1 =	seq.s32 s4, $0xF  }
0x12: {  	s22 =	simm.s32 $0x7D;
	p0 =	por !p0, !p0;
	s8 =	sadd.s32 s0, s8  }
0x13: {  	s17 =	smax.u32 s17, $0x1;
	s11 =	sshrl.u32 s23, $0x3;
	s26 =	sadd.s32 s5, s10  }
0x14: {  	s10 =	sadd.s32 s6, s10;
	s15 =	sadd.s32 $0x10, s15;
	[dreg:$0x7] =	wrdreg s26  }
0x15: {  	s16 =	sadd.s32 $0x24900, s8;
	s14 =	sadd.s32 $0x100, s11;
	[dreg:$0x8] =	wrdreg s10  }
0x16: {  	s23 =	simm.s32 $0x2000;
	[dreg:$0x4] =	wrdreg s15;
	s29 =	sadd.s32 s5, s14  }
0x17: {  	s10 =	sshrl.u32 s31, $0x3;
	s30 =	sadd.s32 s6, s14;
	[dreg:$0x9] =	wrdreg s29  }
0x18: {  	v0 =	vimm.f32 $0.0e+00;
	s26 =	simm.s32 $0x4;
	s15 =	sadd.s32 s0, s10;
	[dreg:$0xa] =	wrdreg s30  }
.LBB2_1:
.Ltmp0:
0x19: {  	(pc) =	sbr.rel @!p0 .LBB2_15-.Ltmp0, $4  }
0x1a: {  	_ = 	snop  }
0x1b: {  	s0 =	stileid.u32  }
0x1c: {  	s0 =	sshll.u32 @!p1 s0, $0x6  }
0x1d: {  	s31 =	sshrl.u32 @p1 s9, $0x3;
	s29 =	sshrl.u32 @!p1 s7, $0x3;
	s30 =	sor.u32 @!p1 $0x1C04, s0  }
0x1e: {  	[tilespmem:$0xA000] =	vst v0  }
0x1f: {  	[tilespmem:$0xA010] =	vst v0  }
0x20: {  	[tilespmem:$0xA020] =	vst v0  }
0x21: {  	[tilespmem:$0xA030] =	vst v0  }
0x22: {  	[tilespmem:$0xA040] =	vst v0  }
0x23: {  	[tilespmem:$0xA050] =	vst v0  }
0x24: {  	[tilespmem:$0xA060] =	vst v0  }
0x25: {  	[tilespmem:$0xA070] =	vst v0  }
0x26: {  	[tilespmem:$0xA080] =	vst v0  }
0x27: {  	[tilespmem:$0xA090] =	vst v0  }
0x28: {  	[tilespmem:$0xA0A0] =	vst v0  }
0x29: {  	[tilespmem:$0xA0B0] =	vst v0  }
0x2a: {  	[tilespmem:$0xA0C0] =	vst v0  }
0x2b: {  	[tilespmem:$0xA0D0] =	vst v0  }
0x2c: {  	[tilespmem:$0xA0E0] =	vst v0  }
0x2d: {  	[tilespmem:$0xA0F0] =	vst v0  }
0x2e: {  	[tilespmem:$0xA100] =	vst v0  }
0x2f: {  	[tilespmem:$0xA110] =	vst v0  }
0x30: {  	[tilespmem:$0xA120] =	vst v0  }
0x31: {  	[tilespmem:$0xA130] =	vst v0  }
0x32: {  	[tilespmem:$0xA140] =	vst v0  }
0x33: {  	[tilespmem:$0xA150] =	vst v0  }
0x34: {  	[tilespmem:$0xA160] =	vst v0  }
0x35: {  	[tilespmem:$0xA170] =	vst v0  }
0x36: {  	[tilespmem:$0xA180] =	vst v0  }
0x37: {  	[tilespmem:$0xA190] =	vst v0  }
0x38: {  	[tilespmem:$0xA1A0] =	vst v0  }
0x39: {  	[tilespmem:$0xA1B0] =	vst v0  }
0x3a: {  	[tilespmem:$0xA1C0] =	vst v0  }
0x3b: {  	[tilespmem:$0xA1D0] =	vst v0  }
0x3c: {  	[tilespmem:$0xA1E0] =	vst v0  }
0x3d: {  	[tilespmem:$0xA1F0] =	vst v0  }
0x3e: {  	[tilespmem:$0xA200] =	vst v0  }
0x3f: {  	[tilespmem:$0xA210] =	vst v0  }
0x40: {  	[tilespmem:$0xA220] =	vst v0  }
0x41: {  	[tilespmem:$0xA230] =	vst v0  }
0x42: {  	[tilespmem:$0xA240] =	vst v0  }
0x43: {  	[tilespmem:$0xA250] =	vst v0  }
0x44: {  	[tilespmem:$0xA260] =	vst v0  }
0x45: {  	[tilespmem:$0xA270] =	vst v0  }
0x46: {  	[tilespmem:$0xA280] =	vst v0  }
0x47: {  	[tilespmem:$0xA290] =	vst v0  }
0x48: {  	[tilespmem:$0xA2A0] =	vst v0  }
0x49: {  	[tilespmem:$0xA2B0] =	vst v0  }
0x4a: {  	[tilespmem:$0xA2C0] =	vst v0  }
0x4b: {  	[tilespmem:$0xA2D0] =	vst v0  }
0x4c: {  	[tilespmem:$0xA2E0] =	vst v0  }
0x4d: {  	[tilespmem:$0xA2F0] =	vst v0  }
0x4e: {  	[tilespmem:$0xA300] =	vst v0  }
0x4f: {  	[tilespmem:$0xA310] =	vst v0  }
0x50: {  	[tilespmem:$0xA320] =	vst v0  }
0x51: {  	[tilespmem:$0xA330] =	vst v0  }
0x52: {  	[tilespmem:$0xA340] =	vst v0  }
0x53: {  	[tilespmem:$0xA350] =	vst v0  }
0x54: {  	[tilespmem:$0xA360] =	vst v0  }
0x55: {  	[tilespmem:$0xA370] =	vst v0  }
0x56: {  	[tilespmem:$0xA380] =	vst v0  }
0x57: {  	[tilespmem:$0xA390] =	vst v0  }
0x58: {  	[tilespmem:$0xA3A0] =	vst v0  }
.Ltmp1:
0x59: {  	[tilespmem:$0xA3B0] =	vst v0;
	(pc) =	sbr.rel @!p1 .LBB2_3-.Ltmp1, $4  }
0x5a: {  	[tilespmem:$0xA3C0] =	vst v0  }
0x5b: {  	[tilespmem:$0xA3D0] =	vst v0  }
0x5c: {  	[tilespmem:$0xA3E0] =	vst v0  }
0x5d: {  	[tilespmem:$0xA3F0] =	vst v0;
	s0 =	simm.s32 $0x0  }
.LBB2_7:
0x5e: {  	p2 =	sne.s32 s0, $0x4F000  }
.Ltmp2:
0x5f: {  	_ = 	snop;
	(pc) =	sbr.rel @p2 .LBB2_7-.Ltmp2, $4  }
0x60: {  	_ = 	snop  }
0x61: {  	s8 =	sshra.s32 s0, $0x2  }
0x62: {  	s0 =	sadd.s32 $0x1000, s0;
	s8 =	sadd.s32 s8, s9  }
0x63: {  	[spmem:s8] =	stream.linear.scatter [tilespmem:s18], [sflag:$0x1], $0x400, $0x38;
	[tilespmem:$0x1DC80] =	vst v63  }
0x64: {  	_ =	swait.ge [sflag:s19], $0x400  }
0x65: {  	s0 =	simm.s32 $0x4F;
	[sflag:s19] =	ssyncset.done $0x0  }
.LBB2_9:
0x66: {  	p2 =	sne.s32 s0, $0x1;
	s0 =	sadd.s32 $0xFFFFFFFF, s0;
	[sflag:s19] =	ssyncadd.s32 $0xFFFFFC00  }
.Ltmp3:
0x67: {  	(pc) =	sbr.rel @p2 .LBB2_9-.Ltmp3, $3  }
0x68: {  	_ =	sdelay $0x1  }
0x69: {  	_ =	swait.ge [sflag:s19], $0x400  }
0x6a: {  	[sflag:s19] =	ssyncset.done $0x0  }
.Ltmp4:
0x6b: {  	(pc) =	sbr.rel .LBB2_11-.Ltmp4, $2  }
0x6c: {  	_ =	sdelay $0x2  }
0x6d: {  	[sflag:s19] =	ssyncadd.s32 $0xFFFFFC00  }
.LBB2_3:
0x6e: {  	p2 =	sne.s32 s0, $0x4D000  }
.Ltmp5:
0x6f: {  	_ = 	snop;
	(pc) =	sbr.rel @p2 .LBB2_3-.Ltmp5, $4  }
0x70: {  	_ = 	snop  }
0x71: {  	s8 =	sshra.s32 s0, $0x2  }
0x72: {  	s0 =	sadd.s32 $0x1000, s0;
	s8 =	sadd.s32 s8, s7  }
0x73: {  	[spmem:s8] =	stream.linear.scatter [tilespmem:s18], [sflag:$0x1], $0x400, $0x38;
	[tilespmem:$0x1DC80] =	vst v63  }
0x74: {  	_ =	swait.ge [sflag:s19], $0x400  }
0x75: {  	s0 =	simm.s32 $0x4D;
	[sflag:s19] =	ssyncset.done $0x0  }
.LBB2_5:
0x76: {  	p2 =	seq.s32 s0, $0x1;
	s0 =	sadd.s32 $0xFFFFFFFF, s0;
	[sflag:s19] =	ssyncadd.s32 $0xFFFFFC00  }
.Ltmp6:
0x77: {  	(pc) =	sbr.rel @!p2 .LBB2_5-.Ltmp6, $3  }
0x78: {  	_ =	sdelay $0x1  }
0x79: {  	_ =	swait.ge [sflag:s19], $0x400  }
0x7a: {  	[sflag:s19] =	ssyncset.done $0x0  }
.Ltmp7:
0x7b: {  	(pc) =	sbr.rel .LBB2_11-.Ltmp7, $2  }
0x7c: {  	_ =	sdelay $0x2  }
0x7d: {  	[sflag:s19] =	ssyncadd.s32 $0xFFFFFC00  }
.LBB2_15:
0x7e: {  	s0 =	simm.s32 @p1 $0x1FC4;
	s4 =	rddreg [dreg:$0x6]  }
0x7f: {  	[spmem:s31], [sflag:s0] =	dma.local @p1 [hbm:s4], $0x2800  }
0x80: {  	s0 =	simm.s32 @p1 $0x4  }
0x81: {  	_ =	swait.ge @p1 [sflag:s0], $0x2800  }
0x82: {  	[sflag:s0] =	ssyncset.done @p1 $0x0  }
0x83: {  	[sflag:s0] =	ssyncadd.s32 @p1 $0xFFFFD800;
	s0 =	rddreg [dreg:$0x5]  }
0x84: {  	[spmem:s29], [sflag:s30] =	dma.local @!p1 [hbm:s0], $0x2700  }
0x85: {  	s0 =	simm.s32 @!p1 $0x4  }
0x86: {  	_ =	swait.ge @!p1 [sflag:s0], $0x2700  }
0x87: {  	[sflag:s0] =	ssyncset.done @!p1 $0x0  }
0x88: {  	[sflag:s0] =	ssyncadd.s32 @!p1 $0xFFFFD900  }
.LBB2_11:
0x89: {  	s0 =	simm.s32 $0x0;
	s4 =	rddreg [dreg:$0x7]  }
0x8a: {  	[tilespmem:s0], [sflag:$0x3] =	stream.linear.gather [hbm4b:s4+s0], $0x800, $0x38;
	[tilespmem:$0x1DC80] =	vst v63  }
0x8b: {  	s8 =	simm.s32 $0x1000;
	s13 =	rddreg [dreg:$0x8]  }
0x8c: {  	[tilespmem:s8], [sflag:$0x3] =	stream.linear.gather [hbm4b:s13+s0], $0x800, $0x38;
	[tilespmem:$0x1DC80] =	vst v63  }
0x8d: {  	s14 =	rddreg [dreg:$0x9];
	s10 =	simm.s32 $0x800  }
0x8e: {  	[tilespmem:s10], [sflag:$0x3] =	stream.linear.gather [hbm4b:s14+s0], $0x800, $0x38;
	[tilespmem:$0x1DC80] =	vst v63  }
0x8f: {  	s20 =	rddreg [dreg:$0xa];
	s21 =	simm.s32 $0x1800  }
0x90: {  	[tilespmem:s21], [sflag:$0x3] =	stream.linear.gather [hbm4b:s20+s0], $0x800, $0x38;
	[tilespmem:$0x1DC80] =	vst v63  }
0x91: {  	s10 =	simm.s32 $0x3;
	[bflag:$0x0] =	sbarrier.arrive $0xFFFF  }
0x92: {  	_ =	swait.ge [sflag:s10], $0x800  }
0x93: {  	[sflag:s10] =	ssyncset.done $0x0  }
0x94: {  	[sflag:s10] =	ssyncadd.s32 $0xFFFFF800  }
0x95: {  	_ =	swait.ge [sflag:s10], $0x800  }
0x96: {  	[sflag:s10] =	ssyncset.done $0x0  }
0x97: {  	[sflag:s10] =	ssyncadd.s32 $0xFFFFF800  }
0x98: {  	[tilespmem:s23], [sflag:$0x1] =	stream.indirect.gather [hbm4b:s1+s22], $0x80, s0, s22, $0xb8;
	[tilespmem:$0x1DC80] =	vst v63  }
0x99: {  	s24 =	simm.s32 $0x80  }
0x9a: {  	[tilespmem:s25], [sflag:$0x2] =	stream.indirect.gather [hbm4b:s1+s22], $0x80, s24, s22, $0xb8;
	[tilespmem:$0x1DC80] =	vst v63  }
0x9b: {  	_ =	swait.ge [sflag:s19], $0x3E80  }
0x9c: {  	[sflag:s19] =	ssyncset.done $0x0  }
0x9d: {  	s4 =	simm.s32 $0x2;
	[sflag:s19] =	ssyncadd.s32 $0xFFFFC180  }
0x9e: {  	[spmem:s2] =	stream.indirect.scatter.add.f32 [tilespmem:s23], [sflag:$0x4], $0x80, s8, s22, $0xb8;
	[tilespmem:$0x1DC80] =	vst v63  }
0x9f: {  	s0 =	sand.u32 $0xE, s4;
	_ =	swait.ge [sflag:s26], $0x3E80  }
0xa0: {  	p2 =	sne.s32 s0, $0x0;
	[sflag:s26] =	ssyncset.done $0x0  }
0xa1: {  	s8 =	simm.s32 @!p2 $0x3;
	[sflag:s26] =	ssyncadd.s32 $0xFFFFC180  }
0xa2: {  	_ =	swait.ge @!p2 [sflag:s8], $0x800  }
0xa3: {  	[sflag:s8] =	ssyncset.done @!p2 $0x0  }
0xa4: {  	s21 =	simm.s32 $0x400;
	[sflag:s8] =	ssyncadd.s32 @!p2 $0xFFFFF800  }
0xa5: {  	s20 =	sand.u32 $0x2000, s21;
	_ =	swait.ge @!p2 [sflag:s8], $0x800  }
0xa6: {  	s20 =	sshrl.u32 s20, $0x2;
	s0 =	sshll.u32 s0, $0x7;
	[sflag:s8] =	ssyncset.done @!p2 $0x0  }
0xa7: {  	s0 =	sor.u32 s0, s20;
	[sflag:s8] =	ssyncadd.s32 @!p2 $0xFFFFF800  }
0xa8: {  	[tilespmem:s23], [sflag:$0x1] =	stream.indirect.gather [hbm4b:s1+s22], $0x80, s0, s22, $0xb8;
	[tilespmem:$0x1DC80] =	vst v63  }
0xa9: {  	_ =	swait.ge [sflag:s28], $0x3E80  }
0xaa: {  	p2 =	por $0x0, $0x0;
	s0 =	sand.u32 $0xF, s10;
	[sflag:s28] =	ssyncset.done $0x0  }
0xab: {  	s8 =	simm.s32 $0x1080;
	p3 =	sne.s32 @!p2 s0, $0x1;
	[sflag:s28] =	ssyncadd.s32 $0xFFFFC180  }
0xac: {  	[spmem:s2] =	stream.indirect.scatter.add.f32 [tilespmem:s25], [sflag:$0x4], $0x80, s8, s22, $0xb8;
	[tilespmem:$0x1DC80] =	vst v63  }
0xad: {  	s11 =	simm.s32 $0x0;
	p2 =	por p3, p2;
	_ =	swait.ge [sflag:s26], $0x3E80  }
0xae: {  	s20 =	sand.u32 $0x1, s11;
	s10 =	sand.u32 @!p2 $0x70, s10;
	s8 =	rddreg [dreg:$0x4]  }
0xaf: {  	s12 =	sshll.u32 s20, $0xB;
	s24 =	sshll.u32 @!p2 s20, $0xB;
	s8 =	sadd.s32 @!p2 s10, s8  }
0xb0: {  	s4 =	sxor.u32 @!p2 $0x800, s24;
	[sflag:s26] =	ssyncset.done $0x0;
	s8 =	sshll.u32 @!p2 s8, $0x4  }
0xb1: {  	s10 =	simm.s32 @!p2 $0x0;
	[sflag:s26] =	ssyncadd.s32 $0xFFFFC180;
	s11 =	sadd.s32 @!p2 s5, s8  }
0xb2: {  	[tilespmem:s4], [sflag:$0x3] =	stream.linear.gather @!p2 [hbm4b:s11+s10], $0x800, $0x38;
	[tilespmem:$0x1DC80] =	vst v63  }
0xb3: {  	s0 =	sshll.u32 s0, $0x7;
	s8 =	sadd.s32 @!p2 s6, s8;
	s4 =	sxor.u32 @!p2 $0x1800, s24  }
0xb4: {  	[tilespmem:s4], [sflag:$0x3] =	stream.linear.gather @!p2 [hbm4b:s8+s10], $0x800, $0x38;
	[tilespmem:$0x1DC80] =	vst v63  }
0xb5: {  	s14 =	simm.s32 $0x4;
	s0 =	sor.u32 s0, s12  }
0xb6: {  	[tilespmem:s25], [sflag:$0x2] =	stream.indirect.gather [hbm4b:s1+s22], $0x80, s0, s22, $0xb8;
	[tilespmem:$0x1DC80] =	vst v63  }
0xb7: {  	s13 =	sand.u32 $0x3C00, s21;
	s20 =	simm.s32 $0x7;
	_ =	swait.ge [sflag:s19], $0x3E80  }
0xb8: {  	s24 =	sand.u32 $0xE, s14;
	s4 =	sshrl.u32 s13, $0x2;
	[sflag:s19] =	ssyncset.done $0x0  }
0xb9: {  	p3 =	sne.s32 s24, $0x0;
	s21 =	sor.u32 $0x1000, s4;
	[sflag:s19] =	ssyncadd.s32 $0xFFFFC180  }
0xba: {  	[spmem:s2] =	stream.indirect.scatter.add.f32 [tilespmem:s23], [sflag:$0x4], $0x80, s21, s22, $0xb8;
	[tilespmem:$0x1DC80] =	vst v63  }
0xbb: {  	s24 =	sshll.u32 s24, $0x7;
	s8 =	simm.s32 $0x5;
	_ =	swait.ge [sflag:s26], $0x3E80  }
0xbc: {  	s10 =	simm.s32 $0x1;
	s0 =	simm.s32 $0x800;
	[sflag:s26] =	ssyncset.done $0x0  }
.LBB2_12:
0xbd: {  	s4 =	simm.s32 @!p3 $0x3;
	[sflag:s26] =	ssyncadd.s32 $0xFFFFC180  }
0xbe: {  	_ =	swait.ge @!p3 [sflag:s4], $0x800  }
0xbf: {  	[sflag:s4] =	ssyncset.done @!p3 $0x0  }
0xc0: {  	[sflag:s4] =	ssyncadd.s32 @!p3 $0xFFFFF800  }
0xc1: {  	s12 =	sand.u32 $0x2000, s0;
	_ =	swait.ge @!p3 [sflag:s4], $0x800  }
0xc2: {  	s12 =	sshrl.u32 s12, $0x2;
	[sflag:s4] =	ssyncset.done @!p3 $0x0  }
0xc3: {  	s11 =	smov.u32 s20;
	s12 =	sor.u32 s24, s12;
	[sflag:s4] =	ssyncadd.s32 @!p3 $0xFFFFF800  }
0xc4: {  	[tilespmem:s23], [sflag:$0x1] =	stream.indirect.gather [hbm4b:s1+s22], $0x80, s12, s22, $0xb8;
	[tilespmem:$0x1DC80] =	vst v63  }
0xc5: {  	s20 =	sadd.s32 $0x2, s20;
	s13 =	sadd.s32 $0x80, s21;
	_ =	swait.ge [sflag:s28], $0x3E80  }
0xc6: {  	s4 =	sand.u32 $0xF, s8;
	p3 =	sgt.u32 s10, $0x1E;
	[sflag:s28] =	ssyncset.done $0x0  }
0xc7: {  	s14 =	sshrl.u32 s8, $0x4;
	p4 =	sne.s32 @!p3 s4, $0x1;
	[sflag:s28] =	ssyncadd.s32 $0xFFFFC180  }
0xc8: {  	[spmem:s2] =	stream.indirect.scatter.add.f32 [tilespmem:s25], [sflag:$0x4], $0x80, s13, s22, $0xb8;
	[tilespmem:$0x1DC80] =	vst v63  }
0xc9: {  	s4 =	sshll.u32 s4, $0x7;
	p3 =	por p4, p3;
	_ =	swait.ge [sflag:s26], $0x3E80  }
0xca: {  	s24 =	sand.u32 @!p3 $0x70, s8;
	s8 =	smov.u32 s11;
	s12 =	rddreg [dreg:$0x4]  }
0xcb: {  	s11 =	sand.u32 $0x1, s14;
	s21 =	simm.s32 @!p3 $0x0;
	s12 =	sadd.s32 @!p3 s24, s12  }
0xcc: {  	[sflag:s26] =	ssyncset.done $0x0;
	s24 =	sshll.u32 @!p3 s11, $0xB;
	s12 =	sshll.u32 @!p3 s12, $0x4  }
0xcd: {  	[sflag:s26] =	ssyncadd.s32 $0xFFFFC180;
	s13 =	sxor.u32 @!p3 $0x800, s24;
	s14 =	sadd.s32 @!p3 s5, s12  }
0xce: {  	[tilespmem:s13], [sflag:$0x3] =	stream.linear.gather @!p3 [hbm4b:s14+s21], $0x800, $0x38;
	[tilespmem:$0x1DC80] =	vst v63  }
0xcf: {  	s11 =	sshll.u32 s11, $0xB;
	s12 =	sadd.s32 @!p3 s6, s12;
	s13 =	sxor.u32 @!p3 $0x1800, s24  }
0xd0: {  	[tilespmem:s13], [sflag:$0x3] =	stream.linear.gather @!p3 [hbm4b:s12+s21], $0x800, $0x38;
	[tilespmem:$0x1DC80] =	vst v63  }
0xd1: {  	p2 =	sne.s32 s20, $0x51;
	s4 =	sor.u32 s4, s11  }
0xd2: {  	[tilespmem:s25], [sflag:$0x2] =	stream.indirect.gather [hbm4b:s1+s22], $0x80, s4, s22, $0xb8;
	[tilespmem:$0x1DC80] =	vst v63  }
0xd3: {  	s10 =	sadd.s32 $0x1, s10;
	s13 =	sand.u32 $0x3C00, s0;
	_ =	swait.ge [sflag:s19], $0x3E80  }
.Ltmp8:
0xd4: {  	s4 =	sshrl.u32 s13, $0x2;
	[sflag:s19] =	ssyncset.done $0x0;
	(pc) =	sbr.rel @p2 .LBB2_12-.Ltmp8, $4  }
0xd5: {  	s14 =	sadd.s32 $0xFFFFFFFF, s8;
	s21 =	sor.u32 $0x1000, s4;
	[sflag:s19] =	ssyncadd.s32 $0xFFFFC180  }
0xd6: {  	[spmem:s2] =	stream.indirect.scatter.add.f32 [tilespmem:s23], [sflag:$0x4], $0x80, s21, s22, $0xb8;
	[tilespmem:$0x1DC80] =	vst v63  }
0xd7: {  	s24 =	sand.u32 $0xE, s14;
	s0 =	sadd.s32 $0x400, s0;
	_ =	swait.ge [sflag:s26], $0x3E80  }
0xd8: {  	p3 =	sne.s32 s24, $0x0;
	s24 =	sshll.u32 s24, $0x7;
	[sflag:s26] =	ssyncset.done $0x0  }
0xd9: {  	s4 =	simm.s32 @!p3 $0x3;
	[sflag:s26] =	ssyncadd.s32 $0xFFFFC180  }
0xda: {  	_ =	swait.ge @!p3 [sflag:s4], $0x800  }
0xdb: {  	[sflag:s4] =	ssyncset.done @!p3 $0x0  }
0xdc: {  	[sflag:s4] =	ssyncadd.s32 @!p3 $0xFFFFF800  }
0xdd: {  	s11 =	sand.u32 $0x2000, s0;
	_ =	swait.ge @!p3 [sflag:s4], $0x800  }
0xde: {  	s11 =	sshrl.u32 s11, $0x2;
	[sflag:s4] =	ssyncset.done @!p3 $0x0  }
0xdf: {  	s14 =	sor.u32 s24, s11;
	[sflag:s4] =	ssyncadd.s32 @!p3 $0xFFFFF800  }
0xe0: {  	[tilespmem:s23], [sflag:$0x1] =	stream.indirect.gather [hbm4b:s1+s22], $0x80, s14, s22, $0xb8;
	[tilespmem:$0x1DC80] =	vst v63  }
0xe1: {  	_ =	swait.ge [sflag:s28], $0x3E80  }
0xe2: {  	p2 =	sgt.u32 s10, $0x1E;
	s4 =	sand.u32 $0xF, s8;
	[sflag:s28] =	ssyncset.done $0x0  }
0xe3: {  	s20 =	sadd.s32 $0x80, s21;
	p3 =	sne.s32 @!p2 s4, $0x1;
	[sflag:s28] =	ssyncadd.s32 $0xFFFFC180  }
0xe4: {  	[spmem:s2] =	stream.indirect.scatter.add.f32 [tilespmem:s25], [sflag:$0x4], $0x80, s20, s22, $0xb8;
	[tilespmem:$0x1DC80] =	vst v63  }
0xe5: {  	s21 =	sshrl.u32 s8, $0x4;
	p2 =	por p3, p2;
	_ =	swait.ge [sflag:s26], $0x3E80  }
0xe6: {  	s11 =	sand.u32 $0x1, s21;
	s8 =	sand.u32 @!p2 $0x70, s8;
	s10 =	rddreg [dreg:$0x4]  }
0xe7: {  	s4 =	sshll.u32 s4, $0x7;
	s12 =	sshll.u32 @!p2 s11, $0xB;
	s8 =	sadd.s32 @!p2 s8, s10  }
0xe8: {  	s13 =	sxor.u32 @!p2 $0x800, s12;
	[sflag:s26] =	ssyncset.done $0x0;
	s8 =	sshll.u32 @!p2 s8, $0x4  }
0xe9: {  	s10 =	simm.s32 @!p2 $0x0;
	[sflag:s26] =	ssyncadd.s32 $0xFFFFC180;
	s14 =	sadd.s32 @!p2 s5, s8  }
0xea: {  	[tilespmem:s13], [sflag:$0x3] =	stream.linear.gather @!p2 [hbm4b:s14+s10], $0x800, $0x38;
	[tilespmem:$0x1DC80] =	vst v63  }
0xeb: {  	s11 =	sshll.u32 s11, $0xB;
	s12 =	sxor.u32 @!p2 $0x1800, s12;
	s8 =	sadd.s32 @!p2 s6, s8  }
0xec: {  	[tilespmem:s12], [sflag:$0x3] =	stream.linear.gather @!p2 [hbm4b:s8+s10], $0x800, $0x38;
	[tilespmem:$0x1DC80] =	vst v63  }
0xed: {  	s4 =	sor.u32 s4, s11  }
0xee: {  	[tilespmem:s25], [sflag:$0x2] =	stream.indirect.gather [hbm4b:s1+s22], $0x80, s4, s22, $0xb8;
	[tilespmem:$0x1DC80] =	vst v63  }
0xef: {  	s24 =	sand.u32 $0x3C00, s0;
	_ =	swait.ge [sflag:s19], $0x3E80  }
0xf0: {  	s0 =	sshrl.u32 s24, $0x2;
	[sflag:s19] =	ssyncset.done $0x0  }
0xf1: {  	s0 =	sor.u32 $0x1000, s0;
	[sflag:s19] =	ssyncadd.s32 $0xFFFFC180  }
0xf2: {  	[spmem:s2] =	stream.indirect.scatter.add.f32 [tilespmem:s23], [sflag:$0x4], $0x80, s0, s22, $0xb8;
	[tilespmem:$0x1DC80] =	vst v63  }
0xf3: {  	_ =	swait.ge [sflag:s26], $0x3E80  }
0xf4: {  	[sflag:s26] =	ssyncset.done $0x0  }
0xf5: {  	[sflag:s26] =	ssyncadd.s32 $0xFFFFC180  }
0xf6: {  	_ =	swait.ge [sflag:s28], $0x3E80  }
0xf7: {  	[sflag:s28] =	ssyncset.done $0x0  }
0xf8: {  	s0 =	sadd.s32 $0x80, s0;
	[sflag:s28] =	ssyncadd.s32 $0xFFFFC180  }
0xf9: {  	[spmem:s2] =	stream.indirect.scatter.add.f32 [tilespmem:s25], [sflag:$0x4], $0x80, s0, s22, $0xb8;
	[tilespmem:$0x1DC80] =	vst v63  }
0xfa: {  	_ =	swait.ge [sflag:s26], $0x3E80  }
0xfb: {  	[sflag:s26] =	ssyncset.done $0x0  }
0xfc: {  	[sflag:s26] =	ssyncadd.s32 $0xFFFFC180  }
0xfd: {  	s0 =	simm.s32 @p1 $0x1FC4;
	[bflag:$0x0] =	sbarrier.arrive $0xFFFF  }
0xfe: {  	[hbm:s16], [sflag:s0] =	dma.local @p1 [spmem:s31], $0x2800  }
0xff: {  	s0 =	simm.s32 @p1 $0x4  }
0x100: {  	s3 =	sadd.s32 $0x1, s3;
	_ =	swait.ge @p1 [sflag:s0], $0x2800  }
0x101: {  	p2 =	sne.s32 s3, s17;
	[sflag:s0] =	ssyncset.done @p1 $0x0  }
.Ltmp9:
0x102: {  	[sflag:s0] =	ssyncadd.s32 @p1 $0xFFFFD800;
	s0 =	simm.s32 @!p1 $0x4;
	(pc) =	sbr.rel @p2 .LBB2_1-.Ltmp9, $4  }
0x103: {  	[hbm:s15], [sflag:s30] =	dma.local @!p1 [spmem:s29], $0x2700  }
0x104: {  	_ =	swait.ge @!p1 [sflag:s0], $0x2700  }
0x105: {  	[sflag:s0] =	ssyncset.done @!p1 $0x0  }
0x106: {  	[sflag:s0] =	ssyncadd.s32 @!p1 $0xFFFFD900  }
0x107: {  	_ =	sfence.sel $0x180000  }
0x108: {  	[bflag:$0x0] =	sbarrier.arrive $0xFFFF  }
0x109: {  	_ =	strace $0x9000004D  }
0x10a: {  	s0 =	stileid.u32;
	[bflag:$0x2] =	sbarrier.arrive $0xFFFF  }
0x10b: {  	p0 =	sne.s32 s0, $0x0;
	s0 =	rddreg [dreg:$0x3]  }
0x10c: {  	s0 =	sadd.s32 @!p0 $0x100000, s0  }
0x10d: {  	[sflag:s0] =	ssyncadd.tile.s32 @!p0 $0x1;
	_ =	shalt  }
.Lfunc_end2:
_tile_overlayer_lowered:
.L_overlay_start_2:
0x10e: {  	(tag) =	ssettag $0x2  }
0x10f: {  	s0 =	rddreg [dreg:$0x0];
	s2 =	stileid.u32  }
0x110: {  	s1 =	rddreg [dreg:$0x1];
	p0 =	sne.s32 s2, $0x0  }
0x111: {  	s3 =	rddreg [dreg:$0x2];
	[bflag:$0x3] =	sbarrier.arrive $0xFFFF;
	s2 =	simm.s32 @!p0 $0x1C04  }
0x112: {  	[timem:s3], [sflag:s2] =	dma.local @!p0 [hbm:s0], s1  }
0x113: {  	s0 =	simm.s32 @!p0 $0x4  }
0x114: {  	_ =	swait.ge @!p0 [sflag:s0], s1  }
0x115: {  	s1 =	ssub.s32 @!p0 $0x0, s1;
	[sflag:s0] =	ssyncset.done @!p0 $0x0  }
0x116: {  	[sflag:s0] =	ssyncadd.s32 @!p0 s1  }
0x117: {  	[bflag:$0x3] =	sbarrier.arrive $0xFFFF  }
0x118: {  	_ =	shalt  }

// kernel: kernel.8.cloned.1.call-start
scs
__scs_entry_jumppad:
0x0: {  	(pc) =	sbr.rel $0x88, $3  }
0x1: {  	(tag) =	ssettag $0x0;
	lr =	simm.s32 $0x1  }
0x2: {  	[smem:$0x3F99] =	sst lr;
	_ =	strace $0xD0000000  }
0x3: {  	_ = 	snop  }
0x4: {  	_ = 	snop  }
0x5: {  	_ = 	snop  }
0x6: {  	_ = 	snop  }
0x7: {  	_ = 	snop  }
__scs_overlays_trampoline_lowered:
0x8: {  	[smem:$0x3FA8] =	sst s0  }
0x9: {  	[smem:$0x3FA9] =	sst s1  }
0xa: {  	[smem:$0x3FAA] =	sst s2  }
0xb: {  	[smem:$0x3FAB] =	sst s3  }
0xc: {  	[smem:$0x3FAC] =	sst s4  }
0xd: {  	[smem:$0x3FAD] =	sst s5  }
0xe: {  	[smem:$0x3FAE] =	sst s6  }
0xf: {  	[smem:$0x3FAF] =	sst s7  }
0x10: {  	[smem:$0x3FB0] =	sst s8  }
0x11: {  	[smem:$0x3FB1] =	sst s9;
	s0 =	simm.s32 @!p0 $0x0  }
0x12: {  	s1 =	sld [smem:$0x3F97];
	s0 =	simm.s32 @p0 $0x1  }
0x13: {  	[smem:$0x3FB2] =	sst s0;
	s0 =	simm.s32 @!p1 $0x0  }
0x14: {  	s2 =	sld [smem:$0x3F96];
	s0 =	simm.s32 @p1 $0x1  }
0x15: {  	[smem:$0x3FB3] =	sst s0;
	s0 =	simm.s32 @!p2 $0x0  }
0x16: {  	s3 =	sld [smem:$0x3FDB];
	s0 =	simm.s32 @p2 $0x1  }
0x17: {  	s4 =	simm.s32 $0x1BF5;
	[smem:$0x3FB5] =	sst s0  }
0x18: {  	s0 =	sld [smem:$0x3F98];
	_ =	swait.ge [sflag:s4], $0x0  }
0x19: {  	s7 =	sld [smem:$0x3F99]  }
0x1a: {  	s8 =	sadd.s32 $0xFFFFE003, lr  }
0x1b: {  	s9 =	sadd.s32 $0xFFFFFEF7, lr;
	s5 =	simm.s32 $0xFFFFFFFF;
	p2 =	slt.u32 s8, $0xFFFFF086  }
0x1c: {  	p1 =	slt.u32 s9, $0xF7A;
	s5 =	simm.s32 @!p2 $0x0  }
0x1d: {  	s5 =	simm.s32 @p1 $0x1;
	p0 =	seq.s32 s7, s2  }
0x1e: {  	s7 =	smul.u32 @!p0 $0xF7A, s2;
	p2 =	seq.s32 @!p0 s5, $0x0  }
0x1f: {  	s9 =	smul.u32 $0xF7A, s1;
	s8 =	simm.s32 @!p0 $0x1BF5;
	p2 =	por !p2, p0  }
0x20: {  	[sflag:s8] =	ssyncset.s32 @!p0 $0xFFFFF086;
	s6 =	sadd.s32 @!p0 s3, s7;
	s7 =	simm.s32 @!p0 $0x108  }
0x21: {  	s3 =	sadd.s32 s3, s9;
	s6 =	sadd.s32 @!p0 $0x88, s6;
	s7 =	simm.s32 @p2 $0x1082  }
0x22: {  	[simem:s7], [sflag:s8] =	dma.local @!p0 [hbm:s6], $0xF7A  }
0x23: {  	s9 =	sor.u32 $0xD0000000, s2;
	s6 =	simm.s32 $0x108;
	_ =	swait.ge @!p0 [sflag:s8], $0x0  }
0x24: {  	s3 =	sadd.s32 $0x88, s3;
	s6 =	simm.s32 @!p1 $0x1082;
	[sflag:s4] =	ssyncset.s32 $0xFFFFF086  }
0x25: {  	[simem:s6], [sflag:s4] =	dma.local [hbm:s3], $0xF7A  }
0x26: {  	[smem:$0x3F99] =	sst s1;
	(tag) =	ssettag s2;
	_ =	strace s9  }
0x27: {  	s1 =	sld [smem:$0x3FA9]  }
0x28: {  	s2 =	sld [smem:$0x3FAA]  }
0x29: {  	s4 =	sld [smem:$0x3FAC]  }
0x2a: {  	p0 =	seq.s32 s5, $0x0;
	s5 =	sld [smem:$0x3FAD]  }
0x2b: {  	s6 =	sld [smem:$0x3FAE]  }
0x2c: {  	s7 =	sld [smem:$0x3FAF]  }
0x2d: {  	s3 =	simm.s32 $0x108;
	s8 =	sld [smem:$0x3FB0]  }
0x2e: {  	s3 =	simm.s32 @!p0 $0x1082;
	s9 =	sld [smem:$0x3FB1]  }
0x2f: {  	lr =	sadd.s32 s0, s3;
	s0 =	sld [smem:$0x3FA8]  }
0x30: {  	s3 =	sld [smem:$0x3FAB]  }
0x31: {  	[smem:$0x3FB4] =	sst s10  }
0x32: {  	s10 =	sld [smem:$0x3FB2];
	_ =	sdelay $0x3  }
0x33: {  	p0 =	seq.s32 s10, $0x1;
	s10 =	sld [smem:$0x3FB4];
	_ =	sdelay $0x3  }
0x34: {  	[smem:$0x3FB4] =	sst s10  }
0x35: {  	s10 =	sld [smem:$0x3FB3];
	_ =	sdelay $0x3  }
0x36: {  	p1 =	seq.s32 s10, $0x1;
	s10 =	sld [smem:$0x3FB4];
	_ =	sdelay $0x3  }
0x37: {  	[smem:$0x3FB4] =	sst s10  }
0x38: {  	s10 =	sld [smem:$0x3FB5]  }
0x39: {  	_ = 	snop;
	(pc) =	sbr.ind lr, $3  }
0x3a: {  	_ = 	snop  }
0x3b: {  	_ = 	snop  }
0x3c: {  	p2 =	seq.s32 s10, $0x1;
	s10 =	sld [smem:$0x3FB4]  }
0x3d: {  	_ =	shalt  }
0x3e: {  	_ =	shalt  }
0x3f: {  	_ =	shalt  }
0x40: {  	_ =	shalt  }
0x41: {  	_ =	shalt  }
0x42: {  	_ =	shalt  }
0x43: {  	_ =	shalt  }
0x44: {  	_ =	shalt  }
0x45: {  	_ =	shalt  }
0x46: {  	_ =	shalt  }
0x47: {  	_ =	shalt  }
0x48: {  	_ =	shalt  }
0x49: {  	_ =	shalt  }
0x4a: {  	_ =	shalt  }
0x4b: {  	_ =	shalt  }
0x4c: {  	_ =	shalt  }
0x4d: {  	_ =	shalt  }
0x4e: {  	_ =	shalt  }
0x4f: {  	_ =	shalt  }
0x50: {  	_ =	shalt  }
0x51: {  	_ =	shalt  }
0x52: {  	_ =	shalt  }
0x53: {  	_ =	shalt  }
0x54: {  	_ =	shalt  }
0x55: {  	_ =	shalt  }
0x56: {  	_ =	shalt  }
0x57: {  	_ =	shalt  }
0x58: {  	_ =	shalt  }
0x59: {  	_ =	shalt  }
0x5a: {  	_ =	shalt  }
0x5b: {  	_ =	shalt  }
0x5c: {  	_ =	shalt  }
0x5d: {  	_ =	shalt  }
0x5e: {  	_ =	shalt  }
0x5f: {  	_ =	shalt  }
0x60: {  	_ =	shalt  }
0x61: {  	_ =	shalt  }
0x62: {  	_ =	shalt  }
0x63: {  	_ =	shalt  }
0x64: {  	_ =	shalt  }
0x65: {  	_ =	shalt  }
0x66: {  	_ =	shalt  }
0x67: {  	_ =	shalt  }
0x68: {  	_ =	shalt  }
0x69: {  	_ =	shalt  }
0x6a: {  	_ =	shalt  }
0x6b: {  	_ =	shalt  }
0x6c: {  	_ =	shalt  }
0x6d: {  	_ =	shalt  }
0x6e: {  	_ =	shalt  }
0x6f: {  	_ =	shalt  }
0x70: {  	_ =	shalt  }
0x71: {  	_ =	shalt  }
0x72: {  	_ =	shalt  }
0x73: {  	_ =	shalt  }
0x74: {  	_ =	shalt  }
0x75: {  	_ =	shalt  }
0x76: {  	_ =	shalt  }
0x77: {  	_ =	shalt  }
0x78: {  	_ =	shalt  }
0x79: {  	_ =	shalt  }
0x7a: {  	_ =	shalt  }
0x7b: {  	_ =	shalt  }
0x7c: {  	_ =	shalt  }
0x7d: {  	_ =	shalt  }
0x7e: {  	_ =	shalt  }
0x7f: {  	_ =	shalt  }
0x80: {  	_ =	shalt  }
0x81: {  	_ =	shalt  }
0x82: {  	_ =	shalt  }
0x83: {  	_ =	shalt  }
0x84: {  	_ =	shalt  }
0x85: {  	_ =	shalt  }
0x86: {  	_ =	shalt  }
0x87: {  	_ =	shalt  }
.Lfunc_end0:
.L_simem_size_0:
called_computation_lowered:
.L_overlay_start_0:
0x88: {  	s2 =	sld [smem:$0x3FD9]  }
0x89: {  	s3 =	sld [smem:$0x3FFE];
	_ =	sdelay $0x1  }
0x8a: {  	s1 =	srdreg.scid  }
0x8b: {  	s0 =	sand.u32 $0x1, s1  }
0x8c: {  	s17 =	sshll.u32 s0, $0xA;
	s2 =	sadd.s32 s3, s2  }
0x8d: {  	s2 =	sadd.s32 s2, s17  }
0x8e: {  	[smem:$0x3FC0] =	sst s2  }
0x8f: {  	_ = 	snop  }
0x90: {  	s2 =	sld [smem:$0x3FC9];
	(tm) =	ssettm $0x1  }
0x91: {  	s18 =	sld [smem:$0x3FFB];
	_ =	sdelay $0x3  }
0x92: {  	_ =	strace s18  }
0x93: {  	s3 =	sld [smem:$0x3FFC];
	_ =	sdelay $0x3  }
0x94: {  	_ =	strace s3  }
0x95: {  	s3 =	sld [smem:$0x3FFD];
	_ =	sdelay $0x3  }
0x96: {  	_ =	strace s3  }
0x97: {  	_ =	strace $0x8FFFFFFF  }
0x98: {  	s19 =	sld [smem:$0x3FDB];
	_ =	sdelay $0x1  }
0x99: {  	s4 =	simm.s32 $_scs_section_size  }
0x9a: {  	s5 =	simm.s32 $_size__tile_overlayer_lowered;
	s6 =	simm.s32 $_tile_overlayer_lowered  }
0x9b: {  	s22 =	simm.s32 $0x1BFF;
	s21 =	sshll.u32 s6, $0x1;
	s3 =	sadd.s32 s4, s19  }
0x9c: {  	s7 =	simm.s32 $0x0;
	s20 =	sshll.u32 s5, $0x1;
	s5 =	sadd.s32 s21, s3  }
0x9d: {  	[timem:s7], [sflag:s22] =	dma.local [hbm:s5], s20  }
0x9e: {  	_ =	swait.ge [sflag:s22], s20  }
0x9f: {  	s4 =	ssub.s32 $0x0, s20;
	[sflag:s22] =	ssyncset.done $0x0  }
0xa0: {  	[sflag:s22] =	ssyncadd.s32 s4;
	_ =	sdelay $0x1  }
0xa1: {  	s23 =	simm.s32 $0x1B8B  }
0xa2: {  	_ =	swait.ge [sflag:s23], $0x1  }
0xa3: {  	[sflag:s23] =	ssyncset.done $0x0  }
0xa4: {  	s25 =	simm.s32 $0x1B8E;
	s24 =	sld [smem:$0x3FFE];
	[sflag:s23] =	ssyncadd.s32 $0xFFFFFFFF  }
0xa5: {  	s26 =	simm.s32 $execute0_lowered;
	[smem:$0x3FD2] =	sst s25  }
0xa6: {  	s5 =	sshll.u32 s26, $0x1;
	_ =	strace $0x80000046;
	[dreg:$0x1] =	wrdreg $0xFFFFFFFF  }
0xa7: {  	s28 =	simm.s32 $_size_execute0_lowered;
	s3 =	sadd.s32 s3, s5;
	[dreg:$0x0] =	wrdreg $0x0  }
0xa8: {  	s5 =	sshll.u32 s28, $0x1;
	[dreg:$0x2] =	wrdreg s3  }
0xa9: {  	[dreg:$0x3] =	wrdreg s5  }
0xaa: {  	[dreg:$0x4] =	wrdreg $0xC0  }
0xab: {  	_ =	task [dreg:s7], $0x5FFFF  }
0xac: {  	[dreg:$0x1] =	wrdreg $0xFFFFFFFF  }
0xad: {  	[dreg:$0x0] =	wrdreg $0x60  }
0xae: {  	[dreg:$0x2] =	wrdreg s2  }
0xaf: {  	[dreg:$0x3] =	wrdreg s24  }
0xb0: {  	[dreg:$0x4] =	wrdreg $0xA4000  }
0xb1: {  	[dreg:$0x5] =	wrdreg $0x9  }
0xb2: {  	_ =	task.clear_ibuf [dreg:s7], $0x6FFFF;
	_ =	strace $0x90000046  }
0xb3: {  	s29 =	simm.s32 $0x9;
	_ =	strace $0x80000048  }
0xb4: {  	_ =	swait.ge [sflag:s29], $0x1  }
0xb5: {  	[sflag:s29] =	ssyncadd.s32 $0xFFFFFFFF  }
0xb6: {  	_ =	strace $0x90000048  }
0xb7: {  	_ =	sfence  }
0xb8: {  	s30 =	sld [smem:$0x0];
	_ =	sdelay $0x2  }
0xb9: {  	s31 =	sshll.u32 s1, $0xD;
	s1 =	sshrl.u32 s1, $0x2  }
0xba: {  	s3 =	sand.u32 $0x4000, s31;
	s1 =	sadd.s32 s1, s30  }
0xbb: {  	s0 =	sor.u32 s3, s0;
	s1 =	sshll.u32 s1, $0x11  }
0xbc: {  	s0 =	sor.u32 s1, s0  }
0xbd: {  	s0 =	sadd.s32 $0x8F2B, s0  }
0xbe: {  	[sflag:s0] =	ssyncadd.remote.s32 $0x1  }
0xbf: {  	_ =	sfence.sel $0xFFFF  }
0xc0: {  	[dreg:$0x0] =	wrdreg $0xFFFFFFFF;
	(pc) =	sbr.abs _section_cstart, $3  }
0xc1: {  	[dreg:$0x1] =	wrdreg $0xFFFFFFFF  }
0xc2: {  	_ =	task.clear_ibuf [dreg:s7], $0x2FFFF;
	_ =	strace $0x9FFFFFFF  }
0xc3: {  	(tm) =	ssettm $0x7FFFFFFF  }
tec
execute0_lowered:
.L_overlay_start_1:
0x0: {  	(tag) =	ssettag $0x1  }
0x1: {  	s1 =	rddreg [dreg:$0x0]  }
0x2: {  	s0 =	rddreg [dreg:$0x1]  }
0x3: {  	s2 =	rddreg [dreg:$0x2]  }
0x4: {  	s3 =	simm.s32 $0x0;
	s7 =	srdreg.scid;
	s4 =	stileid.u32  }
0x5: {  	s18 =	simm.s32 $0xA000;
	s19 =	simm.s32 $0x1;
	s28 =	simm.s32 $0x2  }
0x6: {  	[smem:$0x7FF] =	sst s3;
	s5 =	sadd.s32 $0x2000, s0;
	s6 =	sadd.s32 $0xC000, s0  }
0x7: {  	s0 =	sadd.s32 $0x16000, s0;
	s8 =	sand.u32 $0x1, s7;
	s11 =	smul.u32 $0x4E000, s4  }
0x8: {  	p1 =	sgt.u32 s4, $0x7;
	p2 =	slt.u32 s4, $0x8;
	s12 =	smul.u32 $0x2700, s4  }
0x9: {  	s25 =	sadd.s32 $0x24900, s1;
	s16 =	smul.u32 $0x13800, s4;
	_ =	strace $0x80000047  }
0xa: {  	s7 =	ssub.s32 $0x2, s8;
	p0 =	seq.s32 s8, $0x1;
	s10 =	sshll.u32 s8, $0x4  }
0xb: {  	p6 =	seq.s32 s8, $0x0;
	s8 =	smul.u32 $0x138800, s8;
	[dreg:$0x6] =	wrdreg s25  }
0xc: {  	s25 =	simm.s32 $0x6000;
	s9 =	sshrl.u32 s7, $0x1;
	p0 =	por p1, p0  }
0xd: {  	s10 =	sor.u32 s4, s10;
	p1 =	por p6, p2;
	s22 =	sshrl.u32 s11, $0x2  }
0xe: {  	s24 =	sadd.s32 s1, s12;
	s17 =	ssub.s32 s7, s9;
	s15 =	smul.u32 $0x50, s10  }
0xf: {  	p0 =	por !p0, !p1;
	s23 =	smul.u32 $0x2800, s10;
	s7 =	sadd.s32 s22, s2  }
0x10: {  	[dreg:$0x5] =	wrdreg s24;
	s10 =	smul.u32 $0x500, s10;
	s9 =	sadd.s32 $0x124800, s2  }
0x11: {  	s31 =	sadd.s32 s16, s8;
	s8 =	sshrl.u32 s8, $0x3;
	p1 =	seq.s32 s4, $0xF  }
0x12: {  	s22 =	simm.s32 $0x7D;
	p0 =	por !p0, !p0;
	s8 =	sadd.s32 s0, s8  }
0x13: {  	s17 =	smax.u32 s17, $0x1;
	s11 =	sshrl.u32 s23, $0x3;
	s26 =	sadd.s32 s5, s10  }
0x14: {  	s10 =	sadd.s32 s6, s10;
	s15 =	sadd.s32 $0x10, s15;
	[dreg:$0x7] =	wrdreg s26  }
0x15: {  	s16 =	sadd.s32 $0x24900, s8;
	s14 =	sadd.s32 $0x100, s11;
	[dreg:$0x8] =	wrdreg s10  }
0x16: {  	s23 =	simm.s32 $0x2000;
	[dreg:$0x4] =	wrdreg s15;
	s29 =	sadd.s32 s5, s14  }
0x17: {  	s10 =	sshrl.u32 s31, $0x3;
	s30 =	sadd.s32 s6, s14;
	[dreg:$0x9] =	wrdreg s29  }
0x18: {  	v0 =	vimm.f32 $0.0e+00;
	s26 =	simm.s32 $0x4;
	s15 =	sadd.s32 s0, s10;
	[dreg:$0xa] =	wrdreg s30  }
.LBB2_1:
.Ltmp0:
0x19: {  	(pc) =	sbr.rel @!p0 .LBB2_15-.Ltmp0, $4  }
0x1a: {  	_ = 	snop  }
0x1b: {  	s0 =	stileid.u32  }
0x1c: {  	s0 =	sshll.u32 @!p1 s0, $0x6  }
0x1d: {  	s31 =	sshrl.u32 @p1 s9, $0x3;
	s29 =	sshrl.u32 @!p1 s7, $0x3;
	s30 =	sor.u32 @!p1 $0x1C04, s0  }
0x1e: {  	[tilespmem:$0xA000] =	vst v0  }
0x1f: {  	[tilespmem:$0xA010] =	vst v0  }
0x20: {  	[tilespmem:$0xA020] =	vst v0  }
0x21: {  	[tilespmem:$0xA030] =	vst v0  }
0x22: {  	[tilespmem:$0xA040] =	vst v0  }
0x23: {  	[tilespmem:$0xA050] =	vst v0  }
0x24: {  	[tilespmem:$0xA060] =	vst v0  }
0x25: {  	[tilespmem:$0xA070] =	vst v0  }
0x26: {  	[tilespmem:$0xA080] =	vst v0  }
0x27: {  	[tilespmem:$0xA090] =	vst v0  }
0x28: {  	[tilespmem:$0xA0A0] =	vst v0  }
0x29: {  	[tilespmem:$0xA0B0] =	vst v0  }
0x2a: {  	[tilespmem:$0xA0C0] =	vst v0  }
0x2b: {  	[tilespmem:$0xA0D0] =	vst v0  }
0x2c: {  	[tilespmem:$0xA0E0] =	vst v0  }
0x2d: {  	[tilespmem:$0xA0F0] =	vst v0  }
0x2e: {  	[tilespmem:$0xA100] =	vst v0  }
0x2f: {  	[tilespmem:$0xA110] =	vst v0  }
0x30: {  	[tilespmem:$0xA120] =	vst v0  }
0x31: {  	[tilespmem:$0xA130] =	vst v0  }
0x32: {  	[tilespmem:$0xA140] =	vst v0  }
0x33: {  	[tilespmem:$0xA150] =	vst v0  }
0x34: {  	[tilespmem:$0xA160] =	vst v0  }
0x35: {  	[tilespmem:$0xA170] =	vst v0  }
0x36: {  	[tilespmem:$0xA180] =	vst v0  }
0x37: {  	[tilespmem:$0xA190] =	vst v0  }
0x38: {  	[tilespmem:$0xA1A0] =	vst v0  }
0x39: {  	[tilespmem:$0xA1B0] =	vst v0  }
0x3a: {  	[tilespmem:$0xA1C0] =	vst v0  }
0x3b: {  	[tilespmem:$0xA1D0] =	vst v0  }
0x3c: {  	[tilespmem:$0xA1E0] =	vst v0  }
0x3d: {  	[tilespmem:$0xA1F0] =	vst v0  }
0x3e: {  	[tilespmem:$0xA200] =	vst v0  }
0x3f: {  	[tilespmem:$0xA210] =	vst v0  }
0x40: {  	[tilespmem:$0xA220] =	vst v0  }
0x41: {  	[tilespmem:$0xA230] =	vst v0  }
0x42: {  	[tilespmem:$0xA240] =	vst v0  }
0x43: {  	[tilespmem:$0xA250] =	vst v0  }
0x44: {  	[tilespmem:$0xA260] =	vst v0  }
0x45: {  	[tilespmem:$0xA270] =	vst v0  }
0x46: {  	[tilespmem:$0xA280] =	vst v0  }
0x47: {  	[tilespmem:$0xA290] =	vst v0  }
0x48: {  	[tilespmem:$0xA2A0] =	vst v0  }
0x49: {  	[tilespmem:$0xA2B0] =	vst v0  }
0x4a: {  	[tilespmem:$0xA2C0] =	vst v0  }
0x4b: {  	[tilespmem:$0xA2D0] =	vst v0  }
0x4c: {  	[tilespmem:$0xA2E0] =	vst v0  }
0x4d: {  	[tilespmem:$0xA2F0] =	vst v0  }
0x4e: {  	[tilespmem:$0xA300] =	vst v0  }
0x4f: {  	[tilespmem:$0xA310] =	vst v0  }
0x50: {  	[tilespmem:$0xA320] =	vst v0  }
0x51: {  	[tilespmem:$0xA330] =	vst v0  }
0x52: {  	[tilespmem:$0xA340] =	vst v0  }
0x53: {  	[tilespmem:$0xA350] =	vst v0  }
0x54: {  	[tilespmem:$0xA360] =	vst v0  }
0x55: {  	[tilespmem:$0xA370] =	vst v0  }
0x56: {  	[tilespmem:$0xA380] =	vst v0  }
0x57: {  	[tilespmem:$0xA390] =	vst v0  }
0x58: {  	[tilespmem:$0xA3A0] =	vst v0  }
.Ltmp1:
0x59: {  	[tilespmem:$0xA3B0] =	vst v0;
	(pc) =	sbr.rel @!p1 .LBB2_3-.Ltmp1, $4  }
0x5a: {  	[tilespmem:$0xA3C0] =	vst v0  }
0x5b: {  	[tilespmem:$0xA3D0] =	vst v0  }
0x5c: {  	[tilespmem:$0xA3E0] =	vst v0  }
0x5d: {  	[tilespmem:$0xA3F0] =	vst v0;
	s0 =	simm.s32 $0x0  }
.LBB2_7:
0x5e: {  	p2 =	sne.s32 s0, $0x4F000  }
.Ltmp2:
0x5f: {  	_ = 	snop;
	(pc) =	sbr.rel @p2 .LBB2_7-.Ltmp2, $4  }
0x60: {  	_ = 	snop  }
0x61: {  	s8 =	sshra.s32 s0, $0x2  }
0x62: {  	s0 =	sadd.s32 $0x1000, s0;
	s8 =	sadd.s32 s8, s9  }
0x63: {  	[spmem:s8] =	stream.linear.scatter [tilespmem:s18], [sflag:$0x1], $0x400, $0x38;
	[tilespmem:$0x1DC80] =	vst v63  }
0x64: {  	_ =	swait.ge [sflag:s19], $0x400  }
0x65: {  	s0 =	simm.s32 $0x4F;
	[sflag:s19] =	ssyncset.done $0x0  }
.LBB2_9:
0x66: {  	p2 =	sne.s32 s0, $0x1;
	s0 =	sadd.s32 $0xFFFFFFFF, s0;
	[sflag:s19] =	ssyncadd.s32 $0xFFFFFC00  }
.Ltmp3:
0x67: {  	(pc) =	sbr.rel @p2 .LBB2_9-.Ltmp3, $3  }
0x68: {  	_ =	sdelay $0x1  }
0x69: {  	_ =	swait.ge [sflag:s19], $0x400  }
0x6a: {  	[sflag:s19] =	ssyncset.done $0x0  }
.Ltmp4:
0x6b: {  	(pc) =	sbr.rel .LBB2_11-.Ltmp4, $2  }
0x6c: {  	_ =	sdelay $0x2  }
0x6d: {  	[sflag:s19] =	ssyncadd.s32 $0xFFFFFC00  }
.LBB2_3:
0x6e: {  	p2 =	sne.s32 s0, $0x4D000  }
.Ltmp5:
0x6f: {  	_ = 	snop;
	(pc) =	sbr.rel @p2 .LBB2_3-.Ltmp5, $4  }
0x70: {  	_ = 	snop  }
0x71: {  	s8 =	sshra.s32 s0, $0x2  }
0x72: {  	s0 =	sadd.s32 $0x1000, s0;
	s8 =	sadd.s32 s8, s7  }
0x73: {  	[spmem:s8] =	stream.linear.scatter [tilespmem:s18], [sflag:$0x1], $0x400, $0x38;
	[tilespmem:$0x1DC80] =	vst v63  }
0x74: {  	_ =	swait.ge [sflag:s19], $0x400  }
0x75: {  	s0 =	simm.s32 $0x4D;
	[sflag:s19] =	ssyncset.done $0x0  }
.LBB2_5:
0x76: {  	p2 =	seq.s32 s0, $0x1;
	s0 =	sadd.s32 $0xFFFFFFFF, s0;
	[sflag:s19] =	ssyncadd.s32 $0xFFFFFC00  }
.Ltmp6:
0x77: {  	(pc) =	sbr.rel @!p2 .LBB2_5-.Ltmp6, $3  }
0x78: {  	_ =	sdelay $0x1  }
0x79: {  	_ =	swait.ge [sflag:s19], $0x400  }
0x7a: {  	[sflag:s19] =	ssyncset.done $0x0  }
.Ltmp7:
0x7b: {  	(pc) =	sbr.rel .LBB2_11-.Ltmp7, $2  }
0x7c: {  	_ =	sdelay $0x2  }
0x7d: {  	[sflag:s19] =	ssyncadd.s32 $0xFFFFFC00  }
.LBB2_15:
0x7e: {  	s0 =	simm.s32 @p1 $0x1FC4;
	s4 =	rddreg [dreg:$0x6]  }
0x7f: {  	[spmem:s31], [sflag:s0] =	dma.local @p1 [hbm:s4], $0x2800  }
0x80: {  	s0 =	simm.s32 @p1 $0x4  }
0x81: {  	_ =	swait.ge @p1 [sflag:s0], $0x2800  }
0x82: {  	[sflag:s0] =	ssyncset.done @p1 $0x0  }
0x83: {  	[sflag:s0] =	ssyncadd.s32 @p1 $0xFFFFD800;
	s0 =	rddreg [dreg:$0x5]  }
0x84: {  	[spmem:s29], [sflag:s30] =	dma.local @!p1 [hbm:s0], $0x2700  }
0x85: {  	s0 =	simm.s32 @!p1 $0x4  }
0x86: {  	_ =	swait.ge @!p1 [sflag:s0], $0x2700  }
0x87: {  	[sflag:s0] =	ssyncset.done @!p1 $0x0  }
0x88: {  	[sflag:s0] =	ssyncadd.s32 @!p1 $0xFFFFD900  }
.LBB2_11:
0x89: {  	s0 =	simm.s32 $0x0;
	s4 =	rddreg [dreg:$0x7]  }
0x8a: {  	[tilespmem:s0], [sflag:$0x3] =	stream.linear.gather [hbm4b:s4+s0], $0x800, $0x38;
	[tilespmem:$0x1DC80] =	vst v63  }
0x8b: {  	s8 =	simm.s32 $0x1000;
	s13 =	rddreg [dreg:$0x8]  }
0x8c: {  	[tilespmem:s8], [sflag:$0x3] =	stream.linear.gather [hbm4b:s13+s0], $0x800, $0x38;
	[tilespmem:$0x1DC80] =	vst v63  }
0x8d: {  	s14 =	rddreg [dreg:$0x9];
	s10 =	simm.s32 $0x800  }
0x8e: {  	[tilespmem:s10], [sflag:$0x3] =	stream.linear.gather [hbm4b:s14+s0], $0x800, $0x38;
	[tilespmem:$0x1DC80] =	vst v63  }
0x8f: {  	s20 =	rddreg [dreg:$0xa];
	s21 =	simm.s32 $0x1800  }
0x90: {  	[tilespmem:s21], [sflag:$0x3] =	stream.linear.gather [hbm4b:s20+s0], $0x800, $0x38;
	[tilespmem:$0x1DC80] =	vst v63  }
0x91: {  	s10 =	simm.s32 $0x3;
	[bflag:$0x0] =	sbarrier.arrive $0xFFFF  }
0x92: {  	_ =	swait.ge [sflag:s10], $0x800  }
0x93: {  	[sflag:s10] =	ssyncset.done $0x0  }
0x94: {  	[sflag:s10] =	ssyncadd.s32 $0xFFFFF800  }
0x95: {  	_ =	swait.ge [sflag:s10], $0x800  }
0x96: {  	[sflag:s10] =	ssyncset.done $0x0  }
0x97: {  	[sflag:s10] =	ssyncadd.s32 $0xFFFFF800  }
0x98: {  	[tilespmem:s23], [sflag:$0x1] =	stream.indirect.gather [hbm4b:s1+s22], $0x80, s0, s22, $0xb8;
	[tilespmem:$0x1DC80] =	vst v63  }
0x99: {  	s24 =	simm.s32 $0x80  }
0x9a: {  	[tilespmem:s25], [sflag:$0x2] =	stream.indirect.gather [hbm4b:s1+s22], $0x80, s24, s22, $0xb8;
	[tilespmem:$0x1DC80] =	vst v63  }
0x9b: {  	_ =	swait.ge [sflag:s19], $0x3E80  }
0x9c: {  	[sflag:s19] =	ssyncset.done $0x0  }
0x9d: {  	s4 =	simm.s32 $0x2;
	[sflag:s19] =	ssyncadd.s32 $0xFFFFC180  }
0x9e: {  	[spmem:s2] =	stream.indirect.scatter.add.f32 [tilespmem:s23], [sflag:$0x4], $0x80, s8, s22, $0xb8;
	[tilespmem:$0x1DC80] =	vst v63  }
0x9f: {  	s0 =	sand.u32 $0xE, s4;
	_ =	swait.ge [sflag:s26], $0x3E80  }
0xa0: {  	p2 =	sne.s32 s0, $0x0;
	[sflag:s26] =	ssyncset.done $0x0  }
0xa1: {  	s8 =	simm.s32 @!p2 $0x3;
	[sflag:s26] =	ssyncadd.s32 $0xFFFFC180  }
0xa2: {  	_ =	swait.ge @!p2 [sflag:s8], $0x800  }
0xa3: {  	[sflag:s8] =	ssyncset.done @!p2 $0x0  }
0xa4: {  	s21 =	simm.s32 $0x400;
	[sflag:s8] =	ssyncadd.s32 @!p2 $0xFFFFF800  }
0xa5: {  	s20 =	sand.u32 $0x2000, s21;
	_ =	swait.ge @!p2 [sflag:s8], $0x800  }
0xa6: {  	s20 =	sshrl.u32 s20, $0x2;
	s0 =	sshll.u32 s0, $0x7;
	[sflag:s8] =	ssyncset.done @!p2 $0x0  }
0xa7: {  	s0 =	sor.u32 s0, s20;
	[sflag:s8] =	ssyncadd.s32 @!p2 $0xFFFFF800  }
0xa8: {  	[tilespmem:s23], [sflag:$0x1] =	stream.indirect.gather [hbm4b:s1+s22], $0x80, s0, s22, $0xb8;
	[tilespmem:$0x1DC80] =	vst v63  }
0xa9: {  	_ =	swait.ge [sflag:s28], $0x3E80  }
0xaa: {  	p2 =	por $0x0, $0x0;
	s0 =	sand.u32 $0xF, s10;
	[sflag:s28] =	ssyncset.done $0x0  }
0xab: {  	s8 =	simm.s32 $0x1080;
	p3 =	sne.s32 @!p2 s0, $0x1;
	[sflag:s28] =	ssyncadd.s32 $0xFFFFC180  }
0xac: {  	[spmem:s2] =	stream.indirect.scatter.add.f32 [tilespmem:s25], [sflag:$0x4], $0x80, s8, s22, $0xb8;
	[tilespmem:$0x1DC80] =	vst v63  }
0xad: {  	s11 =	simm.s32 $0x0;
	p2 =	por p3, p2;
	_ =	swait.ge [sflag:s26], $0x3E80  }
0xae: {  	s20 =	sand.u32 $0x1, s11;
	s10 =	sand.u32 @!p2 $0x70, s10;
	s8 =	rddreg [dreg:$0x4]  }
0xaf: {  	s12 =	sshll.u32 s20, $0xB;
	s24 =	sshll.u32 @!p2 s20, $0xB;
	s8 =	sadd.s32 @!p2 s10, s8  }
0xb0: {  	s4 =	sxor.u32 @!p2 $0x800, s24;
	[sflag:s26] =	ssyncset.done $0x0;
	s8 =	sshll.u32 @!p2 s8, $0x4  }
0xb1: {  	s10 =	simm.s32 @!p2 $0x0;
	[sflag:s26] =	ssyncadd.s32 $0xFFFFC180;
	s11 =	sadd.s32 @!p2 s5, s8  }
0xb2: {  	[tilespmem:s4], [sflag:$0x3] =	stream.linear.gather @!p2 [hbm4b:s11+s10], $0x800, $0x38;
	[tilespmem:$0x1DC80] =	vst v63  }
0xb3: {  	s0 =	sshll.u32 s0, $0x7;
	s8 =	sadd.s32 @!p2 s6, s8;
	s4 =	sxor.u32 @!p2 $0x1800, s24  }
0xb4: {  	[tilespmem:s4], [sflag:$0x3] =	stream.linear.gather @!p2 [hbm4b:s8+s10], $0x800, $0x38;
	[tilespmem:$0x1DC80] =	vst v63  }
0xb5: {  	s14 =	simm.s32 $0x4;
	s0 =	sor.u32 s0, s12  }
0xb6: {  	[tilespmem:s25], [sflag:$0x2] =	stream.indirect.gather [hbm4b:s1+s22], $0x80, s0, s22, $0xb8;
	[tilespmem:$0x1DC80] =	vst v63  }
0xb7: {  	s13 =	sand.u32 $0x3C00, s21;
	s20 =	simm.s32 $0x7;
	_ =	swait.ge [sflag:s19], $0x3E80  }
0xb8: {  	s24 =	sand.u32 $0xE, s14;
	s4 =	sshrl.u32 s13, $0x2;
	[sflag:s19] =	ssyncset.done $0x0  }
0xb9: {  	p3 =	sne.s32 s24, $0x0;
	s21 =	sor.u32 $0x1000, s4;
	[sflag:s19] =	ssyncadd.s32 $0xFFFFC180  }
0xba: {  	[spmem:s2] =	stream.indirect.scatter.add.f32 [tilespmem:s23], [sflag:$0x4], $0x80, s21, s22, $0xb8;
	[tilespmem:$0x1DC80] =	vst v63  }
0xbb: {  	s24 =	sshll.u32 s24, $0x7;
	s8 =	simm.s32 $0x5;
	_ =	swait.ge [sflag:s26], $0x3E80  }
0xbc: {  	s10 =	simm.s32 $0x1;
	s0 =	simm.s32 $0x800;
	[sflag:s26] =	ssyncset.done $0x0  }
.LBB2_12:
0xbd: {  	s4 =	simm.s32 @!p3 $0x3;
	[sflag:s26] =	ssyncadd.s32 $0xFFFFC180  }
0xbe: {  	_ =	swait.ge @!p3 [sflag:s4], $0x800  }
0xbf: {  	[sflag:s4] =	ssyncset.done @!p3 $0x0  }
0xc0: {  	[sflag:s4] =	ssyncadd.s32 @!p3 $0xFFFFF800  }
0xc1: {  	s12 =	sand.u32 $0x2000, s0;
	_ =	swait.ge @!p3 [sflag:s4], $0x800  }
0xc2: {  	s12 =	sshrl.u32 s12, $0x2;
	[sflag:s4] =	ssyncset.done @!p3 $0x0  }
0xc3: {  	s11 =	smov.u32 s20;
	s12 =	sor.u32 s24, s12;
	[sflag:s4] =	ssyncadd.s32 @!p3 $0xFFFFF800  }
0xc4: {  	[tilespmem:s23], [sflag:$0x1] =	stream.indirect.gather [hbm4b:s1+s22], $0x80, s12, s22, $0xb8;
	[tilespmem:$0x1DC80] =	vst v63  }
0xc5: {  	s20 =	sadd.s32 $0x2, s20;
	s13 =	sadd.s32 $0x80, s21;
	_ =	swait.ge [sflag:s28], $0x3E80  }
0xc6: {  	s4 =	sand.u32 $0xF, s8;
	p3 =	sgt.u32 s10, $0x1E;
	[sflag:s28] =	ssyncset.done $0x0  }
0xc7: {  	s14 =	sshrl.u32 s8, $0x4;
	p4 =	sne.s32 @!p3 s4, $0x1;
	[sflag:s28] =	ssyncadd.s32 $0xFFFFC180  }
0xc8: {  	[spmem:s2] =	stream.indirect.scatter.add.f32 [tilespmem:s25], [sflag:$0x4], $0x80, s13, s22, $0xb8;
	[tilespmem:$0x1DC80] =	vst v63  }
0xc9: {  	s4 =	sshll.u32 s4, $0x7;
	p3 =	por p4, p3;
	_ =	swait.ge [sflag:s26], $0x3E80  }
0xca: {  	s24 =	sand.u32 @!p3 $0x70, s8;
	s8 =	smov.u32 s11;
	s12 =	rddreg [dreg:$0x4]  }
0xcb: {  	s11 =	sand.u32 $0x1, s14;
	s21 =	simm.s32 @!p3 $0x0;
	s12 =	sadd.s32 @!p3 s24, s12  }
0xcc: {  	[sflag:s26] =	ssyncset.done $0x0;
	s24 =	sshll.u32 @!p3 s11, $0xB;
	s12 =	sshll.u32 @!p3 s12, $0x4  }
0xcd: {  	[sflag:s26] =	ssyncadd.s32 $0xFFFFC180;
	s13 =	sxor.u32 @!p3 $0x800, s24;
	s14 =	sadd.s32 @!p3 s5, s12  }
0xce: {  	[tilespmem:s13], [sflag:$0x3] =	stream.linear.gather @!p3 [hbm4b:s14+s21], $0x800, $0x38;
	[tilespmem:$0x1DC80] =	vst v63  }
0xcf: {  	s11 =	sshll.u32 s11, $0xB;
	s12 =	sadd.s32 @!p3 s6, s12;
	s13 =	sxor.u32 @!p3 $0x1800, s24  }
0xd0: {  	[tilespmem:s13], [sflag:$0x3] =	stream.linear.gather @!p3 [hbm4b:s12+s21], $0x800, $0x38;
	[tilespmem:$0x1DC80] =	vst v63  }
0xd1: {  	p2 =	sne.s32 s20, $0x51;
	s4 =	sor.u32 s4, s11  }
0xd2: {  	[tilespmem:s25], [sflag:$0x2] =	stream.indirect.gather [hbm4b:s1+s22], $0x80, s4, s22, $0xb8;
	[tilespmem:$0x1DC80] =	vst v63  }
0xd3: {  	s10 =	sadd.s32 $0x1, s10;
	s13 =	sand.u32 $0x3C00, s0;
	_ =	swait.ge [sflag:s19], $0x3E80  }
.Ltmp8:
0xd4: {  	s4 =	sshrl.u32 s13, $0x2;
	[sflag:s19] =	ssyncset.done $0x0;
	(pc) =	sbr.rel @p2 .LBB2_12-.Ltmp8, $4  }
0xd5: {  	s14 =	sadd.s32 $0xFFFFFFFF, s8;
	s21 =	sor.u32 $0x1000, s4;
	[sflag:s19] =	ssyncadd.s32 $0xFFFFC180  }
0xd6: {  	[spmem:s2] =	stream.indirect.scatter.add.f32 [tilespmem:s23], [sflag:$0x4], $0x80, s21, s22, $0xb8;
	[tilespmem:$0x1DC80] =	vst v63  }
0xd7: {  	s24 =	sand.u32 $0xE, s14;
	s0 =	sadd.s32 $0x400, s0;
	_ =	swait.ge [sflag:s26], $0x3E80  }
0xd8: {  	p3 =	sne.s32 s24, $0x0;
	s24 =	sshll.u32 s24, $0x7;
	[sflag:s26] =	ssyncset.done $0x0  }
0xd9: {  	s4 =	simm.s32 @!p3 $0x3;
	[sflag:s26] =	ssyncadd.s32 $0xFFFFC180  }
0xda: {  	_ =	swait.ge @!p3 [sflag:s4], $0x800  }
0xdb: {  	[sflag:s4] =	ssyncset.done @!p3 $0x0  }
0xdc: {  	[sflag:s4] =	ssyncadd.s32 @!p3 $0xFFFFF800  }
0xdd: {  	s11 =	sand.u32 $0x2000, s0;
	_ =	swait.ge @!p3 [sflag:s4], $0x800  }
0xde: {  	s11 =	sshrl.u32 s11, $0x2;
	[sflag:s4] =	ssyncset.done @!p3 $0x0  }
0xdf: {  	s14 =	sor.u32 s24, s11;
	[sflag:s4] =	ssyncadd.s32 @!p3 $0xFFFFF800  }
0xe0: {  	[tilespmem:s23], [sflag:$0x1] =	stream.indirect.gather [hbm4b:s1+s22], $0x80, s14, s22, $0xb8;
	[tilespmem:$0x1DC80] =	vst v63  }
0xe1: {  	_ =	swait.ge [sflag:s28], $0x3E80  }
0xe2: {  	p2 =	sgt.u32 s10, $0x1E;
	s4 =	sand.u32 $0xF, s8;
	[sflag:s28] =	ssyncset.done $0x0  }
0xe3: {  	s20 =	sadd.s32 $0x80, s21;
	p3 =	sne.s32 @!p2 s4, $0x1;
	[sflag:s28] =	ssyncadd.s32 $0xFFFFC180  }
0xe4: {  	[spmem:s2] =	stream.indirect.scatter.add.f32 [tilespmem:s25], [sflag:$0x4], $0x80, s20, s22, $0xb8;
	[tilespmem:$0x1DC80] =	vst v63  }
0xe5: {  	s21 =	sshrl.u32 s8, $0x4;
	p2 =	por p3, p2;
	_ =	swait.ge [sflag:s26], $0x3E80  }
0xe6: {  	s11 =	sand.u32 $0x1, s21;
	s8 =	sand.u32 @!p2 $0x70, s8;
	s10 =	rddreg [dreg:$0x4]  }
0xe7: {  	s4 =	sshll.u32 s4, $0x7;
	s12 =	sshll.u32 @!p2 s11, $0xB;
	s8 =	sadd.s32 @!p2 s8, s10  }
0xe8: {  	s13 =	sxor.u32 @!p2 $0x800, s12;
	[sflag:s26] =	ssyncset.done $0x0;
	s8 =	sshll.u32 @!p2 s8, $0x4  }
0xe9: {  	s10 =	simm.s32 @!p2 $0x0;
	[sflag:s26] =	ssyncadd.s32 $0xFFFFC180;
	s14 =	sadd.s32 @!p2 s5, s8  }
0xea: {  	[tilespmem:s13], [sflag:$0x3] =	stream.linear.gather @!p2 [hbm4b:s14+s10], $0x800, $0x38;
	[tilespmem:$0x1DC80] =	vst v63  }
0xeb: {  	s11 =	sshll.u32 s11, $0xB;
	s12 =	sxor.u32 @!p2 $0x1800, s12;
	s8 =	sadd.s32 @!p2 s6, s8  }
0xec: {  	[tilespmem:s12], [sflag:$0x3] =	stream.linear.gather @!p2 [hbm4b:s8+s10], $0x800, $0x38;
	[tilespmem:$0x1DC80] =	vst v63  }
0xed: {  	s4 =	sor.u32 s4, s11  }
0xee: {  	[tilespmem:s25], [sflag:$0x2] =	stream.indirect.gather [hbm4b:s1+s22], $0x80, s4, s22, $0xb8;
	[tilespmem:$0x1DC80] =	vst v63  }
0xef: {  	s24 =	sand.u32 $0x3C00, s0;
	_ =	swait.ge [sflag:s19], $0x3E80  }
0xf0: {  	s0 =	sshrl.u32 s24, $0x2;
	[sflag:s19] =	ssyncset.done $0x0  }
0xf1: {  	s0 =	sor.u32 $0x1000, s0;
	[sflag:s19] =	ssyncadd.s32 $0xFFFFC180  }
0xf2: {  	[spmem:s2] =	stream.indirect.scatter.add.f32 [tilespmem:s23], [sflag:$0x4], $0x80, s0, s22, $0xb8;
	[tilespmem:$0x1DC80] =	vst v63  }
0xf3: {  	_ =	swait.ge [sflag:s26], $0x3E80  }
0xf4: {  	[sflag:s26] =	ssyncset.done $0x0  }
0xf5: {  	[sflag:s26] =	ssyncadd.s32 $0xFFFFC180  }
0xf6: {  	_ =	swait.ge [sflag:s28], $0x3E80  }
0xf7: {  	[sflag:s28] =	ssyncset.done $0x0  }
0xf8: {  	s0 =	sadd.s32 $0x80, s0;
	[sflag:s28] =	ssyncadd.s32 $0xFFFFC180  }
0xf9: {  	[spmem:s2] =	stream.indirect.scatter.add.f32 [tilespmem:s25], [sflag:$0x4], $0x80, s0, s22, $0xb8;
	[tilespmem:$0x1DC80] =	vst v63  }
0xfa: {  	_ =	swait.ge [sflag:s26], $0x3E80  }
0xfb: {  	[sflag:s26] =	ssyncset.done $0x0  }
0xfc: {  	[sflag:s26] =	ssyncadd.s32 $0xFFFFC180  }
0xfd: {  	s0 =	simm.s32 @p1 $0x1FC4;
	[bflag:$0x0] =	sbarrier.arrive $0xFFFF  }
0xfe: {  	[hbm:s16], [sflag:s0] =	dma.local @p1 [spmem:s31], $0x2800  }
0xff: {  	s0 =	simm.s32 @p1 $0x4  }
0x100: {  	s3 =	sadd.s32 $0x1, s3;
	_ =	swait.ge @p1 [sflag:s0], $0x2800  }
0x101: {  	p2 =	sne.s32 s3, s17;
	[sflag:s0] =	ssyncset.done @p1 $0x0  }
.Ltmp9:
0x102: {  	[sflag:s0] =	ssyncadd.s32 @p1 $0xFFFFD800;
	s0 =	simm.s32 @!p1 $0x4;
	(pc) =	sbr.rel @p2 .LBB2_1-.Ltmp9, $4  }
0x103: {  	[hbm:s15], [sflag:s30] =	dma.local @!p1 [spmem:s29], $0x2700  }
0x104: {  	_ =	swait.ge @!p1 [sflag:s0], $0x2700  }
0x105: {  	[sflag:s0] =	ssyncset.done @!p1 $0x0  }
0x106: {  	[sflag:s0] =	ssyncadd.s32 @!p1 $0xFFFFD900  }
0x107: {  	_ =	sfence.sel $0x180000  }
0x108: {  	[bflag:$0x0] =	sbarrier.arrive $0xFFFF  }
0x109: {  	_ =	strace $0x90000047  }
0x10a: {  	s0 =	stileid.u32;
	[bflag:$0x2] =	sbarrier.arrive $0xFFFF  }
0x10b: {  	p0 =	sne.s32 s0, $0x0;
	s0 =	rddreg [dreg:$0x3]  }
0x10c: {  	s0 =	sadd.s32 @!p0 $0x100000, s0  }
0x10d: {  	[sflag:s0] =	ssyncadd.tile.s32 @!p0 $0x1;
	_ =	shalt  }
.Lfunc_end2:
_tile_overlayer_lowered:
.L_overlay_start_2:
0x10e: {  	(tag) =	ssettag $0x2  }
0x10f: {  	s0 =	rddreg [dreg:$0x0];
	s2 =	stileid.u32  }
0x110: {  	s1 =	rddreg [dreg:$0x1];
	p0 =	sne.s32 s2, $0x0  }
0x111: {  	s3 =	rddreg [dreg:$0x2];
	[bflag:$0x3] =	sbarrier.arrive $0xFFFF;
	s2 =	simm.s32 @!p0 $0x1C04  }
0x112: {  	[timem:s3], [sflag:s2] =	dma.local @!p0 [hbm:s0], s1  }
0x113: {  	s0 =	simm.s32 @!p0 $0x4  }
0x114: {  	_ =	swait.ge @!p0 [sflag:s0], s1  }
0x115: {  	s1 =	ssub.s32 @!p0 $0x0, s1;
	[sflag:s0] =	ssyncset.done @!p0 $0x0  }
0x116: {  	[sflag:s0] =	ssyncadd.s32 @!p0 s1  }
0x117: {  	[bflag:$0x3] =	sbarrier.arrive $0xFFFF  }
0x118: {  	_ =	shalt  }

</sc_bundles>
